<compile_context>
chip_gen: v7x
topology: tpu7x:2x2x1
jax: 0.10.2.dev20260603
libtpu: 0.0.44.dev20260713+nightly
codegen_flags: <defaults>
</compile_context>

<pallas_src>
import functools

import jax
import jax.numpy as jnp
from jax import lax
from jax.experimental import pallas as pl
from jax.experimental.pallas import tpu as pltpu
from jax.experimental.pallas import tpu_sc as plsc

NU, NB, N = 4000, 6000, 10000
E, D = 320000, 128
NLAYERS = 3
NC, NS = 2, 16
NPAD = 10240
EPT = 10240
CH = 128
NCHUNK = EPT // CH
RPT = NPAD // NS
RB = RPT // CH

_mesh = plsc.VectorSubcoreMesh(core_axis_name="c", subcore_axis_name="s")
_f32 = jnp.float32



_PB = 640


def _projg_body(dp_ref, x_ref, wu_ref, wb_ref, bu_ref, bb_ref, e_ref,
                o_ref, g_ref):
    pid = pl.program_id(0)
    row = pid * _PB + lax.broadcasted_iota(jnp.int32, (_PB, 1), 0)
    x = x_ref[...]
    mu = bu_ref[...] + jnp.dot(x, wu_ref[...], preferred_element_type=_f32)
    mb = bb_ref[...] + jnp.dot(x, wb_ref[...], preferred_element_type=_f32)
    e = e_ref[...] + jnp.where(row < NU, mu, mb)
    o_ref[...] = e
    g_ref[...] = _dinv_of(dp_ref[...]) * e


def _projg(degP, xc, wu, wb, bu, bb, etab_p):
    rs = pl.BlockSpec((_PB, D), lambda i: (i, 0))
    full = lambda shape: pl.BlockSpec(shape, lambda i: (0, 0))
    return pl.pallas_call(
        _projg_body,
        grid=(NPAD // _PB,),
        in_specs=[pl.BlockSpec((_PB, 1), lambda i: (i, 0)),
                  pl.BlockSpec((_PB, 40), lambda i: (i, 0)),
                  full((40, D)), full((40, D)), full((1, D)), full((1, D)),
                  rs],
        out_specs=(rs, rs),
        out_shape=(jax.ShapeDtypeStruct((NPAD, D), _f32),
                   jax.ShapeDtypeStruct((NPAD, D), _f32)),
    )(degP, xc, wu, wb, bu, bb, etab_p)


def _hsum_body(h_ref, o_ref):
    o_ref[...] = jnp.sum(h_ref[...].astype(_f32), axis=0)


def _hsum(degH):
    return pl.pallas_call(
        _hsum_body,
        out_shape=jax.ShapeDtypeStruct((NPAD // 16, 16), _f32),
    )(degH)


def _dinv_of(deg):
    return jnp.where(deg > 0.0, lax.rsqrt(deg), 0.0)


def _comb_body(p_ref, dp_ref, s_ref, g_ref, so_ref):
    dinv = _dinv_of(dp_ref[...])
    acc = p_ref[0] + p_ref[1]
    emb = dinv * acc
    so_ref[...] = s_ref[...] + emb
    g_ref[...] = dinv * emb


def _comb(P, degP, s):
    return pl.pallas_call(
        _comb_body,
        out_shape=(jax.ShapeDtypeStruct((NPAD, D), _f32),
                   jax.ShapeDtypeStruct((NPAD, D), _f32)),
    )(P, degP, s)


def _comb_last_body(p_ref, dp_ref, s_ref, so_ref):
    dinv = _dinv_of(dp_ref[...])
    emb = dinv * (p_ref[0] + p_ref[1])
    so_ref[...] = (s_ref[...] + emb) * (1.0 / (NLAYERS + 1))


def _comb_last(P, degP, s):
    return pl.pallas_call(
        _comb_last_body,
        out_shape=jax.ShapeDtypeStruct((NPAD, D), _f32),
    )(P, degP, s)



@functools.partial(
    pl.kernel,
    out_type=jax.ShapeDtypeStruct((NC * NS, NPAD // 16, 16), jnp.int32),
    mesh=_mesh,
    compiler_params=pltpu.CompilerParams(needs_layout_passes=False),
    scratch_types=[
        pltpu.VMEM((NPAD // 16, 16), jnp.int32),
        pltpu.VMEM((EPT,), jnp.int32),
    ])
def _deg_kernel(dst_hbm, out_hbm, hist_v, dst_v):
    c = lax.axis_index("c")
    s = lax.axis_index("s")
    w = c * NS + s

    pltpu.sync_copy(dst_hbm.at[w], dst_v)

    def z(i, _):
        hist_v[i, :] = jnp.zeros((16,), jnp.int32)
        return 0
    lax.fori_loop(0, NPAD // 16, z, 0)

    def h(i, _):
        x = dst_v[pl.ds(i * 16, 16)]
        cnt, last = plsc.scan_count(x)
        plsc.addupdate_scatter(hist_v, [x >> 4, x & 15], cnt, mask=last)
        return 0
    lax.fori_loop(0, EPT // 16, h, 0)

    pltpu.sync_copy(hist_v, out_hbm.at[w])


NB = 2
NIS = 8


@functools.partial(
    pl.kernel,
    out_type=jax.ShapeDtypeStruct((NC * NS * RPT, D), _f32),
    mesh=_mesh,
    scratch_types=[
        pltpu.MemorySpace.VMEM_SHARED((NPAD, D), _f32),
        pltpu.VMEM((NIS, CH), jnp.int32),
        pltpu.VMEM((NIS, CH), jnp.int32),
        [pltpu.VMEM((CH, D), _f32) for _ in range(NB)],
        pltpu.SemaphoreType.DMA,
        [pltpu.SemaphoreType.DMA for _ in range(NB)],
        [pltpu.SemaphoreType.DMA for _ in range(NB)],
    ])
def _scat_kernel(g_hbm, src_hbm, dst_hbm, zeros_hbm, out_hbm, acc, src_v,
                 dst_v, rows, sem_i, gsem, ssem):
    c = lax.axis_index("c")
    s = lax.axis_index("s")
    w = c * NS + s
    base = w * NCHUNK

    def idx_copies(j, slot):
        return (pltpu.make_async_copy(src_hbm.at[base + j], src_v.at[slot],
                                      sem_i),
                pltpu.make_async_copy(dst_hbm.at[base + j], dst_v.at[slot],
                                      sem_i))

    for d in idx_copies(0, 0):
        d.start()
    pltpu.sync_copy(zeros_hbm, rows[0])
    zd = [pltpu.async_copy(rows[0], acc.at[pl.ds(s * RPT + k * CH, CH)],
                           ssem[0]) for k in range(RB)]
    for d in zd:
        d.wait()
    plsc.subcore_barrier()

    def gat(j, b):
        return pltpu.make_async_copy(g_hbm.at[src_v.at[j % NIS]], rows[b],
                                     gsem[b])

    def scat_desc(j, b):
        return pltpu.make_async_copy(rows[b], acc.at[dst_v.at[j % NIS]],
                                     ssem[b])

    def body(t, _):
        for b in range(NB):
            j = t * NB + b

            @pl.when(j < NCHUNK - 1)
            def _():
                for d in idx_copies(j + 1, (j + 1) % NIS):
                    d.start()

            @pl.when(j >= NB)
            def _():
                scat_desc(j - NB, b).wait()

            for d in idx_copies(j, j % NIS):
                d.wait()
            gat(j, b).start()

            bm = (b - 1) % NB
            @pl.when(j >= 1)
            def _():
                gat(j - 1, bm).wait()
                pltpu.async_copy(rows[bm], acc.at[dst_v.at[(j - 1) % NIS]],
                                 ssem[bm], add=True)
        return 0
    lax.fori_loop(0, NCHUNK // NB, body, 0)

    j_last = NCHUNK - 1
    b_last = j_last % NB
    gat(j_last, b_last).wait()
    pltpu.async_copy(rows[b_last], acc.at[dst_v.at[j_last % NIS]],
                     ssem[b_last], add=True)
    for b in range(NB):
        scat_desc(j_last - (NB - 1) + b, (b_last + 1 + b) % NB).wait()
    plsc.subcore_barrier()

    w_prev = [None] * NB
    for k in range(RB):
        if w_prev[k % NB] is not None:
            w_prev[k % NB].wait()
        pltpu.async_copy(acc.at[pl.ds(s * RPT + k * CH, CH)], rows[k % NB],
                         gsem[k % NB]).wait()
        w_prev[k % NB] = pltpu.async_copy(
            rows[k % NB], out_hbm.at[pl.ds(w * RPT + k * CH, CH)],
            ssem[k % NB])
    for d in w_prev:
        if d is not None:
            d.wait()



def kernel(edge_index, user_features, book_num_features, book_genre_features,
           emb_table, W_user, b_user, W_bnum, b_bnum, W_bgen, b_bgen):
    src = edge_index[0].astype(jnp.int32)
    dst = edge_index[1].astype(jnp.int32)
    n_pad_e = NC * NS * EPT - E
    pad_idx = N + (jnp.arange(n_pad_e, dtype=jnp.int32) % (NPAD - N))
    src_all = jnp.concatenate([src, pad_idx])
    dst_all = jnp.concatenate([dst, pad_idx])
    src_w = src_all.reshape(NC * NS * NCHUNK, CH)
    dst_w = dst_all.reshape(NC * NS * NCHUNK, CH)
    dst_p = dst_all.reshape(NC * NS, EPT)

    xu = jnp.pad(user_features, ((0, 0), (0, 8)))
    wu = jnp.pad(W_user, ((0, 0), (0, 8))).T
    xb = jnp.concatenate([book_num_features, book_genre_features], axis=1)
    wb = jnp.concatenate([W_bnum, W_bgen], axis=1).T
    bu = b_user[None, :]
    bb = (b_bnum + b_bgen)[None, :]
    xc = jnp.pad(jnp.concatenate([xu, xb], axis=0), ((0, NPAD - N), (0, 0)))
    etab_p = jnp.pad(emb_table, ((0, NPAD - N), (0, 0)))

    zerosD = jnp.zeros((CH, D), _f32)
    degP = _hsum(_deg_kernel(dst_p)).reshape(NPAD, 1)
    emb0p, g = _projg(degP, xc, wu, wb, bu, bb, etab_p)
    s = emb0p
    for layer in range(NLAYERS):
        P = _scat_kernel(g, src_w, dst_w, zerosD).reshape(NC, NPAD, D)
        if layer < NLAYERS - 1:
            g, s = _comb(P, degP, s)
        else:
            s = _comb_last(P, degP, s)
    return (emb0p[:N], s[:N])

# --- scband reference (transcript-rebuilt; emitter-appended) ---
"""Pipeline reference for scband-rating-prediction-gnn-16750372455064 (READ-ONLY COPY).

The authoritative reference and input builder live on the scoring server;
editing this copy changes nothing except your own understanding.
"""

import jax, jax.numpy as jnp
import numpy as np

N_USERS = 4000
N_BOOKS = 6000
N_NODES = 10000
N_EDGES = 320000
LATENT = 128
N_LAYERS = 3


def setup_inputs(seed: int = 0) -> dict:
    key = jax.random.key(seed)
    ks = jax.random.split(key, 12)
    edge_index = jax.random.randint(ks[0], (2, N_EDGES), 0, N_NODES, dtype=jnp.int32)
    user_features = jax.random.normal(ks[1], (N_USERS, 32), dtype=jnp.float32)
    book_num_features = jax.random.normal(ks[2], (N_BOOKS, 16), dtype=jnp.float32)
    book_genre_features = jax.random.normal(ks[3], (N_BOOKS, 24), dtype=jnp.float32)
    # LightGCN init: normal std=0.1
    emb_table = 0.1 * jax.random.normal(ks[4], (N_NODES, LATENT), dtype=jnp.float32)
    W_user = 0.1 * jax.random.normal(ks[5], (LATENT, 32), dtype=jnp.float32)
    b_user = jnp.zeros((LATENT,), dtype=jnp.float32)
    W_bnum = 0.1 * jax.random.normal(ks[6], (LATENT, 16), dtype=jnp.float32)
    b_bnum = jnp.zeros((LATENT,), dtype=jnp.float32)
    W_bgen = 0.1 * jax.random.normal(ks[7], (LATENT, 24), dtype=jnp.float32)
    b_bgen = jnp.zeros((LATENT,), dtype=jnp.float32)
    return {
        "edge_index": edge_index,
        "user_features": user_features,
        "book_num_features": book_num_features,
        "book_genre_features": book_genre_features,
        "emb_table": emb_table,
        "W_user": W_user,
        "b_user": b_user,
        "W_bnum": W_bnum,
        "b_bnum": b_bnum,
        "W_bgen": W_bgen,
        "b_bgen": b_bgen,
    }


def reference(edge_index, user_features, book_num_features, book_genre_features,
              emb_table, W_user, b_user, W_bnum, b_bnum, W_bgen, b_bgen):
    # feature projections
    user_proj = user_features @ W_user.T + b_user
    book_proj = (book_num_features @ W_bnum.T + b_bnum) + (book_genre_features @ W_bgen.T + b_bgen)
    # emb0 = embedding.weight.clone(); emb0[:U] += user_proj; emb0[U:] += book_proj
    emb0 = emb_table.at[:N_USERS].add(user_proj)
    emb0 = emb0.at[N_USERS:].add(book_proj)
    src = edge_index[0]
    dst = edge_index[1]
    # degree over destination nodes (same in every LightGCNConv layer)
    deg = jnp.zeros((N_NODES,), dtype=jnp.float32).at[dst].add(1.0)
    dinv = jnp.where(deg > 0, deg ** -0.5, 0.0)
    norm = dinv[src] * dinv[dst]
    embs = [emb0]
    emb = emb0
    for _ in range(N_LAYERS):
        # message: norm.view(-1,1) * x_j ; aggregate: scatter-add at dst
        msg = norm[:, None] * jnp.take(emb, src, axis=0)
        emb = jax.ops.segment_sum(msg, dst, num_segments=N_NODES)
        embs.append(emb)
    out = jnp.mean(jnp.stack(embs, axis=0), axis=0)
    return (emb0, out)

if __name__ == "__main__":
    import jax
    _d = setup_inputs()
    print(jax.jit(kernel)(*tuple(_d.values())))

</pallas_src>

<mosaic_0001>
#map = affine_map<(d0, d1) -> (0, 0)>
module attributes {stable_mosaic.version = 14 : i64} {
  func.func @_scat_kernel(%arg0: i32, %arg1: i32, %arg2: memref<10240x128xf32, #tpu.memory_space<hbm>>, %arg3: memref<2560x128xi32, #tpu.memory_space<hbm>>, %arg4: memref<2560x128xi32, #tpu.memory_space<hbm>>, %arg5: memref<128x128xf32, #tpu.memory_space<hbm>>, %arg6: memref<20480x128xf32, #tpu.memory_space<hbm>>, %arg7: memref<10240x128xf32, #tpu.memory_space<vmem_shared>>, %arg8: memref<8x128xi32, #tpu.memory_space<vmem>>, %arg9: memref<8x128xi32, #tpu.memory_space<vmem>>, %arg10: memref<128x128xf32, #tpu.memory_space<vmem>>, %arg11: memref<128x128xf32, #tpu.memory_space<vmem>>, %arg12: memref<!tpu.dma_semaphore, #tpu.memory_space<semaphore_mem>>, %arg13: memref<!tpu.dma_semaphore, #tpu.memory_space<semaphore_mem>>, %arg14: memref<!tpu.dma_semaphore, #tpu.memory_space<semaphore_mem>>, %arg15: memref<!tpu.dma_semaphore, #tpu.memory_space<semaphore_mem>>, %arg16: memref<!tpu.dma_semaphore, #tpu.memory_space<semaphore_mem>>) attributes {dimension_semantics = [#tpu.dimension_semantics<core_parallel>, #tpu.dimension_semantics<subcore_parallel>], iteration_bounds = array<i64: 2, 16>, scalar_prefetch = 0 : i64, scratch_operands = 10 : i64, tpu.core_type = #tpu.core_type<sc_vector_subcore>, window_params = [{transform_indices = #map}, {transform_indices = #map}, {transform_indices = #map}, {transform_indices = #map}, {transform_indices = #map}]} {
    %mul3A = arith.constant 16 : i32
    %mul3A_0 = arith.muli %arg0, %mul3A : i32
    %add3A = arith.addi %mul3A_0, %arg1 : i32
    %mul3A_1 = arith.constant 80 : i32
    %mul3A_2 = arith.muli %add3A, %mul3A_1 : i32
    %add3A_3 = arith.constant 0 : i32
    %add3A_4 = arith.addi %mul3A_2, %add3A_3 : i32
    %add3A_5 = arith.constant 0 : i32
    %add3A_6 = arith.addi %mul3A_2, %add3A_5 : i32
    %dma_start3A = arith.constant 0 : i32
    %dma_start3A_7 = arith.constant 0 : i32
    %dma_start3A_8 = tpu.memref_slice %arg8[%dma_start3A, %dma_start3A_7] : memref<8x128xi32, #tpu.memory_space<vmem>> -> memref<1x128xi32, #tpu.memory_space<vmem>>
    %dma_start3A_9 = tpu.memref_squeeze %dma_start3A_8 : memref<1x128xi32, #tpu.memory_space<vmem>> -> memref<128xi32, #tpu.memory_space<vmem>>
    %dma_start3A_10 = arith.constant 0 : i32
    %dma_start3A_11 = tpu.memref_slice %arg3[%add3A_4, %dma_start3A_10] : memref<2560x128xi32, #tpu.memory_space<hbm>> -> memref<1x128xi32, #tpu.memory_space<hbm>>
    %dma_start3A_12 = tpu.memref_squeeze %dma_start3A_11 : memref<1x128xi32, #tpu.memory_space<hbm>> -> memref<128xi32, #tpu.memory_space<hbm>>
    %dma_start3A_13 = arith.constant 0 : i32
    %dma_start3A_14 = tpu.memref_slice %arg8[%dma_start3A, %dma_start3A_13] : memref<8x128xi32, #tpu.memory_space<vmem>> -> memref<1x128xi32, #tpu.memory_space<vmem>>
    %dma_start3A_15 = tpu.memref_squeeze %dma_start3A_14 : memref<1x128xi32, #tpu.memory_space<vmem>> -> memref<128xi32, #tpu.memory_space<vmem>>
    %dma_start3A_16 = arith.constant 0 : i32
    %dma_start3A_17 = tpu.memref_slice %arg3[%add3A_4, %dma_start3A_16] : memref<2560x128xi32, #tpu.memory_space<hbm>> -> memref<1x128xi32, #tpu.memory_space<hbm>>
    %dma_start3A_18 = tpu.memref_squeeze %dma_start3A_17 : memref<1x128xi32, #tpu.memory_space<hbm>> -> memref<128xi32, #tpu.memory_space<hbm>>
    tpu.enqueue_dma source(%dma_start3A_18 : memref<128xi32, #tpu.memory_space<hbm>>) target(%dma_start3A_15 : memref<128xi32, #tpu.memory_space<vmem>>) target_semaphore(%arg12 : memref<!tpu.dma_semaphore, #tpu.memory_space<semaphore_mem>>)
    %dma_start3A_19 = arith.constant 0 : i32
    %dma_start3A_20 = arith.constant 0 : i32
    %dma_start3A_21 = tpu.memref_slice %arg9[%dma_start3A_19, %dma_start3A_20] : memref<8x128xi32, #tpu.memory_space<vmem>> -> memref<1x128xi32, #tpu.memory_space<vmem>>
    %dma_start3A_22 = tpu.memref_squeeze %dma_start3A_21 : memref<1x128xi32, #tpu.memory_space<vmem>> -> memref<128xi32, #tpu.memory_space<vmem>>
    %dma_start3A_23 = arith.constant 0 : i32
    %dma_start3A_24 = tpu.memref_slice %arg4[%add3A_6, %dma_start3A_23] : memref<2560x128xi32, #tpu.memory_space<hbm>> -> memref<1x128xi32, #tpu.memory_space<hbm>>
    %dma_start3A_25 = tpu.memref_squeeze %dma_start3A_24 : memref<1x128xi32, #tpu.memory_space<hbm>> -> memref<128xi32, #tpu.memory_space<hbm>>
    %dma_start3A_26 = arith.constant 0 : i32
    %dma_start3A_27 = tpu.memref_slice %arg9[%dma_start3A_19, %dma_start3A_26] : memref<8x128xi32, #tpu.memory_space<vmem>> -> memref<1x128xi32, #tpu.memory_space<vmem>>
    %dma_start3A_28 = tpu.memref_squeeze %dma_start3A_27 : memref<1x128xi32, #tpu.memory_space<vmem>> -> memref<128xi32, #tpu.memory_space<vmem>>
    %dma_start3A_29 = arith.constant 0 : i32
    %dma_start3A_30 = tpu.memref_slice %arg4[%add3A_6, %dma_start3A_29] : memref<2560x128xi32, #tpu.memory_space<hbm>> -> memref<1x128xi32, #tpu.memory_space<hbm>>
    %dma_start3A_31 = tpu.memref_squeeze %dma_start3A_30 : memref<1x128xi32, #tpu.memory_space<hbm>> -> memref<128xi32, #tpu.memory_space<hbm>>
    tpu.enqueue_dma source(%dma_start3A_31 : memref<128xi32, #tpu.memory_space<hbm>>) target(%dma_start3A_28 : memref<128xi32, #tpu.memory_space<vmem>>) target_semaphore(%arg12 : memref<!tpu.dma_semaphore, #tpu.memory_space<semaphore_mem>>)
    "tpu.region"() ({
      %run_scoped3A = tpu.sem_alloc : memref<!tpu.dma_semaphore, #tpu.memory_space<semaphore_mem>>
      tpu.enqueue_dma source(%arg5 : memref<128x128xf32, #tpu.memory_space<hbm>>) target(%arg10 : memref<128x128xf32, #tpu.memory_space<vmem>>) target_semaphore(%run_scoped3A : memref<!tpu.dma_semaphore, #tpu.memory_space<semaphore_mem>>)
      tpu.wait_dma2 semaphore(%run_scoped3A : memref<!tpu.dma_semaphore, #tpu.memory_space<semaphore_mem>>) src(%arg5 : memref<128x128xf32, #tpu.memory_space<hbm>>) dst(%arg10 : memref<128x128xf32, #tpu.memory_space<vmem>>)
      tpu.yield
    }) : () -> ()
    %mul3A_32 = arith.constant 640 : i32
    %mul3A_33 = arith.muli %arg1, %mul3A_32 : i32
    %add3A_34 = arith.constant 0 : i32
    %add3A_35 = arith.addi %mul3A_33, %add3A_34 : i32
    %dma_start3A_36 = arith.constant 0 : i32
    %dma_start3A_37 = tpu.memref_slice %arg7[%add3A_35, %dma_start3A_36] : memref<10240x128xf32, #tpu.memory_space<vmem_shared>> -> memref<128x128xf32, #tpu.memory_space<vmem_shared>>
    %dma_start3A_38 = arith.constant 0 : i32
    %dma_start3A_39 = tpu.memref_slice %arg7[%add3A_35, %dma_start3A_38] : memref<10240x128xf32, #tpu.memory_space<vmem_shared>> -> memref<128x128xf32, #tpu.memory_space<vmem_shared>>
    tpu.enqueue_dma source(%arg10 : memref<128x128xf32, #tpu.memory_space<vmem>>) target(%dma_start3A_39 : memref<128x128xf32, #tpu.memory_space<vmem_shared>>) target_semaphore(%arg15 : memref<!tpu.dma_semaphore, #tpu.memory_space<semaphore_mem>>)
    %mul3A_40 = arith.constant 640 : i32
    %mul3A_41 = arith.muli %arg1, %mul3A_40 : i32
    %add3A_42 = arith.constant 128 : i32
    %add3A_43 = arith.addi %mul3A_41, %add3A_42 : i32
    %dma_start3A_44 = arith.constant 0 : i32
    %dma_start3A_45 = tpu.memref_slice %arg7[%add3A_43, %dma_start3A_44] : memref<10240x128xf32, #tpu.memory_space<vmem_shared>> -> memref<128x128xf32, #tpu.memory_space<vmem_shared>>
    %dma_start3A_46 = arith.constant 0 : i32
    %dma_start3A_47 = tpu.memref_slice %arg7[%add3A_43, %dma_start3A_46] : memref<10240x128xf32, #tpu.memory_space<vmem_shared>> -> memref<128x128xf32, #tpu.memory_space<vmem_shared>>
    tpu.enqueue_dma source(%arg10 : memref<128x128xf32, #tpu.memory_space<vmem>>) target(%dma_start3A_47 : memref<128x128xf32, #tpu.memory_space<vmem_shared>>) target_semaphore(%arg15 : memref<!tpu.dma_semaphore, #tpu.memory_space<semaphore_mem>>)
    %mul3A_48 = arith.constant 640 : i32
    %mul3A_49 = arith.muli %arg1, %mul3A_48 : i32
    %add3A_50 = arith.constant 256 : i32
    %add3A_51 = arith.addi %mul3A_49, %add3A_50 : i32
    %dma_start3A_52 = arith.constant 0 : i32
    %dma_start3A_53 = tpu.memref_slice %arg7[%add3A_51, %dma_start3A_52] : memref<10240x128xf32, #tpu.memory_space<vmem_shared>> -> memref<128x128xf32, #tpu.memory_space<vmem_shared>>
    %dma_start3A_54 = arith.constant 0 : i32
    %dma_start3A_55 = tpu.memref_slice %arg7[%add3A_51, %dma_start3A_54] : memref<10240x128xf32, #tpu.memory_space<vmem_shared>> -> memref<128x128xf32, #tpu.memory_space<vmem_shared>>
    tpu.enqueue_dma source(%arg10 : memref<128x128xf32, #tpu.memory_space<vmem>>) target(%dma_start3A_55 : memref<128x128xf32, #tpu.memory_space<vmem_shared>>) target_semaphore(%arg15 : memref<!tpu.dma_semaphore, #tpu.memory_space<semaphore_mem>>)
    %mul3A_56 = arith.constant 640 : i32
    %mul3A_57 = arith.muli %arg1, %mul3A_56 : i32
    %add3A_58 = arith.constant 384 : i32
    %add3A_59 = arith.addi %mul3A_57, %add3A_58 : i32
    %dma_start3A_60 = arith.constant 0 : i32
    %dma_start3A_61 = tpu.memref_slice %arg7[%add3A_59, %dma_start3A_60] : memref<10240x128xf32, #tpu.memory_space<vmem_shared>> -> memref<128x128xf32, #tpu.memory_space<vmem_shared>>
    %dma_start3A_62 = arith.constant 0 : i32
    %dma_start3A_63 = tpu.memref_slice %arg7[%add3A_59, %dma_start3A_62] : memref<10240x128xf32, #tpu.memory_space<vmem_shared>> -> memref<128x128xf32, #tpu.memory_space<vmem_shared>>
    tpu.enqueue_dma source(%arg10 : memref<128x128xf32, #tpu.memory_space<vmem>>) target(%dma_start3A_63 : memref<128x128xf32, #tpu.memory_space<vmem_shared>>) target_semaphore(%arg15 : memref<!tpu.dma_semaphore, #tpu.memory_space<semaphore_mem>>)
    %mul3A_64 = arith.constant 640 : i32
    %mul3A_65 = arith.muli %arg1, %mul3A_64 : i32
    %add3A_66 = arith.constant 512 : i32
    %add3A_67 = arith.addi %mul3A_65, %add3A_66 : i32
    %dma_start3A_68 = arith.constant 0 : i32
    %dma_start3A_69 = tpu.memref_slice %arg7[%add3A_67, %dma_start3A_68] : memref<10240x128xf32, #tpu.memory_space<vmem_shared>> -> memref<128x128xf32, #tpu.memory_space<vmem_shared>>
    %dma_start3A_70 = arith.constant 0 : i32
    %dma_start3A_71 = tpu.memref_slice %arg7[%add3A_67, %dma_start3A_70] : memref<10240x128xf32, #tpu.memory_space<vmem_shared>> -> memref<128x128xf32, #tpu.memory_space<vmem_shared>>
    tpu.enqueue_dma source(%arg10 : memref<128x128xf32, #tpu.memory_space<vmem>>) target(%dma_start3A_71 : memref<128x128xf32, #tpu.memory_space<vmem_shared>>) target_semaphore(%arg15 : memref<!tpu.dma_semaphore, #tpu.memory_space<semaphore_mem>>)
    %dma_wait3A = arith.constant 0 : i32
    %dma_wait3A_72 = tpu.memref_slice %arg7[%add3A_35, %dma_wait3A] : memref<10240x128xf32, #tpu.memory_space<vmem_shared>> -> memref<128x128xf32, #tpu.memory_space<vmem_shared>>
    %dma_wait3A_73 = arith.constant 0 : i32
    %dma_wait3A_74 = tpu.memref_slice %arg7[%add3A_35, %dma_wait3A_73] : memref<10240x128xf32, #tpu.memory_space<vmem_shared>> -> memref<128x128xf32, #tpu.memory_space<vmem_shared>>
    tpu.wait_dma2 semaphore(%arg15 : memref<!tpu.dma_semaphore, #tpu.memory_space<semaphore_mem>>) src(%arg10 : memref<128x128xf32, #tpu.memory_space<vmem>>) dst(%dma_wait3A_74 : memref<128x128xf32, #tpu.memory_space<vmem_shared>>)
    %dma_wait3A_75 = arith.constant 0 : i32
    %dma_wait3A_76 = tpu.memref_slice %arg7[%add3A_43, %dma_wait3A_75] : memref<10240x128xf32, #tpu.memory_space<vmem_shared>> -> memref<128x128xf32, #tpu.memory_space<vmem_shared>>
    %dma_wait3A_77 = arith.constant 0 : i32
    %dma_wait3A_78 = tpu.memref_slice %arg7[%add3A_43, %dma_wait3A_77] : memref<10240x128xf32, #tpu.memory_space<vmem_shared>> -> memref<128x128xf32, #tpu.memory_space<vmem_shared>>
    tpu.wait_dma2 semaphore(%arg15 : memref<!tpu.dma_semaphore, #tpu.memory_space<semaphore_mem>>) src(%arg10 : memref<128x128xf32, #tpu.memory_space<vmem>>) dst(%dma_wait3A_78 : memref<128x128xf32, #tpu.memory_space<vmem_shared>>)
    %dma_wait3A_79 = arith.constant 0 : i32
    %dma_wait3A_80 = tpu.memref_slice %arg7[%add3A_51, %dma_wait3A_79] : memref<10240x128xf32, #tpu.memory_space<vmem_shared>> -> memref<128x128xf32, #tpu.memory_space<vmem_shared>>
    %dma_wait3A_81 = arith.constant 0 : i32
    %dma_wait3A_82 = tpu.memref_slice %arg7[%add3A_51, %dma_wait3A_81] : memref<10240x128xf32, #tpu.memory_space<vmem_shared>> -> memref<128x128xf32, #tpu.memory_space<vmem_shared>>
    tpu.wait_dma2 semaphore(%arg15 : memref<!tpu.dma_semaphore, #tpu.memory_space<semaphore_mem>>) src(%arg10 : memref<128x128xf32, #tpu.memory_space<vmem>>) dst(%dma_wait3A_82 : memref<128x128xf32, #tpu.memory_space<vmem_shared>>)
    %dma_wait3A_83 = arith.constant 0 : i32
    %dma_wait3A_84 = tpu.memref_slice %arg7[%add3A_59, %dma_wait3A_83] : memref<10240x128xf32, #tpu.memory_space<vmem_shared>> -> memref<128x128xf32, #tpu.memory_space<vmem_shared>>
    %dma_wait3A_85 = arith.constant 0 : i32
    %dma_wait3A_86 = tpu.memref_slice %arg7[%add3A_59, %dma_wait3A_85] : memref<10240x128xf32, #tpu.memory_space<vmem_shared>> -> memref<128x128xf32, #tpu.memory_space<vmem_shared>>
    tpu.wait_dma2 semaphore(%arg15 : memref<!tpu.dma_semaphore, #tpu.memory_space<semaphore_mem>>) src(%arg10 : memref<128x128xf32, #tpu.memory_space<vmem>>) dst(%dma_wait3A_86 : memref<128x128xf32, #tpu.memory_space<vmem_shared>>)
    %dma_wait3A_87 = arith.constant 0 : i32
    %dma_wait3A_88 = tpu.memref_slice %arg7[%add3A_67, %dma_wait3A_87] : memref<10240x128xf32, #tpu.memory_space<vmem_shared>> -> memref<128x128xf32, #tpu.memory_space<vmem_shared>>
    %dma_wait3A_89 = arith.constant 0 : i32
    %dma_wait3A_90 = tpu.memref_slice %arg7[%add3A_67, %dma_wait3A_89] : memref<10240x128xf32, #tpu.memory_space<vmem_shared>> -> memref<128x128xf32, #tpu.memory_space<vmem_shared>>
    tpu.wait_dma2 semaphore(%arg15 : memref<!tpu.dma_semaphore, #tpu.memory_space<semaphore_mem>>) src(%arg10 : memref<128x128xf32, #tpu.memory_space<vmem>>) dst(%dma_wait3A_90 : memref<128x128xf32, #tpu.memory_space<vmem_shared>>)
    %barrier3A = arith.constant 0 : index
    tpu.barrier barrier_id(%barrier3A)
    %scan3A = arith.constant 0 : i32
    %scan3A_91 = arith.constant 0 : i32
    %scan3A_92 = arith.constant 40 : i32
    %scan3A_93 = arith.addi %scan3A_91, %scan3A_92 : i32
    %scan3A_94 = arith.constant 1 : i32
    %scan3A_95 = scf.for %scan3A_246 = %scan3A_91 to %scan3A_93 step %scan3A_94 iter_args(%scan3A_247 = %scan3A) -> (i32)  : i32 {
      %mul3A_248 = arith.constant 2 : i32
      %mul3A_249 = arith.muli %scan3A_246, %mul3A_248 : i32
      %add3A_250 = arith.constant 0 : i32
      %add3A_251 = arith.addi %mul3A_249, %add3A_250 : i32
      %lt3A = arith.constant 79 : i32
      %lt3A_252 = arith.cmpi slt, %add3A_251, %lt3A : i32
      %convert_element_type3A = arith.extui %lt3A_252 : i1 to i32
      %cond3A = arith.constant 0 : i32
      %cond3A_253 = arith.cmpi ne, %convert_element_type3A, %cond3A : i32
      scf.if %cond3A_253 {
        %add3A_405 = arith.constant 1 : i32
        %add3A_406 = arith.addi %add3A_251, %add3A_405 : i32
        %add3A_407 = arith.constant 1 : i32
        %add3A_408 = arith.addi %add3A_251, %add3A_407 : i32
        %jit3A_409 = arith.constant 8 : i32
        %eq3A_410 = arith.constant 0 : i32
        %eq3A_411 = arith.cmpi eq, %jit3A_409, %eq3A_410 : i32
        %jit3A_412 = arith.constant 1 : i32
        %select_n3A_413 = arith.select %eq3A_411, %jit3A_412, %jit3A_409 : i32
        %rem3A_414 = arith.remsi %add3A_408, %select_n3A_413 : i32
        %ne3A_415 = arith.constant 0 : i32
        %ne3A_416 = arith.cmpi ne, %rem3A_414, %ne3A_415 : i32
        %lt3A_417 = arith.constant 0 : i32
        %lt3A_418 = arith.cmpi slt, %rem3A_414, %lt3A_417 : i32
        %lt3A_419 = arith.constant 0 : i32
        %lt3A_420 = arith.cmpi slt, %select_n3A_413, %lt3A_419 : i32
        %ne3A_421 = arith.xori %lt3A_418, %lt3A_420 : i1
        %and3A_422 = arith.andi %ne3A_421, %ne3A_416 : i1
        %add3A_423 = arith.addi %rem3A_414, %select_n3A_413 : i32
        %select_n3A_424 = arith.select %and3A_422, %add3A_423, %rem3A_414 : i32
        %add3A_425 = arith.addi %mul3A_2, %add3A_406 : i32
        %add3A_426 = arith.addi %mul3A_2, %add3A_406 : i32
        %dma_start3A_427 = arith.constant 0 : i32
        %dma_start3A_428 = tpu.memref_slice %arg8[%select_n3A_424, %dma_start3A_427] : memref<8x128xi32, #tpu.memory_space<vmem>> -> memref<1x128xi32, #tpu.memory_space<vmem>>
        %dma_start3A_429 = tpu.memref_squeeze %dma_start3A_428 : memref<1x128xi32, #tpu.memory_space<vmem>> -> memref<128xi32, #tpu.memory_space<vmem>>
        %dma_start3A_430 = arith.constant 0 : i32
        %dma_start3A_431 = tpu.memref_slice %arg3[%add3A_425, %dma_start3A_430] : memref<2560x128xi32, #tpu.memory_space<hbm>> -> memref<1x128xi32, #tpu.memory_space<hbm>>
        %dma_start3A_432 = tpu.memref_squeeze %dma_start3A_431 : memref<1x128xi32, #tpu.memory_space<hbm>> -> memref<128xi32, #tpu.memory_space<hbm>>
        %dma_start3A_433 = arith.constant 0 : i32
        %dma_start3A_434 = tpu.memref_slice %arg8[%select_n3A_424, %dma_start3A_433] : memref<8x128xi32, #tpu.memory_space<vmem>> -> memref<1x128xi32, #tpu.memory_space<vmem>>
        %dma_start3A_435 = tpu.memref_squeeze %dma_start3A_434 : memref<1x128xi32, #tpu.memory_space<vmem>> -> memref<128xi32, #tpu.memory_space<vmem>>
        %dma_start3A_436 = arith.constant 0 : i32
        %dma_start3A_437 = tpu.memref_slice %arg3[%add3A_425, %dma_start3A_436] : memref<2560x128xi32, #tpu.memory_space<hbm>> -> memref<1x128xi32, #tpu.memory_space<hbm>>
        %dma_start3A_438 = tpu.memref_squeeze %dma_start3A_437 : memref<1x128xi32, #tpu.memory_space<hbm>> -> memref<128xi32, #tpu.memory_space<hbm>>
        tpu.enqueue_dma source(%dma_start3A_438 : memref<128xi32, #tpu.memory_space<hbm>>) target(%dma_start3A_435 : memref<128xi32, #tpu.memory_space<vmem>>) target_semaphore(%arg12 : memref<!tpu.dma_semaphore, #tpu.memory_space<semaphore_mem>>)
        %dma_start3A_439 = arith.constant 0 : i32
        %dma_start3A_440 = tpu.memref_slice %arg9[%select_n3A_424, %dma_start3A_439] : memref<8x128xi32, #tpu.memory_space<vmem>> -> memref<1x128xi32, #tpu.memory_space<vmem>>
        %dma_start3A_441 = tpu.memref_squeeze %dma_start3A_440 : memref<1x128xi32, #tpu.memory_space<vmem>> -> memref<128xi32, #tpu.memory_space<vmem>>
        %dma_start3A_442 = arith.constant 0 : i32
        %dma_start3A_443 = tpu.memref_slice %arg4[%add3A_426, %dma_start3A_442] : memref<2560x128xi32, #tpu.memory_space<hbm>> -> memref<1x128xi32, #tpu.memory_space<hbm>>
        %dma_start3A_444 = tpu.memref_squeeze %dma_start3A_443 : memref<1x128xi32, #tpu.memory_space<hbm>> -> memref<128xi32, #tpu.memory_space<hbm>>
        %dma_start3A_445 = arith.constant 0 : i32
        %dma_start3A_446 = tpu.memref_slice %arg9[%select_n3A_424, %dma_start3A_445] : memref<8x128xi32, #tpu.memory_space<vmem>> -> memref<1x128xi32, #tpu.memory_space<vmem>>
        %dma_start3A_447 = tpu.memref_squeeze %dma_start3A_446 : memref<1x128xi32, #tpu.memory_space<vmem>> -> memref<128xi32, #tpu.memory_space<vmem>>
        %dma_start3A_448 = arith.constant 0 : i32
        %dma_start3A_449 = tpu.memref_slice %arg4[%add3A_426, %dma_start3A_448] : memref<2560x128xi32, #tpu.memory_space<hbm>> -> memref<1x128xi32, #tpu.memory_space<hbm>>
        %dma_start3A_450 = tpu.memref_squeeze %dma_start3A_449 : memref<1x128xi32, #tpu.memory_space<hbm>> -> memref<128xi32, #tpu.memory_space<hbm>>
        tpu.enqueue_dma source(%dma_start3A_450 : memref<128xi32, #tpu.memory_space<hbm>>) target(%dma_start3A_447 : memref<128xi32, #tpu.memory_space<vmem>>) target_semaphore(%arg12 : memref<!tpu.dma_semaphore, #tpu.memory_space<semaphore_mem>>)
      } else {
      }
      %ge3A = arith.constant 2 : i32
      %ge3A_254 = arith.cmpi sge, %add3A_251, %ge3A : i32
      %convert_element_type3A_255 = arith.extui %ge3A_254 : i1 to i32
      %cond3A_256 = arith.constant 0 : i32
      %cond3A_257 = arith.cmpi ne, %convert_element_type3A_255, %cond3A_256 : i32
      scf.if %cond3A_257 {
        %sub3A = arith.constant 2 : i32
        %sub3A_405 = arith.subi %add3A_251, %sub3A : i32
        %jit3A_406 = arith.constant 8 : i32
        %eq3A_407 = arith.constant 0 : i32
        %eq3A_408 = arith.cmpi eq, %jit3A_406, %eq3A_407 : i32
        %jit3A_409 = arith.constant 1 : i32
        %select_n3A_410 = arith.select %eq3A_408, %jit3A_409, %jit3A_406 : i32
        %rem3A_411 = arith.remsi %sub3A_405, %select_n3A_410 : i32
        %ne3A_412 = arith.constant 0 : i32
        %ne3A_413 = arith.cmpi ne, %rem3A_411, %ne3A_412 : i32
        %lt3A_414 = arith.constant 0 : i32
        %lt3A_415 = arith.cmpi slt, %rem3A_411, %lt3A_414 : i32
        %lt3A_416 = arith.constant 0 : i32
        %lt3A_417 = arith.cmpi slt, %select_n3A_410, %lt3A_416 : i32
        %ne3A_418 = arith.xori %lt3A_415, %lt3A_417 : i1
        %and3A_419 = arith.andi %ne3A_418, %ne3A_413 : i1
        %add3A_420 = arith.addi %rem3A_411, %select_n3A_410 : i32
        %select_n3A_421 = arith.select %and3A_419, %add3A_420, %rem3A_411 : i32
        %dma_wait3A_422 = arith.constant 0 : i32
        %dma_wait3A_423 = tpu.memref_slice %arg9[%select_n3A_421, %dma_wait3A_422] : memref<8x128xi32, #tpu.memory_space<vmem>> -> memref<1x128xi32, #tpu.memory_space<vmem>>
        %dma_wait3A_424 = tpu.memref_squeeze %dma_wait3A_423 : memref<1x128xi32, #tpu.memory_space<vmem>> -> memref<128xi32, #tpu.memory_space<vmem>>
        %dma_wait3A_425 = arith.constant 0 : i32
        %dma_wait3A_426 = arith.constant 0 : i32
        %dma_wait3A_427 = tpu.memref_slice %arg7[%dma_wait3A_425, %dma_wait3A_426] : memref<10240x128xf32, #tpu.memory_space<vmem_shared>> -> memref<10240x128xf32, #tpu.memory_space<vmem_shared>>
        tpu.wait_indirect_dma semaphore(%arg15 : memref<!tpu.dma_semaphore, #tpu.memory_space<semaphore_mem>>) src(%arg10 : memref<128x128xf32, #tpu.memory_space<vmem>>) dst(%dma_wait3A_427 : memref<10240x128xf32, #tpu.memory_space<vmem_shared>>)
      } else {
      }
      %jit3A = arith.constant 8 : i32
      %eq3A = arith.constant 0 : i32
      %eq3A_258 = arith.cmpi eq, %jit3A, %eq3A : i32
      %jit3A_259 = arith.constant 1 : i32
      %select_n3A = arith.select %eq3A_258, %jit3A_259, %jit3A : i32
      %rem3A = arith.remsi %add3A_251, %select_n3A : i32
      %ne3A = arith.constant 0 : i32
      %ne3A_260 = arith.cmpi ne, %rem3A, %ne3A : i32
      %lt3A_261 = arith.constant 0 : i32
      %lt3A_262 = arith.cmpi slt, %rem3A, %lt3A_261 : i32
      %lt3A_263 = arith.constant 0 : i32
      %lt3A_264 = arith.cmpi slt, %select_n3A, %lt3A_263 : i32
      %ne3A_265 = arith.xori %lt3A_262, %lt3A_264 : i1
      %and3A = arith.andi %ne3A_265, %ne3A_260 : i1
      %add3A_266 = arith.addi %rem3A, %select_n3A : i32
      %select_n3A_267 = arith.select %and3A, %add3A_266, %rem3A : i32
      %add3A_268 = arith.addi %mul3A_2, %add3A_251 : i32
      %add3A_269 = arith.addi %mul3A_2, %add3A_251 : i32
      %dma_wait3A_270 = arith.constant 0 : i32
      %dma_wait3A_271 = tpu.memref_slice %arg8[%select_n3A_267, %dma_wait3A_270] : memref<8x128xi32, #tpu.memory_space<vmem>> -> memref<1x128xi32, #tpu.memory_space<vmem>>
      %dma_wait3A_272 = tpu.memref_squeeze %dma_wait3A_271 : memref<1x128xi32, #tpu.memory_space<vmem>> -> memref<128xi32, #tpu.memory_space<vmem>>
      %dma_wait3A_273 = arith.constant 0 : i32
      %dma_wait3A_274 = tpu.memref_slice %arg3[%add3A_268, %dma_wait3A_273] : memref<2560x128xi32, #tpu.memory_space<hbm>> -> memref<1x128xi32, #tpu.memory_space<hbm>>
      %dma_wait3A_275 = tpu.memref_squeeze %dma_wait3A_274 : memref<1x128xi32, #tpu.memory_space<hbm>> -> memref<128xi32, #tpu.memory_space<hbm>>
      %dma_wait3A_276 = arith.constant 0 : i32
      %dma_wait3A_277 = tpu.memref_slice %arg8[%select_n3A_267, %dma_wait3A_276] : memref<8x128xi32, #tpu.memory_space<vmem>> -> memref<1x128xi32, #tpu.memory_space<vmem>>
      %dma_wait3A_278 = tpu.memref_squeeze %dma_wait3A_277 : memref<1x128xi32, #tpu.memory_space<vmem>> -> memref<128xi32, #tpu.memory_space<vmem>>
      %dma_wait3A_279 = arith.constant 0 : i32
      %dma_wait3A_280 = tpu.memref_slice %arg3[%add3A_268, %dma_wait3A_279] : memref<2560x128xi32, #tpu.memory_space<hbm>> -> memref<1x128xi32, #tpu.memory_space<hbm>>
      %dma_wait3A_281 = tpu.memref_squeeze %dma_wait3A_280 : memref<1x128xi32, #tpu.memory_space<hbm>> -> memref<128xi32, #tpu.memory_space<hbm>>
      tpu.wait_dma2 semaphore(%arg12 : memref<!tpu.dma_semaphore, #tpu.memory_space<semaphore_mem>>) src(%dma_wait3A_281 : memref<128xi32, #tpu.memory_space<hbm>>) dst(%dma_wait3A_278 : memref<128xi32, #tpu.memory_space<vmem>>)
      %dma_wait3A_282 = arith.constant 0 : i32
      %dma_wait3A_283 = tpu.memref_slice %arg9[%select_n3A_267, %dma_wait3A_282] : memref<8x128xi32, #tpu.memory_space<vmem>> -> memref<1x128xi32, #tpu.memory_space<vmem>>
      %dma_wait3A_284 = tpu.memref_squeeze %dma_wait3A_283 : memref<1x128xi32, #tpu.memory_space<vmem>> -> memref<128xi32, #tpu.memory_space<vmem>>
      %dma_wait3A_285 = arith.constant 0 : i32
      %dma_wait3A_286 = tpu.memref_slice %arg4[%add3A_269, %dma_wait3A_285] : memref<2560x128xi32, #tpu.memory_space<hbm>> -> memref<1x128xi32, #tpu.memory_space<hbm>>
      %dma_wait3A_287 = tpu.memref_squeeze %dma_wait3A_286 : memref<1x128xi32, #tpu.memory_space<hbm>> -> memref<128xi32, #tpu.memory_space<hbm>>
      %dma_wait3A_288 = arith.constant 0 : i32
      %dma_wait3A_289 = tpu.memref_slice %arg9[%select_n3A_267, %dma_wait3A_288] : memref<8x128xi32, #tpu.memory_space<vmem>> -> memref<1x128xi32, #tpu.memory_space<vmem>>
      %dma_wait3A_290 = tpu.memref_squeeze %dma_wait3A_289 : memref<1x128xi32, #tpu.memory_space<vmem>> -> memref<128xi32, #tpu.memory_space<vmem>>
      %dma_wait3A_291 = arith.constant 0 : i32
      %dma_wait3A_292 = tpu.memref_slice %arg4[%add3A_269, %dma_wait3A_291] : memref<2560x128xi32, #tpu.memory_space<hbm>> -> memref<1x128xi32, #tpu.memory_space<hbm>>
      %dma_wait3A_293 = tpu.memref_squeeze %dma_wait3A_292 : memref<1x128xi32, #tpu.memory_space<hbm>> -> memref<128xi32, #tpu.memory_space<hbm>>
      tpu.wait_dma2 semaphore(%arg12 : memref<!tpu.dma_semaphore, #tpu.memory_space<semaphore_mem>>) src(%dma_wait3A_293 : memref<128xi32, #tpu.memory_space<hbm>>) dst(%dma_wait3A_290 : memref<128xi32, #tpu.memory_space<vmem>>)
      %jit3A_294 = arith.constant 8 : i32
      %eq3A_295 = arith.constant 0 : i32
      %eq3A_296 = arith.cmpi eq, %jit3A_294, %eq3A_295 : i32
      %jit3A_297 = arith.constant 1 : i32
      %select_n3A_298 = arith.select %eq3A_296, %jit3A_297, %jit3A_294 : i32
      %rem3A_299 = arith.remsi %add3A_251, %select_n3A_298 : i32
      %ne3A_300 = arith.constant 0 : i32
      %ne3A_301 = arith.cmpi ne, %rem3A_299, %ne3A_300 : i32
      %lt3A_302 = arith.constant 0 : i32
      %lt3A_303 = arith.cmpi slt, %rem3A_299, %lt3A_302 : i32
      %lt3A_304 = arith.constant 0 : i32
      %lt3A_305 = arith.cmpi slt, %select_n3A_298, %lt3A_304 : i32
      %ne3A_306 = arith.xori %lt3A_303, %lt3A_305 : i1
      %and3A_307 = arith.andi %ne3A_306, %ne3A_301 : i1
      %add3A_308 = arith.addi %rem3A_299, %select_n3A_298 : i32
      %select_n3A_309 = arith.select %and3A_307, %add3A_308, %rem3A_299 : i32
      %dma_start3A_310 = arith.constant 0 : i32
      %dma_start3A_311 = tpu.memref_slice %arg8[%select_n3A_309, %dma_start3A_310] : memref<8x128xi32, #tpu.memory_space<vmem>> -> memref<1x128xi32, #tpu.memory_space<vmem>>
      %dma_start3A_312 = tpu.memref_squeeze %dma_start3A_311 : memref<1x128xi32, #tpu.memory_space<vmem>> -> memref<128xi32, #tpu.memory_space<vmem>>
      %dma_start3A_313 = arith.constant 0 : i32
      %dma_start3A_314 = arith.constant 0 : i32
      %dma_start3A_315 = tpu.memref_slice %arg2[%dma_start3A_313, %dma_start3A_314] : memref<10240x128xf32, #tpu.memory_space<hbm>> -> memref<10240x128xf32, #tpu.memory_space<hbm>>
      tpu.enqueue_indirect_dma source(%dma_start3A_315 : memref<10240x128xf32, #tpu.memory_space<hbm>>) target(%arg10 : memref<128x128xf32, #tpu.memory_space<vmem>>) offsets(%dma_start3A_312 : memref<128xi32, #tpu.memory_space<vmem>>) semaphore(%arg13 : memref<!tpu.dma_semaphore, #tpu.memory_space<semaphore_mem>>)
      %ge3A_316 = arith.constant 1 : i32
      %ge3A_317 = arith.cmpi sge, %add3A_251, %ge3A_316 : i32
      %convert_element_type3A_318 = arith.extui %ge3A_317 : i1 to i32
      %cond3A_319 = arith.constant 0 : i32
      %cond3A_320 = arith.cmpi ne, %convert_element_type3A_318, %cond3A_319 : i32
      scf.if %cond3A_320 {
        %sub3A = arith.constant 1 : i32
        %sub3A_405 = arith.subi %add3A_251, %sub3A : i32
        %jit3A_406 = arith.constant 8 : i32
        %eq3A_407 = arith.constant 0 : i32
        %eq3A_408 = arith.cmpi eq, %jit3A_406, %eq3A_407 : i32
        %jit3A_409 = arith.constant 1 : i32
        %select_n3A_410 = arith.select %eq3A_408, %jit3A_409, %jit3A_406 : i32
        %rem3A_411 = arith.remsi %sub3A_405, %select_n3A_410 : i32
        %ne3A_412 = arith.constant 0 : i32
        %ne3A_413 = arith.cmpi ne, %rem3A_411, %ne3A_412 : i32
        %lt3A_414 = arith.constant 0 : i32
        %lt3A_415 = arith.cmpi slt, %rem3A_411, %lt3A_414 : i32
        %lt3A_416 = arith.constant 0 : i32
        %lt3A_417 = arith.cmpi slt, %select_n3A_410, %lt3A_416 : i32
        %ne3A_418 = arith.xori %lt3A_415, %lt3A_417 : i1
        %and3A_419 = arith.andi %ne3A_418, %ne3A_413 : i1
        %add3A_420 = arith.addi %rem3A_411, %select_n3A_410 : i32
        %select_n3A_421 = arith.select %and3A_419, %add3A_420, %rem3A_411 : i32
        %dma_wait3A_422 = arith.constant 0 : i32
        %dma_wait3A_423 = tpu.memref_slice %arg8[%select_n3A_421, %dma_wait3A_422] : memref<8x128xi32, #tpu.memory_space<vmem>> -> memref<1x128xi32, #tpu.memory_space<vmem>>
        %dma_wait3A_424 = tpu.memref_squeeze %dma_wait3A_423 : memref<1x128xi32, #tpu.memory_space<vmem>> -> memref<128xi32, #tpu.memory_space<vmem>>
        %dma_wait3A_425 = arith.constant 0 : i32
        %dma_wait3A_426 = arith.constant 0 : i32
        %dma_wait3A_427 = tpu.memref_slice %arg2[%dma_wait3A_425, %dma_wait3A_426] : memref<10240x128xf32, #tpu.memory_space<hbm>> -> memref<10240x128xf32, #tpu.memory_space<hbm>>
        tpu.wait_indirect_dma semaphore(%arg14 : memref<!tpu.dma_semaphore, #tpu.memory_space<semaphore_mem>>) src(%dma_wait3A_427 : memref<10240x128xf32, #tpu.memory_space<hbm>>) dst(%arg11 : memref<128x128xf32, #tpu.memory_space<vmem>>)
        %sub3A_428 = arith.constant 1 : i32
        %sub3A_429 = arith.subi %add3A_251, %sub3A_428 : i32
        %jit3A_430 = arith.constant 8 : i32
        %eq3A_431 = arith.constant 0 : i32
        %eq3A_432 = arith.cmpi eq, %jit3A_430, %eq3A_431 : i32
        %jit3A_433 = arith.constant 1 : i32
        %select_n3A_434 = arith.select %eq3A_432, %jit3A_433, %jit3A_430 : i32
        %rem3A_435 = arith.remsi %sub3A_429, %select_n3A_434 : i32
        %ne3A_436 = arith.constant 0 : i32
        %ne3A_437 = arith.cmpi ne, %rem3A_435, %ne3A_436 : i32
        %lt3A_438 = arith.constant 0 : i32
        %lt3A_439 = arith.cmpi slt, %rem3A_435, %lt3A_438 : i32
        %lt3A_440 = arith.constant 0 : i32
        %lt3A_441 = arith.cmpi slt, %select_n3A_434, %lt3A_440 : i32
        %ne3A_442 = arith.xori %lt3A_439, %lt3A_441 : i1
        %and3A_443 = arith.andi %ne3A_442, %ne3A_437 : i1
        %add3A_444 = arith.addi %rem3A_435, %select_n3A_434 : i32
        %select_n3A_445 = arith.select %and3A_443, %add3A_444, %rem3A_435 : i32
        %dma_start3A_446 = arith.constant 0 : i32
        %dma_start3A_447 = tpu.memref_slice %arg9[%select_n3A_445, %dma_start3A_446] : memref<8x128xi32, #tpu.memory_space<vmem>> -> memref<1x128xi32, #tpu.memory_space<vmem>>
        %dma_start3A_448 = tpu.memref_squeeze %dma_start3A_447 : memref<1x128xi32, #tpu.memory_space<vmem>> -> memref<128xi32, #tpu.memory_space<vmem>>
        %dma_start3A_449 = arith.constant 0 : i32
        %dma_start3A_450 = arith.constant 0 : i32
        %dma_start3A_451 = tpu.memref_slice %arg7[%dma_start3A_449, %dma_start3A_450] : memref<10240x128xf32, #tpu.memory_space<vmem_shared>> -> memref<10240x128xf32, #tpu.memory_space<vmem_shared>>
        tpu.enqueue_indirect_dma source(%arg11 : memref<128x128xf32, #tpu.memory_space<vmem>>) target(%dma_start3A_451 : memref<10240x128xf32, #tpu.memory_space<vmem_shared>>) offsets(%dma_start3A_448 : memref<128xi32, #tpu.memory_space<vmem>>) semaphore(%arg16 : memref<!tpu.dma_semaphore, #tpu.memory_space<semaphore_mem>>) {add = true}
      } else {
      }
      %mul3A_321 = arith.constant 2 : i32
      %mul3A_322 = arith.muli %scan3A_246, %mul3A_321 : i32
      %add3A_323 = arith.constant 1 : i32
      %add3A_324 = arith.addi %mul3A_322, %add3A_323 : i32
      %lt3A_325 = arith.constant 79 : i32
      %lt3A_326 = arith.cmpi slt, %add3A_324, %lt3A_325 : i32
      %convert_element_type3A_327 = arith.extui %lt3A_326 : i1 to i32
      %cond3A_328 = arith.constant 0 : i32
      %cond3A_329 = arith.cmpi ne, %convert_element_type3A_327, %cond3A_328 : i32
      scf.if %cond3A_329 {
        %add3A_405 = arith.constant 1 : i32
        %add3A_406 = arith.addi %add3A_324, %add3A_405 : i32
        %add3A_407 = arith.constant 1 : i32
        %add3A_408 = arith.addi %add3A_324, %add3A_407 : i32
        %jit3A_409 = arith.constant 8 : i32
        %eq3A_410 = arith.constant 0 : i32
        %eq3A_411 = arith.cmpi eq, %jit3A_409, %eq3A_410 : i32
        %jit3A_412 = arith.constant 1 : i32
        %select_n3A_413 = arith.select %eq3A_411, %jit3A_412, %jit3A_409 : i32
        %rem3A_414 = arith.remsi %add3A_408, %select_n3A_413 : i32
        %ne3A_415 = arith.constant 0 : i32
        %ne3A_416 = arith.cmpi ne, %rem3A_414, %ne3A_415 : i32
        %lt3A_417 = arith.constant 0 : i32
        %lt3A_418 = arith.cmpi slt, %rem3A_414, %lt3A_417 : i32
        %lt3A_419 = arith.constant 0 : i32
        %lt3A_420 = arith.cmpi slt, %select_n3A_413, %lt3A_419 : i32
        %ne3A_421 = arith.xori %lt3A_418, %lt3A_420 : i1
        %and3A_422 = arith.andi %ne3A_421, %ne3A_416 : i1
        %add3A_423 = arith.addi %rem3A_414, %select_n3A_413 : i32
        %select_n3A_424 = arith.select %and3A_422, %add3A_423, %rem3A_414 : i32
        %add3A_425 = arith.addi %mul3A_2, %add3A_406 : i32
        %add3A_426 = arith.addi %mul3A_2, %add3A_406 : i32
        %dma_start3A_427 = arith.constant 0 : i32
        %dma_start3A_428 = tpu.memref_slice %arg8[%select_n3A_424, %dma_start3A_427] : memref<8x128xi32, #tpu.memory_space<vmem>> -> memref<1x128xi32, #tpu.memory_space<vmem>>
        %dma_start3A_429 = tpu.memref_squeeze %dma_start3A_428 : memref<1x128xi32, #tpu.memory_space<vmem>> -> memref<128xi32, #tpu.memory_space<vmem>>
        %dma_start3A_430 = arith.constant 0 : i32
        %dma_start3A_431 = tpu.memref_slice %arg3[%add3A_425, %dma_start3A_430] : memref<2560x128xi32, #tpu.memory_space<hbm>> -> memref<1x128xi32, #tpu.memory_space<hbm>>
        %dma_start3A_432 = tpu.memref_squeeze %dma_start3A_431 : memref<1x128xi32, #tpu.memory_space<hbm>> -> memref<128xi32, #tpu.memory_space<hbm>>
        %dma_start3A_433 = arith.constant 0 : i32
        %dma_start3A_434 = tpu.memref_slice %arg8[%select_n3A_424, %dma_start3A_433] : memref<8x128xi32, #tpu.memory_space<vmem>> -> memref<1x128xi32, #tpu.memory_space<vmem>>
        %dma_start3A_435 = tpu.memref_squeeze %dma_start3A_434 : memref<1x128xi32, #tpu.memory_space<vmem>> -> memref<128xi32, #tpu.memory_space<vmem>>
        %dma_start3A_436 = arith.constant 0 : i32
        %dma_start3A_437 = tpu.memref_slice %arg3[%add3A_425, %dma_start3A_436] : memref<2560x128xi32, #tpu.memory_space<hbm>> -> memref<1x128xi32, #tpu.memory_space<hbm>>
        %dma_start3A_438 = tpu.memref_squeeze %dma_start3A_437 : memref<1x128xi32, #tpu.memory_space<hbm>> -> memref<128xi32, #tpu.memory_space<hbm>>
        tpu.enqueue_dma source(%dma_start3A_438 : memref<128xi32, #tpu.memory_space<hbm>>) target(%dma_start3A_435 : memref<128xi32, #tpu.memory_space<vmem>>) target_semaphore(%arg12 : memref<!tpu.dma_semaphore, #tpu.memory_space<semaphore_mem>>)
        %dma_start3A_439 = arith.constant 0 : i32
        %dma_start3A_440 = tpu.memref_slice %arg9[%select_n3A_424, %dma_start3A_439] : memref<8x128xi32, #tpu.memory_space<vmem>> -> memref<1x128xi32, #tpu.memory_space<vmem>>
        %dma_start3A_441 = tpu.memref_squeeze %dma_start3A_440 : memref<1x128xi32, #tpu.memory_space<vmem>> -> memref<128xi32, #tpu.memory_space<vmem>>
        %dma_start3A_442 = arith.constant 0 : i32
        %dma_start3A_443 = tpu.memref_slice %arg4[%add3A_426, %dma_start3A_442] : memref<2560x128xi32, #tpu.memory_space<hbm>> -> memref<1x128xi32, #tpu.memory_space<hbm>>
        %dma_start3A_444 = tpu.memref_squeeze %dma_start3A_443 : memref<1x128xi32, #tpu.memory_space<hbm>> -> memref<128xi32, #tpu.memory_space<hbm>>
        %dma_start3A_445 = arith.constant 0 : i32
        %dma_start3A_446 = tpu.memref_slice %arg9[%select_n3A_424, %dma_start3A_445] : memref<8x128xi32, #tpu.memory_space<vmem>> -> memref<1x128xi32, #tpu.memory_space<vmem>>
        %dma_start3A_447 = tpu.memref_squeeze %dma_start3A_446 : memref<1x128xi32, #tpu.memory_space<vmem>> -> memref<128xi32, #tpu.memory_space<vmem>>
        %dma_start3A_448 = arith.constant 0 : i32
        %dma_start3A_449 = tpu.memref_slice %arg4[%add3A_426, %dma_start3A_448] : memref<2560x128xi32, #tpu.memory_space<hbm>> -> memref<1x128xi32, #tpu.memory_space<hbm>>
        %dma_start3A_450 = tpu.memref_squeeze %dma_start3A_449 : memref<1x128xi32, #tpu.memory_space<hbm>> -> memref<128xi32, #tpu.memory_space<hbm>>
        tpu.enqueue_dma source(%dma_start3A_450 : memref<128xi32, #tpu.memory_space<hbm>>) target(%dma_start3A_447 : memref<128xi32, #tpu.memory_space<vmem>>) target_semaphore(%arg12 : memref<!tpu.dma_semaphore, #tpu.memory_space<semaphore_mem>>)
      } else {
      }
      %ge3A_330 = arith.constant 2 : i32
      %ge3A_331 = arith.cmpi sge, %add3A_324, %ge3A_330 : i32
      %convert_element_type3A_332 = arith.extui %ge3A_331 : i1 to i32
      %cond3A_333 = arith.constant 0 : i32
      %cond3A_334 = arith.cmpi ne, %convert_element_type3A_332, %cond3A_333 : i32
      scf.if %cond3A_334 {
        %sub3A = arith.constant 2 : i32
        %sub3A_405 = arith.subi %add3A_324, %sub3A : i32
        %jit3A_406 = arith.constant 8 : i32
        %eq3A_407 = arith.constant 0 : i32
        %eq3A_408 = arith.cmpi eq, %jit3A_406, %eq3A_407 : i32
        %jit3A_409 = arith.constant 1 : i32
        %select_n3A_410 = arith.select %eq3A_408, %jit3A_409, %jit3A_406 : i32
        %rem3A_411 = arith.remsi %sub3A_405, %select_n3A_410 : i32
        %ne3A_412 = arith.constant 0 : i32
        %ne3A_413 = arith.cmpi ne, %rem3A_411, %ne3A_412 : i32
        %lt3A_414 = arith.constant 0 : i32
        %lt3A_415 = arith.cmpi slt, %rem3A_411, %lt3A_414 : i32
        %lt3A_416 = arith.constant 0 : i32
        %lt3A_417 = arith.cmpi slt, %select_n3A_410, %lt3A_416 : i32
        %ne3A_418 = arith.xori %lt3A_415, %lt3A_417 : i1
        %and3A_419 = arith.andi %ne3A_418, %ne3A_413 : i1
        %add3A_420 = arith.addi %rem3A_411, %select_n3A_410 : i32
        %select_n3A_421 = arith.select %and3A_419, %add3A_420, %rem3A_411 : i32
        %dma_wait3A_422 = arith.constant 0 : i32
        %dma_wait3A_423 = tpu.memref_slice %arg9[%select_n3A_421, %dma_wait3A_422] : memref<8x128xi32, #tpu.memory_space<vmem>> -> memref<1x128xi32, #tpu.memory_space<vmem>>
        %dma_wait3A_424 = tpu.memref_squeeze %dma_wait3A_423 : memref<1x128xi32, #tpu.memory_space<vmem>> -> memref<128xi32, #tpu.memory_space<vmem>>
        %dma_wait3A_425 = arith.constant 0 : i32
        %dma_wait3A_426 = arith.constant 0 : i32
        %dma_wait3A_427 = tpu.memref_slice %arg7[%dma_wait3A_425, %dma_wait3A_426] : memref<10240x128xf32, #tpu.memory_space<vmem_shared>> -> memref<10240x128xf32, #tpu.memory_space<vmem_shared>>
        tpu.wait_indirect_dma semaphore(%arg16 : memref<!tpu.dma_semaphore, #tpu.memory_space<semaphore_mem>>) src(%arg11 : memref<128x128xf32, #tpu.memory_space<vmem>>) dst(%dma_wait3A_427 : memref<10240x128xf32, #tpu.memory_space<vmem_shared>>)
      } else {
      }
      %jit3A_335 = arith.constant 8 : i32
      %eq3A_336 = arith.constant 0 : i32
      %eq3A_337 = arith.cmpi eq, %jit3A_335, %eq3A_336 : i32
      %jit3A_338 = arith.constant 1 : i32
      %select_n3A_339 = arith.select %eq3A_337, %jit3A_338, %jit3A_335 : i32
      %rem3A_340 = arith.remsi %add3A_324, %select_n3A_339 : i32
      %ne3A_341 = arith.constant 0 : i32
      %ne3A_342 = arith.cmpi ne, %rem3A_340, %ne3A_341 : i32
      %lt3A_343 = arith.constant 0 : i32
      %lt3A_344 = arith.cmpi slt, %rem3A_340, %lt3A_343 : i32
      %lt3A_345 = arith.constant 0 : i32
      %lt3A_346 = arith.cmpi slt, %select_n3A_339, %lt3A_345 : i32
      %ne3A_347 = arith.xori %lt3A_344, %lt3A_346 : i1
      %and3A_348 = arith.andi %ne3A_347, %ne3A_342 : i1
      %add3A_349 = arith.addi %rem3A_340, %select_n3A_339 : i32
      %select_n3A_350 = arith.select %and3A_348, %add3A_349, %rem3A_340 : i32
      %add3A_351 = arith.addi %mul3A_2, %add3A_324 : i32
      %add3A_352 = arith.addi %mul3A_2, %add3A_324 : i32
      %dma_wait3A_353 = arith.constant 0 : i32
      %dma_wait3A_354 = tpu.memref_slice %arg8[%select_n3A_350, %dma_wait3A_353] : memref<8x128xi32, #tpu.memory_space<vmem>> -> memref<1x128xi32, #tpu.memory_space<vmem>>
      %dma_wait3A_355 = tpu.memref_squeeze %dma_wait3A_354 : memref<1x128xi32, #tpu.memory_space<vmem>> -> memref<128xi32, #tpu.memory_space<vmem>>
      %dma_wait3A_356 = arith.constant 0 : i32
      %dma_wait3A_357 = tpu.memref_slice %arg3[%add3A_351, %dma_wait3A_356] : memref<2560x128xi32, #tpu.memory_space<hbm>> -> memref<1x128xi32, #tpu.memory_space<hbm>>
      %dma_wait3A_358 = tpu.memref_squeeze %dma_wait3A_357 : memref<1x128xi32, #tpu.memory_space<hbm>> -> memref<128xi32, #tpu.memory_space<hbm>>
      %dma_wait3A_359 = arith.constant 0 : i32
      %dma_wait3A_360 = tpu.memref_slice %arg8[%select_n3A_350, %dma_wait3A_359] : memref<8x128xi32, #tpu.memory_space<vmem>> -> memref<1x128xi32, #tpu.memory_space<vmem>>
      %dma_wait3A_361 = tpu.memref_squeeze %dma_wait3A_360 : memref<1x128xi32, #tpu.memory_space<vmem>> -> memref<128xi32, #tpu.memory_space<vmem>>
      %dma_wait3A_362 = arith.constant 0 : i32
      %dma_wait3A_363 = tpu.memref_slice %arg3[%add3A_351, %dma_wait3A_362] : memref<2560x128xi32, #tpu.memory_space<hbm>> -> memref<1x128xi32, #tpu.memory_space<hbm>>
      %dma_wait3A_364 = tpu.memref_squeeze %dma_wait3A_363 : memref<1x128xi32, #tpu.memory_space<hbm>> -> memref<128xi32, #tpu.memory_space<hbm>>
      tpu.wait_dma2 semaphore(%arg12 : memref<!tpu.dma_semaphore, #tpu.memory_space<semaphore_mem>>) src(%dma_wait3A_364 : memref<128xi32, #tpu.memory_space<hbm>>) dst(%dma_wait3A_361 : memref<128xi32, #tpu.memory_space<vmem>>)
      %dma_wait3A_365 = arith.constant 0 : i32
      %dma_wait3A_366 = tpu.memref_slice %arg9[%select_n3A_350, %dma_wait3A_365] : memref<8x128xi32, #tpu.memory_space<vmem>> -> memref<1x128xi32, #tpu.memory_space<vmem>>
      %dma_wait3A_367 = tpu.memref_squeeze %dma_wait3A_366 : memref<1x128xi32, #tpu.memory_space<vmem>> -> memref<128xi32, #tpu.memory_space<vmem>>
      %dma_wait3A_368 = arith.constant 0 : i32
      %dma_wait3A_369 = tpu.memref_slice %arg4[%add3A_352, %dma_wait3A_368] : memref<2560x128xi32, #tpu.memory_space<hbm>> -> memref<1x128xi32, #tpu.memory_space<hbm>>
      %dma_wait3A_370 = tpu.memref_squeeze %dma_wait3A_369 : memref<1x128xi32, #tpu.memory_space<hbm>> -> memref<128xi32, #tpu.memory_space<hbm>>
      %dma_wait3A_371 = arith.constant 0 : i32
      %dma_wait3A_372 = tpu.memref_slice %arg9[%select_n3A_350, %dma_wait3A_371] : memref<8x128xi32, #tpu.memory_space<vmem>> -> memref<1x128xi32, #tpu.memory_space<vmem>>
      %dma_wait3A_373 = tpu.memref_squeeze %dma_wait3A_372 : memref<1x128xi32, #tpu.memory_space<vmem>> -> memref<128xi32, #tpu.memory_space<vmem>>
      %dma_wait3A_374 = arith.constant 0 : i32
      %dma_wait3A_375 = tpu.memref_slice %arg4[%add3A_352, %dma_wait3A_374] : memref<2560x128xi32, #tpu.memory_space<hbm>> -> memref<1x128xi32, #tpu.memory_space<hbm>>
      %dma_wait3A_376 = tpu.memref_squeeze %dma_wait3A_375 : memref<1x128xi32, #tpu.memory_space<hbm>> -> memref<128xi32, #tpu.memory_space<hbm>>
      tpu.wait_dma2 semaphore(%arg12 : memref<!tpu.dma_semaphore, #tpu.memory_space<semaphore_mem>>) src(%dma_wait3A_376 : memref<128xi32, #tpu.memory_space<hbm>>) dst(%dma_wait3A_373 : memref<128xi32, #tpu.memory_space<vmem>>)
      %jit3A_377 = arith.constant 8 : i32
      %eq3A_378 = arith.constant 0 : i32
      %eq3A_379 = arith.cmpi eq, %jit3A_377, %eq3A_378 : i32
      %jit3A_380 = arith.constant 1 : i32
      %select_n3A_381 = arith.select %eq3A_379, %jit3A_380, %jit3A_377 : i32
      %rem3A_382 = arith.remsi %add3A_324, %select_n3A_381 : i32
      %ne3A_383 = arith.constant 0 : i32
      %ne3A_384 = arith.cmpi ne, %rem3A_382, %ne3A_383 : i32
      %lt3A_385 = arith.constant 0 : i32
      %lt3A_386 = arith.cmpi slt, %rem3A_382, %lt3A_385 : i32
      %lt3A_387 = arith.constant 0 : i32
      %lt3A_388 = arith.cmpi slt, %select_n3A_381, %lt3A_387 : i32
      %ne3A_389 = arith.xori %lt3A_386, %lt3A_388 : i1
      %and3A_390 = arith.andi %ne3A_389, %ne3A_384 : i1
      %add3A_391 = arith.addi %rem3A_382, %select_n3A_381 : i32
      %select_n3A_392 = arith.select %and3A_390, %add3A_391, %rem3A_382 : i32
      %dma_start3A_393 = arith.constant 0 : i32
      %dma_start3A_394 = tpu.memref_slice %arg8[%select_n3A_392, %dma_start3A_393] : memref<8x128xi32, #tpu.memory_space<vmem>> -> memref<1x128xi32, #tpu.memory_space<vmem>>
      %dma_start3A_395 = tpu.memref_squeeze %dma_start3A_394 : memref<1x128xi32, #tpu.memory_space<vmem>> -> memref<128xi32, #tpu.memory_space<vmem>>
      %dma_start3A_396 = arith.constant 0 : i32
      %dma_start3A_397 = arith.constant 0 : i32
      %dma_start3A_398 = tpu.memref_slice %arg2[%dma_start3A_396, %dma_start3A_397] : memref<10240x128xf32, #tpu.memory_space<hbm>> -> memref<10240x128xf32, #tpu.memory_space<hbm>>
      tpu.enqueue_indirect_dma source(%dma_start3A_398 : memref<10240x128xf32, #tpu.memory_space<hbm>>) target(%arg11 : memref<128x128xf32, #tpu.memory_space<vmem>>) offsets(%dma_start3A_395 : memref<128xi32, #tpu.memory_space<vmem>>) semaphore(%arg14 : memref<!tpu.dma_semaphore, #tpu.memory_space<semaphore_mem>>)
      %ge3A_399 = arith.constant 1 : i32
      %ge3A_400 = arith.cmpi sge, %add3A_324, %ge3A_399 : i32
      %convert_element_type3A_401 = arith.extui %ge3A_400 : i1 to i32
      %cond3A_402 = arith.constant 0 : i32
      %cond3A_403 = arith.cmpi ne, %convert_element_type3A_401, %cond3A_402 : i32
      scf.if %cond3A_403 {
        %sub3A = arith.constant 1 : i32
        %sub3A_405 = arith.subi %add3A_324, %sub3A : i32
        %jit3A_406 = arith.constant 8 : i32
        %eq3A_407 = arith.constant 0 : i32
        %eq3A_408 = arith.cmpi eq, %jit3A_406, %eq3A_407 : i32
        %jit3A_409 = arith.constant 1 : i32
        %select_n3A_410 = arith.select %eq3A_408, %jit3A_409, %jit3A_406 : i32
        %rem3A_411 = arith.remsi %sub3A_405, %select_n3A_410 : i32
        %ne3A_412 = arith.constant 0 : i32
        %ne3A_413 = arith.cmpi ne, %rem3A_411, %ne3A_412 : i32
        %lt3A_414 = arith.constant 0 : i32
        %lt3A_415 = arith.cmpi slt, %rem3A_411, %lt3A_414 : i32
        %lt3A_416 = arith.constant 0 : i32
        %lt3A_417 = arith.cmpi slt, %select_n3A_410, %lt3A_416 : i32
        %ne3A_418 = arith.xori %lt3A_415, %lt3A_417 : i1
        %and3A_419 = arith.andi %ne3A_418, %ne3A_413 : i1
        %add3A_420 = arith.addi %rem3A_411, %select_n3A_410 : i32
        %select_n3A_421 = arith.select %and3A_419, %add3A_420, %rem3A_411 : i32
        %dma_wait3A_422 = arith.constant 0 : i32
        %dma_wait3A_423 = tpu.memref_slice %arg8[%select_n3A_421, %dma_wait3A_422] : memref<8x128xi32, #tpu.memory_space<vmem>> -> memref<1x128xi32, #tpu.memory_space<vmem>>
        %dma_wait3A_424 = tpu.memref_squeeze %dma_wait3A_423 : memref<1x128xi32, #tpu.memory_space<vmem>> -> memref<128xi32, #tpu.memory_space<vmem>>
        %dma_wait3A_425 = arith.constant 0 : i32
        %dma_wait3A_426 = arith.constant 0 : i32
        %dma_wait3A_427 = tpu.memref_slice %arg2[%dma_wait3A_425, %dma_wait3A_426] : memref<10240x128xf32, #tpu.memory_space<hbm>> -> memref<10240x128xf32, #tpu.memory_space<hbm>>
        tpu.wait_indirect_dma semaphore(%arg13 : memref<!tpu.dma_semaphore, #tpu.memory_space<semaphore_mem>>) src(%dma_wait3A_427 : memref<10240x128xf32, #tpu.memory_space<hbm>>) dst(%arg10 : memref<128x128xf32, #tpu.memory_space<vmem>>)
        %sub3A_428 = arith.constant 1 : i32
        %sub3A_429 = arith.subi %add3A_324, %sub3A_428 : i32
        %jit3A_430 = arith.constant 8 : i32
        %eq3A_431 = arith.constant 0 : i32
        %eq3A_432 = arith.cmpi eq, %jit3A_430, %eq3A_431 : i32
        %jit3A_433 = arith.constant 1 : i32
        %select_n3A_434 = arith.select %eq3A_432, %jit3A_433, %jit3A_430 : i32
        %rem3A_435 = arith.remsi %sub3A_429, %select_n3A_434 : i32
        %ne3A_436 = arith.constant 0 : i32
        %ne3A_437 = arith.cmpi ne, %rem3A_435, %ne3A_436 : i32
        %lt3A_438 = arith.constant 0 : i32
        %lt3A_439 = arith.cmpi slt, %rem3A_435, %lt3A_438 : i32
        %lt3A_440 = arith.constant 0 : i32
        %lt3A_441 = arith.cmpi slt, %select_n3A_434, %lt3A_440 : i32
        %ne3A_442 = arith.xori %lt3A_439, %lt3A_441 : i1
        %and3A_443 = arith.andi %ne3A_442, %ne3A_437 : i1
        %add3A_444 = arith.addi %rem3A_435, %select_n3A_434 : i32
        %select_n3A_445 = arith.select %and3A_443, %add3A_444, %rem3A_435 : i32
        %dma_start3A_446 = arith.constant 0 : i32
        %dma_start3A_447 = tpu.memref_slice %arg9[%select_n3A_445, %dma_start3A_446] : memref<8x128xi32, #tpu.memory_space<vmem>> -> memref<1x128xi32, #tpu.memory_space<vmem>>
        %dma_start3A_448 = tpu.memref_squeeze %dma_start3A_447 : memref<1x128xi32, #tpu.memory_space<vmem>> -> memref<128xi32, #tpu.memory_space<vmem>>
        %dma_start3A_449 = arith.constant 0 : i32
        %dma_start3A_450 = arith.constant 0 : i32
        %dma_start3A_451 = tpu.memref_slice %arg7[%dma_start3A_449, %dma_start3A_450] : memref<10240x128xf32, #tpu.memory_space<vmem_shared>> -> memref<10240x128xf32, #tpu.memory_space<vmem_shared>>
        tpu.enqueue_indirect_dma source(%arg10 : memref<128x128xf32, #tpu.memory_space<vmem>>) target(%dma_start3A_451 : memref<10240x128xf32, #tpu.memory_space<vmem_shared>>) offsets(%dma_start3A_448 : memref<128xi32, #tpu.memory_space<vmem>>) semaphore(%arg15 : memref<!tpu.dma_semaphore, #tpu.memory_space<semaphore_mem>>) {add = true}
      } else {
      }
      %scan3A_404 = arith.constant 0 : i32
      scf.yield %scan3A_404 : i32
    }
    %scan3A_96 = arith.constant 40 : i32
    %dma_wait3A_97 = arith.constant 7 : i32
    %dma_wait3A_98 = arith.constant 0 : i32
    %dma_wait3A_99 = tpu.memref_slice %arg8[%dma_wait3A_97, %dma_wait3A_98] : memref<8x128xi32, #tpu.memory_space<vmem>> -> memref<1x128xi32, #tpu.memory_space<vmem>>
    %dma_wait3A_100 = tpu.memref_squeeze %dma_wait3A_99 : memref<1x128xi32, #tpu.memory_space<vmem>> -> memref<128xi32, #tpu.memory_space<vmem>>
    %dma_wait3A_101 = arith.constant 0 : i32
    %dma_wait3A_102 = arith.constant 0 : i32
    %dma_wait3A_103 = tpu.memref_slice %arg2[%dma_wait3A_101, %dma_wait3A_102] : memref<10240x128xf32, #tpu.memory_space<hbm>> -> memref<10240x128xf32, #tpu.memory_space<hbm>>
    tpu.wait_indirect_dma semaphore(%arg14 : memref<!tpu.dma_semaphore, #tpu.memory_space<semaphore_mem>>) src(%dma_wait3A_103 : memref<10240x128xf32, #tpu.memory_space<hbm>>) dst(%arg11 : memref<128x128xf32, #tpu.memory_space<vmem>>)
    %dma_start3A_104 = arith.constant 7 : i32
    %dma_start3A_105 = arith.constant 0 : i32
    %dma_start3A_106 = tpu.memref_slice %arg9[%dma_start3A_104, %dma_start3A_105] : memref<8x128xi32, #tpu.memory_space<vmem>> -> memref<1x128xi32, #tpu.memory_space<vmem>>
    %dma_start3A_107 = tpu.memref_squeeze %dma_start3A_106 : memref<1x128xi32, #tpu.memory_space<vmem>> -> memref<128xi32, #tpu.memory_space<vmem>>
    %dma_start3A_108 = arith.constant 0 : i32
    %dma_start3A_109 = arith.constant 0 : i32
    %dma_start3A_110 = tpu.memref_slice %arg7[%dma_start3A_108, %dma_start3A_109] : memref<10240x128xf32, #tpu.memory_space<vmem_shared>> -> memref<10240x128xf32, #tpu.memory_space<vmem_shared>>
    tpu.enqueue_indirect_dma source(%arg11 : memref<128x128xf32, #tpu.memory_space<vmem>>) target(%dma_start3A_110 : memref<10240x128xf32, #tpu.memory_space<vmem_shared>>) offsets(%dma_start3A_107 : memref<128xi32, #tpu.memory_space<vmem>>) semaphore(%arg16 : memref<!tpu.dma_semaphore, #tpu.memory_space<semaphore_mem>>) {add = true}
    %dma_wait3A_111 = arith.constant 6 : i32
    %dma_wait3A_112 = arith.constant 0 : i32
    %dma_wait3A_113 = tpu.memref_slice %arg9[%dma_wait3A_111, %dma_wait3A_112] : memref<8x128xi32, #tpu.memory_space<vmem>> -> memref<1x128xi32, #tpu.memory_space<vmem>>
    %dma_wait3A_114 = tpu.memref_squeeze %dma_wait3A_113 : memref<1x128xi32, #tpu.memory_space<vmem>> -> memref<128xi32, #tpu.memory_space<vmem>>
    %dma_wait3A_115 = arith.constant 0 : i32
    %dma_wait3A_116 = arith.constant 0 : i32
    %dma_wait3A_117 = tpu.memref_slice %arg7[%dma_wait3A_115, %dma_wait3A_116] : memref<10240x128xf32, #tpu.memory_space<vmem_shared>> -> memref<10240x128xf32, #tpu.memory_space<vmem_shared>>
    tpu.wait_indirect_dma semaphore(%arg15 : memref<!tpu.dma_semaphore, #tpu.memory_space<semaphore_mem>>) src(%arg10 : memref<128x128xf32, #tpu.memory_space<vmem>>) dst(%dma_wait3A_117 : memref<10240x128xf32, #tpu.memory_space<vmem_shared>>)
    %dma_wait3A_118 = arith.constant 7 : i32
    %dma_wait3A_119 = arith.constant 0 : i32
    %dma_wait3A_120 = tpu.memref_slice %arg9[%dma_wait3A_118, %dma_wait3A_119] : memref<8x128xi32, #tpu.memory_space<vmem>> -> memref<1x128xi32, #tpu.memory_space<vmem>>
    %dma_wait3A_121 = tpu.memref_squeeze %dma_wait3A_120 : memref<1x128xi32, #tpu.memory_space<vmem>> -> memref<128xi32, #tpu.memory_space<vmem>>
    %dma_wait3A_122 = arith.constant 0 : i32
    %dma_wait3A_123 = arith.constant 0 : i32
    %dma_wait3A_124 = tpu.memref_slice %arg7[%dma_wait3A_122, %dma_wait3A_123] : memref<10240x128xf32, #tpu.memory_space<vmem_shared>> -> memref<10240x128xf32, #tpu.memory_space<vmem_shared>>
    tpu.wait_indirect_dma semaphore(%arg16 : memref<!tpu.dma_semaphore, #tpu.memory_space<semaphore_mem>>) src(%arg11 : memref<128x128xf32, #tpu.memory_space<vmem>>) dst(%dma_wait3A_124 : memref<10240x128xf32, #tpu.memory_space<vmem_shared>>)
    %barrier3A_125 = arith.constant 0 : index
    tpu.barrier barrier_id(%barrier3A_125)
    %mul3A_126 = arith.constant 640 : i32
    %mul3A_127 = arith.muli %arg1, %mul3A_126 : i32
    %add3A_128 = arith.constant 0 : i32
    %add3A_129 = arith.addi %mul3A_127, %add3A_128 : i32
    %dma_start3A_130 = arith.constant 0 : i32
    %dma_start3A_131 = tpu.memref_slice %arg7[%add3A_129, %dma_start3A_130] : memref<10240x128xf32, #tpu.memory_space<vmem_shared>> -> memref<128x128xf32, #tpu.memory_space<vmem_shared>>
    %dma_start3A_132 = arith.constant 0 : i32
    %dma_start3A_133 = tpu.memref_slice %arg7[%add3A_129, %dma_start3A_132] : memref<10240x128xf32, #tpu.memory_space<vmem_shared>> -> memref<128x128xf32, #tpu.memory_space<vmem_shared>>
    tpu.enqueue_dma source(%dma_start3A_133 : memref<128x128xf32, #tpu.memory_space<vmem_shared>>) target(%arg10 : memref<128x128xf32, #tpu.memory_space<vmem>>) target_semaphore(%arg13 : memref<!tpu.dma_semaphore, #tpu.memory_space<semaphore_mem>>)
    %dma_wait3A_134 = arith.constant 0 : i32
    %dma_wait3A_135 = tpu.memref_slice %arg7[%add3A_129, %dma_wait3A_134] : memref<10240x128xf32, #tpu.memory_space<vmem_shared>> -> memref<128x128xf32, #tpu.memory_space<vmem_shared>>
    %dma_wait3A_136 = arith.constant 0 : i32
    %dma_wait3A_137 = tpu.memref_slice %arg7[%add3A_129, %dma_wait3A_136] : memref<10240x128xf32, #tpu.memory_space<vmem_shared>> -> memref<128x128xf32, #tpu.memory_space<vmem_shared>>
    tpu.wait_dma2 semaphore(%arg13 : memref<!tpu.dma_semaphore, #tpu.memory_space<semaphore_mem>>) src(%dma_wait3A_137 : memref<128x128xf32, #tpu.memory_space<vmem_shared>>) dst(%arg10 : memref<128x128xf32, #tpu.memory_space<vmem>>)
    %mul3A_138 = arith.constant 640 : i32
    %mul3A_139 = arith.muli %add3A, %mul3A_138 : i32
    %add3A_140 = arith.constant 0 : i32
    %add3A_141 = arith.addi %mul3A_139, %add3A_140 : i32
    %dma_start3A_142 = arith.constant 0 : i32
    %dma_start3A_143 = tpu.memref_slice %arg6[%add3A_141, %dma_start3A_142] : memref<20480x128xf32, #tpu.memory_space<hbm>> -> memref<128x128xf32, #tpu.memory_space<hbm>>
    %dma_start3A_144 = arith.constant 0 : i32
    %dma_start3A_145 = tpu.memref_slice %arg6[%add3A_141, %dma_start3A_144] : memref<20480x128xf32, #tpu.memory_space<hbm>> -> memref<128x128xf32, #tpu.memory_space<hbm>>
    tpu.enqueue_dma source(%arg10 : memref<128x128xf32, #tpu.memory_space<vmem>>) target(%dma_start3A_145 : memref<128x128xf32, #tpu.memory_space<hbm>>) target_semaphore(%arg15 : memref<!tpu.dma_semaphore, #tpu.memory_space<semaphore_mem>>)
    %mul3A_146 = arith.constant 640 : i32
    %mul3A_147 = arith.muli %arg1, %mul3A_146 : i32
    %add3A_148 = arith.constant 128 : i32
    %add3A_149 = arith.addi %mul3A_147, %add3A_148 : i32
    %dma_start3A_150 = arith.constant 0 : i32
    %dma_start3A_151 = tpu.memref_slice %arg7[%add3A_149, %dma_start3A_150] : memref<10240x128xf32, #tpu.memory_space<vmem_shared>> -> memref<128x128xf32, #tpu.memory_space<vmem_shared>>
    %dma_start3A_152 = arith.constant 0 : i32
    %dma_start3A_153 = tpu.memref_slice %arg7[%add3A_149, %dma_start3A_152] : memref<10240x128xf32, #tpu.memory_space<vmem_shared>> -> memref<128x128xf32, #tpu.memory_space<vmem_shared>>
    tpu.enqueue_dma source(%dma_start3A_153 : memref<128x128xf32, #tpu.memory_space<vmem_shared>>) target(%arg11 : memref<128x128xf32, #tpu.memory_space<vmem>>) target_semaphore(%arg14 : memref<!tpu.dma_semaphore, #tpu.memory_space<semaphore_mem>>)
    %dma_wait3A_154 = arith.constant 0 : i32
    %dma_wait3A_155 = tpu.memref_slice %arg7[%add3A_149, %dma_wait3A_154] : memref<10240x128xf32, #tpu.memory_space<vmem_shared>> -> memref<128x128xf32, #tpu.memory_space<vmem_shared>>
    %dma_wait3A_156 = arith.constant 0 : i32
    %dma_wait3A_157 = tpu.memref_slice %arg7[%add3A_149, %dma_wait3A_156] : memref<10240x128xf32, #tpu.memory_space<vmem_shared>> -> memref<128x128xf32, #tpu.memory_space<vmem_shared>>
    tpu.wait_dma2 semaphore(%arg14 : memref<!tpu.dma_semaphore, #tpu.memory_space<semaphore_mem>>) src(%dma_wait3A_157 : memref<128x128xf32, #tpu.memory_space<vmem_shared>>) dst(%arg11 : memref<128x128xf32, #tpu.memory_space<vmem>>)
    %mul3A_158 = arith.constant 640 : i32
    %mul3A_159 = arith.muli %add3A, %mul3A_158 : i32
    %add3A_160 = arith.constant 128 : i32
    %add3A_161 = arith.addi %mul3A_159, %add3A_160 : i32
    %dma_start3A_162 = arith.constant 0 : i32
    %dma_start3A_163 = tpu.memref_slice %arg6[%add3A_161, %dma_start3A_162] : memref<20480x128xf32, #tpu.memory_space<hbm>> -> memref<128x128xf32, #tpu.memory_space<hbm>>
    %dma_start3A_164 = arith.constant 0 : i32
    %dma_start3A_165 = tpu.memref_slice %arg6[%add3A_161, %dma_start3A_164] : memref<20480x128xf32, #tpu.memory_space<hbm>> -> memref<128x128xf32, #tpu.memory_space<hbm>>
    tpu.enqueue_dma source(%arg11 : memref<128x128xf32, #tpu.memory_space<vmem>>) target(%dma_start3A_165 : memref<128x128xf32, #tpu.memory_space<hbm>>) target_semaphore(%arg16 : memref<!tpu.dma_semaphore, #tpu.memory_space<semaphore_mem>>)
    %dma_wait3A_166 = arith.constant 0 : i32
    %dma_wait3A_167 = tpu.memref_slice %arg6[%add3A_141, %dma_wait3A_166] : memref<20480x128xf32, #tpu.memory_space<hbm>> -> memref<128x128xf32, #tpu.memory_space<hbm>>
    %dma_wait3A_168 = arith.constant 0 : i32
    %dma_wait3A_169 = tpu.memref_slice %arg6[%add3A_141, %dma_wait3A_168] : memref<20480x128xf32, #tpu.memory_space<hbm>> -> memref<128x128xf32, #tpu.memory_space<hbm>>
    tpu.wait_dma2 semaphore(%arg15 : memref<!tpu.dma_semaphore, #tpu.memory_space<semaphore_mem>>) src(%arg10 : memref<128x128xf32, #tpu.memory_space<vmem>>) dst(%dma_wait3A_169 : memref<128x128xf32, #tpu.memory_space<hbm>>)
    %mul3A_170 = arith.constant 640 : i32
    %mul3A_171 = arith.muli %arg1, %mul3A_170 : i32
    %add3A_172 = arith.constant 256 : i32
    %add3A_173 = arith.addi %mul3A_171, %add3A_172 : i32
    %dma_start3A_174 = arith.constant 0 : i32
    %dma_start3A_175 = tpu.memref_slice %arg7[%add3A_173, %dma_start3A_174] : memref<10240x128xf32, #tpu.memory_space<vmem_shared>> -> memref<128x128xf32, #tpu.memory_space<vmem_shared>>
    %dma_start3A_176 = arith.constant 0 : i32
    %dma_start3A_177 = tpu.memref_slice %arg7[%add3A_173, %dma_start3A_176] : memref<10240x128xf32, #tpu.memory_space<vmem_shared>> -> memref<128x128xf32, #tpu.memory_space<vmem_shared>>
    tpu.enqueue_dma source(%dma_start3A_177 : memref<128x128xf32, #tpu.memory_space<vmem_shared>>) target(%arg10 : memref<128x128xf32, #tpu.memory_space<vmem>>) target_semaphore(%arg13 : memref<!tpu.dma_semaphore, #tpu.memory_space<semaphore_mem>>)
    %dma_wait3A_178 = arith.constant 0 : i32
    %dma_wait3A_179 = tpu.memref_slice %arg7[%add3A_173, %dma_wait3A_178] : memref<10240x128xf32, #tpu.memory_space<vmem_shared>> -> memref<128x128xf32, #tpu.memory_space<vmem_shared>>
    %dma_wait3A_180 = arith.constant 0 : i32
    %dma_wait3A_181 = tpu.memref_slice %arg7[%add3A_173, %dma_wait3A_180] : memref<10240x128xf32, #tpu.memory_space<vmem_shared>> -> memref<128x128xf32, #tpu.memory_space<vmem_shared>>
    tpu.wait_dma2 semaphore(%arg13 : memref<!tpu.dma_semaphore, #tpu.memory_space<semaphore_mem>>) src(%dma_wait3A_181 : memref<128x128xf32, #tpu.memory_space<vmem_shared>>) dst(%arg10 : memref<128x128xf32, #tpu.memory_space<vmem>>)
    %mul3A_182 = arith.constant 640 : i32
    %mul3A_183 = arith.muli %add3A, %mul3A_182 : i32
    %add3A_184 = arith.constant 256 : i32
    %add3A_185 = arith.addi %mul3A_183, %add3A_184 : i32
    %dma_start3A_186 = arith.constant 0 : i32
    %dma_start3A_187 = tpu.memref_slice %arg6[%add3A_185, %dma_start3A_186] : memref<20480x128xf32, #tpu.memory_space<hbm>> -> memref<128x128xf32, #tpu.memory_space<hbm>>
    %dma_start3A_188 = arith.constant 0 : i32
    %dma_start3A_189 = tpu.memref_slice %arg6[%add3A_185, %dma_start3A_188] : memref<20480x128xf32, #tpu.memory_space<hbm>> -> memref<128x128xf32, #tpu.memory_space<hbm>>
    tpu.enqueue_dma source(%arg10 : memref<128x128xf32, #tpu.memory_space<vmem>>) target(%dma_start3A_189 : memref<128x128xf32, #tpu.memory_space<hbm>>) target_semaphore(%arg15 : memref<!tpu.dma_semaphore, #tpu.memory_space<semaphore_mem>>)
    %dma_wait3A_190 = arith.constant 0 : i32
    %dma_wait3A_191 = tpu.memref_slice %arg6[%add3A_161, %dma_wait3A_190] : memref<20480x128xf32, #tpu.memory_space<hbm>> -> memref<128x128xf32, #tpu.memory_space<hbm>>
    %dma_wait3A_192 = arith.constant 0 : i32
    %dma_wait3A_193 = tpu.memref_slice %arg6[%add3A_161, %dma_wait3A_192] : memref<20480x128xf32, #tpu.memory_space<hbm>> -> memref<128x128xf32, #tpu.memory_space<hbm>>
    tpu.wait_dma2 semaphore(%arg16 : memref<!tpu.dma_semaphore, #tpu.memory_space<semaphore_mem>>) src(%arg11 : memref<128x128xf32, #tpu.memory_space<vmem>>) dst(%dma_wait3A_193 : memref<128x128xf32, #tpu.memory_space<hbm>>)
    %mul3A_194 = arith.constant 640 : i32
    %mul3A_195 = arith.muli %arg1, %mul3A_194 : i32
    %add3A_196 = arith.constant 384 : i32
    %add3A_197 = arith.addi %mul3A_195, %add3A_196 : i32
    %dma_start3A_198 = arith.constant 0 : i32
    %dma_start3A_199 = tpu.memref_slice %arg7[%add3A_197, %dma_start3A_198] : memref<10240x128xf32, #tpu.memory_space<vmem_shared>> -> memref<128x128xf32, #tpu.memory_space<vmem_shared>>
    %dma_start3A_200 = arith.constant 0 : i32
    %dma_start3A_201 = tpu.memref_slice %arg7[%add3A_197, %dma_start3A_200] : memref<10240x128xf32, #tpu.memory_space<vmem_shared>> -> memref<128x128xf32, #tpu.memory_space<vmem_shared>>
    tpu.enqueue_dma source(%dma_start3A_201 : memref<128x128xf32, #tpu.memory_space<vmem_shared>>) target(%arg11 : memref<128x128xf32, #tpu.memory_space<vmem>>) target_semaphore(%arg14 : memref<!tpu.dma_semaphore, #tpu.memory_space<semaphore_mem>>)
    %dma_wait3A_202 = arith.constant 0 : i32
    %dma_wait3A_203 = tpu.memref_slice %arg7[%add3A_197, %dma_wait3A_202] : memref<10240x128xf32, #tpu.memory_space<vmem_shared>> -> memref<128x128xf32, #tpu.memory_space<vmem_shared>>
    %dma_wait3A_204 = arith.constant 0 : i32
    %dma_wait3A_205 = tpu.memref_slice %arg7[%add3A_197, %dma_wait3A_204] : memref<10240x128xf32, #tpu.memory_space<vmem_shared>> -> memref<128x128xf32, #tpu.memory_space<vmem_shared>>
    tpu.wait_dma2 semaphore(%arg14 : memref<!tpu.dma_semaphore, #tpu.memory_space<semaphore_mem>>) src(%dma_wait3A_205 : memref<128x128xf32, #tpu.memory_space<vmem_shared>>) dst(%arg11 : memref<128x128xf32, #tpu.memory_space<vmem>>)
    %mul3A_206 = arith.constant 640 : i32
    %mul3A_207 = arith.muli %add3A, %mul3A_206 : i32
    %add3A_208 = arith.constant 384 : i32
    %add3A_209 = arith.addi %mul3A_207, %add3A_208 : i32
    %dma_start3A_210 = arith.constant 0 : i32
    %dma_start3A_211 = tpu.memref_slice %arg6[%add3A_209, %dma_start3A_210] : memref<20480x128xf32, #tpu.memory_space<hbm>> -> memref<128x128xf32, #tpu.memory_space<hbm>>
    %dma_start3A_212 = arith.constant 0 : i32
    %dma_start3A_213 = tpu.memref_slice %arg6[%add3A_209, %dma_start3A_212] : memref<20480x128xf32, #tpu.memory_space<hbm>> -> memref<128x128xf32, #tpu.memory_space<hbm>>
    tpu.enqueue_dma source(%arg11 : memref<128x128xf32, #tpu.memory_space<vmem>>) target(%dma_start3A_213 : memref<128x128xf32, #tpu.memory_space<hbm>>) target_semaphore(%arg16 : memref<!tpu.dma_semaphore, #tpu.memory_space<semaphore_mem>>)
    %dma_wait3A_214 = arith.constant 0 : i32
    %dma_wait3A_215 = tpu.memref_slice %arg6[%add3A_185, %dma_wait3A_214] : memref<20480x128xf32, #tpu.memory_space<hbm>> -> memref<128x128xf32, #tpu.memory_space<hbm>>
    %dma_wait3A_216 = arith.constant 0 : i32
    %dma_wait3A_217 = tpu.memref_slice %arg6[%add3A_185, %dma_wait3A_216] : memref<20480x128xf32, #tpu.memory_space<hbm>> -> memref<128x128xf32, #tpu.memory_space<hbm>>
    tpu.wait_dma2 semaphore(%arg15 : memref<!tpu.dma_semaphore, #tpu.memory_space<semaphore_mem>>) src(%arg10 : memref<128x128xf32, #tpu.memory_space<vmem>>) dst(%dma_wait3A_217 : memref<128x128xf32, #tpu.memory_space<hbm>>)
    %mul3A_218 = arith.constant 640 : i32
    %mul3A_219 = arith.muli %arg1, %mul3A_218 : i32
    %add3A_220 = arith.constant 512 : i32
    %add3A_221 = arith.addi %mul3A_219, %add3A_220 : i32
    %dma_start3A_222 = arith.constant 0 : i32
    %dma_start3A_223 = tpu.memref_slice %arg7[%add3A_221, %dma_start3A_222] : memref<10240x128xf32, #tpu.memory_space<vmem_shared>> -> memref<128x128xf32, #tpu.memory_space<vmem_shared>>
    %dma_start3A_224 = arith.constant 0 : i32
    %dma_start3A_225 = tpu.memref_slice %arg7[%add3A_221, %dma_start3A_224] : memref<10240x128xf32, #tpu.memory_space<vmem_shared>> -> memref<128x128xf32, #tpu.memory_space<vmem_shared>>
    tpu.enqueue_dma source(%dma_start3A_225 : memref<128x128xf32, #tpu.memory_space<vmem_shared>>) target(%arg10 : memref<128x128xf32, #tpu.memory_space<vmem>>) target_semaphore(%arg13 : memref<!tpu.dma_semaphore, #tpu.memory_space<semaphore_mem>>)
    %dma_wait3A_226 = arith.constant 0 : i32
    %dma_wait3A_227 = tpu.memref_slice %arg7[%add3A_221, %dma_wait3A_226] : memref<10240x128xf32, #tpu.memory_space<vmem_shared>> -> memref<128x128xf32, #tpu.memory_space<vmem_shared>>
    %dma_wait3A_228 = arith.constant 0 : i32
    %dma_wait3A_229 = tpu.memref_slice %arg7[%add3A_221, %dma_wait3A_228] : memref<10240x128xf32, #tpu.memory_space<vmem_shared>> -> memref<128x128xf32, #tpu.memory_space<vmem_shared>>
    tpu.wait_dma2 semaphore(%arg13 : memref<!tpu.dma_semaphore, #tpu.memory_space<semaphore_mem>>) src(%dma_wait3A_229 : memref<128x128xf32, #tpu.memory_space<vmem_shared>>) dst(%arg10 : memref<128x128xf32, #tpu.memory_space<vmem>>)
    %mul3A_230 = arith.constant 640 : i32
    %mul3A_231 = arith.muli %add3A, %mul3A_230 : i32
    %add3A_232 = arith.constant 512 : i32
    %add3A_233 = arith.addi %mul3A_231, %add3A_232 : i32
    %dma_start3A_234 = arith.constant 0 : i32
    %dma_start3A_235 = tpu.memref_slice %arg6[%add3A_233, %dma_start3A_234] : memref<20480x128xf32, #tpu.memory_space<hbm>> -> memref<128x128xf32, #tpu.memory_space<hbm>>
    %dma_start3A_236 = arith.constant 0 : i32
    %dma_start3A_237 = tpu.memref_slice %arg6[%add3A_233, %dma_start3A_236] : memref<20480x128xf32, #tpu.memory_space<hbm>> -> memref<128x128xf32, #tpu.memory_space<hbm>>
    tpu.enqueue_dma source(%arg10 : memref<128x128xf32, #tpu.memory_space<vmem>>) target(%dma_start3A_237 : memref<128x128xf32, #tpu.memory_space<hbm>>) target_semaphore(%arg15 : memref<!tpu.dma_semaphore, #tpu.memory_space<semaphore_mem>>)
    %dma_wait3A_238 = arith.constant 0 : i32
    %dma_wait3A_239 = tpu.memref_slice %arg6[%add3A_233, %dma_wait3A_238] : memref<20480x128xf32, #tpu.memory_space<hbm>> -> memref<128x128xf32, #tpu.memory_space<hbm>>
    %dma_wait3A_240 = arith.constant 0 : i32
    %dma_wait3A_241 = tpu.memref_slice %arg6[%add3A_233, %dma_wait3A_240] : memref<20480x128xf32, #tpu.memory_space<hbm>> -> memref<128x128xf32, #tpu.memory_space<hbm>>
    tpu.wait_dma2 semaphore(%arg15 : memref<!tpu.dma_semaphore, #tpu.memory_space<semaphore_mem>>) src(%arg10 : memref<128x128xf32, #tpu.memory_space<vmem>>) dst(%dma_wait3A_241 : memref<128x128xf32, #tpu.memory_space<hbm>>)
    %dma_wait3A_242 = arith.constant 0 : i32
    %dma_wait3A_243 = tpu.memref_slice %arg6[%add3A_209, %dma_wait3A_242] : memref<20480x128xf32, #tpu.memory_space<hbm>> -> memref<128x128xf32, #tpu.memory_space<hbm>>
    %dma_wait3A_244 = arith.constant 0 : i32
    %dma_wait3A_245 = tpu.memref_slice %arg6[%add3A_209, %dma_wait3A_244] : memref<20480x128xf32, #tpu.memory_space<hbm>> -> memref<128x128xf32, #tpu.memory_space<hbm>>
    tpu.wait_dma2 semaphore(%arg16 : memref<!tpu.dma_semaphore, #tpu.memory_space<semaphore_mem>>) src(%arg11 : memref<128x128xf32, #tpu.memory_space<vmem>>) dst(%dma_wait3A_245 : memref<128x128xf32, #tpu.memory_space<hbm>>)
    return
  }
}

#map = affine_map<(d0, d1) -> (0, 0)>
module attributes {stable_mosaic.version = 14 : i64} {
  func.func @_scat_kernel(%arg0: i32, %arg1: i32, %arg2: memref<10240x128xf32, #tpu.memory_space<hbm>>, %arg3: memref<2560x128xi32, #tpu.memory_space<hbm>>, %arg4: memref<2560x128xi32, #tpu.memory_space<hbm>>, %arg5: memref<128x128xf32, #tpu.memory_space<hbm>>, %arg6: memref<20480x128xf32, #tpu.memory_space<hbm>>, %arg7: memref<10240x128xf32, #tpu.memory_space<vmem_shared>>, %arg8: memref<8x128xi32, #tpu.memory_space<vmem>>, %arg9: memref<8x128xi32, #tpu.memory_space<vmem>>, %arg10: memref<128x128xf32, #tpu.memory_space<vmem>>, %arg11: memref<128x128xf32, #tpu.memory_space<vmem>>, %arg12: memref<!tpu.dma_semaphore, #tpu.memory_space<semaphore_mem>>, %arg13: memref<!tpu.dma_semaphore, #tpu.memory_space<semaphore_mem>>, %arg14: memref<!tpu.dma_semaphore, #tpu.memory_space<semaphore_mem>>, %arg15: memref<!tpu.dma_semaphore, #tpu.memory_space<semaphore_mem>>, %arg16: memref<!tpu.dma_semaphore, #tpu.memory_space<semaphore_mem>>) attributes {dimension_semantics = [#tpu.dimension_semantics<core_parallel>, #tpu.dimension_semantics<subcore_parallel>], iteration_bounds = array<i64: 2, 16>, scalar_prefetch = 0 : i64, scratch_operands = 10 : i64, tpu.core_type = #tpu.core_type<sc_vector_subcore>, window_params = [{transform_indices = #map}, {transform_indices = #map}, {transform_indices = #map}, {transform_indices = #map}, {transform_indices = #map}]} {
    %mul3A = arith.constant 16 : i32
    %mul3A_0 = arith.muli %arg0, %mul3A : i32
    %add3A = arith.addi %mul3A_0, %arg1 : i32
    %mul3A_1 = arith.constant 80 : i32
    %mul3A_2 = arith.muli %add3A, %mul3A_1 : i32
    %add3A_3 = arith.constant 0 : i32
    %add3A_4 = arith.addi %mul3A_2, %add3A_3 : i32
    %add3A_5 = arith.constant 0 : i32
    %add3A_6 = arith.addi %mul3A_2, %add3A_5 : i32
    %dma_start3A = arith.constant 0 : i32
    %dma_start3A_7 = arith.constant 0 : i32
    %dma_start3A_8 = tpu.memref_slice %arg8[%dma_start3A, %dma_start3A_7] : memref<8x128xi32, #tpu.memory_space<vmem>> -> memref<1x128xi32, #tpu.memory_space<vmem>>
    %dma_start3A_9 = tpu.memref_squeeze %dma_start3A_8 : memref<1x128xi32, #tpu.memory_space<vmem>> -> memref<128xi32, #tpu.memory_space<vmem>>
    %dma_start3A_10 = arith.constant 0 : i32
    %dma_start3A_11 = tpu.memref_slice %arg3[%add3A_4, %dma_start3A_10] : memref<2560x128xi32, #tpu.memory_space<hbm>> -> memref<1x128xi32, #tpu.memory_space<hbm>>
    %dma_start3A_12 = tpu.memref_squeeze %dma_start3A_11 : memref<1x128xi32, #tpu.memory_space<hbm>> -> memref<128xi32, #tpu.memory_space<hbm>>
    %dma_start3A_13 = arith.constant 0 : i32
    %dma_start3A_14 = tpu.memref_slice %arg8[%dma_start3A, %dma_start3A_13] : memref<8x128xi32, #tpu.memory_space<vmem>> -> memref<1x128xi32, #tpu.memory_space<vmem>>
    %dma_start3A_15 = tpu.memref_squeeze %dma_start3A_14 : memref<1x128xi32, #tpu.memory_space<vmem>> -> memref<128xi32, #tpu.memory_space<vmem>>
    %dma_start3A_16 = arith.constant 0 : i32
    %dma_start3A_17 = tpu.memref_slice %arg3[%add3A_4, %dma_start3A_16] : memref<2560x128xi32, #tpu.memory_space<hbm>> -> memref<1x128xi32, #tpu.memory_space<hbm>>
    %dma_start3A_18 = tpu.memref_squeeze %dma_start3A_17 : memref<1x128xi32, #tpu.memory_space<hbm>> -> memref<128xi32, #tpu.memory_space<hbm>>
    tpu.enqueue_dma source(%dma_start3A_18 : memref<128xi32, #tpu.memory_space<hbm>>) target(%dma_start3A_15 : memref<128xi32, #tpu.memory_space<vmem>>) target_semaphore(%arg12 : memref<!tpu.dma_semaphore, #tpu.memory_space<semaphore_mem>>)
    %dma_start3A_19 = arith.constant 0 : i32
    %dma_start3A_20 = arith.constant 0 : i32
    %dma_start3A_21 = tpu.memref_slice %arg9[%dma_start3A_19, %dma_start3A_20] : memref<8x128xi32, #tpu.memory_space<vmem>> -> memref<1x128xi32, #tpu.memory_space<vmem>>
    %dma_start3A_22 = tpu.memref_squeeze %dma_start3A_21 : memref<1x128xi32, #tpu.memory_space<vmem>> -> memref<128xi32, #tpu.memory_space<vmem>>
    %dma_start3A_23 = arith.constant 0 : i32
    %dma_start3A_24 = tpu.memref_slice %arg4[%add3A_6, %dma_start3A_23] : memref<2560x128xi32, #tpu.memory_space<hbm>> -> memref<1x128xi32, #tpu.memory_space<hbm>>
    %dma_start3A_25 = tpu.memref_squeeze %dma_start3A_24 : memref<1x128xi32, #tpu.memory_space<hbm>> -> memref<128xi32, #tpu.memory_space<hbm>>
    %dma_start3A_26 = arith.constant 0 : i32
    %dma_start3A_27 = tpu.memref_slice %arg9[%dma_start3A_19, %dma_start3A_26] : memref<8x128xi32, #tpu.memory_space<vmem>> -> memref<1x128xi32, #tpu.memory_space<vmem>>
    %dma_start3A_28 = tpu.memref_squeeze %dma_start3A_27 : memref<1x128xi32, #tpu.memory_space<vmem>> -> memref<128xi32, #tpu.memory_space<vmem>>
    %dma_start3A_29 = arith.constant 0 : i32
    %dma_start3A_30 = tpu.memref_slice %arg4[%add3A_6, %dma_start3A_29] : memref<2560x128xi32, #tpu.memory_space<hbm>> -> memref<1x128xi32, #tpu.memory_space<hbm>>
    %dma_start3A_31 = tpu.memref_squeeze %dma_start3A_30 : memref<1x128xi32, #tpu.memory_space<hbm>> -> memref<128xi32, #tpu.memory_space<hbm>>
    tpu.enqueue_dma source(%dma_start3A_31 : memref<128xi32, #tpu.memory_space<hbm>>) target(%dma_start3A_28 : memref<128xi32, #tpu.memory_space<vmem>>) target_semaphore(%arg12 : memref<!tpu.dma_semaphore, #tpu.memory_space<semaphore_mem>>)
    "tpu.region"() ({
      %run_scoped3A = tpu.sem_alloc : memref<!tpu.dma_semaphore, #tpu.memory_space<semaphore_mem>>
      tpu.enqueue_dma source(%arg5 : memref<128x128xf32, #tpu.memory_space<hbm>>) target(%arg10 : memref<128x128xf32, #tpu.memory_space<vmem>>) target_semaphore(%run_scoped3A : memref<!tpu.dma_semaphore, #tpu.memory_space<semaphore_mem>>)
      tpu.wait_dma2 semaphore(%run_scoped3A : memref<!tpu.dma_semaphore, #tpu.memory_space<semaphore_mem>>) src(%arg5 : memref<128x128xf32, #tpu.memory_space<hbm>>) dst(%arg10 : memref<128x128xf32, #tpu.memory_space<vmem>>)
      tpu.yield
    }) : () -> ()
    %mul3A_32 = arith.constant 640 : i32
    %mul3A_33 = arith.muli %arg1, %mul3A_32 : i32
    %add3A_34 = arith.constant 0 : i32
    %add3A_35 = arith.addi %mul3A_33, %add3A_34 : i32
    %dma_start3A_36 = arith.constant 0 : i32
    %dma_start3A_37 = tpu.memref_slice %arg7[%add3A_35, %dma_start3A_36] : memref<10240x128xf32, #tpu.memory_space<vmem_shared>> -> memref<128x128xf32, #tpu.memory_space<vmem_shared>>
    %dma_start3A_38 = arith.constant 0 : i32
    %dma_start3A_39 = tpu.memref_slice %arg7[%add3A_35, %dma_start3A_38] : memref<10240x128xf32, #tpu.memory_space<vmem_shared>> -> memref<128x128xf32, #tpu.memory_space<vmem_shared>>
    tpu.enqueue_dma source(%arg10 : memref<128x128xf32, #tpu.memory_space<vmem>>) target(%dma_start3A_39 : memref<128x128xf32, #tpu.memory_space<vmem_shared>>) target_semaphore(%arg15 : memref<!tpu.dma_semaphore, #tpu.memory_space<semaphore_mem>>)
    %mul3A_40 = arith.constant 640 : i32
    %mul3A_41 = arith.muli %arg1, %mul3A_40 : i32
    %add3A_42 = arith.constant 128 : i32
    %add3A_43 = arith.addi %mul3A_41, %add3A_42 : i32
    %dma_start3A_44 = arith.constant 0 : i32
    %dma_start3A_45 = tpu.memref_slice %arg7[%add3A_43, %dma_start3A_44] : memref<10240x128xf32, #tpu.memory_space<vmem_shared>> -> memref<128x128xf32, #tpu.memory_space<vmem_shared>>
    %dma_start3A_46 = arith.constant 0 : i32
    %dma_start3A_47 = tpu.memref_slice %arg7[%add3A_43, %dma_start3A_46] : memref<10240x128xf32, #tpu.memory_space<vmem_shared>> -> memref<128x128xf32, #tpu.memory_space<vmem_shared>>
    tpu.enqueue_dma source(%arg10 : memref<128x128xf32, #tpu.memory_space<vmem>>) target(%dma_start3A_47 : memref<128x128xf32, #tpu.memory_space<vmem_shared>>) target_semaphore(%arg15 : memref<!tpu.dma_semaphore, #tpu.memory_space<semaphore_mem>>)
    %mul3A_48 = arith.constant 640 : i32
    %mul3A_49 = arith.muli %arg1, %mul3A_48 : i32
    %add3A_50 = arith.constant 256 : i32
    %add3A_51 = arith.addi %mul3A_49, %add3A_50 : i32
    %dma_start3A_52 = arith.constant 0 : i32
    %dma_start3A_53 = tpu.memref_slice %arg7[%add3A_51, %dma_start3A_52] : memref<10240x128xf32, #tpu.memory_space<vmem_shared>> -> memref<128x128xf32, #tpu.memory_space<vmem_shared>>
    %dma_start3A_54 = arith.constant 0 : i32
    %dma_start3A_55 = tpu.memref_slice %arg7[%add3A_51, %dma_start3A_54] : memref<10240x128xf32, #tpu.memory_space<vmem_shared>> -> memref<128x128xf32, #tpu.memory_space<vmem_shared>>
    tpu.enqueue_dma source(%arg10 : memref<128x128xf32, #tpu.memory_space<vmem>>) target(%dma_start3A_55 : memref<128x128xf32, #tpu.memory_space<vmem_shared>>) target_semaphore(%arg15 : memref<!tpu.dma_semaphore, #tpu.memory_space<semaphore_mem>>)
    %mul3A_56 = arith.constant 640 : i32
    %mul3A_57 = arith.muli %arg1, %mul3A_56 : i32
    %add3A_58 = arith.constant 384 : i32
    %add3A_59 = arith.addi %mul3A_57, %add3A_58 : i32
    %dma_start3A_60 = arith.constant 0 : i32
    %dma_start3A_61 = tpu.memref_slice %arg7[%add3A_59, %dma_start3A_60] : memref<10240x128xf32, #tpu.memory_space<vmem_shared>> -> memref<128x128xf32, #tpu.memory_space<vmem_shared>>
    %dma_start3A_62 = arith.constant 0 : i32
    %dma_start3A_63 = tpu.memref_slice %arg7[%add3A_59, %dma_start3A_62] : memref<10240x128xf32, #tpu.memory_space<vmem_shared>> -> memref<128x128xf32, #tpu.memory_space<vmem_shared>>
    tpu.enqueue_dma source(%arg10 : memref<128x128xf32, #tpu.memory_space<vmem>>) target(%dma_start3A_63 : memref<128x128xf32, #tpu.memory_space<vmem_shared>>) target_semaphore(%arg15 : memref<!tpu.dma_semaphore, #tpu.memory_space<semaphore_mem>>)
    %mul3A_64 = arith.constant 640 : i32
    %mul3A_65 = arith.muli %arg1, %mul3A_64 : i32
    %add3A_66 = arith.constant 512 : i32
    %add3A_67 = arith.addi %mul3A_65, %add3A_66 : i32
    %dma_start3A_68 = arith.constant 0 : i32
    %dma_start3A_69 = tpu.memref_slice %arg7[%add3A_67, %dma_start3A_68] : memref<10240x128xf32, #tpu.memory_space<vmem_shared>> -> memref<128x128xf32, #tpu.memory_space<vmem_shared>>
    %dma_start3A_70 = arith.constant 0 : i32
    %dma_start3A_71 = tpu.memref_slice %arg7[%add3A_67, %dma_start3A_70] : memref<10240x128xf32, #tpu.memory_space<vmem_shared>> -> memref<128x128xf32, #tpu.memory_space<vmem_shared>>
    tpu.enqueue_dma source(%arg10 : memref<128x128xf32, #tpu.memory_space<vmem>>) target(%dma_start3A_71 : memref<128x128xf32, #tpu.memory_space<vmem_shared>>) target_semaphore(%arg15 : memref<!tpu.dma_semaphore, #tpu.memory_space<semaphore_mem>>)
    %dma_wait3A = arith.constant 0 : i32
    %dma_wait3A_72 = tpu.memref_slice %arg7[%add3A_35, %dma_wait3A] : memref<10240x128xf32, #tpu.memory_space<vmem_shared>> -> memref<128x128xf32, #tpu.memory_space<vmem_shared>>
    %dma_wait3A_73 = arith.constant 0 : i32
    %dma_wait3A_74 = tpu.memref_slice %arg7[%add3A_35, %dma_wait3A_73] : memref<10240x128xf32, #tpu.memory_space<vmem_shared>> -> memref<128x128xf32, #tpu.memory_space<vmem_shared>>
    tpu.wait_dma2 semaphore(%arg15 : memref<!tpu.dma_semaphore, #tpu.memory_space<semaphore_mem>>) src(%arg10 : memref<128x128xf32, #tpu.memory_space<vmem>>) dst(%dma_wait3A_74 : memref<128x128xf32, #tpu.memory_space<vmem_shared>>)
    %dma_wait3A_75 = arith.constant 0 : i32
    %dma_wait3A_76 = tpu.memref_slice %arg7[%add3A_43, %dma_wait3A_75] : memref<10240x128xf32, #tpu.memory_space<vmem_shared>> -> memref<128x128xf32, #tpu.memory_space<vmem_shared>>
    %dma_wait3A_77 = arith.constant 0 : i32
    %dma_wait3A_78 = tpu.memref_slice %arg7[%add3A_43, %dma_wait3A_77] : memref<10240x128xf32, #tpu.memory_space<vmem_shared>> -> memref<128x128xf32, #tpu.memory_space<vmem_shared>>
    tpu.wait_dma2 semaphore(%arg15 : memref<!tpu.dma_semaphore, #tpu.memory_space<semaphore_mem>>) src(%arg10 : memref<128x128xf32, #tpu.memory_space<vmem>>) dst(%dma_wait3A_78 : memref<128x128xf32, #tpu.memory_space<vmem_shared>>)
    %dma_wait3A_79 = arith.constant 0 : i32
    %dma_wait3A_80 = tpu.memref_slice %arg7[%add3A_51, %dma_wait3A_79] : memref<10240x128xf32, #tpu.memory_space<vmem_shared>> -> memref<128x128xf32, #tpu.memory_space<vmem_shared>>
    %dma_wait3A_81 = arith.constant 0 : i32
    %dma_wait3A_82 = tpu.memref_slice %arg7[%add3A_51, %dma_wait3A_81] : memref<10240x128xf32, #tpu.memory_space<vmem_shared>> -> memref<128x128xf32, #tpu.memory_space<vmem_shared>>
    tpu.wait_dma2 semaphore(%arg15 : memref<!tpu.dma_semaphore, #tpu.memory_space<semaphore_mem>>) src(%arg10 : memref<128x128xf32, #tpu.memory_space<vmem>>) dst(%dma_wait3A_82 : memref<128x128xf32, #tpu.memory_space<vmem_shared>>)
    %dma_wait3A_83 = arith.constant 0 : i32
    %dma_wait3A_84 = tpu.memref_slice %arg7[%add3A_59, %dma_wait3A_83] : memref<10240x128xf32, #tpu.memory_space<vmem_shared>> -> memref<128x128xf32, #tpu.memory_space<vmem_shared>>
    %dma_wait3A_85 = arith.constant 0 : i32
    %dma_wait3A_86 = tpu.memref_slice %arg7[%add3A_59, %dma_wait3A_85] : memref<10240x128xf32, #tpu.memory_space<vmem_shared>> -> memref<128x128xf32, #tpu.memory_space<vmem_shared>>
    tpu.wait_dma2 semaphore(%arg15 : memref<!tpu.dma_semaphore, #tpu.memory_space<semaphore_mem>>) src(%arg10 : memref<128x128xf32, #tpu.memory_space<vmem>>) dst(%dma_wait3A_86 : memref<128x128xf32, #tpu.memory_space<vmem_shared>>)
    %dma_wait3A_87 = arith.constant 0 : i32
    %dma_wait3A_88 = tpu.memref_slice %arg7[%add3A_67, %dma_wait3A_87] : memref<10240x128xf32, #tpu.memory_space<vmem_shared>> -> memref<128x128xf32, #tpu.memory_space<vmem_shared>>
    %dma_wait3A_89 = arith.constant 0 : i32
    %dma_wait3A_90 = tpu.memref_slice %arg7[%add3A_67, %dma_wait3A_89] : memref<10240x128xf32, #tpu.memory_space<vmem_shared>> -> memref<128x128xf32, #tpu.memory_space<vmem_shared>>
    tpu.wait_dma2 semaphore(%arg15 : memref<!tpu.dma_semaphore, #tpu.memory_space<semaphore_mem>>) src(%arg10 : memref<128x128xf32, #tpu.memory_space<vmem>>) dst(%dma_wait3A_90 : memref<128x128xf32, #tpu.memory_space<vmem_shared>>)
    %barrier3A = arith.constant 0 : index
    tpu.barrier barrier_id(%barrier3A)
    %scan3A = arith.constant 0 : i32
    %scan3A_91 = arith.constant 0 : i32
    %scan3A_92 = arith.constant 40 : i32
    %scan3A_93 = arith.addi %scan3A_91, %scan3A_92 : i32
    %scan3A_94 = arith.constant 1 : i32
    %scan3A_95 = scf.for %scan3A_246 = %scan3A_91 to %scan3A_93 step %scan3A_94 iter_args(%scan3A_247 = %scan3A) -> (i32)  : i32 {
      %mul3A_248 = arith.constant 2 : i32
      %mul3A_249 = arith.muli %scan3A_246, %mul3A_248 : i32
      %add3A_250 = arith.constant 0 : i32
      %add3A_251 = arith.addi %mul3A_249, %add3A_250 : i32
      %lt3A = arith.constant 79 : i32
      %lt3A_252 = arith.cmpi slt, %add3A_251, %lt3A : i32
      %convert_element_type3A = arith.extui %lt3A_252 : i1 to i32
      %cond3A = arith.constant 0 : i32
      %cond3A_253 = arith.cmpi ne, %convert_element_type3A, %cond3A : i32
      scf.if %cond3A_253 {
        %add3A_405 = arith.constant 1 : i32
        %add3A_406 = arith.addi %add3A_251, %add3A_405 : i32
        %add3A_407 = arith.constant 1 : i32
        %add3A_408 = arith.addi %add3A_251, %add3A_407 : i32
        %jit3A_409 = arith.constant 8 : i32
        %eq3A_410 = arith.constant 0 : i32
        %eq3A_411 = arith.cmpi eq, %jit3A_409, %eq3A_410 : i32
        %jit3A_412 = arith.constant 1 : i32
        %select_n3A_413 = arith.select %eq3A_411, %jit3A_412, %jit3A_409 : i32
        %rem3A_414 = arith.remsi %add3A_408, %select_n3A_413 : i32
        %ne3A_415 = arith.constant 0 : i32
        %ne3A_416 = arith.cmpi ne, %rem3A_414, %ne3A_415 : i32
        %lt3A_417 = arith.constant 0 : i32
        %lt3A_418 = arith.cmpi slt, %rem3A_414, %lt3A_417 : i32
        %lt3A_419 = arith.constant 0 : i32
        %lt3A_420 = arith.cmpi slt, %select_n3A_413, %lt3A_419 : i32
        %ne3A_421 = arith.xori %lt3A_418, %lt3A_420 : i1
        %and3A_422 = arith.andi %ne3A_421, %ne3A_416 : i1
        %add3A_423 = arith.addi %rem3A_414, %select_n3A_413 : i32
        %select_n3A_424 = arith.select %and3A_422, %add3A_423, %rem3A_414 : i32
        %add3A_425 = arith.addi %mul3A_2, %add3A_406 : i32
        %add3A_426 = arith.addi %mul3A_2, %add3A_406 : i32
        %dma_start3A_427 = arith.constant 0 : i32
        %dma_start3A_428 = tpu.memref_slice %arg8[%select_n3A_424, %dma_start3A_427] : memref<8x128xi32, #tpu.memory_space<vmem>> -> memref<1x128xi32, #tpu.memory_space<vmem>>
        %dma_start3A_429 = tpu.memref_squeeze %dma_start3A_428 : memref<1x128xi32, #tpu.memory_space<vmem>> -> memref<128xi32, #tpu.memory_space<vmem>>
        %dma_start3A_430 = arith.constant 0 : i32
        %dma_start3A_431 = tpu.memref_slice %arg3[%add3A_425, %dma_start3A_430] : memref<2560x128xi32, #tpu.memory_space<hbm>> -> memref<1x128xi32, #tpu.memory_space<hbm>>
        %dma_start3A_432 = tpu.memref_squeeze %dma_start3A_431 : memref<1x128xi32, #tpu.memory_space<hbm>> -> memref<128xi32, #tpu.memory_space<hbm>>
        %dma_start3A_433 = arith.constant 0 : i32
        %dma_start3A_434 = tpu.memref_slice %arg8[%select_n3A_424, %dma_start3A_433] : memref<8x128xi32, #tpu.memory_space<vmem>> -> memref<1x128xi32, #tpu.memory_space<vmem>>
        %dma_start3A_435 = tpu.memref_squeeze %dma_start3A_434 : memref<1x128xi32, #tpu.memory_space<vmem>> -> memref<128xi32, #tpu.memory_space<vmem>>
        %dma_start3A_436 = arith.constant 0 : i32
        %dma_start3A_437 = tpu.memref_slice %arg3[%add3A_425, %dma_start3A_436] : memref<2560x128xi32, #tpu.memory_space<hbm>> -> memref<1x128xi32, #tpu.memory_space<hbm>>
        %dma_start3A_438 = tpu.memref_squeeze %dma_start3A_437 : memref<1x128xi32, #tpu.memory_space<hbm>> -> memref<128xi32, #tpu.memory_space<hbm>>
        tpu.enqueue_dma source(%dma_start3A_438 : memref<128xi32, #tpu.memory_space<hbm>>) target(%dma_start3A_435 : memref<128xi32, #tpu.memory_space<vmem>>) target_semaphore(%arg12 : memref<!tpu.dma_semaphore, #tpu.memory_space<semaphore_mem>>)
        %dma_start3A_439 = arith.constant 0 : i32
        %dma_start3A_440 = tpu.memref_slice %arg9[%select_n3A_424, %dma_start3A_439] : memref<8x128xi32, #tpu.memory_space<vmem>> -> memref<1x128xi32, #tpu.memory_space<vmem>>
        %dma_start3A_441 = tpu.memref_squeeze %dma_start3A_440 : memref<1x128xi32, #tpu.memory_space<vmem>> -> memref<128xi32, #tpu.memory_space<vmem>>
        %dma_start3A_442 = arith.constant 0 : i32
        %dma_start3A_443 = tpu.memref_slice %arg4[%add3A_426, %dma_start3A_442] : memref<2560x128xi32, #tpu.memory_space<hbm>> -> memref<1x128xi32, #tpu.memory_space<hbm>>
        %dma_start3A_444 = tpu.memref_squeeze %dma_start3A_443 : memref<1x128xi32, #tpu.memory_space<hbm>> -> memref<128xi32, #tpu.memory_space<hbm>>
        %dma_start3A_445 = arith.constant 0 : i32
        %dma_start3A_446 = tpu.memref_slice %arg9[%select_n3A_424, %dma_start3A_445] : memref<8x128xi32, #tpu.memory_space<vmem>> -> memref<1x128xi32, #tpu.memory_space<vmem>>
        %dma_start3A_447 = tpu.memref_squeeze %dma_start3A_446 : memref<1x128xi32, #tpu.memory_space<vmem>> -> memref<128xi32, #tpu.memory_space<vmem>>
        %dma_start3A_448 = arith.constant 0 : i32
        %dma_start3A_449 = tpu.memref_slice %arg4[%add3A_426, %dma_start3A_448] : memref<2560x128xi32, #tpu.memory_space<hbm>> -> memref<1x128xi32, #tpu.memory_space<hbm>>
        %dma_start3A_450 = tpu.memref_squeeze %dma_start3A_449 : memref<1x128xi32, #tpu.memory_space<hbm>> -> memref<128xi32, #tpu.memory_space<hbm>>
        tpu.enqueue_dma source(%dma_start3A_450 : memref<128xi32, #tpu.memory_space<hbm>>) target(%dma_start3A_447 : memref<128xi32, #tpu.memory_space<vmem>>) target_semaphore(%arg12 : memref<!tpu.dma_semaphore, #tpu.memory_space<semaphore_mem>>)
      } else {
      }
      %ge3A = arith.constant 2 : i32
      %ge3A_254 = arith.cmpi sge, %add3A_251, %ge3A : i32
      %convert_element_type3A_255 = arith.extui %ge3A_254 : i1 to i32
      %cond3A_256 = arith.constant 0 : i32
      %cond3A_257 = arith.cmpi ne, %convert_element_type3A_255, %cond3A_256 : i32
      scf.if %cond3A_257 {
        %sub3A = arith.constant 2 : i32
        %sub3A_405 = arith.subi %add3A_251, %sub3A : i32
        %jit3A_406 = arith.constant 8 : i32
        %eq3A_407 = arith.constant 0 : i32
        %eq3A_408 = arith.cmpi eq, %jit3A_406, %eq3A_407 : i32
        %jit3A_409 = arith.constant 1 : i32
        %select_n3A_410 = arith.select %eq3A_408, %jit3A_409, %jit3A_406 : i32
        %rem3A_411 = arith.remsi %sub3A_405, %select_n3A_410 : i32
        %ne3A_412 = arith.constant 0 : i32
        %ne3A_413 = arith.cmpi ne, %rem3A_411, %ne3A_412 : i32
        %lt3A_414 = arith.constant 0 : i32
        %lt3A_415 = arith.cmpi slt, %rem3A_411, %lt3A_414 : i32
        %lt3A_416 = arith.constant 0 : i32
        %lt3A_417 = arith.cmpi slt, %select_n3A_410, %lt3A_416 : i32
        %ne3A_418 = arith.xori %lt3A_415, %lt3A_417 : i1
        %and3A_419 = arith.andi %ne3A_418, %ne3A_413 : i1
        %add3A_420 = arith.addi %rem3A_411, %select_n3A_410 : i32
        %select_n3A_421 = arith.select %and3A_419, %add3A_420, %rem3A_411 : i32
        %dma_wait3A_422 = arith.constant 0 : i32
        %dma_wait3A_423 = tpu.memref_slice %arg9[%select_n3A_421, %dma_wait3A_422] : memref<8x128xi32, #tpu.memory_space<vmem>> -> memref<1x128xi32, #tpu.memory_space<vmem>>
        %dma_wait3A_424 = tpu.memref_squeeze %dma_wait3A_423 : memref<1x128xi32, #tpu.memory_space<vmem>> -> memref<128xi32, #tpu.memory_space<vmem>>
        %dma_wait3A_425 = arith.constant 0 : i32
        %dma_wait3A_426 = arith.constant 0 : i32
        %dma_wait3A_427 = tpu.memref_slice %arg7[%dma_wait3A_425, %dma_wait3A_426] : memref<10240x128xf32, #tpu.memory_space<vmem_shared>> -> memref<10240x128xf32, #tpu.memory_space<vmem_shared>>
        tpu.wait_indirect_dma semaphore(%arg15 : memref<!tpu.dma_semaphore, #tpu.memory_space<semaphore_mem>>) src(%arg10 : memref<128x128xf32, #tpu.memory_space<vmem>>) dst(%dma_wait3A_427 : memref<10240x128xf32, #tpu.memory_space<vmem_shared>>)
      } else {
      }
      %jit3A = arith.constant 8 : i32
      %eq3A = arith.constant 0 : i32
      %eq3A_258 = arith.cmpi eq, %jit3A, %eq3A : i32
      %jit3A_259 = arith.constant 1 : i32
      %select_n3A = arith.select %eq3A_258, %jit3A_259, %jit3A : i32
      %rem3A = arith.remsi %add3A_251, %select_n3A : i32
      %ne3A = arith.constant 0 : i32
      %ne3A_260 = arith.cmpi ne, %rem3A, %ne3A : i32
      %lt3A_261 = arith.constant 0 : i32
      %lt3A_262 = arith.cmpi slt, %rem3A, %lt3A_261 : i32
      %lt3A_263 = arith.constant 0 : i32
      %lt3A_264 = arith.cmpi slt, %select_n3A, %lt3A_263 : i32
      %ne3A_265 = arith.xori %lt3A_262, %lt3A_264 : i1
      %and3A = arith.andi %ne3A_265, %ne3A_260 : i1
      %add3A_266 = arith.addi %rem3A, %select_n3A : i32
      %select_n3A_267 = arith.select %and3A, %add3A_266, %rem3A : i32
      %add3A_268 = arith.addi %mul3A_2, %add3A_251 : i32
      %add3A_269 = arith.addi %mul3A_2, %add3A_251 : i32
      %dma_wait3A_270 = arith.constant 0 : i32
      %dma_wait3A_271 = tpu.memref_slice %arg8[%select_n3A_267, %dma_wait3A_270] : memref<8x128xi32, #tpu.memory_space<vmem>> -> memref<1x128xi32, #tpu.memory_space<vmem>>
      %dma_wait3A_272 = tpu.memref_squeeze %dma_wait3A_271 : memref<1x128xi32, #tpu.memory_space<vmem>> -> memref<128xi32, #tpu.memory_space<vmem>>
      %dma_wait3A_273 = arith.constant 0 : i32
      %dma_wait3A_274 = tpu.memref_slice %arg3[%add3A_268, %dma_wait3A_273] : memref<2560x128xi32, #tpu.memory_space<hbm>> -> memref<1x128xi32, #tpu.memory_space<hbm>>
      %dma_wait3A_275 = tpu.memref_squeeze %dma_wait3A_274 : memref<1x128xi32, #tpu.memory_space<hbm>> -> memref<128xi32, #tpu.memory_space<hbm>>
      %dma_wait3A_276 = arith.constant 0 : i32
      %dma_wait3A_277 = tpu.memref_slice %arg8[%select_n3A_267, %dma_wait3A_276] : memref<8x128xi32, #tpu.memory_space<vmem>> -> memref<1x128xi32, #tpu.memory_space<vmem>>
      %dma_wait3A_278 = tpu.memref_squeeze %dma_wait3A_277 : memref<1x128xi32, #tpu.memory_space<vmem>> -> memref<128xi32, #tpu.memory_space<vmem>>
      %dma_wait3A_279 = arith.constant 0 : i32
      %dma_wait3A_280 = tpu.memref_slice %arg3[%add3A_268, %dma_wait3A_279] : memref<2560x128xi32, #tpu.memory_space<hbm>> -> memref<1x128xi32, #tpu.memory_space<hbm>>
      %dma_wait3A_281 = tpu.memref_squeeze %dma_wait3A_280 : memref<1x128xi32, #tpu.memory_space<hbm>> -> memref<128xi32, #tpu.memory_space<hbm>>
      tpu.wait_dma2 semaphore(%arg12 : memref<!tpu.dma_semaphore, #tpu.memory_space<semaphore_mem>>) src(%dma_wait3A_281 : memref<128xi32, #tpu.memory_space<hbm>>) dst(%dma_wait3A_278 : memref<128xi32, #tpu.memory_space<vmem>>)
      %dma_wait3A_282 = arith.constant 0 : i32
      %dma_wait3A_283 = tpu.memref_slice %arg9[%select_n3A_267, %dma_wait3A_282] : memref<8x128xi32, #tpu.memory_space<vmem>> -> memref<1x128xi32, #tpu.memory_space<vmem>>
      %dma_wait3A_284 = tpu.memref_squeeze %dma_wait3A_283 : memref<1x128xi32, #tpu.memory_space<vmem>> -> memref<128xi32, #tpu.memory_space<vmem>>
      %dma_wait3A_285 = arith.constant 0 : i32
      %dma_wait3A_286 = tpu.memref_slice %arg4[%add3A_269, %dma_wait3A_285] : memref<2560x128xi32, #tpu.memory_space<hbm>> -> memref<1x128xi32, #tpu.memory_space<hbm>>
      %dma_wait3A_287 = tpu.memref_squeeze %dma_wait3A_286 : memref<1x128xi32, #tpu.memory_space<hbm>> -> memref<128xi32, #tpu.memory_space<hbm>>
      %dma_wait3A_288 = arith.constant 0 : i32
      %dma_wait3A_289 = tpu.memref_slice %arg9[%select_n3A_267, %dma_wait3A_288] : memref<8x128xi32, #tpu.memory_space<vmem>> -> memref<1x128xi32, #tpu.memory_space<vmem>>
      %dma_wait3A_290 = tpu.memref_squeeze %dma_wait3A_289 : memref<1x128xi32, #tpu.memory_space<vmem>> -> memref<128xi32, #tpu.memory_space<vmem>>
      %dma_wait3A_291 = arith.constant 0 : i32
      %dma_wait3A_292 = tpu.memref_slice %arg4[%add3A_269, %dma_wait3A_291] : memref<2560x128xi32, #tpu.memory_space<hbm>> -> memref<1x128xi32, #tpu.memory_space<hbm>>
      %dma_wait3A_293 = tpu.memref_squeeze %dma_wait3A_292 : memref<1x128xi32, #tpu.memory_space<hbm>> -> memref<128xi32, #tpu.memory_space<hbm>>
      tpu.wait_dma2 semaphore(%arg12 : memref<!tpu.dma_semaphore, #tpu.memory_space<semaphore_mem>>) src(%dma_wait3A_293 : memref<128xi32, #tpu.memory_space<hbm>>) dst(%dma_wait3A_290 : memref<128xi32, #tpu.memory_space<vmem>>)
      %jit3A_294 = arith.constant 8 : i32
      %eq3A_295 = arith.constant 0 : i32
      %eq3A_296 = arith.cmpi eq, %jit3A_294, %eq3A_295 : i32
      %jit3A_297 = arith.constant 1 : i32
      %select_n3A_298 = arith.select %eq3A_296, %jit3A_297, %jit3A_294 : i32
      %rem3A_299 = arith.remsi %add3A_251, %select_n3A_298 : i32
      %ne3A_300 = arith.constant 0 : i32
      %ne3A_301 = arith.cmpi ne, %rem3A_299, %ne3A_300 : i32
      %lt3A_302 = arith.constant 0 : i32
      %lt3A_303 = arith.cmpi slt, %rem3A_299, %lt3A_302 : i32
      %lt3A_304 = arith.constant 0 : i32
      %lt3A_305 = arith.cmpi slt, %select_n3A_298, %lt3A_304 : i32
      %ne3A_306 = arith.xori %lt3A_303, %lt3A_305 : i1
      %and3A_307 = arith.andi %ne3A_306, %ne3A_301 : i1
      %add3A_308 = arith.addi %rem3A_299, %select_n3A_298 : i32
      %select_n3A_309 = arith.select %and3A_307, %add3A_308, %rem3A_299 : i32
      %dma_start3A_310 = arith.constant 0 : i32
      %dma_start3A_311 = tpu.memref_slice %arg8[%select_n3A_309, %dma_start3A_310] : memref<8x128xi32, #tpu.memory_space<vmem>> -> memref<1x128xi32, #tpu.memory_space<vmem>>
      %dma_start3A_312 = tpu.memref_squeeze %dma_start3A_311 : memref<1x128xi32, #tpu.memory_space<vmem>> -> memref<128xi32, #tpu.memory_space<vmem>>
      %dma_start3A_313 = arith.constant 0 : i32
      %dma_start3A_314 = arith.constant 0 : i32
      %dma_start3A_315 = tpu.memref_slice %arg2[%dma_start3A_313, %dma_start3A_314] : memref<10240x128xf32, #tpu.memory_space<hbm>> -> memref<10240x128xf32, #tpu.memory_space<hbm>>
      tpu.enqueue_indirect_dma source(%dma_start3A_315 : memref<10240x128xf32, #tpu.memory_space<hbm>>) target(%arg10 : memref<128x128xf32, #tpu.memory_space<vmem>>) offsets(%dma_start3A_312 : memref<128xi32, #tpu.memory_space<vmem>>) semaphore(%arg13 : memref<!tpu.dma_semaphore, #tpu.memory_space<semaphore_mem>>)
      %ge3A_316 = arith.constant 1 : i32
      %ge3A_317 = arith.cmpi sge, %add3A_251, %ge3A_316 : i32
      %convert_element_type3A_318 = arith.extui %ge3A_317 : i1 to i32
      %cond3A_319 = arith.constant 0 : i32
      %cond3A_320 = arith.cmpi ne, %convert_element_type3A_318, %cond3A_319 : i32
      scf.if %cond3A_320 {
        %sub3A = arith.constant 1 : i32
        %sub3A_405 = arith.subi %add3A_251, %sub3A : i32
        %jit3A_406 = arith.constant 8 : i32
        %eq3A_407 = arith.constant 0 : i32
        %eq3A_408 = arith.cmpi eq, %jit3A_406, %eq3A_407 : i32
        %jit3A_409 = arith.constant 1 : i32
        %select_n3A_410 = arith.select %eq3A_408, %jit3A_409, %jit3A_406 : i32
        %rem3A_411 = arith.remsi %sub3A_405, %select_n3A_410 : i32
        %ne3A_412 = arith.constant 0 : i32
        %ne3A_413 = arith.cmpi ne, %rem3A_411, %ne3A_412 : i32
        %lt3A_414 = arith.constant 0 : i32
        %lt3A_415 = arith.cmpi slt, %rem3A_411, %lt3A_414 : i32
        %lt3A_416 = arith.constant 0 : i32
        %lt3A_417 = arith.cmpi slt, %select_n3A_410, %lt3A_416 : i32
        %ne3A_418 = arith.xori %lt3A_415, %lt3A_417 : i1
        %and3A_419 = arith.andi %ne3A_418, %ne3A_413 : i1
        %add3A_420 = arith.addi %rem3A_411, %select_n3A_410 : i32
        %select_n3A_421 = arith.select %and3A_419, %add3A_420, %rem3A_411 : i32
        %dma_wait3A_422 = arith.constant 0 : i32
        %dma_wait3A_423 = tpu.memref_slice %arg8[%select_n3A_421, %dma_wait3A_422] : memref<8x128xi32, #tpu.memory_space<vmem>> -> memref<1x128xi32, #tpu.memory_space<vmem>>
        %dma_wait3A_424 = tpu.memref_squeeze %dma_wait3A_423 : memref<1x128xi32, #tpu.memory_space<vmem>> -> memref<128xi32, #tpu.memory_space<vmem>>
        %dma_wait3A_425 = arith.constant 0 : i32
        %dma_wait3A_426 = arith.constant 0 : i32
        %dma_wait3A_427 = tpu.memref_slice %arg2[%dma_wait3A_425, %dma_wait3A_426] : memref<10240x128xf32, #tpu.memory_space<hbm>> -> memref<10240x128xf32, #tpu.memory_space<hbm>>
        tpu.wait_indirect_dma semaphore(%arg14 : memref<!tpu.dma_semaphore, #tpu.memory_space<semaphore_mem>>) src(%dma_wait3A_427 : memref<10240x128xf32, #tpu.memory_space<hbm>>) dst(%arg11 : memref<128x128xf32, #tpu.memory_space<vmem>>)
        %sub3A_428 = arith.constant 1 : i32
        %sub3A_429 = arith.subi %add3A_251, %sub3A_428 : i32
        %jit3A_430 = arith.constant 8 : i32
        %eq3A_431 = arith.constant 0 : i32
        %eq3A_432 = arith.cmpi eq, %jit3A_430, %eq3A_431 : i32
        %jit3A_433 = arith.constant 1 : i32
        %select_n3A_434 = arith.select %eq3A_432, %jit3A_433, %jit3A_430 : i32
        %rem3A_435 = arith.remsi %sub3A_429, %select_n3A_434 : i32
        %ne3A_436 = arith.constant 0 : i32
        %ne3A_437 = arith.cmpi ne, %rem3A_435, %ne3A_436 : i32
        %lt3A_438 = arith.constant 0 : i32
        %lt3A_439 = arith.cmpi slt, %rem3A_435, %lt3A_438 : i32
        %lt3A_440 = arith.constant 0 : i32
        %lt3A_441 = arith.cmpi slt, %select_n3A_434, %lt3A_440 : i32
        %ne3A_442 = arith.xori %lt3A_439, %lt3A_441 : i1
        %and3A_443 = arith.andi %ne3A_442, %ne3A_437 : i1
        %add3A_444 = arith.addi %rem3A_435, %select_n3A_434 : i32
        %select_n3A_445 = arith.select %and3A_443, %add3A_444, %rem3A_435 : i32
        %dma_start3A_446 = arith.constant 0 : i32
        %dma_start3A_447 = tpu.memref_slice %arg9[%select_n3A_445, %dma_start3A_446] : memref<8x128xi32, #tpu.memory_space<vmem>> -> memref<1x128xi32, #tpu.memory_space<vmem>>
        %dma_start3A_448 = tpu.memref_squeeze %dma_start3A_447 : memref<1x128xi32, #tpu.memory_space<vmem>> -> memref<128xi32, #tpu.memory_space<vmem>>
        %dma_start3A_449 = arith.constant 0 : i32
        %dma_start3A_450 = arith.constant 0 : i32
        %dma_start3A_451 = tpu.memref_slice %arg7[%dma_start3A_449, %dma_start3A_450] : memref<10240x128xf32, #tpu.memory_space<vmem_shared>> -> memref<10240x128xf32, #tpu.memory_space<vmem_shared>>
        tpu.enqueue_indirect_dma source(%arg11 : memref<128x128xf32, #tpu.memory_space<vmem>>) target(%dma_start3A_451 : memref<10240x128xf32, #tpu.memory_space<vmem_shared>>) offsets(%dma_start3A_448 : memref<128xi32, #tpu.memory_space<vmem>>) semaphore(%arg16 : memref<!tpu.dma_semaphore, #tpu.memory_space<semaphore_mem>>) {add = true}
      } else {
      }
      %mul3A_321 = arith.constant 2 : i32
      %mul3A_322 = arith.muli %scan3A_246, %mul3A_321 : i32
      %add3A_323 = arith.constant 1 : i32
      %add3A_324 = arith.addi %mul3A_322, %add3A_323 : i32
      %lt3A_325 = arith.constant 79 : i32
      %lt3A_326 = arith.cmpi slt, %add3A_324, %lt3A_325 : i32
      %convert_element_type3A_327 = arith.extui %lt3A_326 : i1 to i32
      %cond3A_328 = arith.constant 0 : i32
      %cond3A_329 = arith.cmpi ne, %convert_element_type3A_327, %cond3A_328 : i32
      scf.if %cond3A_329 {
        %add3A_405 = arith.constant 1 : i32
        %add3A_406 = arith.addi %add3A_324, %add3A_405 : i32
        %add3A_407 = arith.constant 1 : i32
        %add3A_408 = arith.addi %add3A_324, %add3A_407 : i32
        %jit3A_409 = arith.constant 8 : i32
        %eq3A_410 = arith.constant 0 : i32
        %eq3A_411 = arith.cmpi eq, %jit3A_409, %eq3A_410 : i32
        %jit3A_412 = arith.constant 1 : i32
        %select_n3A_413 = arith.select %eq3A_411, %jit3A_412, %jit3A_409 : i32
        %rem3A_414 = arith.remsi %add3A_408, %select_n3A_413 : i32
        %ne3A_415 = arith.constant 0 : i32
        %ne3A_416 = arith.cmpi ne, %rem3A_414, %ne3A_415 : i32
        %lt3A_417 = arith.constant 0 : i32
        %lt3A_418 = arith.cmpi slt, %rem3A_414, %lt3A_417 : i32
        %lt3A_419 = arith.constant 0 : i32
        %lt3A_420 = arith.cmpi slt, %select_n3A_413, %lt3A_419 : i32
        %ne3A_421 = arith.xori %lt3A_418, %lt3A_420 : i1
        %and3A_422 = arith.andi %ne3A_421, %ne3A_416 : i1
        %add3A_423 = arith.addi %rem3A_414, %select_n3A_413 : i32
        %select_n3A_424 = arith.select %and3A_422, %add3A_423, %rem3A_414 : i32
        %add3A_425 = arith.addi %mul3A_2, %add3A_406 : i32
        %add3A_426 = arith.addi %mul3A_2, %add3A_406 : i32
        %dma_start3A_427 = arith.constant 0 : i32
        %dma_start3A_428 = tpu.memref_slice %arg8[%select_n3A_424, %dma_start3A_427] : memref<8x128xi32, #tpu.memory_space<vmem>> -> memref<1x128xi32, #tpu.memory_space<vmem>>
        %dma_start3A_429 = tpu.memref_squeeze %dma_start3A_428 : memref<1x128xi32, #tpu.memory_space<vmem>> -> memref<128xi32, #tpu.memory_space<vmem>>
        %dma_start3A_430 = arith.constant 0 : i32
        %dma_start3A_431 = tpu.memref_slice %arg3[%add3A_425, %dma_start3A_430] : memref<2560x128xi32, #tpu.memory_space<hbm>> -> memref<1x128xi32, #tpu.memory_space<hbm>>
        %dma_start3A_432 = tpu.memref_squeeze %dma_start3A_431 : memref<1x128xi32, #tpu.memory_space<hbm>> -> memref<128xi32, #tpu.memory_space<hbm>>
        %dma_start3A_433 = arith.constant 0 : i32
        %dma_start3A_434 = tpu.memref_slice %arg8[%select_n3A_424, %dma_start3A_433] : memref<8x128xi32, #tpu.memory_space<vmem>> -> memref<1x128xi32, #tpu.memory_space<vmem>>
        %dma_start3A_435 = tpu.memref_squeeze %dma_start3A_434 : memref<1x128xi32, #tpu.memory_space<vmem>> -> memref<128xi32, #tpu.memory_space<vmem>>
        %dma_start3A_436 = arith.constant 0 : i32
        %dma_start3A_437 = tpu.memref_slice %arg3[%add3A_425, %dma_start3A_436] : memref<2560x128xi32, #tpu.memory_space<hbm>> -> memref<1x128xi32, #tpu.memory_space<hbm>>
        %dma_start3A_438 = tpu.memref_squeeze %dma_start3A_437 : memref<1x128xi32, #tpu.memory_space<hbm>> -> memref<128xi32, #tpu.memory_space<hbm>>
        tpu.enqueue_dma source(%dma_start3A_438 : memref<128xi32, #tpu.memory_space<hbm>>) target(%dma_start3A_435 : memref<128xi32, #tpu.memory_space<vmem>>) target_semaphore(%arg12 : memref<!tpu.dma_semaphore, #tpu.memory_space<semaphore_mem>>)
        %dma_start3A_439 = arith.constant 0 : i32
        %dma_start3A_440 = tpu.memref_slice %arg9[%select_n3A_424, %dma_start3A_439] : memref<8x128xi32, #tpu.memory_space<vmem>> -> memref<1x128xi32, #tpu.memory_space<vmem>>
        %dma_start3A_441 = tpu.memref_squeeze %dma_start3A_440 : memref<1x128xi32, #tpu.memory_space<vmem>> -> memref<128xi32, #tpu.memory_space<vmem>>
        %dma_start3A_442 = arith.constant 0 : i32
        %dma_start3A_443 = tpu.memref_slice %arg4[%add3A_426, %dma_start3A_442] : memref<2560x128xi32, #tpu.memory_space<hbm>> -> memref<1x128xi32, #tpu.memory_space<hbm>>
        %dma_start3A_444 = tpu.memref_squeeze %dma_start3A_443 : memref<1x128xi32, #tpu.memory_space<hbm>> -> memref<128xi32, #tpu.memory_space<hbm>>
        %dma_start3A_445 = arith.constant 0 : i32
        %dma_start3A_446 = tpu.memref_slice %arg9[%select_n3A_424, %dma_start3A_445] : memref<8x128xi32, #tpu.memory_space<vmem>> -> memref<1x128xi32, #tpu.memory_space<vmem>>
        %dma_start3A_447 = tpu.memref_squeeze %dma_start3A_446 : memref<1x128xi32, #tpu.memory_space<vmem>> -> memref<128xi32, #tpu.memory_space<vmem>>
        %dma_start3A_448 = arith.constant 0 : i32
        %dma_start3A_449 = tpu.memref_slice %arg4[%add3A_426, %dma_start3A_448] : memref<2560x128xi32, #tpu.memory_space<hbm>> -> memref<1x128xi32, #tpu.memory_space<hbm>>
        %dma_start3A_450 = tpu.memref_squeeze %dma_start3A_449 : memref<1x128xi32, #tpu.memory_space<hbm>> -> memref<128xi32, #tpu.memory_space<hbm>>
        tpu.enqueue_dma source(%dma_start3A_450 : memref<128xi32, #tpu.memory_space<hbm>>) target(%dma_start3A_447 : memref<128xi32, #tpu.memory_space<vmem>>) target_semaphore(%arg12 : memref<!tpu.dma_semaphore, #tpu.memory_space<semaphore_mem>>)
      } else {
      }
      %ge3A_330 = arith.constant 2 : i32
      %ge3A_331 = arith.cmpi sge, %add3A_324, %ge3A_330 : i32
      %convert_element_type3A_332 = arith.extui %ge3A_331 : i1 to i32
      %cond3A_333 = arith.constant 0 : i32
      %cond3A_334 = arith.cmpi ne, %convert_element_type3A_332, %cond3A_333 : i32
      scf.if %cond3A_334 {
        %sub3A = arith.constant 2 : i32
        %sub3A_405 = arith.subi %add3A_324, %sub3A : i32
        %jit3A_406 = arith.constant 8 : i32
        %eq3A_407 = arith.constant 0 : i32
        %eq3A_408 = arith.cmpi eq, %jit3A_406, %eq3A_407 : i32
        %jit3A_409 = arith.constant 1 : i32
        %select_n3A_410 = arith.select %eq3A_408, %jit3A_409, %jit3A_406 : i32
        %rem3A_411 = arith.remsi %sub3A_405, %select_n3A_410 : i32
        %ne3A_412 = arith.constant 0 : i32
        %ne3A_413 = arith.cmpi ne, %rem3A_411, %ne3A_412 : i32
        %lt3A_414 = arith.constant 0 : i32
        %lt3A_415 = arith.cmpi slt, %rem3A_411, %lt3A_414 : i32
        %lt3A_416 = arith.constant 0 : i32
        %lt3A_417 = arith.cmpi slt, %select_n3A_410, %lt3A_416 : i32
        %ne3A_418 = arith.xori %lt3A_415, %lt3A_417 : i1
        %and3A_419 = arith.andi %ne3A_418, %ne3A_413 : i1
        %add3A_420 = arith.addi %rem3A_411, %select_n3A_410 : i32
        %select_n3A_421 = arith.select %and3A_419, %add3A_420, %rem3A_411 : i32
        %dma_wait3A_422 = arith.constant 0 : i32
        %dma_wait3A_423 = tpu.memref_slice %arg9[%select_n3A_421, %dma_wait3A_422] : memref<8x128xi32, #tpu.memory_space<vmem>> -> memref<1x128xi32, #tpu.memory_space<vmem>>
        %dma_wait3A_424 = tpu.memref_squeeze %dma_wait3A_423 : memref<1x128xi32, #tpu.memory_space<vmem>> -> memref<128xi32, #tpu.memory_space<vmem>>
        %dma_wait3A_425 = arith.constant 0 : i32
        %dma_wait3A_426 = arith.constant 0 : i32
        %dma_wait3A_427 = tpu.memref_slice %arg7[%dma_wait3A_425, %dma_wait3A_426] : memref<10240x128xf32, #tpu.memory_space<vmem_shared>> -> memref<10240x128xf32, #tpu.memory_space<vmem_shared>>
        tpu.wait_indirect_dma semaphore(%arg16 : memref<!tpu.dma_semaphore, #tpu.memory_space<semaphore_mem>>) src(%arg11 : memref<128x128xf32, #tpu.memory_space<vmem>>) dst(%dma_wait3A_427 : memref<10240x128xf32, #tpu.memory_space<vmem_shared>>)
      } else {
      }
      %jit3A_335 = arith.constant 8 : i32
      %eq3A_336 = arith.constant 0 : i32
      %eq3A_337 = arith.cmpi eq, %jit3A_335, %eq3A_336 : i32
      %jit3A_338 = arith.constant 1 : i32
      %select_n3A_339 = arith.select %eq3A_337, %jit3A_338, %jit3A_335 : i32
      %rem3A_340 = arith.remsi %add3A_324, %select_n3A_339 : i32
      %ne3A_341 = arith.constant 0 : i32
      %ne3A_342 = arith.cmpi ne, %rem3A_340, %ne3A_341 : i32
      %lt3A_343 = arith.constant 0 : i32
      %lt3A_344 = arith.cmpi slt, %rem3A_340, %lt3A_343 : i32
      %lt3A_345 = arith.constant 0 : i32
      %lt3A_346 = arith.cmpi slt, %select_n3A_339, %lt3A_345 : i32
      %ne3A_347 = arith.xori %lt3A_344, %lt3A_346 : i1
      %and3A_348 = arith.andi %ne3A_347, %ne3A_342 : i1
      %add3A_349 = arith.addi %rem3A_340, %select_n3A_339 : i32
      %select_n3A_350 = arith.select %and3A_348, %add3A_349, %rem3A_340 : i32
      %add3A_351 = arith.addi %mul3A_2, %add3A_324 : i32
      %add3A_352 = arith.addi %mul3A_2, %add3A_324 : i32
      %dma_wait3A_353 = arith.constant 0 : i32
      %dma_wait3A_354 = tpu.memref_slice %arg8[%select_n3A_350, %dma_wait3A_353] : memref<8x128xi32, #tpu.memory_space<vmem>> -> memref<1x128xi32, #tpu.memory_space<vmem>>
      %dma_wait3A_355 = tpu.memref_squeeze %dma_wait3A_354 : memref<1x128xi32, #tpu.memory_space<vmem>> -> memref<128xi32, #tpu.memory_space<vmem>>
      %dma_wait3A_356 = arith.constant 0 : i32
      %dma_wait3A_357 = tpu.memref_slice %arg3[%add3A_351, %dma_wait3A_356] : memref<2560x128xi32, #tpu.memory_space<hbm>> -> memref<1x128xi32, #tpu.memory_space<hbm>>
      %dma_wait3A_358 = tpu.memref_squeeze %dma_wait3A_357 : memref<1x128xi32, #tpu.memory_space<hbm>> -> memref<128xi32, #tpu.memory_space<hbm>>
      %dma_wait3A_359 = arith.constant 0 : i32
      %dma_wait3A_360 = tpu.memref_slice %arg8[%select_n3A_350, %dma_wait3A_359] : memref<8x128xi32, #tpu.memory_space<vmem>> -> memref<1x128xi32, #tpu.memory_space<vmem>>
      %dma_wait3A_361 = tpu.memref_squeeze %dma_wait3A_360 : memref<1x128xi32, #tpu.memory_space<vmem>> -> memref<128xi32, #tpu.memory_space<vmem>>
      %dma_wait3A_362 = arith.constant 0 : i32
      %dma_wait3A_363 = tpu.memref_slice %arg3[%add3A_351, %dma_wait3A_362] : memref<2560x128xi32, #tpu.memory_space<hbm>> -> memref<1x128xi32, #tpu.memory_space<hbm>>
      %dma_wait3A_364 = tpu.memref_squeeze %dma_wait3A_363 : memref<1x128xi32, #tpu.memory_space<hbm>> -> memref<128xi32, #tpu.memory_space<hbm>>
      tpu.wait_dma2 semaphore(%arg12 : memref<!tpu.dma_semaphore, #tpu.memory_space<semaphore_mem>>) src(%dma_wait3A_364 : memref<128xi32, #tpu.memory_space<hbm>>) dst(%dma_wait3A_361 : memref<128xi32, #tpu.memory_space<vmem>>)
      %dma_wait3A_365 = arith.constant 0 : i32
      %dma_wait3A_366 = tpu.memref_slice %arg9[%select_n3A_350, %dma_wait3A_365] : memref<8x128xi32, #tpu.memory_space<vmem>> -> memref<1x128xi32, #tpu.memory_space<vmem>>
      %dma_wait3A_367 = tpu.memref_squeeze %dma_wait3A_366 : memref<1x128xi32, #tpu.memory_space<vmem>> -> memref<128xi32, #tpu.memory_space<vmem>>
      %dma_wait3A_368 = arith.constant 0 : i32
      %dma_wait3A_369 = tpu.memref_slice %arg4[%add3A_352, %dma_wait3A_368] : memref<2560x128xi32, #tpu.memory_space<hbm>> -> memref<1x128xi32, #tpu.memory_space<hbm>>
      %dma_wait3A_370 = tpu.memref_squeeze %dma_wait3A_369 : memref<1x128xi32, #tpu.memory_space<hbm>> -> memref<128xi32, #tpu.memory_space<hbm>>
      %dma_wait3A_371 = arith.constant 0 : i32
      %dma_wait3A_372 = tpu.memref_slice %arg9[%select_n3A_350, %dma_wait3A_371] : memref<8x128xi32, #tpu.memory_space<vmem>> -> memref<1x128xi32, #tpu.memory_space<vmem>>
      %dma_wait3A_373 = tpu.memref_squeeze %dma_wait3A_372 : memref<1x128xi32, #tpu.memory_space<vmem>> -> memref<128xi32, #tpu.memory_space<vmem>>
      %dma_wait3A_374 = arith.constant 0 : i32
      %dma_wait3A_375 = tpu.memref_slice %arg4[%add3A_352, %dma_wait3A_374] : memref<2560x128xi32, #tpu.memory_space<hbm>> -> memref<1x128xi32, #tpu.memory_space<hbm>>
      %dma_wait3A_376 = tpu.memref_squeeze %dma_wait3A_375 : memref<1x128xi32, #tpu.memory_space<hbm>> -> memref<128xi32, #tpu.memory_space<hbm>>
      tpu.wait_dma2 semaphore(%arg12 : memref<!tpu.dma_semaphore, #tpu.memory_space<semaphore_mem>>) src(%dma_wait3A_376 : memref<128xi32, #tpu.memory_space<hbm>>) dst(%dma_wait3A_373 : memref<128xi32, #tpu.memory_space<vmem>>)
      %jit3A_377 = arith.constant 8 : i32
      %eq3A_378 = arith.constant 0 : i32
      %eq3A_379 = arith.cmpi eq, %jit3A_377, %eq3A_378 : i32
      %jit3A_380 = arith.constant 1 : i32
      %select_n3A_381 = arith.select %eq3A_379, %jit3A_380, %jit3A_377 : i32
      %rem3A_382 = arith.remsi %add3A_324, %select_n3A_381 : i32
      %ne3A_383 = arith.constant 0 : i32
      %ne3A_384 = arith.cmpi ne, %rem3A_382, %ne3A_383 : i32
      %lt3A_385 = arith.constant 0 : i32
      %lt3A_386 = arith.cmpi slt, %rem3A_382, %lt3A_385 : i32
      %lt3A_387 = arith.constant 0 : i32
      %lt3A_388 = arith.cmpi slt, %select_n3A_381, %lt3A_387 : i32
      %ne3A_389 = arith.xori %lt3A_386, %lt3A_388 : i1
      %and3A_390 = arith.andi %ne3A_389, %ne3A_384 : i1
      %add3A_391 = arith.addi %rem3A_382, %select_n3A_381 : i32
      %select_n3A_392 = arith.select %and3A_390, %add3A_391, %rem3A_382 : i32
      %dma_start3A_393 = arith.constant 0 : i32
      %dma_start3A_394 = tpu.memref_slice %arg8[%select_n3A_392, %dma_start3A_393] : memref<8x128xi32, #tpu.memory_space<vmem>> -> memref<1x128xi32, #tpu.memory_space<vmem>>
      %dma_start3A_395 = tpu.memref_squeeze %dma_start3A_394 : memref<1x128xi32, #tpu.memory_space<vmem>> -> memref<128xi32, #tpu.memory_space<vmem>>
      %dma_start3A_396 = arith.constant 0 : i32
      %dma_start3A_397 = arith.constant 0 : i32
      %dma_start3A_398 = tpu.memref_slice %arg2[%dma_start3A_396, %dma_start3A_397] : memref<10240x128xf32, #tpu.memory_space<hbm>> -> memref<10240x128xf32, #tpu.memory_space<hbm>>
      tpu.enqueue_indirect_dma source(%dma_start3A_398 : memref<10240x128xf32, #tpu.memory_space<hbm>>) target(%arg11 : memref<128x128xf32, #tpu.memory_space<vmem>>) offsets(%dma_start3A_395 : memref<128xi32, #tpu.memory_space<vmem>>) semaphore(%arg14 : memref<!tpu.dma_semaphore, #tpu.memory_space<semaphore_mem>>)
      %ge3A_399 = arith.constant 1 : i32
      %ge3A_400 = arith.cmpi sge, %add3A_324, %ge3A_399 : i32
      %convert_element_type3A_401 = arith.extui %ge3A_400 : i1 to i32
      %cond3A_402 = arith.constant 0 : i32
      %cond3A_403 = arith.cmpi ne, %convert_element_type3A_401, %cond3A_402 : i32
      scf.if %cond3A_403 {
        %sub3A = arith.constant 1 : i32
        %sub3A_405 = arith.subi %add3A_324, %sub3A : i32
        %jit3A_406 = arith.constant 8 : i32
        %eq3A_407 = arith.constant 0 : i32
        %eq3A_408 = arith.cmpi eq, %jit3A_406, %eq3A_407 : i32
        %jit3A_409 = arith.constant 1 : i32
        %select_n3A_410 = arith.select %eq3A_408, %jit3A_409, %jit3A_406 : i32
        %rem3A_411 = arith.remsi %sub3A_405, %select_n3A_410 : i32
        %ne3A_412 = arith.constant 0 : i32
        %ne3A_413 = arith.cmpi ne, %rem3A_411, %ne3A_412 : i32
        %lt3A_414 = arith.constant 0 : i32
        %lt3A_415 = arith.cmpi slt, %rem3A_411, %lt3A_414 : i32
        %lt3A_416 = arith.constant 0 : i32
        %lt3A_417 = arith.cmpi slt, %select_n3A_410, %lt3A_416 : i32
        %ne3A_418 = arith.xori %lt3A_415, %lt3A_417 : i1
        %and3A_419 = arith.andi %ne3A_418, %ne3A_413 : i1
        %add3A_420 = arith.addi %rem3A_411, %select_n3A_410 : i32
        %select_n3A_421 = arith.select %and3A_419, %add3A_420, %rem3A_411 : i32
        %dma_wait3A_422 = arith.constant 0 : i32
        %dma_wait3A_423 = tpu.memref_slice %arg8[%select_n3A_421, %dma_wait3A_422] : memref<8x128xi32, #tpu.memory_space<vmem>> -> memref<1x128xi32, #tpu.memory_space<vmem>>
        %dma_wait3A_424 = tpu.memref_squeeze %dma_wait3A_423 : memref<1x128xi32, #tpu.memory_space<vmem>> -> memref<128xi32, #tpu.memory_space<vmem>>
        %dma_wait3A_425 = arith.constant 0 : i32
        %dma_wait3A_426 = arith.constant 0 : i32
        %dma_wait3A_427 = tpu.memref_slice %arg2[%dma_wait3A_425, %dma_wait3A_426] : memref<10240x128xf32, #tpu.memory_space<hbm>> -> memref<10240x128xf32, #tpu.memory_space<hbm>>
        tpu.wait_indirect_dma semaphore(%arg13 : memref<!tpu.dma_semaphore, #tpu.memory_space<semaphore_mem>>) src(%dma_wait3A_427 : memref<10240x128xf32, #tpu.memory_space<hbm>>) dst(%arg10 : memref<128x128xf32, #tpu.memory_space<vmem>>)
        %sub3A_428 = arith.constant 1 : i32
        %sub3A_429 = arith.subi %add3A_324, %sub3A_428 : i32
        %jit3A_430 = arith.constant 8 : i32
        %eq3A_431 = arith.constant 0 : i32
        %eq3A_432 = arith.cmpi eq, %jit3A_430, %eq3A_431 : i32
        %jit3A_433 = arith.constant 1 : i32
        %select_n3A_434 = arith.select %eq3A_432, %jit3A_433, %jit3A_430 : i32
        %rem3A_435 = arith.remsi %sub3A_429, %select_n3A_434 : i32
        %ne3A_436 = arith.constant 0 : i32
        %ne3A_437 = arith.cmpi ne, %rem3A_435, %ne3A_436 : i32
        %lt3A_438 = arith.constant 0 : i32
        %lt3A_439 = arith.cmpi slt, %rem3A_435, %lt3A_438 : i32
        %lt3A_440 = arith.constant 0 : i32
        %lt3A_441 = arith.cmpi slt, %select_n3A_434, %lt3A_440 : i32
        %ne3A_442 = arith.xori %lt3A_439, %lt3A_441 : i1
        %and3A_443 = arith.andi %ne3A_442, %ne3A_437 : i1
        %add3A_444 = arith.addi %rem3A_435, %select_n3A_434 : i32
        %select_n3A_445 = arith.select %and3A_443, %add3A_444, %rem3A_435 : i32
        %dma_start3A_446 = arith.constant 0 : i32
        %dma_start3A_447 = tpu.memref_slice %arg9[%select_n3A_445, %dma_start3A_446] : memref<8x128xi32, #tpu.memory_space<vmem>> -> memref<1x128xi32, #tpu.memory_space<vmem>>
        %dma_start3A_448 = tpu.memref_squeeze %dma_start3A_447 : memref<1x128xi32, #tpu.memory_space<vmem>> -> memref<128xi32, #tpu.memory_space<vmem>>
        %dma_start3A_449 = arith.constant 0 : i32
        %dma_start3A_450 = arith.constant 0 : i32
        %dma_start3A_451 = tpu.memref_slice %arg7[%dma_start3A_449, %dma_start3A_450] : memref<10240x128xf32, #tpu.memory_space<vmem_shared>> -> memref<10240x128xf32, #tpu.memory_space<vmem_shared>>
        tpu.enqueue_indirect_dma source(%arg10 : memref<128x128xf32, #tpu.memory_space<vmem>>) target(%dma_start3A_451 : memref<10240x128xf32, #tpu.memory_space<vmem_shared>>) offsets(%dma_start3A_448 : memref<128xi32, #tpu.memory_space<vmem>>) semaphore(%arg15 : memref<!tpu.dma_semaphore, #tpu.memory_space<semaphore_mem>>) {add = true}
      } else {
      }
      %scan3A_404 = arith.constant 0 : i32
      scf.yield %scan3A_404 : i32
    }
    %scan3A_96 = arith.constant 40 : i32
    %dma_wait3A_97 = arith.constant 7 : i32
    %dma_wait3A_98 = arith.constant 0 : i32
    %dma_wait3A_99 = tpu.memref_slice %arg8[%dma_wait3A_97, %dma_wait3A_98] : memref<8x128xi32, #tpu.memory_space<vmem>> -> memref<1x128xi32, #tpu.memory_space<vmem>>
    %dma_wait3A_100 = tpu.memref_squeeze %dma_wait3A_99 : memref<1x128xi32, #tpu.memory_space<vmem>> -> memref<128xi32, #tpu.memory_space<vmem>>
    %dma_wait3A_101 = arith.constant 0 : i32
    %dma_wait3A_102 = arith.constant 0 : i32
    %dma_wait3A_103 = tpu.memref_slice %arg2[%dma_wait3A_101, %dma_wait3A_102] : memref<10240x128xf32, #tpu.memory_space<hbm>> -> memref<10240x128xf32, #tpu.memory_space<hbm>>
    tpu.wait_indirect_dma semaphore(%arg14 : memref<!tpu.dma_semaphore, #tpu.memory_space<semaphore_mem>>) src(%dma_wait3A_103 : memref<10240x128xf32, #tpu.memory_space<hbm>>) dst(%arg11 : memref<128x128xf32, #tpu.memory_space<vmem>>)
    %dma_start3A_104 = arith.constant 7 : i32
    %dma_start3A_105 = arith.constant 0 : i32
    %dma_start3A_106 = tpu.memref_slice %arg9[%dma_start3A_104, %dma_start3A_105] : memref<8x128xi32, #tpu.memory_space<vmem>> -> memref<1x128xi32, #tpu.memory_space<vmem>>
    %dma_start3A_107 = tpu.memref_squeeze %dma_start3A_106 : memref<1x128xi32, #tpu.memory_space<vmem>> -> memref<128xi32, #tpu.memory_space<vmem>>
    %dma_start3A_108 = arith.constant 0 : i32
    %dma_start3A_109 = arith.constant 0 : i32
    %dma_start3A_110 = tpu.memref_slice %arg7[%dma_start3A_108, %dma_start3A_109] : memref<10240x128xf32, #tpu.memory_space<vmem_shared>> -> memref<10240x128xf32, #tpu.memory_space<vmem_shared>>
    tpu.enqueue_indirect_dma source(%arg11 : memref<128x128xf32, #tpu.memory_space<vmem>>) target(%dma_start3A_110 : memref<10240x128xf32, #tpu.memory_space<vmem_shared>>) offsets(%dma_start3A_107 : memref<128xi32, #tpu.memory_space<vmem>>) semaphore(%arg16 : memref<!tpu.dma_semaphore, #tpu.memory_space<semaphore_mem>>) {add = true}
    %dma_wait3A_111 = arith.constant 6 : i32
    %dma_wait3A_112 = arith.constant 0 : i32
    %dma_wait3A_113 = tpu.memref_slice %arg9[%dma_wait3A_111, %dma_wait3A_112] : memref<8x128xi32, #tpu.memory_space<vmem>> -> memref<1x128xi32, #tpu.memory_space<vmem>>
    %dma_wait3A_114 = tpu.memref_squeeze %dma_wait3A_113 : memref<1x128xi32, #tpu.memory_space<vmem>> -> memref<128xi32, #tpu.memory_space<vmem>>
    %dma_wait3A_115 = arith.constant 0 : i32
    %dma_wait3A_116 = arith.constant 0 : i32
    %dma_wait3A_117 = tpu.memref_slice %arg7[%dma_wait3A_115, %dma_wait3A_116] : memref<10240x128xf32, #tpu.memory_space<vmem_shared>> -> memref<10240x128xf32, #tpu.memory_space<vmem_shared>>
    tpu.wait_indirect_dma semaphore(%arg15 : memref<!tpu.dma_semaphore, #tpu.memory_space<semaphore_mem>>) src(%arg10 : memref<128x128xf32, #tpu.memory_space<vmem>>) dst(%dma_wait3A_117 : memref<10240x128xf32, #tpu.memory_space<vmem_shared>>)
    %dma_wait3A_118 = arith.constant 7 : i32
    %dma_wait3A_119 = arith.constant 0 : i32
    %dma_wait3A_120 = tpu.memref_slice %arg9[%dma_wait3A_118, %dma_wait3A_119] : memref<8x128xi32, #tpu.memory_space<vmem>> -> memref<1x128xi32, #tpu.memory_space<vmem>>
    %dma_wait3A_121 = tpu.memref_squeeze %dma_wait3A_120 : memref<1x128xi32, #tpu.memory_space<vmem>> -> memref<128xi32, #tpu.memory_space<vmem>>
    %dma_wait3A_122 = arith.constant 0 : i32
    %dma_wait3A_123 = arith.constant 0 : i32
    %dma_wait3A_124 = tpu.memref_slice %arg7[%dma_wait3A_122, %dma_wait3A_123] : memref<10240x128xf32, #tpu.memory_space<vmem_shared>> -> memref<10240x128xf32, #tpu.memory_space<vmem_shared>>
    tpu.wait_indirect_dma semaphore(%arg16 : memref<!tpu.dma_semaphore, #tpu.memory_space<semaphore_mem>>) src(%arg11 : memref<128x128xf32, #tpu.memory_space<vmem>>) dst(%dma_wait3A_124 : memref<10240x128xf32, #tpu.memory_space<vmem_shared>>)
    %barrier3A_125 = arith.constant 0 : index
    tpu.barrier barrier_id(%barrier3A_125)
    %mul3A_126 = arith.constant 640 : i32
    %mul3A_127 = arith.muli %arg1, %mul3A_126 : i32
    %add3A_128 = arith.constant 0 : i32
    %add3A_129 = arith.addi %mul3A_127, %add3A_128 : i32
    %dma_start3A_130 = arith.constant 0 : i32
    %dma_start3A_131 = tpu.memref_slice %arg7[%add3A_129, %dma_start3A_130] : memref<10240x128xf32, #tpu.memory_space<vmem_shared>> -> memref<128x128xf32, #tpu.memory_space<vmem_shared>>
    %dma_start3A_132 = arith.constant 0 : i32
    %dma_start3A_133 = tpu.memref_slice %arg7[%add3A_129, %dma_start3A_132] : memref<10240x128xf32, #tpu.memory_space<vmem_shared>> -> memref<128x128xf32, #tpu.memory_space<vmem_shared>>
    tpu.enqueue_dma source(%dma_start3A_133 : memref<128x128xf32, #tpu.memory_space<vmem_shared>>) target(%arg10 : memref<128x128xf32, #tpu.memory_space<vmem>>) target_semaphore(%arg13 : memref<!tpu.dma_semaphore, #tpu.memory_space<semaphore_mem>>)
    %dma_wait3A_134 = arith.constant 0 : i32
    %dma_wait3A_135 = tpu.memref_slice %arg7[%add3A_129, %dma_wait3A_134] : memref<10240x128xf32, #tpu.memory_space<vmem_shared>> -> memref<128x128xf32, #tpu.memory_space<vmem_shared>>
    %dma_wait3A_136 = arith.constant 0 : i32
    %dma_wait3A_137 = tpu.memref_slice %arg7[%add3A_129, %dma_wait3A_136] : memref<10240x128xf32, #tpu.memory_space<vmem_shared>> -> memref<128x128xf32, #tpu.memory_space<vmem_shared>>
    tpu.wait_dma2 semaphore(%arg13 : memref<!tpu.dma_semaphore, #tpu.memory_space<semaphore_mem>>) src(%dma_wait3A_137 : memref<128x128xf32, #tpu.memory_space<vmem_shared>>) dst(%arg10 : memref<128x128xf32, #tpu.memory_space<vmem>>)
    %mul3A_138 = arith.constant 640 : i32
    %mul3A_139 = arith.muli %add3A, %mul3A_138 : i32
    %add3A_140 = arith.constant 0 : i32
    %add3A_141 = arith.addi %mul3A_139, %add3A_140 : i32
    %dma_start3A_142 = arith.constant 0 : i32
    %dma_start3A_143 = tpu.memref_slice %arg6[%add3A_141, %dma_start3A_142] : memref<20480x128xf32, #tpu.memory_space<hbm>> -> memref<128x128xf32, #tpu.memory_space<hbm>>
    %dma_start3A_144 = arith.constant 0 : i32
    %dma_start3A_145 = tpu.memref_slice %arg6[%add3A_141, %dma_start3A_144] : memref<20480x128xf32, #tpu.memory_space<hbm>> -> memref<128x128xf32, #tpu.memory_space<hbm>>
    tpu.enqueue_dma source(%arg10 : memref<128x128xf32, #tpu.memory_space<vmem>>) target(%dma_start3A_145 : memref<128x128xf32, #tpu.memory_space<hbm>>) target_semaphore(%arg15 : memref<!tpu.dma_semaphore, #tpu.memory_space<semaphore_mem>>)
    %mul3A_146 = arith.constant 640 : i32
    %mul3A_147 = arith.muli %arg1, %mul3A_146 : i32
    %add3A_148 = arith.constant 128 : i32
    %add3A_149 = arith.addi %mul3A_147, %add3A_148 : i32
    %dma_start3A_150 = arith.constant 0 : i32
    %dma_start3A_151 = tpu.memref_slice %arg7[%add3A_149, %dma_start3A_150] : memref<10240x128xf32, #tpu.memory_space<vmem_shared>> -> memref<128x128xf32, #tpu.memory_space<vmem_shared>>
    %dma_start3A_152 = arith.constant 0 : i32
    %dma_start3A_153 = tpu.memref_slice %arg7[%add3A_149, %dma_start3A_152] : memref<10240x128xf32, #tpu.memory_space<vmem_shared>> -> memref<128x128xf32, #tpu.memory_space<vmem_shared>>
    tpu.enqueue_dma source(%dma_start3A_153 : memref<128x128xf32, #tpu.memory_space<vmem_shared>>) target(%arg11 : memref<128x128xf32, #tpu.memory_space<vmem>>) target_semaphore(%arg14 : memref<!tpu.dma_semaphore, #tpu.memory_space<semaphore_mem>>)
    %dma_wait3A_154 = arith.constant 0 : i32
    %dma_wait3A_155 = tpu.memref_slice %arg7[%add3A_149, %dma_wait3A_154] : memref<10240x128xf32, #tpu.memory_space<vmem_shared>> -> memref<128x128xf32, #tpu.memory_space<vmem_shared>>
    %dma_wait3A_156 = arith.constant 0 : i32
    %dma_wait3A_157 = tpu.memref_slice %arg7[%add3A_149, %dma_wait3A_156] : memref<10240x128xf32, #tpu.memory_space<vmem_shared>> -> memref<128x128xf32, #tpu.memory_space<vmem_shared>>
    tpu.wait_dma2 semaphore(%arg14 : memref<!tpu.dma_semaphore, #tpu.memory_space<semaphore_mem>>) src(%dma_wait3A_157 : memref<128x128xf32, #tpu.memory_space<vmem_shared>>) dst(%arg11 : memref<128x128xf32, #tpu.memory_space<vmem>>)
    %mul3A_158 = arith.constant 640 : i32
    %mul3A_159 = arith.muli %add3A, %mul3A_158 : i32
    %add3A_160 = arith.constant 128 : i32
    %add3A_161 = arith.addi %mul3A_159, %add3A_160 : i32
    %dma_start3A_162 = arith.constant 0 : i32
    %dma_start3A_163 = tpu.memref_slice %arg6[%add3A_161, %dma_start3A_162] : memref<20480x128xf32, #tpu.memory_space<hbm>> -> memref<128x128xf32, #tpu.memory_space<hbm>>
    %dma_start3A_164 = arith.constant 0 : i32
    %dma_start3A_165 = tpu.memref_slice %arg6[%add3A_161, %dma_start3A_164] : memref<20480x128xf32, #tpu.memory_space<hbm>> -> memref<128x128xf32, #tpu.memory_space<hbm>>
    tpu.enqueue_dma source(%arg11 : memref<128x128xf32, #tpu.memory_space<vmem>>) target(%dma_start3A_165 : memref<128x128xf32, #tpu.memory_space<hbm>>) target_semaphore(%arg16 : memref<!tpu.dma_semaphore, #tpu.memory_space<semaphore_mem>>)
    %dma_wait3A_166 = arith.constant 0 : i32
    %dma_wait3A_167 = tpu.memref_slice %arg6[%add3A_141, %dma_wait3A_166] : memref<20480x128xf32, #tpu.memory_space<hbm>> -> memref<128x128xf32, #tpu.memory_space<hbm>>
    %dma_wait3A_168 = arith.constant 0 : i32
    %dma_wait3A_169 = tpu.memref_slice %arg6[%add3A_141, %dma_wait3A_168] : memref<20480x128xf32, #tpu.memory_space<hbm>> -> memref<128x128xf32, #tpu.memory_space<hbm>>
    tpu.wait_dma2 semaphore(%arg15 : memref<!tpu.dma_semaphore, #tpu.memory_space<semaphore_mem>>) src(%arg10 : memref<128x128xf32, #tpu.memory_space<vmem>>) dst(%dma_wait3A_169 : memref<128x128xf32, #tpu.memory_space<hbm>>)
    %mul3A_170 = arith.constant 640 : i32
    %mul3A_171 = arith.muli %arg1, %mul3A_170 : i32
    %add3A_172 = arith.constant 256 : i32
    %add3A_173 = arith.addi %mul3A_171, %add3A_172 : i32
    %dma_start3A_174 = arith.constant 0 : i32
    %dma_start3A_175 = tpu.memref_slice %arg7[%add3A_173, %dma_start3A_174] : memref<10240x128xf32, #tpu.memory_space<vmem_shared>> -> memref<128x128xf32, #tpu.memory_space<vmem_shared>>
    %dma_start3A_176 = arith.constant 0 : i32
    %dma_start3A_177 = tpu.memref_slice %arg7[%add3A_173, %dma_start3A_176] : memref<10240x128xf32, #tpu.memory_space<vmem_shared>> -> memref<128x128xf32, #tpu.memory_space<vmem_shared>>
    tpu.enqueue_dma source(%dma_start3A_177 : memref<128x128xf32, #tpu.memory_space<vmem_shared>>) target(%arg10 : memref<128x128xf32, #tpu.memory_space<vmem>>) target_semaphore(%arg13 : memref<!tpu.dma_semaphore, #tpu.memory_space<semaphore_mem>>)
    %dma_wait3A_178 = arith.constant 0 : i32
    %dma_wait3A_179 = tpu.memref_slice %arg7[%add3A_173, %dma_wait3A_178] : memref<10240x128xf32, #tpu.memory_space<vmem_shared>> -> memref<128x128xf32, #tpu.memory_space<vmem_shared>>
    %dma_wait3A_180 = arith.constant 0 : i32
    %dma_wait3A_181 = tpu.memref_slice %arg7[%add3A_173, %dma_wait3A_180] : memref<10240x128xf32, #tpu.memory_space<vmem_shared>> -> memref<128x128xf32, #tpu.memory_space<vmem_shared>>
    tpu.wait_dma2 semaphore(%arg13 : memref<!tpu.dma_semaphore, #tpu.memory_space<semaphore_mem>>) src(%dma_wait3A_181 : memref<128x128xf32, #tpu.memory_space<vmem_shared>>) dst(%arg10 : memref<128x128xf32, #tpu.memory_space<vmem>>)
    %mul3A_182 = arith.constant 640 : i32
    %mul3A_183 = arith.muli %add3A, %mul3A_182 : i32
    %add3A_184 = arith.constant 256 : i32
    %add3A_185 = arith.addi %mul3A_183, %add3A_184 : i32
    %dma_start3A_186 = arith.constant 0 : i32
    %dma_start3A_187 = tpu.memref_slice %arg6[%add3A_185, %dma_start3A_186] : memref<20480x128xf32, #tpu.memory_space<hbm>> -> memref<128x128xf32, #tpu.memory_space<hbm>>
    %dma_start3A_188 = arith.constant 0 : i32
    %dma_start3A_189 = tpu.memref_slice %arg6[%add3A_185, %dma_start3A_188] : memref<20480x128xf32, #tpu.memory_space<hbm>> -> memref<128x128xf32, #tpu.memory_space<hbm>>
    tpu.enqueue_dma source(%arg10 : memref<128x128xf32, #tpu.memory_space<vmem>>) target(%dma_start3A_189 : memref<128x128xf32, #tpu.memory_space<hbm>>) target_semaphore(%arg15 : memref<!tpu.dma_semaphore, #tpu.memory_space<semaphore_mem>>)
    %dma_wait3A_190 = arith.constant 0 : i32
    %dma_wait3A_191 = tpu.memref_slice %arg6[%add3A_161, %dma_wait3A_190] : memref<20480x128xf32, #tpu.memory_space<hbm>> -> memref<128x128xf32, #tpu.memory_space<hbm>>
    %dma_wait3A_192 = arith.constant 0 : i32
    %dma_wait3A_193 = tpu.memref_slice %arg6[%add3A_161, %dma_wait3A_192] : memref<20480x128xf32, #tpu.memory_space<hbm>> -> memref<128x128xf32, #tpu.memory_space<hbm>>
    tpu.wait_dma2 semaphore(%arg16 : memref<!tpu.dma_semaphore, #tpu.memory_space<semaphore_mem>>) src(%arg11 : memref<128x128xf32, #tpu.memory_space<vmem>>) dst(%dma_wait3A_193 : memref<128x128xf32, #tpu.memory_space<hbm>>)
    %mul3A_194 = arith.constant 640 : i32
    %mul3A_195 = arith.muli %arg1, %mul3A_194 : i32
    %add3A_196 = arith.constant 384 : i32
    %add3A_197 = arith.addi %mul3A_195, %add3A_196 : i32
    %dma_start3A_198 = arith.constant 0 : i32
    %dma_start3A_199 = tpu.memref_slice %arg7[%add3A_197, %dma_start3A_198] : memref<10240x128xf32, #tpu.memory_space<vmem_shared>> -> memref<128x128xf32, #tpu.memory_space<vmem_shared>>
    %dma_start3A_200 = arith.constant 0 : i32
    %dma_start3A_201 = tpu.memref_slice %arg7[%add3A_197, %dma_start3A_200] : memref<10240x128xf32, #tpu.memory_space<vmem_shared>> -> memref<128x128xf32, #tpu.memory_space<vmem_shared>>
    tpu.enqueue_dma source(%dma_start3A_201 : memref<128x128xf32, #tpu.memory_space<vmem_shared>>) target(%arg11 : memref<128x128xf32, #tpu.memory_space<vmem>>) target_semaphore(%arg14 : memref<!tpu.dma_semaphore, #tpu.memory_space<semaphore_mem>>)
    %dma_wait3A_202 = arith.constant 0 : i32
    %dma_wait3A_203 = tpu.memref_slice %arg7[%add3A_197, %dma_wait3A_202] : memref<10240x128xf32, #tpu.memory_space<vmem_shared>> -> memref<128x128xf32, #tpu.memory_space<vmem_shared>>
    %dma_wait3A_204 = arith.constant 0 : i32
    %dma_wait3A_205 = tpu.memref_slice %arg7[%add3A_197, %dma_wait3A_204] : memref<10240x128xf32, #tpu.memory_space<vmem_shared>> -> memref<128x128xf32, #tpu.memory_space<vmem_shared>>
    tpu.wait_dma2 semaphore(%arg14 : memref<!tpu.dma_semaphore, #tpu.memory_space<semaphore_mem>>) src(%dma_wait3A_205 : memref<128x128xf32, #tpu.memory_space<vmem_shared>>) dst(%arg11 : memref<128x128xf32, #tpu.memory_space<vmem>>)
    %mul3A_206 = arith.constant 640 : i32
    %mul3A_207 = arith.muli %add3A, %mul3A_206 : i32
    %add3A_208 = arith.constant 384 : i32
    %add3A_209 = arith.addi %mul3A_207, %add3A_208 : i32
    %dma_start3A_210 = arith.constant 0 : i32
    %dma_start3A_211 = tpu.memref_slice %arg6[%add3A_209, %dma_start3A_210] : memref<20480x128xf32, #tpu.memory_space<hbm>> -> memref<128x128xf32, #tpu.memory_space<hbm>>
    %dma_start3A_212 = arith.constant 0 : i32
    %dma_start3A_213 = tpu.memref_slice %arg6[%add3A_209, %dma_start3A_212] : memref<20480x128xf32, #tpu.memory_space<hbm>> -> memref<128x128xf32, #tpu.memory_space<hbm>>
    tpu.enqueue_dma source(%arg11 : memref<128x128xf32, #tpu.memory_space<vmem>>) target(%dma_start3A_213 : memref<128x128xf32, #tpu.memory_space<hbm>>) target_semaphore(%arg16 : memref<!tpu.dma_semaphore, #tpu.memory_space<semaphore_mem>>)
    %dma_wait3A_214 = arith.constant 0 : i32
    %dma_wait3A_215 = tpu.memref_slice %arg6[%add3A_185, %dma_wait3A_214] : memref<20480x128xf32, #tpu.memory_space<hbm>> -> memref<128x128xf32, #tpu.memory_space<hbm>>
    %dma_wait3A_216 = arith.constant 0 : i32
    %dma_wait3A_217 = tpu.memref_slice %arg6[%add3A_185, %dma_wait3A_216] : memref<20480x128xf32, #tpu.memory_space<hbm>> -> memref<128x128xf32, #tpu.memory_space<hbm>>
    tpu.wait_dma2 semaphore(%arg15 : memref<!tpu.dma_semaphore, #tpu.memory_space<semaphore_mem>>) src(%arg10 : memref<128x128xf32, #tpu.memory_space<vmem>>) dst(%dma_wait3A_217 : memref<128x128xf32, #tpu.memory_space<hbm>>)
    %mul3A_218 = arith.constant 640 : i32
    %mul3A_219 = arith.muli %arg1, %mul3A_218 : i32
    %add3A_220 = arith.constant 512 : i32
    %add3A_221 = arith.addi %mul3A_219, %add3A_220 : i32
    %dma_start3A_222 = arith.constant 0 : i32
    %dma_start3A_223 = tpu.memref_slice %arg7[%add3A_221, %dma_start3A_222] : memref<10240x128xf32, #tpu.memory_space<vmem_shared>> -> memref<128x128xf32, #tpu.memory_space<vmem_shared>>
    %dma_start3A_224 = arith.constant 0 : i32
    %dma_start3A_225 = tpu.memref_slice %arg7[%add3A_221, %dma_start3A_224] : memref<10240x128xf32, #tpu.memory_space<vmem_shared>> -> memref<128x128xf32, #tpu.memory_space<vmem_shared>>
    tpu.enqueue_dma source(%dma_start3A_225 : memref<128x128xf32, #tpu.memory_space<vmem_shared>>) target(%arg10 : memref<128x128xf32, #tpu.memory_space<vmem>>) target_semaphore(%arg13 : memref<!tpu.dma_semaphore, #tpu.memory_space<semaphore_mem>>)
    %dma_wait3A_226 = arith.constant 0 : i32
    %dma_wait3A_227 = tpu.memref_slice %arg7[%add3A_221, %dma_wait3A_226] : memref<10240x128xf32, #tpu.memory_space<vmem_shared>> -> memref<128x128xf32, #tpu.memory_space<vmem_shared>>
    %dma_wait3A_228 = arith.constant 0 : i32
    %dma_wait3A_229 = tpu.memref_slice %arg7[%add3A_221, %dma_wait3A_228] : memref<10240x128xf32, #tpu.memory_space<vmem_shared>> -> memref<128x128xf32, #tpu.memory_space<vmem_shared>>
    tpu.wait_dma2 semaphore(%arg13 : memref<!tpu.dma_semaphore, #tpu.memory_space<semaphore_mem>>) src(%dma_wait3A_229 : memref<128x128xf32, #tpu.memory_space<vmem_shared>>) dst(%arg10 : memref<128x128xf32, #tpu.memory_space<vmem>>)
    %mul3A_230 = arith.constant 640 : i32
    %mul3A_231 = arith.muli %add3A, %mul3A_230 : i32
    %add3A_232 = arith.constant 512 : i32
    %add3A_233 = arith.addi %mul3A_231, %add3A_232 : i32
    %dma_start3A_234 = arith.constant 0 : i32
    %dma_start3A_235 = tpu.memref_slice %arg6[%add3A_233, %dma_start3A_234] : memref<20480x128xf32, #tpu.memory_space<hbm>> -> memref<128x128xf32, #tpu.memory_space<hbm>>
    %dma_start3A_236 = arith.constant 0 : i32
    %dma_start3A_237 = tpu.memref_slice %arg6[%add3A_233, %dma_start3A_236] : memref<20480x128xf32, #tpu.memory_space<hbm>> -> memref<128x128xf32, #tpu.memory_space<hbm>>
    tpu.enqueue_dma source(%arg10 : memref<128x128xf32, #tpu.memory_space<vmem>>) target(%dma_start3A_237 : memref<128x128xf32, #tpu.memory_space<hbm>>) target_semaphore(%arg15 : memref<!tpu.dma_semaphore, #tpu.memory_space<semaphore_mem>>)
    %dma_wait3A_238 = arith.constant 0 : i32
    %dma_wait3A_239 = tpu.memref_slice %arg6[%add3A_233, %dma_wait3A_238] : memref<20480x128xf32, #tpu.memory_space<hbm>> -> memref<128x128xf32, #tpu.memory_space<hbm>>
    %dma_wait3A_240 = arith.constant 0 : i32
    %dma_wait3A_241 = tpu.memref_slice %arg6[%add3A_233, %dma_wait3A_240] : memref<20480x128xf32, #tpu.memory_space<hbm>> -> memref<128x128xf32, #tpu.memory_space<hbm>>
    tpu.wait_dma2 semaphore(%arg15 : memref<!tpu.dma_semaphore, #tpu.memory_space<semaphore_mem>>) src(%arg10 : memref<128x128xf32, #tpu.memory_space<vmem>>) dst(%dma_wait3A_241 : memref<128x128xf32, #tpu.memory_space<hbm>>)
    %dma_wait3A_242 = arith.constant 0 : i32
    %dma_wait3A_243 = tpu.memref_slice %arg6[%add3A_209, %dma_wait3A_242] : memref<20480x128xf32, #tpu.memory_space<hbm>> -> memref<128x128xf32, #tpu.memory_space<hbm>>
    %dma_wait3A_244 = arith.constant 0 : i32
    %dma_wait3A_245 = tpu.memref_slice %arg6[%add3A_209, %dma_wait3A_244] : memref<20480x128xf32, #tpu.memory_space<hbm>> -> memref<128x128xf32, #tpu.memory_space<hbm>>
    tpu.wait_dma2 semaphore(%arg16 : memref<!tpu.dma_semaphore, #tpu.memory_space<semaphore_mem>>) src(%arg11 : memref<128x128xf32, #tpu.memory_space<vmem>>) dst(%dma_wait3A_245 : memref<128x128xf32, #tpu.memory_space<hbm>>)
    return
  }
}

#map = affine_map<(d0, d1) -> (0, 0)>
#map1 = affine_map<(d0, d1) -> (0, 0, 0)>
module attributes {stable_mosaic.version = 14 : i64} {
  func.func @_deg_kernel(%arg0: i32, %arg1: i32, %arg2: memref<32x10240xi32, #tpu.memory_space<hbm>>, %arg3: memref<32x640x16xi32, #tpu.memory_space<hbm>>, %arg4: memref<640x16xi32, #tpu.memory_space<vmem>>, %arg5: memref<10240xi32, #tpu.memory_space<vmem>>) attributes {dimension_semantics = [#tpu.dimension_semantics<core_parallel>, #tpu.dimension_semantics<subcore_parallel>], iteration_bounds = array<i64: 2, 16>, scalar_prefetch = 0 : i64, scratch_operands = 2 : i64, tpu.core_type = #tpu.core_type<sc_vector_subcore>, window_params = [{transform_indices = #map}, {transform_indices = #map1}]} {
    %mul3A = arith.constant 16 : i32
    %mul3A_0 = arith.muli %arg0, %mul3A : i32
    %add3A = arith.addi %mul3A_0, %arg1 : i32
    "tpu.region"() ({
      %run_scoped3A = tpu.sem_alloc : memref<!tpu.dma_semaphore, #tpu.memory_space<semaphore_mem>>
      %dma_start3A = arith.constant 0 : i32
      %dma_start3A_14 = tpu.memref_slice %arg2[%add3A, %dma_start3A] : memref<32x10240xi32, #tpu.memory_space<hbm>> -> memref<1x10240xi32, #tpu.memory_space<hbm>>
      %dma_start3A_15 = tpu.memref_squeeze %dma_start3A_14 : memref<1x10240xi32, #tpu.memory_space<hbm>> -> memref<10240xi32, #tpu.memory_space<hbm>>
      %dma_start3A_16 = arith.constant 0 : i32
      %dma_start3A_17 = tpu.memref_slice %arg2[%add3A, %dma_start3A_16] : memref<32x10240xi32, #tpu.memory_space<hbm>> -> memref<1x10240xi32, #tpu.memory_space<hbm>>
      %dma_start3A_18 = tpu.memref_squeeze %dma_start3A_17 : memref<1x10240xi32, #tpu.memory_space<hbm>> -> memref<10240xi32, #tpu.memory_space<hbm>>
      tpu.enqueue_dma source(%dma_start3A_18 : memref<10240xi32, #tpu.memory_space<hbm>>) target(%arg5 : memref<10240xi32, #tpu.memory_space<vmem>>) target_semaphore(%run_scoped3A : memref<!tpu.dma_semaphore, #tpu.memory_space<semaphore_mem>>)
      %dma_wait3A = arith.constant 0 : i32
      %dma_wait3A_19 = tpu.memref_slice %arg2[%add3A, %dma_wait3A] : memref<32x10240xi32, #tpu.memory_space<hbm>> -> memref<1x10240xi32, #tpu.memory_space<hbm>>
      %dma_wait3A_20 = tpu.memref_squeeze %dma_wait3A_19 : memref<1x10240xi32, #tpu.memory_space<hbm>> -> memref<10240xi32, #tpu.memory_space<hbm>>
      %dma_wait3A_21 = arith.constant 0 : i32
      %dma_wait3A_22 = tpu.memref_slice %arg2[%add3A, %dma_wait3A_21] : memref<32x10240xi32, #tpu.memory_space<hbm>> -> memref<1x10240xi32, #tpu.memory_space<hbm>>
      %dma_wait3A_23 = tpu.memref_squeeze %dma_wait3A_22 : memref<1x10240xi32, #tpu.memory_space<hbm>> -> memref<10240xi32, #tpu.memory_space<hbm>>
      tpu.wait_dma2 semaphore(%run_scoped3A : memref<!tpu.dma_semaphore, #tpu.memory_space<semaphore_mem>>) src(%dma_wait3A_23 : memref<10240xi32, #tpu.memory_space<hbm>>) dst(%arg5 : memref<10240xi32, #tpu.memory_space<vmem>>)
      tpu.yield
    }) : () -> ()
    %scan3A = arith.constant 0 : i32
    %scan3A_1 = arith.constant 0 : i32
    %scan3A_2 = arith.constant 640 : i32
    %scan3A_3 = arith.addi %scan3A_1, %scan3A_2 : i32
    %scan3A_4 = arith.constant 1 : i32
    %scan3A_5 = scf.for %scan3A_14 = %scan3A_1 to %scan3A_3 step %scan3A_4 iter_args(%scan3A_15 = %scan3A) -> (i32)  : i32 {
      %broadcast_in_dim3A = arith.constant 0 : i32
      %broadcast_in_dim3A_16 = vector.broadcast %broadcast_in_dim3A : i32 to vector<16xi32>
      %swap3A = arith.index_cast %scan3A_14 : i32 to index
      %swap3A_17 = arith.constant 0 : index
      %swap3A_18 = tpu.vector_load %arg4[%swap3A, %swap3A_17] {strides = array<i32>} : memref<640x16xi32, #tpu.memory_space<vmem>>, vector<16xi32>,
      tpu.vector_store %arg4[%swap3A, %swap3A_17], %broadcast_in_dim3A_16 {strides = array<i32>} : memref<640x16xi32, #tpu.memory_space<vmem>>, vector<16xi32>,
      %scan3A_19 = arith.constant 0 : i32
      scf.yield %scan3A_19 : i32
    }
    %scan3A_6 = arith.constant 640 : i32
    %scan3A_7 = arith.constant 0 : i32
    %scan3A_8 = arith.constant 0 : i32
    %scan3A_9 = arith.constant 640 : i32
    %scan3A_10 = arith.addi %scan3A_8, %scan3A_9 : i32
    %scan3A_11 = arith.constant 1 : i32
    %scan3A_12 = scf.for %scan3A_14 = %scan3A_8 to %scan3A_10 step %scan3A_11 iter_args(%scan3A_15 = %scan3A_7) -> (i32)  : i32 {
      %mul3A_16 = arith.constant 16 : i32
      %mul3A_17 = arith.muli %scan3A_14, %mul3A_16 : i32
      %get3A = arith.index_cast %mul3A_17 : i32 to index
      %get3A_18 = tpu.vector_load %arg5[%get3A] {strides = array<i32>} : memref<10240xi32, #tpu.memory_space<vmem>>, vector<16xi32>,
      %broadcast_in_dim3A = arith.constant true
      %broadcast_in_dim3A_19 = vector.broadcast %broadcast_in_dim3A : i1 to vector<16xi1>
      %unique3A, %unique3A_20 = tpu.scan_count mask(%broadcast_in_dim3A_19 : vector<16xi1>) value(%get3A_18 : vector<16xi32>) : vector<16xi1>, vector<16xi32>
      %shift_right_arithmetic3A = arith.constant 4 : i32
      %shift_right_arithmetic3A_21 = vector.broadcast %shift_right_arithmetic3A : i32 to vector<16xi32>
      %shift_right_arithmetic3A_22 = arith.shrsi %get3A_18, %shift_right_arithmetic3A_21 : vector<16xi32>
      %and3A = arith.constant 15 : i32
      %and3A_23 = vector.broadcast %and3A : i32 to vector<16xi32>
      %and3A_24 = arith.andi %get3A_18, %and3A_23 : vector<16xi32>
      tpu.vector_store_idx %arg4[%shift_right_arithmetic3A_22, %and3A_24], %unique3A_20 masked %unique3A {add = true} : memref<640x16xi32, #tpu.memory_space<vmem>>[vector<16xi32>, vector<16xi32>], vector<16xi32>, vector<16xi1>
      %scan3A_25 = arith.constant 0 : i32
      scf.yield %scan3A_25 : i32
    }
    %scan3A_13 = arith.constant 640 : i32
    "tpu.region"() ({
      %run_scoped3A = tpu.sem_alloc : memref<!tpu.dma_semaphore, #tpu.memory_space<semaphore_mem>>
      %dma_start3A = arith.constant 0 : i32
      %dma_start3A_14 = arith.constant 0 : i32
      %dma_start3A_15 = tpu.memref_slice %arg3[%add3A, %dma_start3A, %dma_start3A_14] : memref<32x640x16xi32, #tpu.memory_space<hbm>> -> memref<1x640x16xi32, #tpu.memory_space<hbm>>
      %dma_start3A_16 = tpu.memref_squeeze %dma_start3A_15 : memref<1x640x16xi32, #tpu.memory_space<hbm>> -> memref<640x16xi32, #tpu.memory_space<hbm>>
      %dma_start3A_17 = arith.constant 0 : i32
      %dma_start3A_18 = arith.constant 0 : i32
      %dma_start3A_19 = tpu.memref_slice %arg3[%add3A, %dma_start3A_17, %dma_start3A_18] : memref<32x640x16xi32, #tpu.memory_space<hbm>> -> memref<1x640x16xi32, #tpu.memory_space<hbm>>
      %dma_start3A_20 = tpu.memref_squeeze %dma_start3A_19 : memref<1x640x16xi32, #tpu.memory_space<hbm>> -> memref<640x16xi32, #tpu.memory_space<hbm>>
      tpu.enqueue_dma source(%arg4 : memref<640x16xi32, #tpu.memory_space<vmem>>) target(%dma_start3A_20 : memref<640x16xi32, #tpu.memory_space<hbm>>) target_semaphore(%run_scoped3A : memref<!tpu.dma_semaphore, #tpu.memory_space<semaphore_mem>>)
      %dma_wait3A = arith.constant 0 : i32
      %dma_wait3A_21 = arith.constant 0 : i32
      %dma_wait3A_22 = tpu.memref_slice %arg3[%add3A, %dma_wait3A, %dma_wait3A_21] : memref<32x640x16xi32, #tpu.memory_space<hbm>> -> memref<1x640x16xi32, #tpu.memory_space<hbm>>
      %dma_wait3A_23 = tpu.memref_squeeze %dma_wait3A_22 : memref<1x640x16xi32, #tpu.memory_space<hbm>> -> memref<640x16xi32, #tpu.memory_space<hbm>>
      %dma_wait3A_24 = arith.constant 0 : i32
      %dma_wait3A_25 = arith.constant 0 : i32
      %dma_wait3A_26 = tpu.memref_slice %arg3[%add3A, %dma_wait3A_24, %dma_wait3A_25] : memref<32x640x16xi32, #tpu.memory_space<hbm>> -> memref<1x640x16xi32, #tpu.memory_space<hbm>>
      %dma_wait3A_27 = tpu.memref_squeeze %dma_wait3A_26 : memref<1x640x16xi32, #tpu.memory_space<hbm>> -> memref<640x16xi32, #tpu.memory_space<hbm>>
      tpu.wait_dma2 semaphore(%run_scoped3A : memref<!tpu.dma_semaphore, #tpu.memory_space<semaphore_mem>>) src(%arg4 : memref<640x16xi32, #tpu.memory_space<vmem>>) dst(%dma_wait3A_27 : memref<640x16xi32, #tpu.memory_space<hbm>>)
      tpu.yield
    }) : () -> ()
    return
  }
}

#map = affine_map<(d0, d1) -> (0, 0)>
module attributes {stable_mosaic.version = 14 : i64} {
  func.func @_scat_kernel(%arg0: i32, %arg1: i32, %arg2: memref<10240x128xf32, #tpu.memory_space<hbm>>, %arg3: memref<2560x128xi32, #tpu.memory_space<hbm>>, %arg4: memref<2560x128xi32, #tpu.memory_space<hbm>>, %arg5: memref<128x128xf32, #tpu.memory_space<hbm>>, %arg6: memref<20480x128xf32, #tpu.memory_space<hbm>>, %arg7: memref<10240x128xf32, #tpu.memory_space<vmem_shared>>, %arg8: memref<8x128xi32, #tpu.memory_space<vmem>>, %arg9: memref<8x128xi32, #tpu.memory_space<vmem>>, %arg10: memref<128x128xf32, #tpu.memory_space<vmem>>, %arg11: memref<128x128xf32, #tpu.memory_space<vmem>>, %arg12: memref<!tpu.dma_semaphore, #tpu.memory_space<semaphore_mem>>, %arg13: memref<!tpu.dma_semaphore, #tpu.memory_space<semaphore_mem>>, %arg14: memref<!tpu.dma_semaphore, #tpu.memory_space<semaphore_mem>>, %arg15: memref<!tpu.dma_semaphore, #tpu.memory_space<semaphore_mem>>, %arg16: memref<!tpu.dma_semaphore, #tpu.memory_space<semaphore_mem>>) attributes {dimension_semantics = [#tpu.dimension_semantics<core_parallel>, #tpu.dimension_semantics<subcore_parallel>], iteration_bounds = array<i64: 2, 16>, scalar_prefetch = 0 : i64, scratch_operands = 10 : i64, tpu.core_type = #tpu.core_type<sc_vector_subcore>, window_params = [{transform_indices = #map}, {transform_indices = #map}, {transform_indices = #map}, {transform_indices = #map}, {transform_indices = #map}]} {
    %mul3A = arith.constant 16 : i32
    %mul3A_0 = arith.muli %arg0, %mul3A : i32
    %add3A = arith.addi %mul3A_0, %arg1 : i32
    %mul3A_1 = arith.constant 80 : i32
    %mul3A_2 = arith.muli %add3A, %mul3A_1 : i32
    %add3A_3 = arith.constant 0 : i32
    %add3A_4 = arith.addi %mul3A_2, %add3A_3 : i32
    %add3A_5 = arith.constant 0 : i32
    %add3A_6 = arith.addi %mul3A_2, %add3A_5 : i32
    %dma_start3A = arith.constant 0 : i32
    %dma_start3A_7 = arith.constant 0 : i32
    %dma_start3A_8 = tpu.memref_slice %arg8[%dma_start3A, %dma_start3A_7] : memref<8x128xi32, #tpu.memory_space<vmem>> -> memref<1x128xi32, #tpu.memory_space<vmem>>
    %dma_start3A_9 = tpu.memref_squeeze %dma_start3A_8 : memref<1x128xi32, #tpu.memory_space<vmem>> -> memref<128xi32, #tpu.memory_space<vmem>>
    %dma_start3A_10 = arith.constant 0 : i32
    %dma_start3A_11 = tpu.memref_slice %arg3[%add3A_4, %dma_start3A_10] : memref<2560x128xi32, #tpu.memory_space<hbm>> -> memref<1x128xi32, #tpu.memory_space<hbm>>
    %dma_start3A_12 = tpu.memref_squeeze %dma_start3A_11 : memref<1x128xi32, #tpu.memory_space<hbm>> -> memref<128xi32, #tpu.memory_space<hbm>>
    %dma_start3A_13 = arith.constant 0 : i32
    %dma_start3A_14 = tpu.memref_slice %arg8[%dma_start3A, %dma_start3A_13] : memref<8x128xi32, #tpu.memory_space<vmem>> -> memref<1x128xi32, #tpu.memory_space<vmem>>
    %dma_start3A_15 = tpu.memref_squeeze %dma_start3A_14 : memref<1x128xi32, #tpu.memory_space<vmem>> -> memref<128xi32, #tpu.memory_space<vmem>>
    %dma_start3A_16 = arith.constant 0 : i32
    %dma_start3A_17 = tpu.memref_slice %arg3[%add3A_4, %dma_start3A_16] : memref<2560x128xi32, #tpu.memory_space<hbm>> -> memref<1x128xi32, #tpu.memory_space<hbm>>
    %dma_start3A_18 = tpu.memref_squeeze %dma_start3A_17 : memref<1x128xi32, #tpu.memory_space<hbm>> -> memref<128xi32, #tpu.memory_space<hbm>>
    tpu.enqueue_dma source(%dma_start3A_18 : memref<128xi32, #tpu.memory_space<hbm>>) target(%dma_start3A_15 : memref<128xi32, #tpu.memory_space<vmem>>) target_semaphore(%arg12 : memref<!tpu.dma_semaphore, #tpu.memory_space<semaphore_mem>>)
    %dma_start3A_19 = arith.constant 0 : i32
    %dma_start3A_20 = arith.constant 0 : i32
    %dma_start3A_21 = tpu.memref_slice %arg9[%dma_start3A_19, %dma_start3A_20] : memref<8x128xi32, #tpu.memory_space<vmem>> -> memref<1x128xi32, #tpu.memory_space<vmem>>
    %dma_start3A_22 = tpu.memref_squeeze %dma_start3A_21 : memref<1x128xi32, #tpu.memory_space<vmem>> -> memref<128xi32, #tpu.memory_space<vmem>>
    %dma_start3A_23 = arith.constant 0 : i32
    %dma_start3A_24 = tpu.memref_slice %arg4[%add3A_6, %dma_start3A_23] : memref<2560x128xi32, #tpu.memory_space<hbm>> -> memref<1x128xi32, #tpu.memory_space<hbm>>
    %dma_start3A_25 = tpu.memref_squeeze %dma_start3A_24 : memref<1x128xi32, #tpu.memory_space<hbm>> -> memref<128xi32, #tpu.memory_space<hbm>>
    %dma_start3A_26 = arith.constant 0 : i32
    %dma_start3A_27 = tpu.memref_slice %arg9[%dma_start3A_19, %dma_start3A_26] : memref<8x128xi32, #tpu.memory_space<vmem>> -> memref<1x128xi32, #tpu.memory_space<vmem>>
    %dma_start3A_28 = tpu.memref_squeeze %dma_start3A_27 : memref<1x128xi32, #tpu.memory_space<vmem>> -> memref<128xi32, #tpu.memory_space<vmem>>
    %dma_start3A_29 = arith.constant 0 : i32
    %dma_start3A_30 = tpu.memref_slice %arg4[%add3A_6, %dma_start3A_29] : memref<2560x128xi32, #tpu.memory_space<hbm>> -> memref<1x128xi32, #tpu.memory_space<hbm>>
    %dma_start3A_31 = tpu.memref_squeeze %dma_start3A_30 : memref<1x128xi32, #tpu.memory_space<hbm>> -> memref<128xi32, #tpu.memory_space<hbm>>
    tpu.enqueue_dma source(%dma_start3A_31 : memref<128xi32, #tpu.memory_space<hbm>>) target(%dma_start3A_28 : memref<128xi32, #tpu.memory_space<vmem>>) target_semaphore(%arg12 : memref<!tpu.dma_semaphore, #tpu.memory_space<semaphore_mem>>)
    "tpu.region"() ({
      %run_scoped3A = tpu.sem_alloc : memref<!tpu.dma_semaphore, #tpu.memory_space<semaphore_mem>>
      tpu.enqueue_dma source(%arg5 : memref<128x128xf32, #tpu.memory_space<hbm>>) target(%arg10 : memref<128x128xf32, #tpu.memory_space<vmem>>) target_semaphore(%run_scoped3A : memref<!tpu.dma_semaphore, #tpu.memory_space<semaphore_mem>>)
      tpu.wait_dma2 semaphore(%run_scoped3A : memref<!tpu.dma_semaphore, #tpu.memory_space<semaphore_mem>>) src(%arg5 : memref<128x128xf32, #tpu.memory_space<hbm>>) dst(%arg10 : memref<128x128xf32, #tpu.memory_space<vmem>>)
      tpu.yield
    }) : () -> ()
    %mul3A_32 = arith.constant 640 : i32
    %mul3A_33 = arith.muli %arg1, %mul3A_32 : i32
    %add3A_34 = arith.constant 0 : i32
    %add3A_35 = arith.addi %mul3A_33, %add3A_34 : i32
    %dma_start3A_36 = arith.constant 0 : i32
    %dma_start3A_37 = tpu.memref_slice %arg7[%add3A_35, %dma_start3A_36] : memref<10240x128xf32, #tpu.memory_space<vmem_shared>> -> memref<128x128xf32, #tpu.memory_space<vmem_shared>>
    %dma_start3A_38 = arith.constant 0 : i32
    %dma_start3A_39 = tpu.memref_slice %arg7[%add3A_35, %dma_start3A_38] : memref<10240x128xf32, #tpu.memory_space<vmem_shared>> -> memref<128x128xf32, #tpu.memory_space<vmem_shared>>
    tpu.enqueue_dma source(%arg10 : memref<128x128xf32, #tpu.memory_space<vmem>>) target(%dma_start3A_39 : memref<128x128xf32, #tpu.memory_space<vmem_shared>>) target_semaphore(%arg15 : memref<!tpu.dma_semaphore, #tpu.memory_space<semaphore_mem>>)
    %mul3A_40 = arith.constant 640 : i32
    %mul3A_41 = arith.muli %arg1, %mul3A_40 : i32
    %add3A_42 = arith.constant 128 : i32
    %add3A_43 = arith.addi %mul3A_41, %add3A_42 : i32
    %dma_start3A_44 = arith.constant 0 : i32
    %dma_start3A_45 = tpu.memref_slice %arg7[%add3A_43, %dma_start3A_44] : memref<10240x128xf32, #tpu.memory_space<vmem_shared>> -> memref<128x128xf32, #tpu.memory_space<vmem_shared>>
    %dma_start3A_46 = arith.constant 0 : i32
    %dma_start3A_47 = tpu.memref_slice %arg7[%add3A_43, %dma_start3A_46] : memref<10240x128xf32, #tpu.memory_space<vmem_shared>> -> memref<128x128xf32, #tpu.memory_space<vmem_shared>>
    tpu.enqueue_dma source(%arg10 : memref<128x128xf32, #tpu.memory_space<vmem>>) target(%dma_start3A_47 : memref<128x128xf32, #tpu.memory_space<vmem_shared>>) target_semaphore(%arg15 : memref<!tpu.dma_semaphore, #tpu.memory_space<semaphore_mem>>)
    %mul3A_48 = arith.constant 640 : i32
    %mul3A_49 = arith.muli %arg1, %mul3A_48 : i32
    %add3A_50 = arith.constant 256 : i32
    %add3A_51 = arith.addi %mul3A_49, %add3A_50 : i32
    %dma_start3A_52 = arith.constant 0 : i32
    %dma_start3A_53 = tpu.memref_slice %arg7[%add3A_51, %dma_start3A_52] : memref<10240x128xf32, #tpu.memory_space<vmem_shared>> -> memref<128x128xf32, #tpu.memory_space<vmem_shared>>
    %dma_start3A_54 = arith.constant 0 : i32
    %dma_start3A_55 = tpu.memref_slice %arg7[%add3A_51, %dma_start3A_54] : memref<10240x128xf32, #tpu.memory_space<vmem_shared>> -> memref<128x128xf32, #tpu.memory_space<vmem_shared>>
    tpu.enqueue_dma source(%arg10 : memref<128x128xf32, #tpu.memory_space<vmem>>) target(%dma_start3A_55 : memref<128x128xf32, #tpu.memory_space<vmem_shared>>) target_semaphore(%arg15 : memref<!tpu.dma_semaphore, #tpu.memory_space<semaphore_mem>>)
    %mul3A_56 = arith.constant 640 : i32
    %mul3A_57 = arith.muli %arg1, %mul3A_56 : i32
    %add3A_58 = arith.constant 384 : i32
    %add3A_59 = arith.addi %mul3A_57, %add3A_58 : i32
    %dma_start3A_60 = arith.constant 0 : i32
    %dma_start3A_61 = tpu.memref_slice %arg7[%add3A_59, %dma_start3A_60] : memref<10240x128xf32, #tpu.memory_space<vmem_shared>> -> memref<128x128xf32, #tpu.memory_space<vmem_shared>>
    %dma_start3A_62 = arith.constant 0 : i32
    %dma_start3A_63 = tpu.memref_slice %arg7[%add3A_59, %dma_start3A_62] : memref<10240x128xf32, #tpu.memory_space<vmem_shared>> -> memref<128x128xf32, #tpu.memory_space<vmem_shared>>
    tpu.enqueue_dma source(%arg10 : memref<128x128xf32, #tpu.memory_space<vmem>>) target(%dma_start3A_63 : memref<128x128xf32, #tpu.memory_space<vmem_shared>>) target_semaphore(%arg15 : memref<!tpu.dma_semaphore, #tpu.memory_space<semaphore_mem>>)
    %mul3A_64 = arith.constant 640 : i32
    %mul3A_65 = arith.muli %arg1, %mul3A_64 : i32
    %add3A_66 = arith.constant 512 : i32
    %add3A_67 = arith.addi %mul3A_65, %add3A_66 : i32
    %dma_start3A_68 = arith.constant 0 : i32
    %dma_start3A_69 = tpu.memref_slice %arg7[%add3A_67, %dma_start3A_68] : memref<10240x128xf32, #tpu.memory_space<vmem_shared>> -> memref<128x128xf32, #tpu.memory_space<vmem_shared>>
    %dma_start3A_70 = arith.constant 0 : i32
    %dma_start3A_71 = tpu.memref_slice %arg7[%add3A_67, %dma_start3A_70] : memref<10240x128xf32, #tpu.memory_space<vmem_shared>> -> memref<128x128xf32, #tpu.memory_space<vmem_shared>>
    tpu.enqueue_dma source(%arg10 : memref<128x128xf32, #tpu.memory_space<vmem>>) target(%dma_start3A_71 : memref<128x128xf32, #tpu.memory_space<vmem_shared>>) target_semaphore(%arg15 : memref<!tpu.dma_semaphore, #tpu.memory_space<semaphore_mem>>)
    %dma_wait3A = arith.constant 0 : i32
    %dma_wait3A_72 = tpu.memref_slice %arg7[%add3A_35, %dma_wait3A] : memref<10240x128xf32, #tpu.memory_space<vmem_shared>> -> memref<128x128xf32, #tpu.memory_space<vmem_shared>>
    %dma_wait3A_73 = arith.constant 0 : i32
    %dma_wait3A_74 = tpu.memref_slice %arg7[%add3A_35, %dma_wait3A_73] : memref<10240x128xf32, #tpu.memory_space<vmem_shared>> -> memref<128x128xf32, #tpu.memory_space<vmem_shared>>
    tpu.wait_dma2 semaphore(%arg15 : memref<!tpu.dma_semaphore, #tpu.memory_space<semaphore_mem>>) src(%arg10 : memref<128x128xf32, #tpu.memory_space<vmem>>) dst(%dma_wait3A_74 : memref<128x128xf32, #tpu.memory_space<vmem_shared>>)
    %dma_wait3A_75 = arith.constant 0 : i32
    %dma_wait3A_76 = tpu.memref_slice %arg7[%add3A_43, %dma_wait3A_75] : memref<10240x128xf32, #tpu.memory_space<vmem_shared>> -> memref<128x128xf32, #tpu.memory_space<vmem_shared>>
    %dma_wait3A_77 = arith.constant 0 : i32
    %dma_wait3A_78 = tpu.memref_slice %arg7[%add3A_43, %dma_wait3A_77] : memref<10240x128xf32, #tpu.memory_space<vmem_shared>> -> memref<128x128xf32, #tpu.memory_space<vmem_shared>>
    tpu.wait_dma2 semaphore(%arg15 : memref<!tpu.dma_semaphore, #tpu.memory_space<semaphore_mem>>) src(%arg10 : memref<128x128xf32, #tpu.memory_space<vmem>>) dst(%dma_wait3A_78 : memref<128x128xf32, #tpu.memory_space<vmem_shared>>)
    %dma_wait3A_79 = arith.constant 0 : i32
    %dma_wait3A_80 = tpu.memref_slice %arg7[%add3A_51, %dma_wait3A_79] : memref<10240x128xf32, #tpu.memory_space<vmem_shared>> -> memref<128x128xf32, #tpu.memory_space<vmem_shared>>
    %dma_wait3A_81 = arith.constant 0 : i32
    %dma_wait3A_82 = tpu.memref_slice %arg7[%add3A_51, %dma_wait3A_81] : memref<10240x128xf32, #tpu.memory_space<vmem_shared>> -> memref<128x128xf32, #tpu.memory_space<vmem_shared>>
    tpu.wait_dma2 semaphore(%arg15 : memref<!tpu.dma_semaphore, #tpu.memory_space<semaphore_mem>>) src(%arg10 : memref<128x128xf32, #tpu.memory_space<vmem>>) dst(%dma_wait3A_82 : memref<128x128xf32, #tpu.memory_space<vmem_shared>>)
    %dma_wait3A_83 = arith.constant 0 : i32
    %dma_wait3A_84 = tpu.memref_slice %arg7[%add3A_59, %dma_wait3A_83] : memref<10240x128xf32, #tpu.memory_space<vmem_shared>> -> memref<128x128xf32, #tpu.memory_space<vmem_shared>>
    %dma_wait3A_85 = arith.constant 0 : i32
    %dma_wait3A_86 = tpu.memref_slice %arg7[%add3A_59, %dma_wait3A_85] : memref<10240x128xf32, #tpu.memory_space<vmem_shared>> -> memref<128x128xf32, #tpu.memory_space<vmem_shared>>
    tpu.wait_dma2 semaphore(%arg15 : memref<!tpu.dma_semaphore, #tpu.memory_space<semaphore_mem>>) src(%arg10 : memref<128x128xf32, #tpu.memory_space<vmem>>) dst(%dma_wait3A_86 : memref<128x128xf32, #tpu.memory_space<vmem_shared>>)
    %dma_wait3A_87 = arith.constant 0 : i32
    %dma_wait3A_88 = tpu.memref_slice %arg7[%add3A_67, %dma_wait3A_87] : memref<10240x128xf32, #tpu.memory_space<vmem_shared>> -> memref<128x128xf32, #tpu.memory_space<vmem_shared>>
    %dma_wait3A_89 = arith.constant 0 : i32
    %dma_wait3A_90 = tpu.memref_slice %arg7[%add3A_67, %dma_wait3A_89] : memref<10240x128xf32, #tpu.memory_space<vmem_shared>> -> memref<128x128xf32, #tpu.memory_space<vmem_shared>>
    tpu.wait_dma2 semaphore(%arg15 : memref<!tpu.dma_semaphore, #tpu.memory_space<semaphore_mem>>) src(%arg10 : memref<128x128xf32, #tpu.memory_space<vmem>>) dst(%dma_wait3A_90 : memref<128x128xf32, #tpu.memory_space<vmem_shared>>)
    %barrier3A = arith.constant 0 : index
    tpu.barrier barrier_id(%barrier3A)
    %scan3A = arith.constant 0 : i32
    %scan3A_91 = arith.constant 0 : i32
    %scan3A_92 = arith.constant 40 : i32
    %scan3A_93 = arith.addi %scan3A_91, %scan3A_92 : i32
    %scan3A_94 = arith.constant 1 : i32
    %scan3A_95 = scf.for %scan3A_246 = %scan3A_91 to %scan3A_93 step %scan3A_94 iter_args(%scan3A_247 = %scan3A) -> (i32)  : i32 {
      %mul3A_248 = arith.constant 2 : i32
      %mul3A_249 = arith.muli %scan3A_246, %mul3A_248 : i32
      %add3A_250 = arith.constant 0 : i32
      %add3A_251 = arith.addi %mul3A_249, %add3A_250 : i32
      %lt3A = arith.constant 79 : i32
      %lt3A_252 = arith.cmpi slt, %add3A_251, %lt3A : i32
      %convert_element_type3A = arith.extui %lt3A_252 : i1 to i32
      %cond3A = arith.constant 0 : i32
      %cond3A_253 = arith.cmpi ne, %convert_element_type3A, %cond3A : i32
      scf.if %cond3A_253 {
        %add3A_405 = arith.constant 1 : i32
        %add3A_406 = arith.addi %add3A_251, %add3A_405 : i32
        %add3A_407 = arith.constant 1 : i32
        %add3A_408 = arith.addi %add3A_251, %add3A_407 : i32
        %jit3A_409 = arith.constant 8 : i32
        %eq3A_410 = arith.constant 0 : i32
        %eq3A_411 = arith.cmpi eq, %jit3A_409, %eq3A_410 : i32
        %jit3A_412 = arith.constant 1 : i32
        %select_n3A_413 = arith.select %eq3A_411, %jit3A_412, %jit3A_409 : i32
        %rem3A_414 = arith.remsi %add3A_408, %select_n3A_413 : i32
        %ne3A_415 = arith.constant 0 : i32
        %ne3A_416 = arith.cmpi ne, %rem3A_414, %ne3A_415 : i32
        %lt3A_417 = arith.constant 0 : i32
        %lt3A_418 = arith.cmpi slt, %rem3A_414, %lt3A_417 : i32
        %lt3A_419 = arith.constant 0 : i32
        %lt3A_420 = arith.cmpi slt, %select_n3A_413, %lt3A_419 : i32
        %ne3A_421 = arith.xori %lt3A_418, %lt3A_420 : i1
        %and3A_422 = arith.andi %ne3A_421, %ne3A_416 : i1
        %add3A_423 = arith.addi %rem3A_414, %select_n3A_413 : i32
        %select_n3A_424 = arith.select %and3A_422, %add3A_423, %rem3A_414 : i32
        %add3A_425 = arith.addi %mul3A_2, %add3A_406 : i32
        %add3A_426 = arith.addi %mul3A_2, %add3A_406 : i32
        %dma_start3A_427 = arith.constant 0 : i32
        %dma_start3A_428 = tpu.memref_slice %arg8[%select_n3A_424, %dma_start3A_427] : memref<8x128xi32, #tpu.memory_space<vmem>> -> memref<1x128xi32, #tpu.memory_space<vmem>>
        %dma_start3A_429 = tpu.memref_squeeze %dma_start3A_428 : memref<1x128xi32, #tpu.memory_space<vmem>> -> memref<128xi32, #tpu.memory_space<vmem>>
        %dma_start3A_430 = arith.constant 0 : i32
        %dma_start3A_431 = tpu.memref_slice %arg3[%add3A_425, %dma_start3A_430] : memref<2560x128xi32, #tpu.memory_space<hbm>> -> memref<1x128xi32, #tpu.memory_space<hbm>>
        %dma_start3A_432 = tpu.memref_squeeze %dma_start3A_431 : memref<1x128xi32, #tpu.memory_space<hbm>> -> memref<128xi32, #tpu.memory_space<hbm>>
        %dma_start3A_433 = arith.constant 0 : i32
        %dma_start3A_434 = tpu.memref_slice %arg8[%select_n3A_424, %dma_start3A_433] : memref<8x128xi32, #tpu.memory_space<vmem>> -> memref<1x128xi32, #tpu.memory_space<vmem>>
        %dma_start3A_435 = tpu.memref_squeeze %dma_start3A_434 : memref<1x128xi32, #tpu.memory_space<vmem>> -> memref<128xi32, #tpu.memory_space<vmem>>
        %dma_start3A_436 = arith.constant 0 : i32
        %dma_start3A_437 = tpu.memref_slice %arg3[%add3A_425, %dma_start3A_436] : memref<2560x128xi32, #tpu.memory_space<hbm>> -> memref<1x128xi32, #tpu.memory_space<hbm>>
        %dma_start3A_438 = tpu.memref_squeeze %dma_start3A_437 : memref<1x128xi32, #tpu.memory_space<hbm>> -> memref<128xi32, #tpu.memory_space<hbm>>
        tpu.enqueue_dma source(%dma_start3A_438 : memref<128xi32, #tpu.memory_space<hbm>>) target(%dma_start3A_435 : memref<128xi32, #tpu.memory_space<vmem>>) target_semaphore(%arg12 : memref<!tpu.dma_semaphore, #tpu.memory_space<semaphore_mem>>)
        %dma_start3A_439 = arith.constant 0 : i32
        %dma_start3A_440 = tpu.memref_slice %arg9[%select_n3A_424, %dma_start3A_439] : memref<8x128xi32, #tpu.memory_space<vmem>> -> memref<1x128xi32, #tpu.memory_space<vmem>>
        %dma_start3A_441 = tpu.memref_squeeze %dma_start3A_440 : memref<1x128xi32, #tpu.memory_space<vmem>> -> memref<128xi32, #tpu.memory_space<vmem>>
        %dma_start3A_442 = arith.constant 0 : i32
        %dma_start3A_443 = tpu.memref_slice %arg4[%add3A_426, %dma_start3A_442] : memref<2560x128xi32, #tpu.memory_space<hbm>> -> memref<1x128xi32, #tpu.memory_space<hbm>>
        %dma_start3A_444 = tpu.memref_squeeze %dma_start3A_443 : memref<1x128xi32, #tpu.memory_space<hbm>> -> memref<128xi32, #tpu.memory_space<hbm>>
        %dma_start3A_445 = arith.constant 0 : i32
        %dma_start3A_446 = tpu.memref_slice %arg9[%select_n3A_424, %dma_start3A_445] : memref<8x128xi32, #tpu.memory_space<vmem>> -> memref<1x128xi32, #tpu.memory_space<vmem>>
        %dma_start3A_447 = tpu.memref_squeeze %dma_start3A_446 : memref<1x128xi32, #tpu.memory_space<vmem>> -> memref<128xi32, #tpu.memory_space<vmem>>
        %dma_start3A_448 = arith.constant 0 : i32
        %dma_start3A_449 = tpu.memref_slice %arg4[%add3A_426, %dma_start3A_448] : memref<2560x128xi32, #tpu.memory_space<hbm>> -> memref<1x128xi32, #tpu.memory_space<hbm>>
        %dma_start3A_450 = tpu.memref_squeeze %dma_start3A_449 : memref<1x128xi32, #tpu.memory_space<hbm>> -> memref<128xi32, #tpu.memory_space<hbm>>
        tpu.enqueue_dma source(%dma_start3A_450 : memref<128xi32, #tpu.memory_space<hbm>>) target(%dma_start3A_447 : memref<128xi32, #tpu.memory_space<vmem>>) target_semaphore(%arg12 : memref<!tpu.dma_semaphore, #tpu.memory_space<semaphore_mem>>)
      } else {
      }
      %ge3A = arith.constant 2 : i32
      %ge3A_254 = arith.cmpi sge, %add3A_251, %ge3A : i32
      %convert_element_type3A_255 = arith.extui %ge3A_254 : i1 to i32
      %cond3A_256 = arith.constant 0 : i32
      %cond3A_257 = arith.cmpi ne, %convert_element_type3A_255, %cond3A_256 : i32
      scf.if %cond3A_257 {
        %sub3A = arith.constant 2 : i32
        %sub3A_405 = arith.subi %add3A_251, %sub3A : i32
        %jit3A_406 = arith.constant 8 : i32
        %eq3A_407 = arith.constant 0 : i32
        %eq3A_408 = arith.cmpi eq, %jit3A_406, %eq3A_407 : i32
        %jit3A_409 = arith.constant 1 : i32
        %select_n3A_410 = arith.select %eq3A_408, %jit3A_409, %jit3A_406 : i32
        %rem3A_411 = arith.remsi %sub3A_405, %select_n3A_410 : i32
        %ne3A_412 = arith.constant 0 : i32
        %ne3A_413 = arith.cmpi ne, %rem3A_411, %ne3A_412 : i32
        %lt3A_414 = arith.constant 0 : i32
        %lt3A_415 = arith.cmpi slt, %rem3A_411, %lt3A_414 : i32
        %lt3A_416 = arith.constant 0 : i32
        %lt3A_417 = arith.cmpi slt, %select_n3A_410, %lt3A_416 : i32
        %ne3A_418 = arith.xori %lt3A_415, %lt3A_417 : i1
        %and3A_419 = arith.andi %ne3A_418, %ne3A_413 : i1
        %add3A_420 = arith.addi %rem3A_411, %select_n3A_410 : i32
        %select_n3A_421 = arith.select %and3A_419, %add3A_420, %rem3A_411 : i32
        %dma_wait3A_422 = arith.constant 0 : i32
        %dma_wait3A_423 = tpu.memref_slice %arg9[%select_n3A_421, %dma_wait3A_422] : memref<8x128xi32, #tpu.memory_space<vmem>> -> memref<1x128xi32, #tpu.memory_space<vmem>>
        %dma_wait3A_424 = tpu.memref_squeeze %dma_wait3A_423 : memref<1x128xi32, #tpu.memory_space<vmem>> -> memref<128xi32, #tpu.memory_space<vmem>>
        %dma_wait3A_425 = arith.constant 0 : i32
        %dma_wait3A_426 = arith.constant 0 : i32
        %dma_wait3A_427 = tpu.memref_slice %arg7[%dma_wait3A_425, %dma_wait3A_426] : memref<10240x128xf32, #tpu.memory_space<vmem_shared>> -> memref<10240x128xf32, #tpu.memory_space<vmem_shared>>
        tpu.wait_indirect_dma semaphore(%arg15 : memref<!tpu.dma_semaphore, #tpu.memory_space<semaphore_mem>>) src(%arg10 : memref<128x128xf32, #tpu.memory_space<vmem>>) dst(%dma_wait3A_427 : memref<10240x128xf32, #tpu.memory_space<vmem_shared>>)
      } else {
      }
      %jit3A = arith.constant 8 : i32
      %eq3A = arith.constant 0 : i32
      %eq3A_258 = arith.cmpi eq, %jit3A, %eq3A : i32
      %jit3A_259 = arith.constant 1 : i32
      %select_n3A = arith.select %eq3A_258, %jit3A_259, %jit3A : i32
      %rem3A = arith.remsi %add3A_251, %select_n3A : i32
      %ne3A = arith.constant 0 : i32
      %ne3A_260 = arith.cmpi ne, %rem3A, %ne3A : i32
      %lt3A_261 = arith.constant 0 : i32
      %lt3A_262 = arith.cmpi slt, %rem3A, %lt3A_261 : i32
      %lt3A_263 = arith.constant 0 : i32
      %lt3A_264 = arith.cmpi slt, %select_n3A, %lt3A_263 : i32
      %ne3A_265 = arith.xori %lt3A_262, %lt3A_264 : i1
      %and3A = arith.andi %ne3A_265, %ne3A_260 : i1
      %add3A_266 = arith.addi %rem3A, %select_n3A : i32
      %select_n3A_267 = arith.select %and3A, %add3A_266, %rem3A : i32
      %add3A_268 = arith.addi %mul3A_2, %add3A_251 : i32
      %add3A_269 = arith.addi %mul3A_2, %add3A_251 : i32
      %dma_wait3A_270 = arith.constant 0 : i32
      %dma_wait3A_271 = tpu.memref_slice %arg8[%select_n3A_267, %dma_wait3A_270] : memref<8x128xi32, #tpu.memory_space<vmem>> -> memref<1x128xi32, #tpu.memory_space<vmem>>
      %dma_wait3A_272 = tpu.memref_squeeze %dma_wait3A_271 : memref<1x128xi32, #tpu.memory_space<vmem>> -> memref<128xi32, #tpu.memory_space<vmem>>
      %dma_wait3A_273 = arith.constant 0 : i32
      %dma_wait3A_274 = tpu.memref_slice %arg3[%add3A_268, %dma_wait3A_273] : memref<2560x128xi32, #tpu.memory_space<hbm>> -> memref<1x128xi32, #tpu.memory_space<hbm>>
      %dma_wait3A_275 = tpu.memref_squeeze %dma_wait3A_274 : memref<1x128xi32, #tpu.memory_space<hbm>> -> memref<128xi32, #tpu.memory_space<hbm>>
      %dma_wait3A_276 = arith.constant 0 : i32
      %dma_wait3A_277 = tpu.memref_slice %arg8[%select_n3A_267, %dma_wait3A_276] : memref<8x128xi32, #tpu.memory_space<vmem>> -> memref<1x128xi32, #tpu.memory_space<vmem>>
      %dma_wait3A_278 = tpu.memref_squeeze %dma_wait3A_277 : memref<1x128xi32, #tpu.memory_space<vmem>> -> memref<128xi32, #tpu.memory_space<vmem>>
      %dma_wait3A_279 = arith.constant 0 : i32
      %dma_wait3A_280 = tpu.memref_slice %arg3[%add3A_268, %dma_wait3A_279] : memref<2560x128xi32, #tpu.memory_space<hbm>> -> memref<1x128xi32, #tpu.memory_space<hbm>>
      %dma_wait3A_281 = tpu.memref_squeeze %dma_wait3A_280 : memref<1x128xi32, #tpu.memory_space<hbm>> -> memref<128xi32, #tpu.memory_space<hbm>>
      tpu.wait_dma2 semaphore(%arg12 : memref<!tpu.dma_semaphore, #tpu.memory_space<semaphore_mem>>) src(%dma_wait3A_281 : memref<128xi32, #tpu.memory_space<hbm>>) dst(%dma_wait3A_278 : memref<128xi32, #tpu.memory_space<vmem>>)
      %dma_wait3A_282 = arith.constant 0 : i32
      %dma_wait3A_283 = tpu.memref_slice %arg9[%select_n3A_267, %dma_wait3A_282] : memref<8x128xi32, #tpu.memory_space<vmem>> -> memref<1x128xi32, #tpu.memory_space<vmem>>
      %dma_wait3A_284 = tpu.memref_squeeze %dma_wait3A_283 : memref<1x128xi32, #tpu.memory_space<vmem>> -> memref<128xi32, #tpu.memory_space<vmem>>
      %dma_wait3A_285 = arith.constant 0 : i32
      %dma_wait3A_286 = tpu.memref_slice %arg4[%add3A_269, %dma_wait3A_285] : memref<2560x128xi32, #tpu.memory_space<hbm>> -> memref<1x128xi32, #tpu.memory_space<hbm>>
      %dma_wait3A_287 = tpu.memref_squeeze %dma_wait3A_286 : memref<1x128xi32, #tpu.memory_space<hbm>> -> memref<128xi32, #tpu.memory_space<hbm>>
      %dma_wait3A_288 = arith.constant 0 : i32
      %dma_wait3A_289 = tpu.memref_slice %arg9[%select_n3A_267, %dma_wait3A_288] : memref<8x128xi32, #tpu.memory_space<vmem>> -> memref<1x128xi32, #tpu.memory_space<vmem>>
      %dma_wait3A_290 = tpu.memref_squeeze %dma_wait3A_289 : memref<1x128xi32, #tpu.memory_space<vmem>> -> memref<128xi32, #tpu.memory_space<vmem>>
      %dma_wait3A_291 = arith.constant 0 : i32
      %dma_wait3A_292 = tpu.memref_slice %arg4[%add3A_269, %dma_wait3A_291] : memref<2560x128xi32, #tpu.memory_space<hbm>> -> memref<1x128xi32, #tpu.memory_space<hbm>>
      %dma_wait3A_293 = tpu.memref_squeeze %dma_wait3A_292 : memref<1x128xi32, #tpu.memory_space<hbm>> -> memref<128xi32, #tpu.memory_space<hbm>>
      tpu.wait_dma2 semaphore(%arg12 : memref<!tpu.dma_semaphore, #tpu.memory_space<semaphore_mem>>) src(%dma_wait3A_293 : memref<128xi32, #tpu.memory_space<hbm>>) dst(%dma_wait3A_290 : memref<128xi32, #tpu.memory_space<vmem>>)
      %jit3A_294 = arith.constant 8 : i32
      %eq3A_295 = arith.constant 0 : i32
      %eq3A_296 = arith.cmpi eq, %jit3A_294, %eq3A_295 : i32
      %jit3A_297 = arith.constant 1 : i32
      %select_n3A_298 = arith.select %eq3A_296, %jit3A_297, %jit3A_294 : i32
      %rem3A_299 = arith.remsi %add3A_251, %select_n3A_298 : i32
      %ne3A_300 = arith.constant 0 : i32
      %ne3A_301 = arith.cmpi ne, %rem3A_299, %ne3A_300 : i32
      %lt3A_302 = arith.constant 0 : i32
      %lt3A_303 = arith.cmpi slt, %rem3A_299, %lt3A_302 : i32
      %lt3A_304 = arith.constant 0 : i32
      %lt3A_305 = arith.cmpi slt, %select_n3A_298, %lt3A_304 : i32
      %ne3A_306 = arith.xori %lt3A_303, %lt3A_305 : i1
      %and3A_307 = arith.andi %ne3A_306, %ne3A_301 : i1
      %add3A_308 = arith.addi %rem3A_299, %select_n3A_298 : i32
      %select_n3A_309 = arith.select %and3A_307, %add3A_308, %rem3A_299 : i32
      %dma_start3A_310 = arith.constant 0 : i32
      %dma_start3A_311 = tpu.memref_slice %arg8[%select_n3A_309, %dma_start3A_310] : memref<8x128xi32, #tpu.memory_space<vmem>> -> memref<1x128xi32, #tpu.memory_space<vmem>>
      %dma_start3A_312 = tpu.memref_squeeze %dma_start3A_311 : memref<1x128xi32, #tpu.memory_space<vmem>> -> memref<128xi32, #tpu.memory_space<vmem>>
      %dma_start3A_313 = arith.constant 0 : i32
      %dma_start3A_314 = arith.constant 0 : i32
      %dma_start3A_315 = tpu.memref_slice %arg2[%dma_start3A_313, %dma_start3A_314] : memref<10240x128xf32, #tpu.memory_space<hbm>> -> memref<10240x128xf32, #tpu.memory_space<hbm>>
      tpu.enqueue_indirect_dma source(%dma_start3A_315 : memref<10240x128xf32, #tpu.memory_space<hbm>>) target(%arg10 : memref<128x128xf32, #tpu.memory_space<vmem>>) offsets(%dma_start3A_312 : memref<128xi32, #tpu.memory_space<vmem>>) semaphore(%arg13 : memref<!tpu.dma_semaphore, #tpu.memory_space<semaphore_mem>>)
      %ge3A_316 = arith.constant 1 : i32
      %ge3A_317 = arith.cmpi sge, %add3A_251, %ge3A_316 : i32
      %convert_element_type3A_318 = arith.extui %ge3A_317 : i1 to i32
      %cond3A_319 = arith.constant 0 : i32
      %cond3A_320 = arith.cmpi ne, %convert_element_type3A_318, %cond3A_319 : i32
      scf.if %cond3A_320 {
        %sub3A = arith.constant 1 : i32
        %sub3A_405 = arith.subi %add3A_251, %sub3A : i32
        %jit3A_406 = arith.constant 8 : i32
        %eq3A_407 = arith.constant 0 : i32
        %eq3A_408 = arith.cmpi eq, %jit3A_406, %eq3A_407 : i32
        %jit3A_409 = arith.constant 1 : i32
        %select_n3A_410 = arith.select %eq3A_408, %jit3A_409, %jit3A_406 : i32
        %rem3A_411 = arith.remsi %sub3A_405, %select_n3A_410 : i32
        %ne3A_412 = arith.constant 0 : i32
        %ne3A_413 = arith.cmpi ne, %rem3A_411, %ne3A_412 : i32
        %lt3A_414 = arith.constant 0 : i32
        %lt3A_415 = arith.cmpi slt, %rem3A_411, %lt3A_414 : i32
        %lt3A_416 = arith.constant 0 : i32
        %lt3A_417 = arith.cmpi slt, %select_n3A_410, %lt3A_416 : i32
        %ne3A_418 = arith.xori %lt3A_415, %lt3A_417 : i1
        %and3A_419 = arith.andi %ne3A_418, %ne3A_413 : i1
        %add3A_420 = arith.addi %rem3A_411, %select_n3A_410 : i32
        %select_n3A_421 = arith.select %and3A_419, %add3A_420, %rem3A_411 : i32
        %dma_wait3A_422 = arith.constant 0 : i32
        %dma_wait3A_423 = tpu.memref_slice %arg8[%select_n3A_421, %dma_wait3A_422] : memref<8x128xi32, #tpu.memory_space<vmem>> -> memref<1x128xi32, #tpu.memory_space<vmem>>
        %dma_wait3A_424 = tpu.memref_squeeze %dma_wait3A_423 : memref<1x128xi32, #tpu.memory_space<vmem>> -> memref<128xi32, #tpu.memory_space<vmem>>
        %dma_wait3A_425 = arith.constant 0 : i32
        %dma_wait3A_426 = arith.constant 0 : i32
        %dma_wait3A_427 = tpu.memref_slice %arg2[%dma_wait3A_425, %dma_wait3A_426] : memref<10240x128xf32, #tpu.memory_space<hbm>> -> memref<10240x128xf32, #tpu.memory_space<hbm>>
        tpu.wait_indirect_dma semaphore(%arg14 : memref<!tpu.dma_semaphore, #tpu.memory_space<semaphore_mem>>) src(%dma_wait3A_427 : memref<10240x128xf32, #tpu.memory_space<hbm>>) dst(%arg11 : memref<128x128xf32, #tpu.memory_space<vmem>>)
        %sub3A_428 = arith.constant 1 : i32
        %sub3A_429 = arith.subi %add3A_251, %sub3A_428 : i32
        %jit3A_430 = arith.constant 8 : i32
        %eq3A_431 = arith.constant 0 : i32
        %eq3A_432 = arith.cmpi eq, %jit3A_430, %eq3A_431 : i32
        %jit3A_433 = arith.constant 1 : i32
        %select_n3A_434 = arith.select %eq3A_432, %jit3A_433, %jit3A_430 : i32
        %rem3A_435 = arith.remsi %sub3A_429, %select_n3A_434 : i32
        %ne3A_436 = arith.constant 0 : i32
        %ne3A_437 = arith.cmpi ne, %rem3A_435, %ne3A_436 : i32
        %lt3A_438 = arith.constant 0 : i32
        %lt3A_439 = arith.cmpi slt, %rem3A_435, %lt3A_438 : i32
        %lt3A_440 = arith.constant 0 : i32
        %lt3A_441 = arith.cmpi slt, %select_n3A_434, %lt3A_440 : i32
        %ne3A_442 = arith.xori %lt3A_439, %lt3A_441 : i1
        %and3A_443 = arith.andi %ne3A_442, %ne3A_437 : i1
        %add3A_444 = arith.addi %rem3A_435, %select_n3A_434 : i32
        %select_n3A_445 = arith.select %and3A_443, %add3A_444, %rem3A_435 : i32
        %dma_start3A_446 = arith.constant 0 : i32
        %dma_start3A_447 = tpu.memref_slice %arg9[%select_n3A_445, %dma_start3A_446] : memref<8x128xi32, #tpu.memory_space<vmem>> -> memref<1x128xi32, #tpu.memory_space<vmem>>
        %dma_start3A_448 = tpu.memref_squeeze %dma_start3A_447 : memref<1x128xi32, #tpu.memory_space<vmem>> -> memref<128xi32, #tpu.memory_space<vmem>>
        %dma_start3A_449 = arith.constant 0 : i32
        %dma_start3A_450 = arith.constant 0 : i32
        %dma_start3A_451 = tpu.memref_slice %arg7[%dma_start3A_449, %dma_start3A_450] : memref<10240x128xf32, #tpu.memory_space<vmem_shared>> -> memref<10240x128xf32, #tpu.memory_space<vmem_shared>>
        tpu.enqueue_indirect_dma source(%arg11 : memref<128x128xf32, #tpu.memory_space<vmem>>) target(%dma_start3A_451 : memref<10240x128xf32, #tpu.memory_space<vmem_shared>>) offsets(%dma_start3A_448 : memref<128xi32, #tpu.memory_space<vmem>>) semaphore(%arg16 : memref<!tpu.dma_semaphore, #tpu.memory_space<semaphore_mem>>) {add = true}
      } else {
      }
      %mul3A_321 = arith.constant 2 : i32
      %mul3A_322 = arith.muli %scan3A_246, %mul3A_321 : i32
      %add3A_323 = arith.constant 1 : i32
      %add3A_324 = arith.addi %mul3A_322, %add3A_323 : i32
      %lt3A_325 = arith.constant 79 : i32
      %lt3A_326 = arith.cmpi slt, %add3A_324, %lt3A_325 : i32
      %convert_element_type3A_327 = arith.extui %lt3A_326 : i1 to i32
      %cond3A_328 = arith.constant 0 : i32
      %cond3A_329 = arith.cmpi ne, %convert_element_type3A_327, %cond3A_328 : i32
      scf.if %cond3A_329 {
        %add3A_405 = arith.constant 1 : i32
        %add3A_406 = arith.addi %add3A_324, %add3A_405 : i32
        %add3A_407 = arith.constant 1 : i32
        %add3A_408 = arith.addi %add3A_324, %add3A_407 : i32
        %jit3A_409 = arith.constant 8 : i32
        %eq3A_410 = arith.constant 0 : i32
        %eq3A_411 = arith.cmpi eq, %jit3A_409, %eq3A_410 : i32
        %jit3A_412 = arith.constant 1 : i32
        %select_n3A_413 = arith.select %eq3A_411, %jit3A_412, %jit3A_409 : i32
        %rem3A_414 = arith.remsi %add3A_408, %select_n3A_413 : i32
        %ne3A_415 = arith.constant 0 : i32
        %ne3A_416 = arith.cmpi ne, %rem3A_414, %ne3A_415 : i32
        %lt3A_417 = arith.constant 0 : i32
        %lt3A_418 = arith.cmpi slt, %rem3A_414, %lt3A_417 : i32
        %lt3A_419 = arith.constant 0 : i32
        %lt3A_420 = arith.cmpi slt, %select_n3A_413, %lt3A_419 : i32
        %ne3A_421 = arith.xori %lt3A_418, %lt3A_420 : i1
        %and3A_422 = arith.andi %ne3A_421, %ne3A_416 : i1
        %add3A_423 = arith.addi %rem3A_414, %select_n3A_413 : i32
        %select_n3A_424 = arith.select %and3A_422, %add3A_423, %rem3A_414 : i32
        %add3A_425 = arith.addi %mul3A_2, %add3A_406 : i32
        %add3A_426 = arith.addi %mul3A_2, %add3A_406 : i32
        %dma_start3A_427 = arith.constant 0 : i32
        %dma_start3A_428 = tpu.memref_slice %arg8[%select_n3A_424, %dma_start3A_427] : memref<8x128xi32, #tpu.memory_space<vmem>> -> memref<1x128xi32, #tpu.memory_space<vmem>>
        %dma_start3A_429 = tpu.memref_squeeze %dma_start3A_428 : memref<1x128xi32, #tpu.memory_space<vmem>> -> memref<128xi32, #tpu.memory_space<vmem>>
        %dma_start3A_430 = arith.constant 0 : i32
        %dma_start3A_431 = tpu.memref_slice %arg3[%add3A_425, %dma_start3A_430] : memref<2560x128xi32, #tpu.memory_space<hbm>> -> memref<1x128xi32, #tpu.memory_space<hbm>>
        %dma_start3A_432 = tpu.memref_squeeze %dma_start3A_431 : memref<1x128xi32, #tpu.memory_space<hbm>> -> memref<128xi32, #tpu.memory_space<hbm>>
        %dma_start3A_433 = arith.constant 0 : i32
        %dma_start3A_434 = tpu.memref_slice %arg8[%select_n3A_424, %dma_start3A_433] : memref<8x128xi32, #tpu.memory_space<vmem>> -> memref<1x128xi32, #tpu.memory_space<vmem>>
        %dma_start3A_435 = tpu.memref_squeeze %dma_start3A_434 : memref<1x128xi32, #tpu.memory_space<vmem>> -> memref<128xi32, #tpu.memory_space<vmem>>
        %dma_start3A_436 = arith.constant 0 : i32
        %dma_start3A_437 = tpu.memref_slice %arg3[%add3A_425, %dma_start3A_436] : memref<2560x128xi32, #tpu.memory_space<hbm>> -> memref<1x128xi32, #tpu.memory_space<hbm>>
        %dma_start3A_438 = tpu.memref_squeeze %dma_start3A_437 : memref<1x128xi32, #tpu.memory_space<hbm>> -> memref<128xi32, #tpu.memory_space<hbm>>
        tpu.enqueue_dma source(%dma_start3A_438 : memref<128xi32, #tpu.memory_space<hbm>>) target(%dma_start3A_435 : memref<128xi32, #tpu.memory_space<vmem>>) target_semaphore(%arg12 : memref<!tpu.dma_semaphore, #tpu.memory_space<semaphore_mem>>)
        %dma_start3A_439 = arith.constant 0 : i32
        %dma_start3A_440 = tpu.memref_slice %arg9[%select_n3A_424, %dma_start3A_439] : memref<8x128xi32, #tpu.memory_space<vmem>> -> memref<1x128xi32, #tpu.memory_space<vmem>>
        %dma_start3A_441 = tpu.memref_squeeze %dma_start3A_440 : memref<1x128xi32, #tpu.memory_space<vmem>> -> memref<128xi32, #tpu.memory_space<vmem>>
        %dma_start3A_442 = arith.constant 0 : i32
        %dma_start3A_443 = tpu.memref_slice %arg4[%add3A_426, %dma_start3A_442] : memref<2560x128xi32, #tpu.memory_space<hbm>> -> memref<1x128xi32, #tpu.memory_space<hbm>>
        %dma_start3A_444 = tpu.memref_squeeze %dma_start3A_443 : memref<1x128xi32, #tpu.memory_space<hbm>> -> memref<128xi32, #tpu.memory_space<hbm>>
        %dma_start3A_445 = arith.constant 0 : i32
        %dma_start3A_446 = tpu.memref_slice %arg9[%select_n3A_424, %dma_start3A_445] : memref<8x128xi32, #tpu.memory_space<vmem>> -> memref<1x128xi32, #tpu.memory_space<vmem>>
        %dma_start3A_447 = tpu.memref_squeeze %dma_start3A_446 : memref<1x128xi32, #tpu.memory_space<vmem>> -> memref<128xi32, #tpu.memory_space<vmem>>
        %dma_start3A_448 = arith.constant 0 : i32
        %dma_start3A_449 = tpu.memref_slice %arg4[%add3A_426, %dma_start3A_448] : memref<2560x128xi32, #tpu.memory_space<hbm>> -> memref<1x128xi32, #tpu.memory_space<hbm>>
        %dma_start3A_450 = tpu.memref_squeeze %dma_start3A_449 : memref<1x128xi32, #tpu.memory_space<hbm>> -> memref<128xi32, #tpu.memory_space<hbm>>
        tpu.enqueue_dma source(%dma_start3A_450 : memref<128xi32, #tpu.memory_space<hbm>>) target(%dma_start3A_447 : memref<128xi32, #tpu.memory_space<vmem>>) target_semaphore(%arg12 : memref<!tpu.dma_semaphore, #tpu.memory_space<semaphore_mem>>)
      } else {
      }
      %ge3A_330 = arith.constant 2 : i32
      %ge3A_331 = arith.cmpi sge, %add3A_324, %ge3A_330 : i32
      %convert_element_type3A_332 = arith.extui %ge3A_331 : i1 to i32
      %cond3A_333 = arith.constant 0 : i32
      %cond3A_334 = arith.cmpi ne, %convert_element_type3A_332, %cond3A_333 : i32
      scf.if %cond3A_334 {
        %sub3A = arith.constant 2 : i32
        %sub3A_405 = arith.subi %add3A_324, %sub3A : i32
        %jit3A_406 = arith.constant 8 : i32
        %eq3A_407 = arith.constant 0 : i32
        %eq3A_408 = arith.cmpi eq, %jit3A_406, %eq3A_407 : i32
        %jit3A_409 = arith.constant 1 : i32
        %select_n3A_410 = arith.select %eq3A_408, %jit3A_409, %jit3A_406 : i32
        %rem3A_411 = arith.remsi %sub3A_405, %select_n3A_410 : i32
        %ne3A_412 = arith.constant 0 : i32
        %ne3A_413 = arith.cmpi ne, %rem3A_411, %ne3A_412 : i32
        %lt3A_414 = arith.constant 0 : i32
        %lt3A_415 = arith.cmpi slt, %rem3A_411, %lt3A_414 : i32
        %lt3A_416 = arith.constant 0 : i32
        %lt3A_417 = arith.cmpi slt, %select_n3A_410, %lt3A_416 : i32
        %ne3A_418 = arith.xori %lt3A_415, %lt3A_417 : i1
        %and3A_419 = arith.andi %ne3A_418, %ne3A_413 : i1
        %add3A_420 = arith.addi %rem3A_411, %select_n3A_410 : i32
        %select_n3A_421 = arith.select %and3A_419, %add3A_420, %rem3A_411 : i32
        %dma_wait3A_422 = arith.constant 0 : i32
        %dma_wait3A_423 = tpu.memref_slice %arg9[%select_n3A_421, %dma_wait3A_422] : memref<8x128xi32, #tpu.memory_space<vmem>> -> memref<1x128xi32, #tpu.memory_space<vmem>>
        %dma_wait3A_424 = tpu.memref_squeeze %dma_wait3A_423 : memref<1x128xi32, #tpu.memory_space<vmem>> -> memref<128xi32, #tpu.memory_space<vmem>>
        %dma_wait3A_425 = arith.constant 0 : i32
        %dma_wait3A_426 = arith.constant 0 : i32
        %dma_wait3A_427 = tpu.memref_slice %arg7[%dma_wait3A_425, %dma_wait3A_426] : memref<10240x128xf32, #tpu.memory_space<vmem_shared>> -> memref<10240x128xf32, #tpu.memory_space<vmem_shared>>
        tpu.wait_indirect_dma semaphore(%arg16 : memref<!tpu.dma_semaphore, #tpu.memory_space<semaphore_mem>>) src(%arg11 : memref<128x128xf32, #tpu.memory_space<vmem>>) dst(%dma_wait3A_427 : memref<10240x128xf32, #tpu.memory_space<vmem_shared>>)
      } else {
      }
      %jit3A_335 = arith.constant 8 : i32
      %eq3A_336 = arith.constant 0 : i32
      %eq3A_337 = arith.cmpi eq, %jit3A_335, %eq3A_336 : i32
      %jit3A_338 = arith.constant 1 : i32
      %select_n3A_339 = arith.select %eq3A_337, %jit3A_338, %jit3A_335 : i32
      %rem3A_340 = arith.remsi %add3A_324, %select_n3A_339 : i32
      %ne3A_341 = arith.constant 0 : i32
      %ne3A_342 = arith.cmpi ne, %rem3A_340, %ne3A_341 : i32
      %lt3A_343 = arith.constant 0 : i32
      %lt3A_344 = arith.cmpi slt, %rem3A_340, %lt3A_343 : i32
      %lt3A_345 = arith.constant 0 : i32
      %lt3A_346 = arith.cmpi slt, %select_n3A_339, %lt3A_345 : i32
      %ne3A_347 = arith.xori %lt3A_344, %lt3A_346 : i1
      %and3A_348 = arith.andi %ne3A_347, %ne3A_342 : i1
      %add3A_349 = arith.addi %rem3A_340, %select_n3A_339 : i32
      %select_n3A_350 = arith.select %and3A_348, %add3A_349, %rem3A_340 : i32
      %add3A_351 = arith.addi %mul3A_2, %add3A_324 : i32
      %add3A_352 = arith.addi %mul3A_2, %add3A_324 : i32
      %dma_wait3A_353 = arith.constant 0 : i32
      %dma_wait3A_354 = tpu.memref_slice %arg8[%select_n3A_350, %dma_wait3A_353] : memref<8x128xi32, #tpu.memory_space<vmem>> -> memref<1x128xi32, #tpu.memory_space<vmem>>
      %dma_wait3A_355 = tpu.memref_squeeze %dma_wait3A_354 : memref<1x128xi32, #tpu.memory_space<vmem>> -> memref<128xi32, #tpu.memory_space<vmem>>
      %dma_wait3A_356 = arith.constant 0 : i32
      %dma_wait3A_357 = tpu.memref_slice %arg3[%add3A_351, %dma_wait3A_356] : memref<2560x128xi32, #tpu.memory_space<hbm>> -> memref<1x128xi32, #tpu.memory_space<hbm>>
      %dma_wait3A_358 = tpu.memref_squeeze %dma_wait3A_357 : memref<1x128xi32, #tpu.memory_space<hbm>> -> memref<128xi32, #tpu.memory_space<hbm>>
      %dma_wait3A_359 = arith.constant 0 : i32
      %dma_wait3A_360 = tpu.memref_slice %arg8[%select_n3A_350, %dma_wait3A_359] : memref<8x128xi32, #tpu.memory_space<vmem>> -> memref<1x128xi32, #tpu.memory_space<vmem>>
      %dma_wait3A_361 = tpu.memref_squeeze %dma_wait3A_360 : memref<1x128xi32, #tpu.memory_space<vmem>> -> memref<128xi32, #tpu.memory_space<vmem>>
      %dma_wait3A_362 = arith.constant 0 : i32
      %dma_wait3A_363 = tpu.memref_slice %arg3[%add3A_351, %dma_wait3A_362] : memref<2560x128xi32, #tpu.memory_space<hbm>> -> memref<1x128xi32, #tpu.memory_space<hbm>>
      %dma_wait3A_364 = tpu.memref_squeeze %dma_wait3A_363 : memref<1x128xi32, #tpu.memory_space<hbm>> -> memref<128xi32, #tpu.memory_space<hbm>>
      tpu.wait_dma2 semaphore(%arg12 : memref<!tpu.dma_semaphore, #tpu.memory_space<semaphore_mem>>) src(%dma_wait3A_364 : memref<128xi32, #tpu.memory_space<hbm>>) dst(%dma_wait3A_361 : memref<128xi32, #tpu.memory_space<vmem>>)
      %dma_wait3A_365 = arith.constant 0 : i32
      %dma_wait3A_366 = tpu.memref_slice %arg9[%select_n3A_350, %dma_wait3A_365] : memref<8x128xi32, #tpu.memory_space<vmem>> -> memref<1x128xi32, #tpu.memory_space<vmem>>
      %dma_wait3A_367 = tpu.memref_squeeze %dma_wait3A_366 : memref<1x128xi32, #tpu.memory_space<vmem>> -> memref<128xi32, #tpu.memory_space<vmem>>
      %dma_wait3A_368 = arith.constant 0 : i32
      %dma_wait3A_369 = tpu.memref_slice %arg4[%add3A_352, %dma_wait3A_368] : memref<2560x128xi32, #tpu.memory_space<hbm>> -> memref<1x128xi32, #tpu.memory_space<hbm>>
      %dma_wait3A_370 = tpu.memref_squeeze %dma_wait3A_369 : memref<1x128xi32, #tpu.memory_space<hbm>> -> memref<128xi32, #tpu.memory_space<hbm>>
      %dma_wait3A_371 = arith.constant 0 : i32
      %dma_wait3A_372 = tpu.memref_slice %arg9[%select_n3A_350, %dma_wait3A_371] : memref<8x128xi32, #tpu.memory_space<vmem>> -> memref<1x128xi32, #tpu.memory_space<vmem>>
      %dma_wait3A_373 = tpu.memref_squeeze %dma_wait3A_372 : memref<1x128xi32, #tpu.memory_space<vmem>> -> memref<128xi32, #tpu.memory_space<vmem>>
      %dma_wait3A_374 = arith.constant 0 : i32
      %dma_wait3A_375 = tpu.memref_slice %arg4[%add3A_352, %dma_wait3A_374] : memref<2560x128xi32, #tpu.memory_space<hbm>> -> memref<1x128xi32, #tpu.memory_space<hbm>>
      %dma_wait3A_376 = tpu.memref_squeeze %dma_wait3A_375 : memref<1x128xi32, #tpu.memory_space<hbm>> -> memref<128xi32, #tpu.memory_space<hbm>>
      tpu.wait_dma2 semaphore(%arg12 : memref<!tpu.dma_semaphore, #tpu.memory_space<semaphore_mem>>) src(%dma_wait3A_376 : memref<128xi32, #tpu.memory_space<hbm>>) dst(%dma_wait3A_373 : memref<128xi32, #tpu.memory_space<vmem>>)
      %jit3A_377 = arith.constant 8 : i32
      %eq3A_378 = arith.constant 0 : i32
      %eq3A_379 = arith.cmpi eq, %jit3A_377, %eq3A_378 : i32
      %jit3A_380 = arith.constant 1 : i32
      %select_n3A_381 = arith.select %eq3A_379, %jit3A_380, %jit3A_377 : i32
      %rem3A_382 = arith.remsi %add3A_324, %select_n3A_381 : i32
      %ne3A_383 = arith.constant 0 : i32
      %ne3A_384 = arith.cmpi ne, %rem3A_382, %ne3A_383 : i32
      %lt3A_385 = arith.constant 0 : i32
      %lt3A_386 = arith.cmpi slt, %rem3A_382, %lt3A_385 : i32
      %lt3A_387 = arith.constant 0 : i32
      %lt3A_388 = arith.cmpi slt, %select_n3A_381, %lt3A_387 : i32
      %ne3A_389 = arith.xori %lt3A_386, %lt3A_388 : i1
      %and3A_390 = arith.andi %ne3A_389, %ne3A_384 : i1
      %add3A_391 = arith.addi %rem3A_382, %select_n3A_381 : i32
      %select_n3A_392 = arith.select %and3A_390, %add3A_391, %rem3A_382 : i32
      %dma_start3A_393 = arith.constant 0 : i32
      %dma_start3A_394 = tpu.memref_slice %arg8[%select_n3A_392, %dma_start3A_393] : memref<8x128xi32, #tpu.memory_space<vmem>> -> memref<1x128xi32, #tpu.memory_space<vmem>>
      %dma_start3A_395 = tpu.memref_squeeze %dma_start3A_394 : memref<1x128xi32, #tpu.memory_space<vmem>> -> memref<128xi32, #tpu.memory_space<vmem>>
      %dma_start3A_396 = arith.constant 0 : i32
      %dma_start3A_397 = arith.constant 0 : i32
      %dma_start3A_398 = tpu.memref_slice %arg2[%dma_start3A_396, %dma_start3A_397] : memref<10240x128xf32, #tpu.memory_space<hbm>> -> memref<10240x128xf32, #tpu.memory_space<hbm>>
      tpu.enqueue_indirect_dma source(%dma_start3A_398 : memref<10240x128xf32, #tpu.memory_space<hbm>>) target(%arg11 : memref<128x128xf32, #tpu.memory_space<vmem>>) offsets(%dma_start3A_395 : memref<128xi32, #tpu.memory_space<vmem>>) semaphore(%arg14 : memref<!tpu.dma_semaphore, #tpu.memory_space<semaphore_mem>>)
      %ge3A_399 = arith.constant 1 : i32
      %ge3A_400 = arith.cmpi sge, %add3A_324, %ge3A_399 : i32
      %convert_element_type3A_401 = arith.extui %ge3A_400 : i1 to i32
      %cond3A_402 = arith.constant 0 : i32
      %cond3A_403 = arith.cmpi ne, %convert_element_type3A_401, %cond3A_402 : i32
      scf.if %cond3A_403 {
        %sub3A = arith.constant 1 : i32
        %sub3A_405 = arith.subi %add3A_324, %sub3A : i32
        %jit3A_406 = arith.constant 8 : i32
        %eq3A_407 = arith.constant 0 : i32
        %eq3A_408 = arith.cmpi eq, %jit3A_406, %eq3A_407 : i32
        %jit3A_409 = arith.constant 1 : i32
        %select_n3A_410 = arith.select %eq3A_408, %jit3A_409, %jit3A_406 : i32
        %rem3A_411 = arith.remsi %sub3A_405, %select_n3A_410 : i32
        %ne3A_412 = arith.constant 0 : i32
        %ne3A_413 = arith.cmpi ne, %rem3A_411, %ne3A_412 : i32
        %lt3A_414 = arith.constant 0 : i32
        %lt3A_415 = arith.cmpi slt, %rem3A_411, %lt3A_414 : i32
        %lt3A_416 = arith.constant 0 : i32
        %lt3A_417 = arith.cmpi slt, %select_n3A_410, %lt3A_416 : i32
        %ne3A_418 = arith.xori %lt3A_415, %lt3A_417 : i1
        %and3A_419 = arith.andi %ne3A_418, %ne3A_413 : i1
        %add3A_420 = arith.addi %rem3A_411, %select_n3A_410 : i32
        %select_n3A_421 = arith.select %and3A_419, %add3A_420, %rem3A_411 : i32
        %dma_wait3A_422 = arith.constant 0 : i32
        %dma_wait3A_423 = tpu.memref_slice %arg8[%select_n3A_421, %dma_wait3A_422] : memref<8x128xi32, #tpu.memory_space<vmem>> -> memref<1x128xi32, #tpu.memory_space<vmem>>
        %dma_wait3A_424 = tpu.memref_squeeze %dma_wait3A_423 : memref<1x128xi32, #tpu.memory_space<vmem>> -> memref<128xi32, #tpu.memory_space<vmem>>
        %dma_wait3A_425 = arith.constant 0 : i32
        %dma_wait3A_426 = arith.constant 0 : i32
        %dma_wait3A_427 = tpu.memref_slice %arg2[%dma_wait3A_425, %dma_wait3A_426] : memref<10240x128xf32, #tpu.memory_space<hbm>> -> memref<10240x128xf32, #tpu.memory_space<hbm>>
        tpu.wait_indirect_dma semaphore(%arg13 : memref<!tpu.dma_semaphore, #tpu.memory_space<semaphore_mem>>) src(%dma_wait3A_427 : memref<10240x128xf32, #tpu.memory_space<hbm>>) dst(%arg10 : memref<128x128xf32, #tpu.memory_space<vmem>>)
        %sub3A_428 = arith.constant 1 : i32
        %sub3A_429 = arith.subi %add3A_324, %sub3A_428 : i32
        %jit3A_430 = arith.constant 8 : i32
        %eq3A_431 = arith.constant 0 : i32
        %eq3A_432 = arith.cmpi eq, %jit3A_430, %eq3A_431 : i32
        %jit3A_433 = arith.constant 1 : i32
        %select_n3A_434 = arith.select %eq3A_432, %jit3A_433, %jit3A_430 : i32
        %rem3A_435 = arith.remsi %sub3A_429, %select_n3A_434 : i32
        %ne3A_436 = arith.constant 0 : i32
        %ne3A_437 = arith.cmpi ne, %rem3A_435, %ne3A_436 : i32
        %lt3A_438 = arith.constant 0 : i32
        %lt3A_439 = arith.cmpi slt, %rem3A_435, %lt3A_438 : i32
        %lt3A_440 = arith.constant 0 : i32
        %lt3A_441 = arith.cmpi slt, %select_n3A_434, %lt3A_440 : i32
        %ne3A_442 = arith.xori %lt3A_439, %lt3A_441 : i1
        %and3A_443 = arith.andi %ne3A_442, %ne3A_437 : i1
        %add3A_444 = arith.addi %rem3A_435, %select_n3A_434 : i32
        %select_n3A_445 = arith.select %and3A_443, %add3A_444, %rem3A_435 : i32
        %dma_start3A_446 = arith.constant 0 : i32
        %dma_start3A_447 = tpu.memref_slice %arg9[%select_n3A_445, %dma_start3A_446] : memref<8x128xi32, #tpu.memory_space<vmem>> -> memref<1x128xi32, #tpu.memory_space<vmem>>
        %dma_start3A_448 = tpu.memref_squeeze %dma_start3A_447 : memref<1x128xi32, #tpu.memory_space<vmem>> -> memref<128xi32, #tpu.memory_space<vmem>>
        %dma_start3A_449 = arith.constant 0 : i32
        %dma_start3A_450 = arith.constant 0 : i32
        %dma_start3A_451 = tpu.memref_slice %arg7[%dma_start3A_449, %dma_start3A_450] : memref<10240x128xf32, #tpu.memory_space<vmem_shared>> -> memref<10240x128xf32, #tpu.memory_space<vmem_shared>>
        tpu.enqueue_indirect_dma source(%arg10 : memref<128x128xf32, #tpu.memory_space<vmem>>) target(%dma_start3A_451 : memref<10240x128xf32, #tpu.memory_space<vmem_shared>>) offsets(%dma_start3A_448 : memref<128xi32, #tpu.memory_space<vmem>>) semaphore(%arg15 : memref<!tpu.dma_semaphore, #tpu.memory_space<semaphore_mem>>) {add = true}
      } else {
      }
      %scan3A_404 = arith.constant 0 : i32
      scf.yield %scan3A_404 : i32
    }
    %scan3A_96 = arith.constant 40 : i32
    %dma_wait3A_97 = arith.constant 7 : i32
    %dma_wait3A_98 = arith.constant 0 : i32
    %dma_wait3A_99 = tpu.memref_slice %arg8[%dma_wait3A_97, %dma_wait3A_98] : memref<8x128xi32, #tpu.memory_space<vmem>> -> memref<1x128xi32, #tpu.memory_space<vmem>>
    %dma_wait3A_100 = tpu.memref_squeeze %dma_wait3A_99 : memref<1x128xi32, #tpu.memory_space<vmem>> -> memref<128xi32, #tpu.memory_space<vmem>>
    %dma_wait3A_101 = arith.constant 0 : i32
    %dma_wait3A_102 = arith.constant 0 : i32
    %dma_wait3A_103 = tpu.memref_slice %arg2[%dma_wait3A_101, %dma_wait3A_102] : memref<10240x128xf32, #tpu.memory_space<hbm>> -> memref<10240x128xf32, #tpu.memory_space<hbm>>
    tpu.wait_indirect_dma semaphore(%arg14 : memref<!tpu.dma_semaphore, #tpu.memory_space<semaphore_mem>>) src(%dma_wait3A_103 : memref<10240x128xf32, #tpu.memory_space<hbm>>) dst(%arg11 : memref<128x128xf32, #tpu.memory_space<vmem>>)
    %dma_start3A_104 = arith.constant 7 : i32
    %dma_start3A_105 = arith.constant 0 : i32
    %dma_start3A_106 = tpu.memref_slice %arg9[%dma_start3A_104, %dma_start3A_105] : memref<8x128xi32, #tpu.memory_space<vmem>> -> memref<1x128xi32, #tpu.memory_space<vmem>>
    %dma_start3A_107 = tpu.memref_squeeze %dma_start3A_106 : memref<1x128xi32, #tpu.memory_space<vmem>> -> memref<128xi32, #tpu.memory_space<vmem>>
    %dma_start3A_108 = arith.constant 0 : i32
    %dma_start3A_109 = arith.constant 0 : i32
    %dma_start3A_110 = tpu.memref_slice %arg7[%dma_start3A_108, %dma_start3A_109] : memref<10240x128xf32, #tpu.memory_space<vmem_shared>> -> memref<10240x128xf32, #tpu.memory_space<vmem_shared>>
    tpu.enqueue_indirect_dma source(%arg11 : memref<128x128xf32, #tpu.memory_space<vmem>>) target(%dma_start3A_110 : memref<10240x128xf32, #tpu.memory_space<vmem_shared>>) offsets(%dma_start3A_107 : memref<128xi32, #tpu.memory_space<vmem>>) semaphore(%arg16 : memref<!tpu.dma_semaphore, #tpu.memory_space<semaphore_mem>>) {add = true}
    %dma_wait3A_111 = arith.constant 6 : i32
    %dma_wait3A_112 = arith.constant 0 : i32
    %dma_wait3A_113 = tpu.memref_slice %arg9[%dma_wait3A_111, %dma_wait3A_112] : memref<8x128xi32, #tpu.memory_space<vmem>> -> memref<1x128xi32, #tpu.memory_space<vmem>>
    %dma_wait3A_114 = tpu.memref_squeeze %dma_wait3A_113 : memref<1x128xi32, #tpu.memory_space<vmem>> -> memref<128xi32, #tpu.memory_space<vmem>>
    %dma_wait3A_115 = arith.constant 0 : i32
    %dma_wait3A_116 = arith.constant 0 : i32
    %dma_wait3A_117 = tpu.memref_slice %arg7[%dma_wait3A_115, %dma_wait3A_116] : memref<10240x128xf32, #tpu.memory_space<vmem_shared>> -> memref<10240x128xf32, #tpu.memory_space<vmem_shared>>
    tpu.wait_indirect_dma semaphore(%arg15 : memref<!tpu.dma_semaphore, #tpu.memory_space<semaphore_mem>>) src(%arg10 : memref<128x128xf32, #tpu.memory_space<vmem>>) dst(%dma_wait3A_117 : memref<10240x128xf32, #tpu.memory_space<vmem_shared>>)
    %dma_wait3A_118 = arith.constant 7 : i32
    %dma_wait3A_119 = arith.constant 0 : i32
    %dma_wait3A_120 = tpu.memref_slice %arg9[%dma_wait3A_118, %dma_wait3A_119] : memref<8x128xi32, #tpu.memory_space<vmem>> -> memref<1x128xi32, #tpu.memory_space<vmem>>
    %dma_wait3A_121 = tpu.memref_squeeze %dma_wait3A_120 : memref<1x128xi32, #tpu.memory_space<vmem>> -> memref<128xi32, #tpu.memory_space<vmem>>
    %dma_wait3A_122 = arith.constant 0 : i32
    %dma_wait3A_123 = arith.constant 0 : i32
    %dma_wait3A_124 = tpu.memref_slice %arg7[%dma_wait3A_122, %dma_wait3A_123] : memref<10240x128xf32, #tpu.memory_space<vmem_shared>> -> memref<10240x128xf32, #tpu.memory_space<vmem_shared>>
    tpu.wait_indirect_dma semaphore(%arg16 : memref<!tpu.dma_semaphore, #tpu.memory_space<semaphore_mem>>) src(%arg11 : memref<128x128xf32, #tpu.memory_space<vmem>>) dst(%dma_wait3A_124 : memref<10240x128xf32, #tpu.memory_space<vmem_shared>>)
    %barrier3A_125 = arith.constant 0 : index
    tpu.barrier barrier_id(%barrier3A_125)
    %mul3A_126 = arith.constant 640 : i32
    %mul3A_127 = arith.muli %arg1, %mul3A_126 : i32
    %add3A_128 = arith.constant 0 : i32
    %add3A_129 = arith.addi %mul3A_127, %add3A_128 : i32
    %dma_start3A_130 = arith.constant 0 : i32
    %dma_start3A_131 = tpu.memref_slice %arg7[%add3A_129, %dma_start3A_130] : memref<10240x128xf32, #tpu.memory_space<vmem_shared>> -> memref<128x128xf32, #tpu.memory_space<vmem_shared>>
    %dma_start3A_132 = arith.constant 0 : i32
    %dma_start3A_133 = tpu.memref_slice %arg7[%add3A_129, %dma_start3A_132] : memref<10240x128xf32, #tpu.memory_space<vmem_shared>> -> memref<128x128xf32, #tpu.memory_space<vmem_shared>>
    tpu.enqueue_dma source(%dma_start3A_133 : memref<128x128xf32, #tpu.memory_space<vmem_shared>>) target(%arg10 : memref<128x128xf32, #tpu.memory_space<vmem>>) target_semaphore(%arg13 : memref<!tpu.dma_semaphore, #tpu.memory_space<semaphore_mem>>)
    %dma_wait3A_134 = arith.constant 0 : i32
    %dma_wait3A_135 = tpu.memref_slice %arg7[%add3A_129, %dma_wait3A_134] : memref<10240x128xf32, #tpu.memory_space<vmem_shared>> -> memref<128x128xf32, #tpu.memory_space<vmem_shared>>
    %dma_wait3A_136 = arith.constant 0 : i32
    %dma_wait3A_137 = tpu.memref_slice %arg7[%add3A_129, %dma_wait3A_136] : memref<10240x128xf32, #tpu.memory_space<vmem_shared>> -> memref<128x128xf32, #tpu.memory_space<vmem_shared>>
    tpu.wait_dma2 semaphore(%arg13 : memref<!tpu.dma_semaphore, #tpu.memory_space<semaphore_mem>>) src(%dma_wait3A_137 : memref<128x128xf32, #tpu.memory_space<vmem_shared>>) dst(%arg10 : memref<128x128xf32, #tpu.memory_space<vmem>>)
    %mul3A_138 = arith.constant 640 : i32
    %mul3A_139 = arith.muli %add3A, %mul3A_138 : i32
    %add3A_140 = arith.constant 0 : i32
    %add3A_141 = arith.addi %mul3A_139, %add3A_140 : i32
    %dma_start3A_142 = arith.constant 0 : i32
    %dma_start3A_143 = tpu.memref_slice %arg6[%add3A_141, %dma_start3A_142] : memref<20480x128xf32, #tpu.memory_space<hbm>> -> memref<128x128xf32, #tpu.memory_space<hbm>>
    %dma_start3A_144 = arith.constant 0 : i32
    %dma_start3A_145 = tpu.memref_slice %arg6[%add3A_141, %dma_start3A_144] : memref<20480x128xf32, #tpu.memory_space<hbm>> -> memref<128x128xf32, #tpu.memory_space<hbm>>
    tpu.enqueue_dma source(%arg10 : memref<128x128xf32, #tpu.memory_space<vmem>>) target(%dma_start3A_145 : memref<128x128xf32, #tpu.memory_space<hbm>>) target_semaphore(%arg15 : memref<!tpu.dma_semaphore, #tpu.memory_space<semaphore_mem>>)
    %mul3A_146 = arith.constant 640 : i32
    %mul3A_147 = arith.muli %arg1, %mul3A_146 : i32
    %add3A_148 = arith.constant 128 : i32
    %add3A_149 = arith.addi %mul3A_147, %add3A_148 : i32
    %dma_start3A_150 = arith.constant 0 : i32
    %dma_start3A_151 = tpu.memref_slice %arg7[%add3A_149, %dma_start3A_150] : memref<10240x128xf32, #tpu.memory_space<vmem_shared>> -> memref<128x128xf32, #tpu.memory_space<vmem_shared>>
    %dma_start3A_152 = arith.constant 0 : i32
    %dma_start3A_153 = tpu.memref_slice %arg7[%add3A_149, %dma_start3A_152] : memref<10240x128xf32, #tpu.memory_space<vmem_shared>> -> memref<128x128xf32, #tpu.memory_space<vmem_shared>>
    tpu.enqueue_dma source(%dma_start3A_153 : memref<128x128xf32, #tpu.memory_space<vmem_shared>>) target(%arg11 : memref<128x128xf32, #tpu.memory_space<vmem>>) target_semaphore(%arg14 : memref<!tpu.dma_semaphore, #tpu.memory_space<semaphore_mem>>)
    %dma_wait3A_154 = arith.constant 0 : i32
    %dma_wait3A_155 = tpu.memref_slice %arg7[%add3A_149, %dma_wait3A_154] : memref<10240x128xf32, #tpu.memory_space<vmem_shared>> -> memref<128x128xf32, #tpu.memory_space<vmem_shared>>
    %dma_wait3A_156 = arith.constant 0 : i32
    %dma_wait3A_157 = tpu.memref_slice %arg7[%add3A_149, %dma_wait3A_156] : memref<10240x128xf32, #tpu.memory_space<vmem_shared>> -> memref<128x128xf32, #tpu.memory_space<vmem_shared>>
    tpu.wait_dma2 semaphore(%arg14 : memref<!tpu.dma_semaphore, #tpu.memory_space<semaphore_mem>>) src(%dma_wait3A_157 : memref<128x128xf32, #tpu.memory_space<vmem_shared>>) dst(%arg11 : memref<128x128xf32, #tpu.memory_space<vmem>>)
    %mul3A_158 = arith.constant 640 : i32
    %mul3A_159 = arith.muli %add3A, %mul3A_158 : i32
    %add3A_160 = arith.constant 128 : i32
    %add3A_161 = arith.addi %mul3A_159, %add3A_160 : i32
    %dma_start3A_162 = arith.constant 0 : i32
    %dma_start3A_163 = tpu.memref_slice %arg6[%add3A_161, %dma_start3A_162] : memref<20480x128xf32, #tpu.memory_space<hbm>> -> memref<128x128xf32, #tpu.memory_space<hbm>>
    %dma_start3A_164 = arith.constant 0 : i32
    %dma_start3A_165 = tpu.memref_slice %arg6[%add3A_161, %dma_start3A_164] : memref<20480x128xf32, #tpu.memory_space<hbm>> -> memref<128x128xf32, #tpu.memory_space<hbm>>
    tpu.enqueue_dma source(%arg11 : memref<128x128xf32, #tpu.memory_space<vmem>>) target(%dma_start3A_165 : memref<128x128xf32, #tpu.memory_space<hbm>>) target_semaphore(%arg16 : memref<!tpu.dma_semaphore, #tpu.memory_space<semaphore_mem>>)
    %dma_wait3A_166 = arith.constant 0 : i32
    %dma_wait3A_167 = tpu.memref_slice %arg6[%add3A_141, %dma_wait3A_166] : memref<20480x128xf32, #tpu.memory_space<hbm>> -> memref<128x128xf32, #tpu.memory_space<hbm>>
    %dma_wait3A_168 = arith.constant 0 : i32
    %dma_wait3A_169 = tpu.memref_slice %arg6[%add3A_141, %dma_wait3A_168] : memref<20480x128xf32, #tpu.memory_space<hbm>> -> memref<128x128xf32, #tpu.memory_space<hbm>>
    tpu.wait_dma2 semaphore(%arg15 : memref<!tpu.dma_semaphore, #tpu.memory_space<semaphore_mem>>) src(%arg10 : memref<128x128xf32, #tpu.memory_space<vmem>>) dst(%dma_wait3A_169 : memref<128x128xf32, #tpu.memory_space<hbm>>)
    %mul3A_170 = arith.constant 640 : i32
    %mul3A_171 = arith.muli %arg1, %mul3A_170 : i32
    %add3A_172 = arith.constant 256 : i32
    %add3A_173 = arith.addi %mul3A_171, %add3A_172 : i32
    %dma_start3A_174 = arith.constant 0 : i32
    %dma_start3A_175 = tpu.memref_slice %arg7[%add3A_173, %dma_start3A_174] : memref<10240x128xf32, #tpu.memory_space<vmem_shared>> -> memref<128x128xf32, #tpu.memory_space<vmem_shared>>
    %dma_start3A_176 = arith.constant 0 : i32
    %dma_start3A_177 = tpu.memref_slice %arg7[%add3A_173, %dma_start3A_176] : memref<10240x128xf32, #tpu.memory_space<vmem_shared>> -> memref<128x128xf32, #tpu.memory_space<vmem_shared>>
    tpu.enqueue_dma source(%dma_start3A_177 : memref<128x128xf32, #tpu.memory_space<vmem_shared>>) target(%arg10 : memref<128x128xf32, #tpu.memory_space<vmem>>) target_semaphore(%arg13 : memref<!tpu.dma_semaphore, #tpu.memory_space<semaphore_mem>>)
    %dma_wait3A_178 = arith.constant 0 : i32
    %dma_wait3A_179 = tpu.memref_slice %arg7[%add3A_173, %dma_wait3A_178] : memref<10240x128xf32, #tpu.memory_space<vmem_shared>> -> memref<128x128xf32, #tpu.memory_space<vmem_shared>>
    %dma_wait3A_180 = arith.constant 0 : i32
    %dma_wait3A_181 = tpu.memref_slice %arg7[%add3A_173, %dma_wait3A_180] : memref<10240x128xf32, #tpu.memory_space<vmem_shared>> -> memref<128x128xf32, #tpu.memory_space<vmem_shared>>
    tpu.wait_dma2 semaphore(%arg13 : memref<!tpu.dma_semaphore, #tpu.memory_space<semaphore_mem>>) src(%dma_wait3A_181 : memref<128x128xf32, #tpu.memory_space<vmem_shared>>) dst(%arg10 : memref<128x128xf32, #tpu.memory_space<vmem>>)
    %mul3A_182 = arith.constant 640 : i32
    %mul3A_183 = arith.muli %add3A, %mul3A_182 : i32
    %add3A_184 = arith.constant 256 : i32
    %add3A_185 = arith.addi %mul3A_183, %add3A_184 : i32
    %dma_start3A_186 = arith.constant 0 : i32
    %dma_start3A_187 = tpu.memref_slice %arg6[%add3A_185, %dma_start3A_186] : memref<20480x128xf32, #tpu.memory_space<hbm>> -> memref<128x128xf32, #tpu.memory_space<hbm>>
    %dma_start3A_188 = arith.constant 0 : i32
    %dma_start3A_189 = tpu.memref_slice %arg6[%add3A_185, %dma_start3A_188] : memref<20480x128xf32, #tpu.memory_space<hbm>> -> memref<128x128xf32, #tpu.memory_space<hbm>>
    tpu.enqueue_dma source(%arg10 : memref<128x128xf32, #tpu.memory_space<vmem>>) target(%dma_start3A_189 : memref<128x128xf32, #tpu.memory_space<hbm>>) target_semaphore(%arg15 : memref<!tpu.dma_semaphore, #tpu.memory_space<semaphore_mem>>)
    %dma_wait3A_190 = arith.constant 0 : i32
    %dma_wait3A_191 = tpu.memref_slice %arg6[%add3A_161, %dma_wait3A_190] : memref<20480x128xf32, #tpu.memory_space<hbm>> -> memref<128x128xf32, #tpu.memory_space<hbm>>
    %dma_wait3A_192 = arith.constant 0 : i32
    %dma_wait3A_193 = tpu.memref_slice %arg6[%add3A_161, %dma_wait3A_192] : memref<20480x128xf32, #tpu.memory_space<hbm>> -> memref<128x128xf32, #tpu.memory_space<hbm>>
    tpu.wait_dma2 semaphore(%arg16 : memref<!tpu.dma_semaphore, #tpu.memory_space<semaphore_mem>>) src(%arg11 : memref<128x128xf32, #tpu.memory_space<vmem>>) dst(%dma_wait3A_193 : memref<128x128xf32, #tpu.memory_space<hbm>>)
    %mul3A_194 = arith.constant 640 : i32
    %mul3A_195 = arith.muli %arg1, %mul3A_194 : i32
    %add3A_196 = arith.constant 384 : i32
    %add3A_197 = arith.addi %mul3A_195, %add3A_196 : i32
    %dma_start3A_198 = arith.constant 0 : i32
    %dma_start3A_199 = tpu.memref_slice %arg7[%add3A_197, %dma_start3A_198] : memref<10240x128xf32, #tpu.memory_space<vmem_shared>> -> memref<128x128xf32, #tpu.memory_space<vmem_shared>>
    %dma_start3A_200 = arith.constant 0 : i32
    %dma_start3A_201 = tpu.memref_slice %arg7[%add3A_197, %dma_start3A_200] : memref<10240x128xf32, #tpu.memory_space<vmem_shared>> -> memref<128x128xf32, #tpu.memory_space<vmem_shared>>
    tpu.enqueue_dma source(%dma_start3A_201 : memref<128x128xf32, #tpu.memory_space<vmem_shared>>) target(%arg11 : memref<128x128xf32, #tpu.memory_space<vmem>>) target_semaphore(%arg14 : memref<!tpu.dma_semaphore, #tpu.memory_space<semaphore_mem>>)
    %dma_wait3A_202 = arith.constant 0 : i32
    %dma_wait3A_203 = tpu.memref_slice %arg7[%add3A_197, %dma_wait3A_202] : memref<10240x128xf32, #tpu.memory_space<vmem_shared>> -> memref<128x128xf32, #tpu.memory_space<vmem_shared>>
    %dma_wait3A_204 = arith.constant 0 : i32
    %dma_wait3A_205 = tpu.memref_slice %arg7[%add3A_197, %dma_wait3A_204] : memref<10240x128xf32, #tpu.memory_space<vmem_shared>> -> memref<128x128xf32, #tpu.memory_space<vmem_shared>>
    tpu.wait_dma2 semaphore(%arg14 : memref<!tpu.dma_semaphore, #tpu.memory_space<semaphore_mem>>) src(%dma_wait3A_205 : memref<128x128xf32, #tpu.memory_space<vmem_shared>>) dst(%arg11 : memref<128x128xf32, #tpu.memory_space<vmem>>)
    %mul3A_206 = arith.constant 640 : i32
    %mul3A_207 = arith.muli %add3A, %mul3A_206 : i32
    %add3A_208 = arith.constant 384 : i32
    %add3A_209 = arith.addi %mul3A_207, %add3A_208 : i32
    %dma_start3A_210 = arith.constant 0 : i32
    %dma_start3A_211 = tpu.memref_slice %arg6[%add3A_209, %dma_start3A_210] : memref<20480x128xf32, #tpu.memory_space<hbm>> -> memref<128x128xf32, #tpu.memory_space<hbm>>
    %dma_start3A_212 = arith.constant 0 : i32
    %dma_start3A_213 = tpu.memref_slice %arg6[%add3A_209, %dma_start3A_212] : memref<20480x128xf32, #tpu.memory_space<hbm>> -> memref<128x128xf32, #tpu.memory_space<hbm>>
    tpu.enqueue_dma source(%arg11 : memref<128x128xf32, #tpu.memory_space<vmem>>) target(%dma_start3A_213 : memref<128x128xf32, #tpu.memory_space<hbm>>) target_semaphore(%arg16 : memref<!tpu.dma_semaphore, #tpu.memory_space<semaphore_mem>>)
    %dma_wait3A_214 = arith.constant 0 : i32
    %dma_wait3A_215 = tpu.memref_slice %arg6[%add3A_185, %dma_wait3A_214] : memref<20480x128xf32, #tpu.memory_space<hbm>> -> memref<128x128xf32, #tpu.memory_space<hbm>>
    %dma_wait3A_216 = arith.constant 0 : i32
    %dma_wait3A_217 = tpu.memref_slice %arg6[%add3A_185, %dma_wait3A_216] : memref<20480x128xf32, #tpu.memory_space<hbm>> -> memref<128x128xf32, #tpu.memory_space<hbm>>
    tpu.wait_dma2 semaphore(%arg15 : memref<!tpu.dma_semaphore, #tpu.memory_space<semaphore_mem>>) src(%arg10 : memref<128x128xf32, #tpu.memory_space<vmem>>) dst(%dma_wait3A_217 : memref<128x128xf32, #tpu.memory_space<hbm>>)
    %mul3A_218 = arith.constant 640 : i32
    %mul3A_219 = arith.muli %arg1, %mul3A_218 : i32
    %add3A_220 = arith.constant 512 : i32
    %add3A_221 = arith.addi %mul3A_219, %add3A_220 : i32
    %dma_start3A_222 = arith.constant 0 : i32
    %dma_start3A_223 = tpu.memref_slice %arg7[%add3A_221, %dma_start3A_222] : memref<10240x128xf32, #tpu.memory_space<vmem_shared>> -> memref<128x128xf32, #tpu.memory_space<vmem_shared>>
    %dma_start3A_224 = arith.constant 0 : i32
    %dma_start3A_225 = tpu.memref_slice %arg7[%add3A_221, %dma_start3A_224] : memref<10240x128xf32, #tpu.memory_space<vmem_shared>> -> memref<128x128xf32, #tpu.memory_space<vmem_shared>>
    tpu.enqueue_dma source(%dma_start3A_225 : memref<128x128xf32, #tpu.memory_space<vmem_shared>>) target(%arg10 : memref<128x128xf32, #tpu.memory_space<vmem>>) target_semaphore(%arg13 : memref<!tpu.dma_semaphore, #tpu.memory_space<semaphore_mem>>)
    %dma_wait3A_226 = arith.constant 0 : i32
    %dma_wait3A_227 = tpu.memref_slice %arg7[%add3A_221, %dma_wait3A_226] : memref<10240x128xf32, #tpu.memory_space<vmem_shared>> -> memref<128x128xf32, #tpu.memory_space<vmem_shared>>
    %dma_wait3A_228 = arith.constant 0 : i32
    %dma_wait3A_229 = tpu.memref_slice %arg7[%add3A_221, %dma_wait3A_228] : memref<10240x128xf32, #tpu.memory_space<vmem_shared>> -> memref<128x128xf32, #tpu.memory_space<vmem_shared>>
    tpu.wait_dma2 semaphore(%arg13 : memref<!tpu.dma_semaphore, #tpu.memory_space<semaphore_mem>>) src(%dma_wait3A_229 : memref<128x128xf32, #tpu.memory_space<vmem_shared>>) dst(%arg10 : memref<128x128xf32, #tpu.memory_space<vmem>>)
    %mul3A_230 = arith.constant 640 : i32
    %mul3A_231 = arith.muli %add3A, %mul3A_230 : i32
    %add3A_232 = arith.constant 512 : i32
    %add3A_233 = arith.addi %mul3A_231, %add3A_232 : i32
    %dma_start3A_234 = arith.constant 0 : i32
    %dma_start3A_235 = tpu.memref_slice %arg6[%add3A_233, %dma_start3A_234] : memref<20480x128xf32, #tpu.memory_space<hbm>> -> memref<128x128xf32, #tpu.memory_space<hbm>>
    %dma_start3A_236 = arith.constant 0 : i32
    %dma_start3A_237 = tpu.memref_slice %arg6[%add3A_233, %dma_start3A_236] : memref<20480x128xf32, #tpu.memory_space<hbm>> -> memref<128x128xf32, #tpu.memory_space<hbm>>
    tpu.enqueue_dma source(%arg10 : memref<128x128xf32, #tpu.memory_space<vmem>>) target(%dma_start3A_237 : memref<128x128xf32, #tpu.memory_space<hbm>>) target_semaphore(%arg15 : memref<!tpu.dma_semaphore, #tpu.memory_space<semaphore_mem>>)
    %dma_wait3A_238 = arith.constant 0 : i32
    %dma_wait3A_239 = tpu.memref_slice %arg6[%add3A_233, %dma_wait3A_238] : memref<20480x128xf32, #tpu.memory_space<hbm>> -> memref<128x128xf32, #tpu.memory_space<hbm>>
    %dma_wait3A_240 = arith.constant 0 : i32
    %dma_wait3A_241 = tpu.memref_slice %arg6[%add3A_233, %dma_wait3A_240] : memref<20480x128xf32, #tpu.memory_space<hbm>> -> memref<128x128xf32, #tpu.memory_space<hbm>>
    tpu.wait_dma2 semaphore(%arg15 : memref<!tpu.dma_semaphore, #tpu.memory_space<semaphore_mem>>) src(%arg10 : memref<128x128xf32, #tpu.memory_space<vmem>>) dst(%dma_wait3A_241 : memref<128x128xf32, #tpu.memory_space<hbm>>)
    %dma_wait3A_242 = arith.constant 0 : i32
    %dma_wait3A_243 = tpu.memref_slice %arg6[%add3A_209, %dma_wait3A_242] : memref<20480x128xf32, #tpu.memory_space<hbm>> -> memref<128x128xf32, #tpu.memory_space<hbm>>
    %dma_wait3A_244 = arith.constant 0 : i32
    %dma_wait3A_245 = tpu.memref_slice %arg6[%add3A_209, %dma_wait3A_244] : memref<20480x128xf32, #tpu.memory_space<hbm>> -> memref<128x128xf32, #tpu.memory_space<hbm>>
    tpu.wait_dma2 semaphore(%arg16 : memref<!tpu.dma_semaphore, #tpu.memory_space<semaphore_mem>>) src(%arg11 : memref<128x128xf32, #tpu.memory_space<vmem>>) dst(%dma_wait3A_245 : memref<128x128xf32, #tpu.memory_space<hbm>>)
    return
  }
}

module attributes {stable_mosaic.version = 14 : i64} {
  func.func @_hsum_body(%arg0: memref<32x640x16xi32, #tpu.memory_space<vmem>>, %arg1: memref<640x16xf32, #tpu.memory_space<vmem>>) attributes {dimension_semantics = [], scalar_prefetch = 0 : i64, scratch_operands = 0 : i64, tpu.core_type = #tpu.core_type<tc>} {
    %get3A = arith.constant 0 : index
    %get3A_0 = arith.constant 0 : index
    %get3A_1 = arith.constant 0 : index
    %get3A_2 = vector.load %arg0[%get3A, %get3A_0, %get3A_1] : memref<32x640x16xi32, #tpu.memory_space<vmem>>, vector<32x640x16xi32>
    %convert_element_type3A = arith.sitofp %get3A_2 : vector<32x640x16xi32> to vector<32x640x16xf32>
    %reduce_sum3A = arith.constant dense<0.000000e+00> : vector<640x16xf32>
    %reduce_sum3A_3 = vector.multi_reduction <add>, %convert_element_type3A, %reduce_sum3A [0] : vector<32x640x16xf32> to vector<640x16xf32>
    %swap3A = arith.constant 0 : index
    %swap3A_4 = arith.constant 0 : index
    %swap3A_5 = vector.load %arg1[%swap3A, %swap3A_4] : memref<640x16xf32, #tpu.memory_space<vmem>>, vector<640x16xf32>
    tpu.vector_store %arg1[%swap3A, %swap3A_4], %reduce_sum3A_3 {strides = array<i32>} : memref<640x16xf32, #tpu.memory_space<vmem>>, vector<640x16xf32>,
    return
  }
}

module attributes {stable_mosaic.version = 14 : i64} {
  func.func @_projg_body(%arg0: i32, %arg1: memref<640x1xf32, #tpu.memory_space<vmem>>, %arg2: memref<640x40xf32, #tpu.memory_space<vmem>>, %arg3: memref<40x128xf32, #tpu.memory_space<vmem>>, %arg4: memref<40x128xf32, #tpu.memory_space<vmem>>, %arg5: memref<1x128xf32, #tpu.memory_space<vmem>>, %arg6: memref<1x128xf32, #tpu.memory_space<vmem>>, %arg7: memref<640x128xf32, #tpu.memory_space<vmem>>, %arg8: memref<640x128xf32, #tpu.memory_space<vmem>>, %arg9: memref<640x128xf32, #tpu.memory_space<vmem>>) attributes {dimension_semantics = [#tpu.dimension_semantics<arbitrary>], iteration_bounds = array<i64: 16>, scalar_prefetch = 0 : i64, scratch_operands = 0 : i64, tpu.core_type = #tpu.core_type<tc>, window_params = [{transform_indices = @transform_0, window_bounds = array<i64: 640, 1>}, {transform_indices = @transform_1, window_bounds = array<i64: 640, 40>}, {pipeline_mode = #tpu.pipeline_mode<synchronous>, transform_indices = @transform_2, window_bounds = array<i64: 40, 128>}, {pipeline_mode = #tpu.pipeline_mode<synchronous>, transform_indices = @transform_3, window_bounds = array<i64: 40, 128>}, {pipeline_mode = #tpu.pipeline_mode<synchronous>, transform_indices = @transform_4, window_bounds = array<i64: 1, 128>}, {pipeline_mode = #tpu.pipeline_mode<synchronous>, transform_indices = @transform_5, window_bounds = array<i64: 1, 128>}, {transform_indices = @transform_6, window_bounds = array<i64: 640, 128>}, {transform_indices = @transform_7, window_bounds = array<i64: 640, 128>}, {transform_indices = @transform_8, window_bounds = array<i64: 640, 128>}]} {
    %mul3A = arith.constant 640 : i32
    %mul3A_0 = arith.muli %arg0, %mul3A : i32
    %iota3A = tpu.iota {dimensions = array<i32: 0>} : vector<640x1xi32>
    %add3A = vector.broadcast %mul3A_0 : i32 to vector<640x1xi32>
    %add3A_1 = arith.addi %add3A, %iota3A : vector<640x1xi32>
    %get3A = arith.constant 0 : index
    %get3A_2 = arith.constant 0 : index
    %get3A_3 = vector.load %arg2[%get3A, %get3A_2] : memref<640x40xf32, #tpu.memory_space<vmem>>, vector<640x40xf32>
    %get3A_4 = arith.constant 0 : index
    %get3A_5 = arith.constant 0 : index
    %get3A_6 = vector.load %arg5[%get3A_4, %get3A_5] : memref<1x128xf32, #tpu.memory_space<vmem>>, vector<1x128xf32>
    %get3A_7 = arith.constant 0 : index
    %get3A_8 = arith.constant 0 : index
    %get3A_9 = vector.load %arg3[%get3A_7, %get3A_8] : memref<40x128xf32, #tpu.memory_space<vmem>>, vector<40x128xf32>
    %dot_general3A = arith.constant dense<0.000000e+00> : vector<640x128xf32>
    %dot_general3A_10 = tpu.matmul %get3A_3, %get3A_9, %dot_general3A {dimension_numbers = #tpu.dot_dimension_numbers<[1], [0], [0], [1], [0, 0, 1, 1], [], []>, transpose_lhs_hint = false} : vector<640x40xf32>, vector<40x128xf32>, vector<640x128xf32> -> vector<640x128xf32>
    %add3A_11 = vector.broadcast %get3A_6 : vector<1x128xf32> to vector<640x128xf32>
    %add3A_12 = arith.addf %add3A_11, %dot_general3A_10 : vector<640x128xf32>
    %get3A_13 = arith.constant 0 : index
    %get3A_14 = arith.constant 0 : index
    %get3A_15 = vector.load %arg6[%get3A_13, %get3A_14] : memref<1x128xf32, #tpu.memory_space<vmem>>, vector<1x128xf32>
    %get3A_16 = arith.constant 0 : index
    %get3A_17 = arith.constant 0 : index
    %get3A_18 = vector.load %arg4[%get3A_16, %get3A_17] : memref<40x128xf32, #tpu.memory_space<vmem>>, vector<40x128xf32>
    %dot_general3A_19 = arith.constant dense<0.000000e+00> : vector<640x128xf32>
    %dot_general3A_20 = tpu.matmul %get3A_3, %get3A_18, %dot_general3A_19 {dimension_numbers = #tpu.dot_dimension_numbers<[1], [0], [0], [1], [0, 0, 1, 1], [], []>, transpose_lhs_hint = false} : vector<640x40xf32>, vector<40x128xf32>, vector<640x128xf32> -> vector<640x128xf32>
    %add3A_21 = vector.broadcast %get3A_15 : vector<1x128xf32> to vector<640x128xf32>
    %add3A_22 = arith.addf %add3A_21, %dot_general3A_20 : vector<640x128xf32>
    %get3A_23 = arith.constant 0 : index
    %get3A_24 = arith.constant 0 : index
    %get3A_25 = vector.load %arg7[%get3A_23, %get3A_24] : memref<640x128xf32, #tpu.memory_space<vmem>>, vector<640x128xf32>
    %lt3A = arith.constant 4000 : i32
    %lt3A_26 = vector.broadcast %lt3A : i32 to vector<640x1xi32>
    %lt3A_27 = arith.cmpi slt, %add3A_1, %lt3A_26 : vector<640x1xi32>
    %broadcast_in_dim3A = vector.shape_cast %lt3A_27 : vector<640x1xi1> to vector<640x1xi1>
    %broadcast_in_dim3A_28 = vector.broadcast %broadcast_in_dim3A : vector<640x1xi1> to vector<640x128xi1>
    %select_n3A = arith.select %broadcast_in_dim3A_28, %add3A_12, %add3A_22 : vector<640x128xi1>, vector<640x128xf32>
    %add3A_29 = arith.addf %get3A_25, %select_n3A : vector<640x128xf32>
    %swap3A = arith.constant 0 : index
    %swap3A_30 = arith.constant 0 : index
    %swap3A_31 = vector.load %arg8[%swap3A, %swap3A_30] : memref<640x128xf32, #tpu.memory_space<vmem>>, vector<640x128xf32>
    tpu.vector_store %arg8[%swap3A, %swap3A_30], %add3A_29 {strides = array<i32>} : memref<640x128xf32, #tpu.memory_space<vmem>>, vector<640x128xf32>,
    %get3A_32 = arith.constant 0 : index
    %get3A_33 = arith.constant 0 : index
    %get3A_34 = vector.load %arg1[%get3A_32, %get3A_33] : memref<640x1xf32, #tpu.memory_space<vmem>>, vector<640x1xf32>
    %gt3A = arith.constant 0.000000e+00 : f32
    %gt3A_35 = vector.broadcast %gt3A : f32 to vector<640x1xf32>
    %gt3A_36 = arith.cmpf ogt, %get3A_34, %gt3A_35 : vector<640x1xf32>
    %rsqrt3A = math.rsqrt %get3A_34 : vector<640x1xf32>
    %jit3A = arith.constant 0.000000e+00 : f32
    %broadcast_in_dim3A_37 = vector.broadcast %jit3A : f32 to vector<640x1xf32>
    %select_n3A_38 = arith.select %gt3A_36, %rsqrt3A, %broadcast_in_dim3A_37 : vector<640x1xi1>, vector<640x1xf32>
    %mul3A_39 = vector.broadcast %select_n3A_38 : vector<640x1xf32> to vector<640x128xf32>
    %mul3A_40 = arith.mulf %mul3A_39, %add3A_29 : vector<640x128xf32>
    %swap3A_41 = arith.constant 0 : index
    %swap3A_42 = arith.constant 0 : index
    %swap3A_43 = vector.load %arg9[%swap3A_41, %swap3A_42] : memref<640x128xf32, #tpu.memory_space<vmem>>, vector<640x128xf32>
    tpu.vector_store %arg9[%swap3A_41, %swap3A_42], %mul3A_40 {strides = array<i32>} : memref<640x128xf32, #tpu.memory_space<vmem>>, vector<640x128xf32>,
    return
  }
  func.func @transform_0(%arg0: i32) -> (i32, i32) {
    %c0_i32 = arith.constant 0 : i32
    %c0_i32_0 = arith.constant 0 : i32
    return %arg0, %c0_i32 : i32, i32
  }
  func.func @transform_1(%arg0: i32) -> (i32, i32) {
    %c0_i32 = arith.constant 0 : i32
    %c0_i32_0 = arith.constant 0 : i32
    return %arg0, %c0_i32 : i32, i32
  }
  func.func @transform_2(%arg0: i32) -> (i32, i32) {
    %c0_i32 = arith.constant 0 : i32
    %c0_i32_0 = arith.constant 0 : i32
    %c0_i32_1 = arith.constant 0 : i32
    return %c0_i32, %c0_i32_0 : i32, i32
  }
  func.func @transform_3(%arg0: i32) -> (i32, i32) {
    %c0_i32 = arith.constant 0 : i32
    %c0_i32_0 = arith.constant 0 : i32
    %c0_i32_1 = arith.constant 0 : i32
    return %c0_i32, %c0_i32_0 : i32, i32
  }
  func.func @transform_4(%arg0: i32) -> (i32, i32) {
    %c0_i32 = arith.constant 0 : i32
    %c0_i32_0 = arith.constant 0 : i32
    %c0_i32_1 = arith.constant 0 : i32
    return %c0_i32, %c0_i32_0 : i32, i32
  }
  func.func @transform_5(%arg0: i32) -> (i32, i32) {
    %c0_i32 = arith.constant 0 : i32
    %c0_i32_0 = arith.constant 0 : i32
    %c0_i32_1 = arith.constant 0 : i32
    return %c0_i32, %c0_i32_0 : i32, i32
  }
  func.func @transform_6(%arg0: i32) -> (i32, i32) {
    %c0_i32 = arith.constant 0 : i32
    %c0_i32_0 = arith.constant 0 : i32
    return %arg0, %c0_i32 : i32, i32
  }
  func.func @transform_7(%arg0: i32) -> (i32, i32) {
    %c0_i32 = arith.constant 0 : i32
    %c0_i32_0 = arith.constant 0 : i32
    return %arg0, %c0_i32 : i32, i32
  }
  func.func @transform_8(%arg0: i32) -> (i32, i32) {
    %c0_i32 = arith.constant 0 : i32
    %c0_i32_0 = arith.constant 0 : i32
    return %arg0, %c0_i32 : i32, i32
  }
}

module attributes {stable_mosaic.version = 14 : i64} {
  func.func @_comb_body(%arg0: memref<2x10240x128xf32, #tpu.memory_space<vmem>>, %arg1: memref<10240x1xf32, #tpu.memory_space<vmem>>, %arg2: memref<10240x128xf32, #tpu.memory_space<vmem>>, %arg3: memref<10240x128xf32, #tpu.memory_space<vmem>>, %arg4: memref<10240x128xf32, #tpu.memory_space<vmem>>) attributes {dimension_semantics = [], scalar_prefetch = 0 : i64, scratch_operands = 0 : i64, tpu.core_type = #tpu.core_type<tc>} {
    %get3A = arith.constant 0 : index
    %get3A_0 = arith.constant 0 : index
    %get3A_1 = vector.load %arg1[%get3A, %get3A_0] : memref<10240x1xf32, #tpu.memory_space<vmem>>, vector<10240x1xf32>
    %gt3A = arith.constant 0.000000e+00 : f32
    %gt3A_2 = vector.broadcast %gt3A : f32 to vector<10240x1xf32>
    %gt3A_3 = arith.cmpf ogt, %get3A_1, %gt3A_2 : vector<10240x1xf32>
    %rsqrt3A = math.rsqrt %get3A_1 : vector<10240x1xf32>
    %jit3A = arith.constant 0.000000e+00 : f32
    %broadcast_in_dim3A = vector.broadcast %jit3A : f32 to vector<10240x1xf32>
    %select_n3A = arith.select %gt3A_3, %rsqrt3A, %broadcast_in_dim3A : vector<10240x1xi1>, vector<10240x1xf32>
    %get3A_4 = arith.constant 0 : index
    %get3A_5 = arith.constant 0 : index
    %get3A_6 = arith.constant 0 : index
    %get3A_7 = vector.load %arg0[%get3A_4, %get3A_5, %get3A_6] : memref<2x10240x128xf32, #tpu.memory_space<vmem>>, vector<1x10240x128xf32>
    %get3A_8 = vector.shape_cast %get3A_7 : vector<1x10240x128xf32> to vector<10240x128xf32>
    %get3A_9 = arith.constant 1 : index
    %get3A_10 = arith.constant 0 : index
    %get3A_11 = arith.constant 0 : index
    %get3A_12 = vector.load %arg0[%get3A_9, %get3A_10, %get3A_11] : memref<2x10240x128xf32, #tpu.memory_space<vmem>>, vector<1x10240x128xf32>
    %get3A_13 = vector.shape_cast %get3A_12 : vector<1x10240x128xf32> to vector<10240x128xf32>
    %add3A = arith.addf %get3A_8, %get3A_13 : vector<10240x128xf32>
    %mul3A = vector.broadcast %select_n3A : vector<10240x1xf32> to vector<10240x128xf32>
    %mul3A_14 = arith.mulf %mul3A, %add3A : vector<10240x128xf32>
    %get3A_15 = arith.constant 0 : index
    %get3A_16 = arith.constant 0 : index
    %get3A_17 = vector.load %arg2[%get3A_15, %get3A_16] : memref<10240x128xf32, #tpu.memory_space<vmem>>, vector<10240x128xf32>
    %add3A_18 = arith.addf %get3A_17, %mul3A_14 : vector<10240x128xf32>
    %swap3A = arith.constant 0 : index
    %swap3A_19 = arith.constant 0 : index
    %swap3A_20 = vector.load %arg4[%swap3A, %swap3A_19] : memref<10240x128xf32, #tpu.memory_space<vmem>>, vector<10240x128xf32>
    tpu.vector_store %arg4[%swap3A, %swap3A_19], %add3A_18 {strides = array<i32>} : memref<10240x128xf32, #tpu.memory_space<vmem>>, vector<10240x128xf32>,
    %mul3A_21 = vector.broadcast %select_n3A : vector<10240x1xf32> to vector<10240x128xf32>
    %mul3A_22 = arith.mulf %mul3A_21, %mul3A_14 : vector<10240x128xf32>
    %swap3A_23 = arith.constant 0 : index
    %swap3A_24 = arith.constant 0 : index
    %swap3A_25 = vector.load %arg3[%swap3A_23, %swap3A_24] : memref<10240x128xf32, #tpu.memory_space<vmem>>, vector<10240x128xf32>
    tpu.vector_store %arg3[%swap3A_23, %swap3A_24], %mul3A_22 {strides = array<i32>} : memref<10240x128xf32, #tpu.memory_space<vmem>>, vector<10240x128xf32>,
    return
  }
}

module attributes {stable_mosaic.version = 14 : i64} {
  func.func @_comb_last_body(%arg0: memref<2x10240x128xf32, #tpu.memory_space<vmem>>, %arg1: memref<10240x1xf32, #tpu.memory_space<vmem>>, %arg2: memref<10240x128xf32, #tpu.memory_space<vmem>>, %arg3: memref<10240x128xf32, #tpu.memory_space<vmem>>) attributes {dimension_semantics = [], scalar_prefetch = 0 : i64, scratch_operands = 0 : i64, tpu.core_type = #tpu.core_type<tc>} {
    %get3A = arith.constant 0 : index
    %get3A_0 = arith.constant 0 : index
    %get3A_1 = vector.load %arg1[%get3A, %get3A_0] : memref<10240x1xf32, #tpu.memory_space<vmem>>, vector<10240x1xf32>
    %gt3A = arith.constant 0.000000e+00 : f32
    %gt3A_2 = vector.broadcast %gt3A : f32 to vector<10240x1xf32>
    %gt3A_3 = arith.cmpf ogt, %get3A_1, %gt3A_2 : vector<10240x1xf32>
    %rsqrt3A = math.rsqrt %get3A_1 : vector<10240x1xf32>
    %jit3A = arith.constant 0.000000e+00 : f32
    %broadcast_in_dim3A = vector.broadcast %jit3A : f32 to vector<10240x1xf32>
    %select_n3A = arith.select %gt3A_3, %rsqrt3A, %broadcast_in_dim3A : vector<10240x1xi1>, vector<10240x1xf32>
    %get3A_4 = arith.constant 0 : index
    %get3A_5 = arith.constant 0 : index
    %get3A_6 = arith.constant 0 : index
    %get3A_7 = vector.load %arg0[%get3A_4, %get3A_5, %get3A_6] : memref<2x10240x128xf32, #tpu.memory_space<vmem>>, vector<1x10240x128xf32>
    %get3A_8 = vector.shape_cast %get3A_7 : vector<1x10240x128xf32> to vector<10240x128xf32>
    %get3A_9 = arith.constant 1 : index
    %get3A_10 = arith.constant 0 : index
    %get3A_11 = arith.constant 0 : index
    %get3A_12 = vector.load %arg0[%get3A_9, %get3A_10, %get3A_11] : memref<2x10240x128xf32, #tpu.memory_space<vmem>>, vector<1x10240x128xf32>
    %get3A_13 = vector.shape_cast %get3A_12 : vector<1x10240x128xf32> to vector<10240x128xf32>
    %add3A = arith.addf %get3A_8, %get3A_13 : vector<10240x128xf32>
    %mul3A = vector.broadcast %select_n3A : vector<10240x1xf32> to vector<10240x128xf32>
    %mul3A_14 = arith.mulf %mul3A, %add3A : vector<10240x128xf32>
    %get3A_15 = arith.constant 0 : index
    %get3A_16 = arith.constant 0 : index
    %get3A_17 = vector.load %arg2[%get3A_15, %get3A_16] : memref<10240x128xf32, #tpu.memory_space<vmem>>, vector<10240x128xf32>
    %add3A_18 = arith.addf %get3A_17, %mul3A_14 : vector<10240x128xf32>
    %mul3A_19 = arith.constant 2.500000e-01 : f32
    %mul3A_20 = vector.broadcast %mul3A_19 : f32 to vector<10240x128xf32>
    %mul3A_21 = arith.mulf %add3A_18, %mul3A_20 : vector<10240x128xf32>
    %swap3A = arith.constant 0 : index
    %swap3A_22 = arith.constant 0 : index
    %swap3A_23 = vector.load %arg3[%swap3A, %swap3A_22] : memref<10240x128xf32, #tpu.memory_space<vmem>>, vector<10240x128xf32>
    tpu.vector_store %arg3[%swap3A, %swap3A_22], %mul3A_21 {strides = array<i32>} : memref<10240x128xf32, #tpu.memory_space<vmem>>, vector<10240x128xf32>,
    return
  }
}

</mosaic_0001>

<sc_bundles>
// kernel: kernel.11.cloned.1.call-start
scs
__scs_entry_jumppad:
0x0: {  	(pc) =	sbr.rel $0x88, $3  }
0x1: {  	(tag) =	ssettag $0x0;
	lr =	simm.s32 $0x1  }
0x2: {  	[smem:$0x3F96] =	sst lr;
	_ =	strace $0xD0000000  }
0x3: {  	_ = 	snop  }
0x4: {  	_ = 	snop  }
0x5: {  	_ = 	snop  }
0x6: {  	_ = 	snop  }
0x7: {  	_ = 	snop  }
__scs_overlays_trampoline_lowered:
0x8: {  	[smem:$0x3FA5] =	sst s0  }
0x9: {  	[smem:$0x3FA6] =	sst s1  }
0xa: {  	[smem:$0x3FA7] =	sst s2  }
0xb: {  	[smem:$0x3FA8] =	sst s3  }
0xc: {  	[smem:$0x3FA9] =	sst s4  }
0xd: {  	[smem:$0x3FAA] =	sst s5  }
0xe: {  	[smem:$0x3FAB] =	sst s6  }
0xf: {  	[smem:$0x3FAC] =	sst s7  }
0x10: {  	[smem:$0x3FAD] =	sst s8  }
0x11: {  	[smem:$0x3FAE] =	sst s9;
	s0 =	simm.s32 @!p0 $0x0  }
0x12: {  	s1 =	sld [smem:$0x3F94];
	s0 =	simm.s32 @p0 $0x1  }
0x13: {  	[smem:$0x3FAF] =	sst s0;
	s0 =	simm.s32 @!p1 $0x0  }
0x14: {  	s2 =	sld [smem:$0x3F93];
	s0 =	simm.s32 @p1 $0x1  }
0x15: {  	[smem:$0x3FB0] =	sst s0;
	s0 =	simm.s32 @!p2 $0x0  }
0x16: {  	s3 =	sld [smem:$0x3FDB];
	s0 =	simm.s32 @p2 $0x1  }
0x17: {  	s4 =	simm.s32 $0x1BF5;
	[smem:$0x3FB2] =	sst s0  }
0x18: {  	s0 =	sld [smem:$0x3F95];
	_ =	swait.ge [sflag:s4], $0x0  }
0x19: {  	s7 =	sld [smem:$0x3F96]  }
0x1a: {  	s8 =	sadd.s32 $0xFFFFE003, lr  }
0x1b: {  	s9 =	sadd.s32 $0xFFFFFEF7, lr;
	s5 =	simm.s32 $0xFFFFFFFF;
	p2 =	slt.u32 s8, $0xFFFFF086  }
0x1c: {  	p1 =	slt.u32 s9, $0xF7A;
	s5 =	simm.s32 @!p2 $0x0  }
0x1d: {  	s5 =	simm.s32 @p1 $0x1;
	p0 =	seq.s32 s7, s2  }
0x1e: {  	s7 =	smul.u32 @!p0 $0xF7A, s2;
	p2 =	seq.s32 @!p0 s5, $0x0  }
0x1f: {  	s9 =	smul.u32 $0xF7A, s1;
	s8 =	simm.s32 @!p0 $0x1BF5;
	p2 =	por !p2, p0  }
0x20: {  	[sflag:s8] =	ssyncset.s32 @!p0 $0xFFFFF086;
	s6 =	sadd.s32 @!p0 s3, s7;
	s7 =	simm.s32 @!p0 $0x108  }
0x21: {  	s3 =	sadd.s32 s3, s9;
	s6 =	sadd.s32 @!p0 $0x88, s6;
	s7 =	simm.s32 @p2 $0x1082  }
0x22: {  	[simem:s7], [sflag:s8] =	dma.local @!p0 [hbm:s6], $0xF7A  }
0x23: {  	s9 =	sor.u32 $0xD0000000, s2;
	s6 =	simm.s32 $0x108;
	_ =	swait.ge @!p0 [sflag:s8], $0x0  }
0x24: {  	s3 =	sadd.s32 $0x88, s3;
	s6 =	simm.s32 @!p1 $0x1082;
	[sflag:s4] =	ssyncset.s32 $0xFFFFF086  }
0x25: {  	[simem:s6], [sflag:s4] =	dma.local [hbm:s3], $0xF7A  }
0x26: {  	[smem:$0x3F96] =	sst s1;
	(tag) =	ssettag s2;
	_ =	strace s9  }
0x27: {  	s1 =	sld [smem:$0x3FA6]  }
0x28: {  	s2 =	sld [smem:$0x3FA7]  }
0x29: {  	s4 =	sld [smem:$0x3FA9]  }
0x2a: {  	p0 =	seq.s32 s5, $0x0;
	s5 =	sld [smem:$0x3FAA]  }
0x2b: {  	s6 =	sld [smem:$0x3FAB]  }
0x2c: {  	s7 =	sld [smem:$0x3FAC]  }
0x2d: {  	s3 =	simm.s32 $0x108;
	s8 =	sld [smem:$0x3FAD]  }
0x2e: {  	s3 =	simm.s32 @!p0 $0x1082;
	s9 =	sld [smem:$0x3FAE]  }
0x2f: {  	lr =	sadd.s32 s0, s3;
	s0 =	sld [smem:$0x3FA5]  }
0x30: {  	s3 =	sld [smem:$0x3FA8]  }
0x31: {  	[smem:$0x3FB1] =	sst s10  }
0x32: {  	s10 =	sld [smem:$0x3FAF];
	_ =	sdelay $0x3  }
0x33: {  	p0 =	seq.s32 s10, $0x1;
	s10 =	sld [smem:$0x3FB1];
	_ =	sdelay $0x3  }
0x34: {  	[smem:$0x3FB1] =	sst s10  }
0x35: {  	s10 =	sld [smem:$0x3FB0];
	_ =	sdelay $0x3  }
0x36: {  	p1 =	seq.s32 s10, $0x1;
	s10 =	sld [smem:$0x3FB1];
	_ =	sdelay $0x3  }
0x37: {  	[smem:$0x3FB1] =	sst s10  }
0x38: {  	s10 =	sld [smem:$0x3FB2]  }
0x39: {  	_ = 	snop;
	(pc) =	sbr.ind lr, $3  }
0x3a: {  	_ = 	snop  }
0x3b: {  	_ = 	snop  }
0x3c: {  	p2 =	seq.s32 s10, $0x1;
	s10 =	sld [smem:$0x3FB1]  }
0x3d: {  	_ =	shalt  }
0x3e: {  	_ =	shalt  }
0x3f: {  	_ =	shalt  }
0x40: {  	_ =	shalt  }
0x41: {  	_ =	shalt  }
0x42: {  	_ =	shalt  }
0x43: {  	_ =	shalt  }
0x44: {  	_ =	shalt  }
0x45: {  	_ =	shalt  }
0x46: {  	_ =	shalt  }
0x47: {  	_ =	shalt  }
0x48: {  	_ =	shalt  }
0x49: {  	_ =	shalt  }
0x4a: {  	_ =	shalt  }
0x4b: {  	_ =	shalt  }
0x4c: {  	_ =	shalt  }
0x4d: {  	_ =	shalt  }
0x4e: {  	_ =	shalt  }
0x4f: {  	_ =	shalt  }
0x50: {  	_ =	shalt  }
0x51: {  	_ =	shalt  }
0x52: {  	_ =	shalt  }
0x53: {  	_ =	shalt  }
0x54: {  	_ =	shalt  }
0x55: {  	_ =	shalt  }
0x56: {  	_ =	shalt  }
0x57: {  	_ =	shalt  }
0x58: {  	_ =	shalt  }
0x59: {  	_ =	shalt  }
0x5a: {  	_ =	shalt  }
0x5b: {  	_ =	shalt  }
0x5c: {  	_ =	shalt  }
0x5d: {  	_ =	shalt  }
0x5e: {  	_ =	shalt  }
0x5f: {  	_ =	shalt  }
0x60: {  	_ =	shalt  }
0x61: {  	_ =	shalt  }
0x62: {  	_ =	shalt  }
0x63: {  	_ =	shalt  }
0x64: {  	_ =	shalt  }
0x65: {  	_ =	shalt  }
0x66: {  	_ =	shalt  }
0x67: {  	_ =	shalt  }
0x68: {  	_ =	shalt  }
0x69: {  	_ =	shalt  }
0x6a: {  	_ =	shalt  }
0x6b: {  	_ =	shalt  }
0x6c: {  	_ =	shalt  }
0x6d: {  	_ =	shalt  }
0x6e: {  	_ =	shalt  }
0x6f: {  	_ =	shalt  }
0x70: {  	_ =	shalt  }
0x71: {  	_ =	shalt  }
0x72: {  	_ =	shalt  }
0x73: {  	_ =	shalt  }
0x74: {  	_ =	shalt  }
0x75: {  	_ =	shalt  }
0x76: {  	_ =	shalt  }
0x77: {  	_ =	shalt  }
0x78: {  	_ =	shalt  }
0x79: {  	_ =	shalt  }
0x7a: {  	_ =	shalt  }
0x7b: {  	_ =	shalt  }
0x7c: {  	_ =	shalt  }
0x7d: {  	_ =	shalt  }
0x7e: {  	_ =	shalt  }
0x7f: {  	_ =	shalt  }
0x80: {  	_ =	shalt  }
0x81: {  	_ =	shalt  }
0x82: {  	_ =	shalt  }
0x83: {  	_ =	shalt  }
0x84: {  	_ =	shalt  }
0x85: {  	_ =	shalt  }
0x86: {  	_ =	shalt  }
0x87: {  	_ =	shalt  }
.Lfunc_end0:
.L_simem_size_0:
called_computation_lowered:
.L_overlay_start_0:
0x88: {  	s2 =	sld [smem:$0x3FD9]  }
0x89: {  	s3 =	sld [smem:$0x3FFE];
	_ =	sdelay $0x1  }
0x8a: {  	s1 =	srdreg.scid  }
0x8b: {  	s0 =	sand.u32 $0x1, s1  }
0x8c: {  	s14 =	sshll.u32 s0, $0xA;
	s2 =	sadd.s32 s3, s2  }
0x8d: {  	s2 =	sadd.s32 s2, s14  }
0x8e: {  	[smem:$0x3FBD] =	sst s2  }
0x8f: {  	_ = 	snop  }
0x90: {  	s2 =	sld [smem:$0x3FD0];
	_ =	sdelay $0x2  }
0x91: {  	s15 =	simm.s32 $0xA;
	s4 =	simm.s32 $0x10  }
0x92: {  	[smem:s4], [sflag:s15] =	dma.local [hbm:s2], $0x1  }
0x93: {  	_ =	swait.eq [sflag:s15], $0x1  }
0x94: {  	[sflag:s15] =	ssyncset.done $0x0  }
0x95: {  	[sflag:s15] =	ssyncadd.s32 $0xFFFFFFFF  }
0x96: {  	s16 =	sld [smem:$0x10];
	(tm) =	ssettm $0x1  }
0x97: {  	s17 =	sld [smem:$0x3FFB];
	_ =	sdelay $0x3  }
0x98: {  	_ =	strace s17  }
0x99: {  	s3 =	sld [smem:$0x3FFC];
	_ =	sdelay $0x3  }
0x9a: {  	_ =	strace s3  }
0x9b: {  	s3 =	sld [smem:$0x3FFD];
	_ =	sdelay $0x3  }
0x9c: {  	_ =	strace s3  }
0x9d: {  	_ =	strace $0x8FFFFFFF  }
0x9e: {  	s18 =	sld [smem:$0x3FDB];
	_ =	sdelay $0x1  }
0x9f: {  	s19 =	simm.s32 $_scs_section_size  }
0xa0: {  	s5 =	simm.s32 $_size__tile_overlayer_lowered;
	s6 =	simm.s32 $_tile_overlayer_lowered  }
0xa1: {  	s22 =	simm.s32 $0x1BFF;
	s21 =	sshll.u32 s6, $0x1;
	s3 =	sadd.s32 s19, s18  }
0xa2: {  	s7 =	simm.s32 $0x0;
	s20 =	sshll.u32 s5, $0x1;
	s5 =	sadd.s32 s21, s3  }
0xa3: {  	[timem:s7], [sflag:s22] =	dma.local [hbm:s5], s20  }
0xa4: {  	_ =	swait.ge [sflag:s22], s20  }
0xa5: {  	s4 =	ssub.s32 $0x0, s20;
	[sflag:s22] =	ssyncset.done $0x0  }
0xa6: {  	[sflag:s22] =	ssyncadd.s32 s4;
	_ =	sdelay $0x1  }
0xa7: {  	s23 =	simm.s32 $0x1B8B  }
0xa8: {  	_ =	swait.ge [sflag:s23], $0x1  }
0xa9: {  	[sflag:s23] =	ssyncset.done $0x0  }
0xaa: {  	s25 =	simm.s32 $0x1B8E;
	s24 =	sld [smem:$0x3FFE];
	[sflag:s23] =	ssyncadd.s32 $0xFFFFFFFF  }
0xab: {  	s26 =	simm.s32 $execute0_lowered;
	[smem:$0x3FD2] =	sst s25  }
0xac: {  	s5 =	sshll.u32 s26, $0x1;
	_ =	strace $0x80000046;
	[dreg:$0x1] =	wrdreg $0xFFFFFFFF  }
0xad: {  	s28 =	simm.s32 $_size_execute0_lowered;
	s3 =	sadd.s32 s3, s5;
	[dreg:$0x0] =	wrdreg $0x0  }
0xae: {  	s5 =	sshll.u32 s28, $0x1;
	[dreg:$0x2] =	wrdreg s3  }
0xaf: {  	[dreg:$0x3] =	wrdreg s5  }
0xb0: {  	[dreg:$0x4] =	wrdreg $0xC0  }
0xb1: {  	_ =	task [dreg:s7], $0x5FFFF  }
0xb2: {  	[dreg:$0x1] =	wrdreg $0xFFFFFFFF  }
0xb3: {  	[dreg:$0x0] =	wrdreg $0x60  }
0xb4: {  	[dreg:$0x2] =	wrdreg s16  }
0xb5: {  	[dreg:$0x3] =	wrdreg s24  }
0xb6: {  	[dreg:$0x4] =	wrdreg $0x9  }
0xb7: {  	_ =	task.clear_ibuf [dreg:s7], $0x5FFFF;
	_ =	strace $0x90000046  }
0xb8: {  	s29 =	simm.s32 $0x9;
	_ =	strace $0x80000048  }
0xb9: {  	_ =	swait.ge [sflag:s29], $0x1  }
0xba: {  	[sflag:s29] =	ssyncadd.s32 $0xFFFFFFFF  }
0xbb: {  	_ =	strace $0x90000048  }
0xbc: {  	_ =	sfence  }
0xbd: {  	s30 =	sld [smem:$0x0];
	_ =	sdelay $0x2  }
0xbe: {  	s31 =	sshll.u32 s1, $0xD;
	s1 =	sshrl.u32 s1, $0x2  }
0xbf: {  	s3 =	sand.u32 $0x4000, s31;
	s1 =	sadd.s32 s1, s30  }
0xc0: {  	s0 =	sor.u32 s3, s0;
	s1 =	sshll.u32 s1, $0x11  }
0xc1: {  	s0 =	sor.u32 s1, s0  }
0xc2: {  	s0 =	sadd.s32 $0x8F2B, s0  }
0xc3: {  	[sflag:s0] =	ssyncadd.remote.s32 $0x1  }
0xc4: {  	_ =	sfence.sel $0xFFFF  }
0xc5: {  	[dreg:$0x0] =	wrdreg $0xFFFFFFFF;
	(pc) =	sbr.abs _section_cstart, $3  }
0xc6: {  	[dreg:$0x1] =	wrdreg $0xFFFFFFFF  }
0xc7: {  	_ =	task.clear_ibuf [dreg:s7], $0x2FFFF;
	_ =	strace $0x9FFFFFFF  }
0xc8: {  	(tm) =	ssettm $0x7FFFFFFF  }
0xc9: {  	_ =	shalt  }
tec
execute0_lowered:
.L_overlay_start_1:
0x0: {  	(tag) =	ssettag $0x1  }
0x1: {  	s0 =	srdreg.scid  }
0x2: {  	s4 =	rddreg [dreg:$0x0];
	s3 =	sand.u32 $0x1, s0  }
0x3: {  	s5 =	rddreg [dreg:$0x1];
	s0 =	stileid.u32;
	s1 =	sshll.u32 s3, $0x4  }
0x4: {  	s2 =	simm.s32 $0x0;
	s9 =	simm.s32 $0x1;
	s6 =	sor.u32 s0, s1  }
0x5: {  	s10 =	simm.s32 $0x0;
	[smem:$0x7FF] =	sst s2;
	s7 =	sshrl.u32 s6, $0x3  }
0x6: {  	s8 =	sshll.u32 s0, $0x7;
	s3 =	ssub.s32 $0x2, s3;
	s7 =	smul.u32 $0x14000, s7  }
0x7: {  	s1 =	rddreg [dreg:$0x2];
	s8 =	sand.u32 $0x380, s8;
	s6 =	smul.u32 $0x2800, s6  }
0x8: {  	_ =	strace $0x80000047;
	s31 =	sshrl.u32 s3, $0x1;
	s7 =	sor.u32 s8, s7  }
0x9: {  	s5 =	sadd.s32 s6, s5;
	s6 =	ssub.s32 s3, s31;
	s7 =	sshrl.u32 s7, $0x3  }
0xa: {  	s8 =	simm.s32 $0x14000;
	s3 =	sadd.s32 s4, s7;
	s4 =	sadd.s32 $0xD600, s5  }
0xb: {  	v0 =	vimm.s32 $0x0;
	s5 =	smax.u32 s6, $0x1;
	s6 =	simm.s32 $0x80;
	s7 =	simm.s32 $0x400  }
.LBB2_1:
0xc: {  	[tilespmem:s8], [sflag:$0x1] =	stream.strided.gather [hbm4b:s3+s6], $0x2800, s7, s6, $0x38;
	[tilespmem:$0x16800] =	vst v63  }
0xd: {  	_ =	swait.ge [sflag:s9], $0x2800  }
0xe: {  	[sflag:s9] =	ssyncset.done $0x0  }
0xf: {  	s11 =	simm.s32 $0x0;
	[sflag:s9] =	ssyncadd.s32 $0xFFFFD800  }
.LBB2_2:
0x10: {  	p0 =	sne.s32 s11, $0x4FE00  }
.Ltmp0:
0x11: {  	_ = 	snop;
	(pc) =	sbr.rel @p0 .LBB2_2-.Ltmp0, $3  }
0x12: {  	_ =	sdelay $0x1  }
0x13: {  	s12 =	sshra.s32 s11, $0x2  }
0x14: {  	s11 =	sadd.s32 $0x200, s11;
	[tilespmem:s12+$0x0] =	vst v0  }
0x15: {  	s12 =	simm.s32 $0x0;
	s11 =	simm.s32 $0x40  }
.LBB2_4:
0x16: {  	p0 =	sne.s32 s11, $0x9FC0;
	v1 =	vld [tilespmem:s12+$0x14000];
	_ =	sdelay $0x4  }
0x17: {  	(xrf1) =	vunique.msk.u32 $0xffff, v1;
	_ =	sdelay $0xc  }
0x18: {  	v2 =	vshll.u32 v1, $0x3  }
0x19: {  	v1 =	vand.u32 $0xF, v1;
	v2 =	vand.u32 $0xFFFFFF80, v2;
	_, v3, vm0 =	vpop (xrf1)  }
0x1a: {  	v1 =	vor.u32 v1, v2  }
.Ltmp1:
0x1b: {  	(pc) =	sbr.rel @p0 .LBB2_4-.Ltmp1, $2  }
0x1c: {  	_ =	sdelay $0x2  }
0x1d: {  	s12 =	sshra.s32 s11, $0x2;
	s11 =	sadd.s32 $0x40, s11;
	[tilespmem:v1+s2+$0x0] =	vst.idx.add.s32.msk vm0, v3  }
0x1e: {  	v1 =	vld [tilespmem:s12+$0x14000];
	_ =	sdelay $0x4  }
0x1f: {  	(xrf1) =	vunique.msk.u32 $0xffff, v1;
	_ =	sdelay $0xc  }
0x20: {  	v2 =	vshll.u32 v1, $0x3  }
0x21: {  	v1 =	vand.u32 $0xF, v1;
	v2 =	vand.u32 $0xFFFFFF80, v2;
	_, v3, vm0 =	vpop (xrf1)  }
0x22: {  	v1 =	vor.u32 v1, v2;
	_ =	sdelay $0x2  }
0x23: {  	s10 =	sadd.s32 $0x1, s10  }
0x24: {  	p0 =	sne.s32 s10, s5  }
.Ltmp2:
0x25: {  	[tilespmem:v1+s2+$0x0] =	vst.idx.add.s32.msk vm0, v3;
	(pc) =	sbr.rel @p0 .LBB2_1-.Ltmp2, $4  }
0x26: {  	[hbm4b:s4+s2] =	stream.linear.scatter [tilespmem:s2], [sflag:$0x1], $0x14000, $0x38;
	[tilespmem:$0x16800] =	vst v63  }
0x27: {  	_ =	swait.ge [sflag:s9], $0x14000  }
0x28: {  	[sflag:s9] =	ssyncset.done $0x0  }
0x29: {  	[sflag:s9] =	ssyncadd.s32 $0xFFFEC000  }
0x2a: {  	_ =	sfence.sel $0x180000  }
0x2b: {  	[bflag:$0x0] =	sbarrier.arrive $0xFFFF  }
0x2c: {  	p0 =	sne.s32 s0, $0x0;
	_ =	strace $0x90000047  }
0x2d: {  	s0 =	sadd.s32 @!p0 $0x100000, s1;
	[bflag:$0x2] =	sbarrier.arrive $0xFFFF  }
0x2e: {  	[sflag:s0] =	ssyncadd.tile.s32 @!p0 $0x1;
	_ =	shalt  }
.Lfunc_end2:
_tile_overlayer_lowered:
.L_overlay_start_2:
0x2f: {  	(tag) =	ssettag $0x2  }
0x30: {  	s0 =	rddreg [dreg:$0x0];
	s2 =	stileid.u32  }
0x31: {  	s1 =	rddreg [dreg:$0x1];
	p0 =	sne.s32 s2, $0x0  }
0x32: {  	s3 =	rddreg [dreg:$0x2];
	[bflag:$0x3] =	sbarrier.arrive $0xFFFF;
	s2 =	simm.s32 @!p0 $0x1C01  }
0x33: {  	[timem:s3], [sflag:s2] =	dma.local @!p0 [hbm:s0], s1  }
0x34: {  	s0 =	simm.s32 @!p0 $0x1  }
0x35: {  	_ =	swait.ge @!p0 [sflag:s0], s1  }
0x36: {  	s1 =	ssub.s32 @!p0 $0x0, s1;
	[sflag:s0] =	ssyncset.done @!p0 $0x0  }
0x37: {  	[sflag:s0] =	ssyncadd.s32 @!p0 s1  }
0x38: {  	[bflag:$0x3] =	sbarrier.arrive $0xFFFF  }
0x39: {  	_ =	shalt  }

// kernel: kernel.14.cloned.1.call-start
scs
__scs_entry_jumppad:
0x0: {  	(pc) =	sbr.rel $0x88, $3  }
0x1: {  	(tag) =	ssettag $0x0;
	lr =	simm.s32 $0x1  }
0x2: {  	[smem:$0x3F96] =	sst lr;
	_ =	strace $0xD0000000  }
0x3: {  	_ = 	snop  }
0x4: {  	_ = 	snop  }
0x5: {  	_ = 	snop  }
0x6: {  	_ = 	snop  }
0x7: {  	_ = 	snop  }
__scs_overlays_trampoline_lowered:
0x8: {  	[smem:$0x3FA5] =	sst s0  }
0x9: {  	[smem:$0x3FA6] =	sst s1  }
0xa: {  	[smem:$0x3FA7] =	sst s2  }
0xb: {  	[smem:$0x3FA8] =	sst s3  }
0xc: {  	[smem:$0x3FA9] =	sst s4  }
0xd: {  	[smem:$0x3FAA] =	sst s5  }
0xe: {  	[smem:$0x3FAB] =	sst s6  }
0xf: {  	[smem:$0x3FAC] =	sst s7  }
0x10: {  	[smem:$0x3FAD] =	sst s8  }
0x11: {  	[smem:$0x3FAE] =	sst s9;
	s0 =	simm.s32 @!p0 $0x0  }
0x12: {  	s1 =	sld [smem:$0x3F94];
	s0 =	simm.s32 @p0 $0x1  }
0x13: {  	[smem:$0x3FAF] =	sst s0;
	s0 =	simm.s32 @!p1 $0x0  }
0x14: {  	s2 =	sld [smem:$0x3F93];
	s0 =	simm.s32 @p1 $0x1  }
0x15: {  	[smem:$0x3FB0] =	sst s0;
	s0 =	simm.s32 @!p2 $0x0  }
0x16: {  	s3 =	sld [smem:$0x3FDB];
	s0 =	simm.s32 @p2 $0x1  }
0x17: {  	s4 =	simm.s32 $0x1BF5;
	[smem:$0x3FB2] =	sst s0  }
0x18: {  	s0 =	sld [smem:$0x3F95];
	_ =	swait.ge [sflag:s4], $0x0  }
0x19: {  	s7 =	sld [smem:$0x3F96]  }
0x1a: {  	s8 =	sadd.s32 $0xFFFFE003, lr  }
0x1b: {  	s9 =	sadd.s32 $0xFFFFFEF7, lr;
	s5 =	simm.s32 $0xFFFFFFFF;
	p2 =	slt.u32 s8, $0xFFFFF086  }
0x1c: {  	p1 =	slt.u32 s9, $0xF7A;
	s5 =	simm.s32 @!p2 $0x0  }
0x1d: {  	s5 =	simm.s32 @p1 $0x1;
	p0 =	seq.s32 s7, s2  }
0x1e: {  	s7 =	smul.u32 @!p0 $0xF7A, s2;
	p2 =	seq.s32 @!p0 s5, $0x0  }
0x1f: {  	s9 =	smul.u32 $0xF7A, s1;
	s8 =	simm.s32 @!p0 $0x1BF5;
	p2 =	por !p2, p0  }
0x20: {  	[sflag:s8] =	ssyncset.s32 @!p0 $0xFFFFF086;
	s6 =	sadd.s32 @!p0 s3, s7;
	s7 =	simm.s32 @!p0 $0x108  }
0x21: {  	s3 =	sadd.s32 s3, s9;
	s6 =	sadd.s32 @!p0 $0x88, s6;
	s7 =	simm.s32 @p2 $0x1082  }
0x22: {  	[simem:s7], [sflag:s8] =	dma.local @!p0 [hbm:s6], $0xF7A  }
0x23: {  	s9 =	sor.u32 $0xD0000000, s2;
	s6 =	simm.s32 $0x108;
	_ =	swait.ge @!p0 [sflag:s8], $0x0  }
0x24: {  	s3 =	sadd.s32 $0x88, s3;
	s6 =	simm.s32 @!p1 $0x1082;
	[sflag:s4] =	ssyncset.s32 $0xFFFFF086  }
0x25: {  	[simem:s6], [sflag:s4] =	dma.local [hbm:s3], $0xF7A  }
0x26: {  	[smem:$0x3F96] =	sst s1;
	(tag) =	ssettag s2;
	_ =	strace s9  }
0x27: {  	s1 =	sld [smem:$0x3FA6]  }
0x28: {  	s2 =	sld [smem:$0x3FA7]  }
0x29: {  	s4 =	sld [smem:$0x3FA9]  }
0x2a: {  	p0 =	seq.s32 s5, $0x0;
	s5 =	sld [smem:$0x3FAA]  }
0x2b: {  	s6 =	sld [smem:$0x3FAB]  }
0x2c: {  	s7 =	sld [smem:$0x3FAC]  }
0x2d: {  	s3 =	simm.s32 $0x108;
	s8 =	sld [smem:$0x3FAD]  }
0x2e: {  	s3 =	simm.s32 @!p0 $0x1082;
	s9 =	sld [smem:$0x3FAE]  }
0x2f: {  	lr =	sadd.s32 s0, s3;
	s0 =	sld [smem:$0x3FA5]  }
0x30: {  	s3 =	sld [smem:$0x3FA8]  }
0x31: {  	[smem:$0x3FB1] =	sst s10  }
0x32: {  	s10 =	sld [smem:$0x3FAF];
	_ =	sdelay $0x3  }
0x33: {  	p0 =	seq.s32 s10, $0x1;
	s10 =	sld [smem:$0x3FB1];
	_ =	sdelay $0x3  }
0x34: {  	[smem:$0x3FB1] =	sst s10  }
0x35: {  	s10 =	sld [smem:$0x3FB0];
	_ =	sdelay $0x3  }
0x36: {  	p1 =	seq.s32 s10, $0x1;
	s10 =	sld [smem:$0x3FB1];
	_ =	sdelay $0x3  }
0x37: {  	[smem:$0x3FB1] =	sst s10  }
0x38: {  	s10 =	sld [smem:$0x3FB2]  }
0x39: {  	_ = 	snop;
	(pc) =	sbr.ind lr, $3  }
0x3a: {  	_ = 	snop  }
0x3b: {  	_ = 	snop  }
0x3c: {  	p2 =	seq.s32 s10, $0x1;
	s10 =	sld [smem:$0x3FB1]  }
0x3d: {  	_ =	shalt  }
0x3e: {  	_ =	shalt  }
0x3f: {  	_ =	shalt  }
0x40: {  	_ =	shalt  }
0x41: {  	_ =	shalt  }
0x42: {  	_ =	shalt  }
0x43: {  	_ =	shalt  }
0x44: {  	_ =	shalt  }
0x45: {  	_ =	shalt  }
0x46: {  	_ =	shalt  }
0x47: {  	_ =	shalt  }
0x48: {  	_ =	shalt  }
0x49: {  	_ =	shalt  }
0x4a: {  	_ =	shalt  }
0x4b: {  	_ =	shalt  }
0x4c: {  	_ =	shalt  }
0x4d: {  	_ =	shalt  }
0x4e: {  	_ =	shalt  }
0x4f: {  	_ =	shalt  }
0x50: {  	_ =	shalt  }
0x51: {  	_ =	shalt  }
0x52: {  	_ =	shalt  }
0x53: {  	_ =	shalt  }
0x54: {  	_ =	shalt  }
0x55: {  	_ =	shalt  }
0x56: {  	_ =	shalt  }
0x57: {  	_ =	shalt  }
0x58: {  	_ =	shalt  }
0x59: {  	_ =	shalt  }
0x5a: {  	_ =	shalt  }
0x5b: {  	_ =	shalt  }
0x5c: {  	_ =	shalt  }
0x5d: {  	_ =	shalt  }
0x5e: {  	_ =	shalt  }
0x5f: {  	_ =	shalt  }
0x60: {  	_ =	shalt  }
0x61: {  	_ =	shalt  }
0x62: {  	_ =	shalt  }
0x63: {  	_ =	shalt  }
0x64: {  	_ =	shalt  }
0x65: {  	_ =	shalt  }
0x66: {  	_ =	shalt  }
0x67: {  	_ =	shalt  }
0x68: {  	_ =	shalt  }
0x69: {  	_ =	shalt  }
0x6a: {  	_ =	shalt  }
0x6b: {  	_ =	shalt  }
0x6c: {  	_ =	shalt  }
0x6d: {  	_ =	shalt  }
0x6e: {  	_ =	shalt  }
0x6f: {  	_ =	shalt  }
0x70: {  	_ =	shalt  }
0x71: {  	_ =	shalt  }
0x72: {  	_ =	shalt  }
0x73: {  	_ =	shalt  }
0x74: {  	_ =	shalt  }
0x75: {  	_ =	shalt  }
0x76: {  	_ =	shalt  }
0x77: {  	_ =	shalt  }
0x78: {  	_ =	shalt  }
0x79: {  	_ =	shalt  }
0x7a: {  	_ =	shalt  }
0x7b: {  	_ =	shalt  }
0x7c: {  	_ =	shalt  }
0x7d: {  	_ =	shalt  }
0x7e: {  	_ =	shalt  }
0x7f: {  	_ =	shalt  }
0x80: {  	_ =	shalt  }
0x81: {  	_ =	shalt  }
0x82: {  	_ =	shalt  }
0x83: {  	_ =	shalt  }
0x84: {  	_ =	shalt  }
0x85: {  	_ =	shalt  }
0x86: {  	_ =	shalt  }
0x87: {  	_ =	shalt  }
.Lfunc_end0:
.L_simem_size_0:
called_computation.1_lowered:
.L_overlay_start_0:
0x88: {  	s2 =	sld [smem:$0x3FD9]  }
0x89: {  	s3 =	sld [smem:$0x3FFE];
	_ =	sdelay $0x1  }
0x8a: {  	s1 =	srdreg.scid  }
0x8b: {  	s0 =	sand.u32 $0x1, s1  }
0x8c: {  	s14 =	sshll.u32 s0, $0xA;
	s2 =	sadd.s32 s3, s2  }
0x8d: {  	s2 =	sadd.s32 s2, s14  }
0x8e: {  	[smem:$0x3FBD] =	sst s2  }
0x8f: {  	_ = 	snop  }
0x90: {  	s2 =	sld [smem:$0x3FD0];
	_ =	sdelay $0x2  }
0x91: {  	s15 =	simm.s32 $0xA;
	s4 =	simm.s32 $0x10  }
0x92: {  	[smem:s4], [sflag:s15] =	dma.local [hbm:s2], $0x1  }
0x93: {  	_ =	swait.eq [sflag:s15], $0x1  }
0x94: {  	[sflag:s15] =	ssyncset.done $0x0  }
0x95: {  	[sflag:s15] =	ssyncadd.s32 $0xFFFFFFFF  }
0x96: {  	s16 =	sld [smem:$0x11];
	(tm) =	ssettm $0x1  }
0x97: {  	s17 =	sld [smem:$0x3FFB];
	_ =	sdelay $0x3  }
0x98: {  	_ =	strace s17  }
0x99: {  	s3 =	sld [smem:$0x3FFC];
	_ =	sdelay $0x3  }
0x9a: {  	_ =	strace s3  }
0x9b: {  	s3 =	sld [smem:$0x3FFD];
	_ =	sdelay $0x3  }
0x9c: {  	_ =	strace s3  }
0x9d: {  	_ =	strace $0x8FFFFFFF  }
0x9e: {  	s18 =	sld [smem:$0x3FDB];
	_ =	sdelay $0x1  }
0x9f: {  	s19 =	simm.s32 $_scs_section_size  }
0xa0: {  	s5 =	simm.s32 $_size__tile_overlayer_lowered;
	s6 =	simm.s32 $_tile_overlayer_lowered  }
0xa1: {  	s22 =	simm.s32 $0x1BFF;
	s21 =	sshll.u32 s6, $0x1;
	s3 =	sadd.s32 s19, s18  }
0xa2: {  	s7 =	simm.s32 $0x0;
	s20 =	sshll.u32 s5, $0x1;
	s5 =	sadd.s32 s21, s3  }
0xa3: {  	[timem:s7], [sflag:s22] =	dma.local [hbm:s5], s20  }
0xa4: {  	_ =	swait.ge [sflag:s22], s20  }
0xa5: {  	s4 =	ssub.s32 $0x0, s20;
	[sflag:s22] =	ssyncset.done $0x0  }
0xa6: {  	[sflag:s22] =	ssyncadd.s32 s4;
	_ =	sdelay $0x1  }
0xa7: {  	s23 =	simm.s32 $0x1B8B  }
0xa8: {  	_ =	swait.ge [sflag:s23], $0x1  }
0xa9: {  	[sflag:s23] =	ssyncset.done $0x0  }
0xaa: {  	s25 =	simm.s32 $0x1B8E;
	s24 =	sld [smem:$0x3FFE];
	[sflag:s23] =	ssyncadd.s32 $0xFFFFFFFF  }
0xab: {  	s26 =	simm.s32 $execute0_lowered;
	[smem:$0x3FD2] =	sst s25  }
0xac: {  	s5 =	sshll.u32 s26, $0x1;
	_ =	strace $0x80000049;
	[dreg:$0x1] =	wrdreg $0xFFFFFFFF  }
0xad: {  	s28 =	simm.s32 $_size_execute0_lowered;
	s3 =	sadd.s32 s3, s5;
	[dreg:$0x0] =	wrdreg $0x0  }
0xae: {  	s5 =	sshll.u32 s28, $0x1;
	[dreg:$0x2] =	wrdreg s3  }
0xaf: {  	[dreg:$0x3] =	wrdreg s5  }
0xb0: {  	[dreg:$0x4] =	wrdreg $0xC0  }
0xb1: {  	_ =	task [dreg:s7], $0x5FFFF  }
0xb2: {  	[dreg:$0x1] =	wrdreg $0xFFFFFFFF  }
0xb3: {  	[dreg:$0x0] =	wrdreg $0x60  }
0xb4: {  	[dreg:$0x2] =	wrdreg s24  }
0xb5: {  	[dreg:$0x3] =	wrdreg s16  }
0xb6: {  	[dreg:$0x4] =	wrdreg $0x0  }
0xb7: {  	[dreg:$0x5] =	wrdreg $0x9  }
0xb8: {  	_ =	task.clear_ibuf [dreg:s7], $0x6FFFF;
	_ =	strace $0x90000049  }
0xb9: {  	s29 =	simm.s32 $0x9;
	_ =	strace $0x8000004B  }
0xba: {  	_ =	swait.ge [sflag:s29], $0x1  }
0xbb: {  	[sflag:s29] =	ssyncadd.s32 $0xFFFFFFFF  }
0xbc: {  	_ =	strace $0x9000004B  }
0xbd: {  	_ =	sfence  }
0xbe: {  	s30 =	sld [smem:$0x0];
	_ =	sdelay $0x2  }
0xbf: {  	s31 =	sshll.u32 s1, $0xD;
	s1 =	sshrl.u32 s1, $0x2  }
0xc0: {  	s3 =	sand.u32 $0x4000, s31;
	s1 =	sadd.s32 s1, s30  }
0xc1: {  	s0 =	sor.u32 s3, s0;
	s1 =	sshll.u32 s1, $0x11  }
0xc2: {  	s0 =	sor.u32 s1, s0  }
0xc3: {  	s0 =	sadd.s32 $0x8F2B, s0  }
0xc4: {  	[sflag:s0] =	ssyncadd.remote.s32 $0x1  }
0xc5: {  	_ =	sfence.sel $0xFFFF  }
0xc6: {  	[dreg:$0x0] =	wrdreg $0xFFFFFFFF;
	(pc) =	sbr.abs _section_cstart, $3  }
0xc7: {  	[dreg:$0x1] =	wrdreg $0xFFFFFFFF  }
0xc8: {  	_ =	task.clear_ibuf [dreg:s7], $0x2FFFF;
	_ =	strace $0x9FFFFFFF  }
0xc9: {  	(tm) =	ssettm $0x7FFFFFFF  }
tec
execute0_lowered:
.L_overlay_start_1:
0x0: {  	(tag) =	ssettag $0x1  }
0x1: {  	s0 =	rddreg [dreg:$0x0]  }
0x2: {  	s1 =	rddreg [dreg:$0x1]  }
0x3: {  	s2 =	rddreg [dreg:$0x2];
	s3 =	simm.s32 $0x0;
	s4 =	srdreg.scid  }
0x4: {  	s12 =	stileid.u32;
	s28 =	simm.s32 $0x1;
	s29 =	simm.s32 $0x80  }
0x5: {  	s30 =	simm.s32 $0x18800;
	s31 =	simm.s32 $0x2;
	[smem:$0x7FF] =	sst s3  }
0x6: {  	s5 =	sadd.s32 $0xD600, s0;
	s4 =	sand.u32 $0x1, s4;
	s6 =	sadd.s32 $0x3600, s0  }
0x7: {  	s9 =	smul.u32 $0x50000, s12;
	s10 =	sadd.s32 $0x35600, s0;
	s8 =	ssub.s32 $0x2, s4  }
0x8: {  	s0 =	sadd.s32 $0x35E00, s0;
	_ =	strace $0x8000004A;
	s18 =	sshrl.u32 s8, $0x1  }
0x9: {  	s7 =	sshll.u32 s4, $0x4;
	s9 =	sshrl.u32 s9, $0x2;
	s8 =	ssub.s32 s8, s18  }
0xa: {  	[dreg:$0x4] =	wrdreg s10;
	s15 =	sadd.s32 s9, s2;
	s26 =	smax.u32 s8, $0x1  }
0xb: {  	s7 =	sor.u32 s12, s7;
	s13 =	sadd.s32 $0x8000, s15;
	[dreg:$0xf] =	wrdreg s26  }
0xc: {  	s11 =	smul.u32 $0x500, s7;
	s16 =	sadd.s32 $0xC000, s15;
	[dreg:$0x7] =	wrdreg s13  }
0xd: {  	s20 =	smul.u32 $0x14000, s7;
	s17 =	sadd.s32 $0x10000, s15;
	[dreg:$0x8] =	wrdreg s16  }
0xe: {  	s7 =	smul.u32 $0x2800, s7;
	s19 =	sadd.s32 s1, s11;
	[dreg:$0x9] =	wrdreg s17  }
0xf: {  	s11 =	sadd.s32 s6, s11;
	s10 =	sshrl.u32 s20, $0x3;
	[dreg:$0x5] =	wrdreg s19  }
0x10: {  	[dreg:$0x6] =	wrdreg s11;
	s10 =	sadd.s32 s0, s10;
	s0 =	sadd.s32 s0, s7  }
0x11: {  	s22 =	smul.u32 $0x500, s12;
	[dreg:$0xa] =	wrdreg s0;
	s21 =	sadd.s32 $0x800, s10  }
0x12: {  	s4 =	smul.u32 $0x5000, s4;
	s23 =	sadd.s32 $0x1000, s10;
	[dreg:$0xb] =	wrdreg s21  }
0x13: {  	s26 =	simm.s32 $0x4;
	s24 =	sadd.s32 $0x1800, s10;
	[dreg:$0xc] =	wrdreg s23  }
0x14: {  	s11 =	sadd.s32 $0x4000, s15;
	s25 =	sadd.s32 $0x2000, s10;
	[dreg:$0xd] =	wrdreg s24  }
0x15: {  	s0 =	simm.s32 $0x3;
	[dreg:$0xe] =	wrdreg s25;
	s21 =	sadd.s32 s22, s4  }
0x16: {  	s24 =	simm.s32 $0x14800;
	s22 =	simm.s32 $0x5;
	s23 =	simm.s32 $0x0  }
.LBB2_1:
0x17: {  	s4 =	rddreg [dreg:$0x5];
	s7 =	simm.s32 $0x14000  }
0x18: {  	[tilespmem:s7], [sflag:$0x1] =	stream.linear.gather [hbm4b:s4+s3], $0x80, $0x38;
	[tilespmem:$0x1C800] =	vst v63  }
0x19: {  	s9 =	rddreg [dreg:$0x6];
	s10 =	simm.s32 $0x14400  }
0x1a: {  	[tilespmem:s10], [sflag:$0x1] =	stream.linear.gather [hbm4b:s9+s3], $0x80, $0x38;
	[tilespmem:$0x1C800] =	vst v63  }
0x1b: {  	s12 =	rddreg [dreg:$0x4];
	s14 =	simm.s32 $0x6  }
0x1c: {  	[tilespmem:s24], [sflag:$0x6] =	stream.linear.gather [hbm4b:s12+s3], $0x4000, $0x38;
	[tilespmem:$0x1C800] =	vst v63  }
0x1d: {  	_ =	swait.ge [sflag:s14], $0x4000  }
0x1e: {  	[sflag:s14] =	ssyncset.done $0x0  }
0x1f: {  	[sflag:s14] =	ssyncadd.s32 $0xFFFFC000  }
0x20: {  	[spmem:s15] =	stream.linear.scatter [tilespmem:s24], [sflag:$0x4], $0x4000, $0x38;
	[tilespmem:$0x1C800] =	vst v63  }
0x21: {  	_ = 	snop  }
0x22: {  	[spmem:s11] =	stream.linear.scatter [tilespmem:s24], [sflag:$0x4], $0x4000, $0x38;
	[tilespmem:$0x1C800] =	vst v63  }
0x23: {  	_ = 	snop  }
0x24: {  	[spmem:s13] =	stream.linear.scatter [tilespmem:s24], [sflag:$0x4], $0x4000, $0x38;
	[tilespmem:$0x1C800] =	vst v63  }
0x25: {  	_ = 	snop  }
0x26: {  	[spmem:s16] =	stream.linear.scatter [tilespmem:s24], [sflag:$0x4], $0x4000, $0x38;
	[tilespmem:$0x1C800] =	vst v63  }
0x27: {  	_ = 	snop  }
0x28: {  	[spmem:s17] =	stream.linear.scatter [tilespmem:s24], [sflag:$0x4], $0x4000, $0x38;
	[tilespmem:$0x1C800] =	vst v63  }
0x29: {  	_ =	swait.ge [sflag:s26], $0x4000  }
0x2a: {  	[sflag:s26] =	ssyncset.done $0x0  }
0x2b: {  	[sflag:s26] =	ssyncadd.s32 $0xFFFFC000  }
0x2c: {  	_ =	swait.ge [sflag:s26], $0x4000  }
0x2d: {  	[sflag:s26] =	ssyncset.done $0x0  }
0x2e: {  	[sflag:s26] =	ssyncadd.s32 $0xFFFFC000  }
0x2f: {  	_ =	swait.ge [sflag:s26], $0x4000  }
0x30: {  	[sflag:s26] =	ssyncset.done $0x0  }
0x31: {  	[sflag:s26] =	ssyncadd.s32 $0xFFFFC000  }
0x32: {  	_ =	swait.ge [sflag:s26], $0x4000  }
0x33: {  	s18 =	sadd.s32 $0x20, s21;
	[sflag:s26] =	ssyncset.done $0x0  }
0x34: {  	s19 =	simm.s32 $0x10;
	s8 =	simm.s32 $0x80;
	[sflag:s26] =	ssyncadd.s32 $0xFFFFC000  }
0x35: {  	p0 =	por $0x1, $0x1;
	s4 =	sadd.s32 $0xFFFFFFE0, s18;
	_ =	swait.ge [sflag:s26], $0x4000  }
0x36: {  	s7 =	sand.u32 $0x70, s19;
	s4 =	sand.u32 $0xFFFFF80, s4;
	[sflag:s26] =	ssyncset.done $0x0  }
0x37: {  	s8 =	sand.u32 $0x380, s8;
	s7 =	sor.u32 s7, s4;
	[sflag:s26] =	ssyncadd.s32 $0xFFFFC000  }
0x38: {  	s4 =	sor.u32 $0x14000, s8;
	s10 =	sadd.s32 s1, s7;
	[bflag:$0x0] =	sbarrier.arrive $0xFFFF  }
0x39: {  	[tilespmem:s4], [sflag:$0x1] =	stream.linear.gather [hbm4b:s10+s3], $0x80, $0x38;
	[tilespmem:$0x1C800] =	vst v63  }
0x3a: {  	s8 =	sor.u32 $0x14400, s8;
	s7 =	sadd.s32 s6, s7;
	s10 =	simm.s32 @!p0 $0x4  }
0x3b: {  	[tilespmem:s8], [sflag:$0x1] =	stream.linear.gather [hbm4b:s7+s3], $0x80, $0x38;
	[tilespmem:$0x1C800] =	vst v63  }
0x3c: {  	_ =	swait.ge @!p0 [sflag:s10], $0x4000  }
0x3d: {  	[sflag:s10] =	ssyncset.done @!p0 $0x0  }
0x3e: {  	[sflag:s10] =	ssyncadd.s32 @!p0 $0xFFFFC000  }
0x3f: {  	s20 =	simm.s32 $0x0;
	p1 =	por $0x0, $0x0;
	_ =	swait.ge [sflag:s28], $0x80  }
0x40: {  	s18 =	sadd.s32 @!p1 $0x20, s21;
	s9 =	smov.u32 s15;
	[sflag:s28] =	ssyncset.done $0x0  }
0x41: {  	s15 =	sand.u32 $0x300, s20;
	s16 =	simm.s32 @!p0 $0x3;
	[sflag:s28] =	ssyncadd.s32 $0xFFFFFF80  }
0x42: {  	s17 =	simm.s32 @!p0 $0x80;
	s7 =	simm.s32 $0x380;
	_ =	swait.ge [sflag:s28], $0x80  }
0x43: {  	s8 =	simm.s32 $0x20;
	s7 =	sand.u32 @!p0 $0x380, s7;
	[sflag:s28] =	ssyncset.done $0x0  }
0x44: {  	s8 =	sand.u32 @!p1 $0x60, s8;
	s10 =	sor.u32 $0x14000, s15;
	[sflag:s28] =	ssyncadd.s32 $0xFFFFFF80  }
0x45: {  	[tilespmem:s24], [sflag:$0x2] =	stream.indirect.gather [hbm4b:s5+s29], $0x80, s10, s29, $0xb8;
	[tilespmem:$0x1C800] =	vst v63  }
0x46: {  	s7 =	sor.u32 @!p0 $0x14400, s7;
	s10 =	sand.u32 @!p1 $0xFFFFF80, s18;
	_ =	swait.ge @!p0 [sflag:s16], $0x4000  }
0x47: {  	s8 =	sor.u32 @!p1 s8, s10;
	s10 =	simm.s32 @!p1 $0x100;
	[sflag:s16] =	ssyncset.done @!p0 $0x0  }
0x48: {  	s18 =	simm.s32 @!p0 $0x18800;
	s10 =	sand.u32 @!p1 $0x300, s10;
	[sflag:s16] =	ssyncadd.s32 @!p0 $0xFFFFC000  }
0x49: {  	[spmem:s2] =	stream.indirect.scatter.add.f32 @!p0 [tilespmem:s18], [sflag:$0x5], $0x80, s7, s17, $0xb8;
	[tilespmem:$0x1C800] =	vst v63  }
0x4a: {  	s16 =	sadd.s32 @!p1 s1, s8;
	s7 =	simm.s32 @!p1 $0x0;
	s17 =	sor.u32 @!p1 $0x14000, s10  }
0x4b: {  	[tilespmem:s17], [sflag:$0x1] =	stream.linear.gather @!p1 [hbm4b:s16+s7], $0x80, $0x38;
	[tilespmem:$0x1C800] =	vst v63  }
0x4c: {  	s8 =	sadd.s32 @!p1 s6, s8;
	s10 =	sor.u32 @!p1 $0x14400, s10;
	s16 =	simm.s32 @!p0 $0x5  }
0x4d: {  	[tilespmem:s10], [sflag:$0x1] =	stream.linear.gather @!p1 [hbm4b:s8+s7], $0x80, $0x38;
	[tilespmem:$0x1C800] =	vst v63  }
0x4e: {  	_ =	swait.ge @!p0 [sflag:s16], $0x4000  }
0x4f: {  	[sflag:s16] =	ssyncset.done @!p0 $0x0  }
0x50: {  	s25 =	sadd.s32 $0x40, s21;
	s19 =	simm.s32 $0x30;
	[sflag:s16] =	ssyncadd.s32 @!p0 $0xFFFFC000  }
0x51: {  	s19 =	sand.u32 $0x70, s19;
	s17 =	sadd.s32 $0xFFFFFFE0, s25;
	_ =	swait.ge [sflag:s28], $0x80  }
0x52: {  	s14 =	smov.u32 s11;
	s18 =	sand.u32 $0xFFFFF80, s17;
	[sflag:s28] =	ssyncset.done $0x0  }
0x53: {  	s8 =	simm.s32 $0x480;
	s7 =	simm.s32 $0x40;
	[sflag:s28] =	ssyncadd.s32 $0xFFFFFF80  }
0x54: {  	s10 =	simm.s32 $0x3;
	s16 =	simm.s32 $0x580;
	_ =	swait.ge [sflag:s28], $0x80  }
.LBB2_2:
0x55: {  	s20 =	sadd.s32 $0xFFFFFD00, s8  }
0x56: {  	[sflag:s28] =	ssyncset.done $0x0;
	s17 =	smov.u32 s16;
	s16 =	sadd.s32 $0x100, s16  }
0x57: {  	p0 =	sne.s32 s16, $0x2B80;
	s20 =	sand.u32 $0x380, s20;
	[sflag:s28] =	ssyncadd.s32 $0xFFFFFF80  }
0x58: {  	[tilespmem:s30], [sflag:$0x3] =	stream.indirect.gather [hbm4b:s5+s29], $0x80, s4, s29, $0xb8;
	[tilespmem:$0x1C800] =	vst v63  }
0x59: {  	s4 =	sor.u32 $0x14400, s15;
	_ =	swait.ge [sflag:s31], $0x4000  }
0x5a: {  	s15 =	sor.u32 s19, s18;
	[sflag:s31] =	ssyncset.done $0x0  }
0x5b: {  	p1 =	seq.s32 s8, $0x380;
	[sflag:s31] =	ssyncadd.s32 $0xFFFFC000  }
0x5c: {  	[spmem:s2] =	stream.indirect.scatter.add.f32 [tilespmem:s24], [sflag:$0x4], $0x80, s4, s29, $0xb8;
	[tilespmem:$0x1C800] =	vst v63  }
0x5d: {  	s19 =	sor.u32 $0x14400, s20;
	s18 =	sadd.s32 s1, s15;
	s4 =	sor.u32 $0x14000, s20  }
0x5e: {  	[tilespmem:s4], [sflag:$0x1] =	stream.linear.gather [hbm4b:s18+s3], $0x80, $0x38;
	[tilespmem:$0x1C800] =	vst v63  }
0x5f: {  	s15 =	sadd.s32 s6, s15;
	s20 =	sand.u32 @!p1 $0x380, s8;
	s18 =	simm.s32 @!p1 $0x4  }
0x60: {  	[tilespmem:s19], [sflag:$0x1] =	stream.linear.gather [hbm4b:s15+s3], $0x80, $0x38;
	[tilespmem:$0x1C800] =	vst v63  }
0x61: {  	s19 =	sor.u32 @!p1 $0x14400, s20;
	_ =	swait.ge @!p1 [sflag:s18], $0x4000  }
0x62: {  	[sflag:s18] =	ssyncset.done @!p1 $0x0  }
0x63: {  	[sflag:s18] =	ssyncadd.s32 @!p1 $0xFFFFC000  }
0x64: {  	_ =	swait.ge [sflag:s28], $0x80  }
0x65: {  	s15 =	sadd.s32 $0xFFFFFC80, s8;
	[sflag:s28] =	ssyncset.done $0x0  }
0x66: {  	s15 =	sand.u32 $0x300, s15;
	[sflag:s28] =	ssyncadd.s32 $0xFFFFFF80  }
0x67: {  	s20 =	simm.s32 @!p1 $0x3;
	s18 =	sor.u32 $0x14000, s15;
	_ =	swait.ge [sflag:s28], $0x80  }
0x68: {  	[sflag:s28] =	ssyncset.done $0x0  }
0x69: {  	p2 =	sgt.u32 s10, $0x4E;
	s25 =	simm.s32 @!p1 $0x80;
	[sflag:s28] =	ssyncadd.s32 $0xFFFFFF80  }
0x6a: {  	s11 =	sadd.s32 @!p2 s7, s21;
	s12 =	sand.u32 @!p2 $0x60, s7;
	s13 =	simm.s32 @!p2 $0x0  }
0x6b: {  	[tilespmem:s24], [sflag:$0x2] =	stream.indirect.gather [hbm4b:s5+s29], $0x80, s18, s29, $0xb8;
	[tilespmem:$0x1C800] =	vst v63  }
0x6c: {  	s11 =	sand.u32 @!p2 $0xFFFFF80, s11;
	s18 =	simm.s32 @!p1 $0x18800;
	_ =	swait.ge @!p1 [sflag:s20], $0x4000  }
0x6d: {  	s11 =	sor.u32 @!p2 s12, s11;
	s8 =	sadd.s32 @!p2 $0xFFFFFD80, s8;
	[sflag:s20] =	ssyncset.done @!p1 $0x0  }
0x6e: {  	s12 =	sadd.s32 @!p2 s1, s11;
	s8 =	sand.u32 @!p2 $0x300, s8;
	[sflag:s20] =	ssyncadd.s32 @!p1 $0xFFFFC000  }
0x6f: {  	[spmem:s2] =	stream.indirect.scatter.add.f32 @!p1 [tilespmem:s18], [sflag:$0x5], $0x80, s19, s25, $0xb8;
	[tilespmem:$0x1C800] =	vst v63  }
0x70: {  	s11 =	sadd.s32 @!p2 s6, s11;
	s18 =	sor.u32 @!p2 $0x14000, s8;
	s19 =	sor.u32 @!p2 $0x14400, s8  }
0x71: {  	[tilespmem:s18], [sflag:$0x1] =	stream.linear.gather @!p2 [hbm4b:s12+s13], $0x80, $0x38;
	[tilespmem:$0x1C800] =	vst v63  }
0x72: {  	s8 =	smov.u32 s17;
	s12 =	simm.s32 @!p1 $0x5  }
0x73: {  	[tilespmem:s19], [sflag:$0x1] =	stream.linear.gather @!p2 [hbm4b:s11+s13], $0x80, $0x38;
	[tilespmem:$0x1C800] =	vst v63  }
0x74: {  	_ =	swait.ge @!p1 [sflag:s12], $0x4000  }
0x75: {  	[sflag:s12] =	ssyncset.done @!p1 $0x0  }
.Ltmp0:
0x76: {  	[sflag:s12] =	ssyncadd.s32 @!p1 $0xFFFFC000;
	(pc) =	sbr.rel @p0 .LBB2_2-.Ltmp0, $4  }
0x77: {  	s7 =	sadd.s32 $0x20, s7;
	_ =	swait.ge [sflag:s28], $0x80  }
0x78: {  	s10 =	sadd.s32 $0x2, s10;
	s11 =	sadd.s32 s7, s21;
	[sflag:s28] =	ssyncset.done $0x0  }
0x79: {  	s11 =	sadd.s32 $0xFFFFFFE0, s11;
	s12 =	sadd.s32 $0xFFFFFFF0, s7;
	[sflag:s28] =	ssyncadd.s32 $0xFFFFFF80  }
0x7a: {  	s18 =	sand.u32 $0xFFFFF80, s11;
	s19 =	sand.u32 $0x70, s12;
	_ =	swait.ge [sflag:s28], $0x80  }
0x7b: {  	[sflag:s28] =	ssyncset.done $0x0  }
0x7c: {  	[sflag:s28] =	ssyncadd.s32 $0xFFFFFF80  }
0x7d: {  	[tilespmem:s30], [sflag:$0x3] =	stream.indirect.gather [hbm4b:s5+s29], $0x80, s4, s29, $0xb8;
	[tilespmem:$0x1C800] =	vst v63  }
0x7e: {  	_ =	swait.ge [sflag:s31], $0x4000  }
0x7f: {  	s17 =	sadd.s32 $0xFFFFFD00, s8;
	s11 =	sor.u32 $0x14400, s15;
	[sflag:s31] =	ssyncset.done $0x0  }
0x80: {  	s12 =	sor.u32 s19, s18;
	s4 =	sand.u32 $0x380, s17;
	[sflag:s31] =	ssyncadd.s32 $0xFFFFC000  }
0x81: {  	[spmem:s2] =	stream.indirect.scatter.add.f32 [tilespmem:s24], [sflag:$0x4], $0x80, s11, s29, $0xb8;
	[tilespmem:$0x1C800] =	vst v63  }
0x82: {  	p0 =	seq.s32 s8, $0x380;
	s13 =	sadd.s32 s1, s12;
	s19 =	sor.u32 $0x14000, s4  }
0x83: {  	[tilespmem:s19], [sflag:$0x1] =	stream.linear.gather [hbm4b:s13+s3], $0x80, $0x38;
	[tilespmem:$0x1C800] =	vst v63  }
0x84: {  	s12 =	sadd.s32 s6, s12;
	s4 =	sor.u32 $0x14400, s4;
	s13 =	simm.s32 @!p0 $0x4  }
0x85: {  	[tilespmem:s4], [sflag:$0x1] =	stream.linear.gather [hbm4b:s12+s3], $0x80, $0x38;
	[tilespmem:$0x1C800] =	vst v63  }
0x86: {  	_ =	swait.ge @!p0 [sflag:s13], $0x4000  }
0x87: {  	[sflag:s13] =	ssyncset.done @!p0 $0x0  }
0x88: {  	[sflag:s13] =	ssyncadd.s32 @!p0 $0xFFFFC000  }
0x89: {  	_ =	swait.ge [sflag:s28], $0x80  }
0x8a: {  	s20 =	sadd.s32 $0xFFFFFC80, s8;
	[sflag:s28] =	ssyncset.done $0x0  }
0x8b: {  	p1 =	sgt.u32 s10, $0x4E;
	s10 =	simm.s32 @!p0 $0x3;
	[sflag:s28] =	ssyncadd.s32 $0xFFFFFF80  }
0x8c: {  	s4 =	sand.u32 @!p0 $0x380, s8;
	s12 =	sand.u32 $0x300, s20;
	_ =	swait.ge [sflag:s28], $0x80  }
0x8d: {  	s8 =	sadd.s32 @!p1 $0xFFFFFD80, s8;
	s25 =	sor.u32 $0x14000, s12;
	[sflag:s28] =	ssyncset.done $0x0  }
0x8e: {  	s4 =	sor.u32 @!p0 $0x14400, s4;
	s13 =	sadd.s32 @!p1 s7, s21;
	[sflag:s28] =	ssyncadd.s32 $0xFFFFFF80  }
0x8f: {  	[tilespmem:s24], [sflag:$0x2] =	stream.indirect.gather [hbm4b:s5+s29], $0x80, s25, s29, $0xb8;
	[tilespmem:$0x1C800] =	vst v63  }
0x90: {  	s7 =	sand.u32 @!p1 $0x60, s7;
	s13 =	sand.u32 @!p1 $0xFFFFF80, s13;
	_ =	swait.ge @!p0 [sflag:s10], $0x4000  }
0x91: {  	s8 =	sand.u32 @!p1 $0x300, s8;
	s7 =	sor.u32 @!p1 s7, s13;
	[sflag:s10] =	ssyncset.done @!p0 $0x0  }
0x92: {  	s13 =	simm.s32 @!p0 $0x80;
	[sflag:s10] =	ssyncadd.s32 @!p0 $0xFFFFC000;
	s10 =	simm.s32 @!p0 $0x18800  }
0x93: {  	[spmem:s2] =	stream.indirect.scatter.add.f32 @!p0 [tilespmem:s10], [sflag:$0x5], $0x80, s4, s13, $0xb8;
	[tilespmem:$0x1C800] =	vst v63  }
0x94: {  	s4 =	simm.s32 @!p1 $0x0;
	s10 =	sadd.s32 @!p1 s1, s7;
	s13 =	sor.u32 @!p1 $0x14000, s8  }
0x95: {  	[tilespmem:s13], [sflag:$0x1] =	stream.linear.gather @!p1 [hbm4b:s10+s4], $0x80, $0x38;
	[tilespmem:$0x1C800] =	vst v63  }
0x96: {  	s8 =	sor.u32 @!p1 $0x14400, s8;
	s7 =	sadd.s32 @!p1 s6, s7  }
0x97: {  	[tilespmem:s8], [sflag:$0x1] =	stream.linear.gather @!p1 [hbm4b:s7+s4], $0x80, $0x38;
	[tilespmem:$0x1C800] =	vst v63  }
0x98: {  	s4 =	simm.s32 @!p0 $0x5  }
0x99: {  	_ =	swait.ge @!p0 [sflag:s4], $0x4000  }
0x9a: {  	[sflag:s4] =	ssyncset.done @!p0 $0x0  }
0x9b: {  	[sflag:s4] =	ssyncadd.s32 @!p0 $0xFFFFC000  }
0x9c: {  	_ =	swait.ge [sflag:s28], $0x80  }
0x9d: {  	[sflag:s28] =	ssyncset.done $0x0  }
0x9e: {  	[sflag:s28] =	ssyncadd.s32 $0xFFFFFF80  }
0x9f: {  	_ =	swait.ge [sflag:s28], $0x80  }
0xa0: {  	[sflag:s28] =	ssyncset.done $0x0  }
0xa1: {  	[sflag:s28] =	ssyncadd.s32 $0xFFFFFF80  }
0xa2: {  	[tilespmem:s30], [sflag:$0x3] =	stream.indirect.gather [hbm4b:s5+s29], $0x80, s19, s29, $0xb8;
	[tilespmem:$0x1C800] =	vst v63  }
0xa3: {  	_ =	swait.ge [sflag:s31], $0x4000  }
0xa4: {  	[sflag:s31] =	ssyncset.done $0x0  }
0xa5: {  	s13 =	sor.u32 $0x14400, s12;
	[sflag:s31] =	ssyncadd.s32 $0xFFFFC000  }
0xa6: {  	[spmem:s2] =	stream.indirect.scatter.add.f32 [tilespmem:s24], [sflag:$0x4], $0x80, s13, s29, $0xb8;
	[tilespmem:$0x1C800] =	vst v63  }
0xa7: {  	_ =	swait.ge [sflag:s0], $0x4000  }
0xa8: {  	[sflag:s0] =	ssyncset.done $0x0  }
0xa9: {  	s15 =	simm.s32 $0x14780;
	[sflag:s0] =	ssyncadd.s32 $0xFFFFC000  }
0xaa: {  	[spmem:s2] =	stream.indirect.scatter.add.f32 [tilespmem:s30], [sflag:$0x5], $0x80, s15, s29, $0xb8;
	[tilespmem:$0x1C800] =	vst v63  }
0xab: {  	_ =	swait.ge [sflag:s26], $0x4000  }
0xac: {  	[sflag:s26] =	ssyncset.done $0x0  }
0xad: {  	[sflag:s26] =	ssyncadd.s32 $0xFFFFC000  }
0xae: {  	_ =	swait.ge [sflag:s22], $0x4000  }
0xaf: {  	[sflag:s22] =	ssyncset.done $0x0  }
0xb0: {  	[sflag:s22] =	ssyncadd.s32 $0xFFFFC000  }
0xb1: {  	[bflag:$0x0] =	sbarrier.arrive $0xFFFF  }
0xb2: {  	[tilespmem:s24], [sflag:$0x2] =	stream.linear.gather [spmem:s9], $0x4000, $0x38;
	[tilespmem:$0x1C800] =	vst v63  }
0xb3: {  	_ =	swait.ge [sflag:s31], $0x4000  }
0xb4: {  	[sflag:s31] =	ssyncset.done $0x0  }
0xb5: {  	s16 =	rddreg [dreg:$0xa];
	[sflag:s31] =	ssyncadd.s32 $0xFFFFC000  }
0xb6: {  	[hbm4b:s16+s3] =	stream.linear.scatter [tilespmem:s24], [sflag:$0x4], $0x4000, $0x38;
	[tilespmem:$0x1C800] =	vst v63  }
0xb7: {  	_ = 	snop  }
0xb8: {  	[tilespmem:s30], [sflag:$0x3] =	stream.linear.gather [spmem:s14], $0x4000, $0x38;
	[tilespmem:$0x1C800] =	vst v63  }
0xb9: {  	_ =	swait.ge [sflag:s0], $0x4000  }
0xba: {  	[sflag:s0] =	ssyncset.done $0x0  }
0xbb: {  	s17 =	rddreg [dreg:$0xb];
	[sflag:s0] =	ssyncadd.s32 $0xFFFFC000  }
0xbc: {  	[hbm4b:s17+s3] =	stream.linear.scatter [tilespmem:s30], [sflag:$0x5], $0x4000, $0x38;
	[tilespmem:$0x1C800] =	vst v63  }
0xbd: {  	_ =	swait.ge [sflag:s26], $0x4000  }
0xbe: {  	[sflag:s26] =	ssyncset.done $0x0  }
0xbf: {  	s13 =	rddreg [dreg:$0x7];
	[sflag:s26] =	ssyncadd.s32 $0xFFFFC000  }
0xc0: {  	[tilespmem:s24], [sflag:$0x2] =	stream.linear.gather [spmem:s13], $0x4000, $0x38;
	[tilespmem:$0x1C800] =	vst v63  }
0xc1: {  	_ =	swait.ge [sflag:s31], $0x4000  }
0xc2: {  	[sflag:s31] =	ssyncset.done $0x0  }
0xc3: {  	s18 =	rddreg [dreg:$0xc];
	[sflag:s31] =	ssyncadd.s32 $0xFFFFC000  }
0xc4: {  	[hbm4b:s18+s3] =	stream.linear.scatter [tilespmem:s24], [sflag:$0x4], $0x4000, $0x38;
	[tilespmem:$0x1C800] =	vst v63  }
0xc5: {  	_ =	swait.ge [sflag:s22], $0x4000  }
0xc6: {  	[sflag:s22] =	ssyncset.done $0x0  }
0xc7: {  	s16 =	rddreg [dreg:$0x8];
	[sflag:s22] =	ssyncadd.s32 $0xFFFFC000  }
0xc8: {  	[tilespmem:s30], [sflag:$0x3] =	stream.linear.gather [spmem:s16], $0x4000, $0x38;
	[tilespmem:$0x1C800] =	vst v63  }
0xc9: {  	_ =	swait.ge [sflag:s0], $0x4000  }
0xca: {  	[sflag:s0] =	ssyncset.done $0x0  }
0xcb: {  	s19 =	rddreg [dreg:$0xd];
	[sflag:s0] =	ssyncadd.s32 $0xFFFFC000  }
0xcc: {  	[hbm4b:s19+s3] =	stream.linear.scatter [tilespmem:s30], [sflag:$0x5], $0x4000, $0x38;
	[tilespmem:$0x1C800] =	vst v63  }
0xcd: {  	_ =	swait.ge [sflag:s26], $0x4000  }
0xce: {  	[sflag:s26] =	ssyncset.done $0x0  }
0xcf: {  	s17 =	rddreg [dreg:$0x9];
	[sflag:s26] =	ssyncadd.s32 $0xFFFFC000  }
0xd0: {  	[tilespmem:s24], [sflag:$0x2] =	stream.linear.gather [spmem:s17], $0x4000, $0x38;
	[tilespmem:$0x1C800] =	vst v63  }
0xd1: {  	_ =	swait.ge [sflag:s31], $0x4000  }
0xd2: {  	[sflag:s31] =	ssyncset.done $0x0  }
0xd3: {  	s20 =	rddreg [dreg:$0xe];
	[sflag:s31] =	ssyncadd.s32 $0xFFFFC000  }
0xd4: {  	[hbm4b:s20+s3] =	stream.linear.scatter [tilespmem:s24], [sflag:$0x4], $0x4000, $0x38;
	[tilespmem:$0x1C800] =	vst v63  }
0xd5: {  	_ =	swait.ge [sflag:s26], $0x4000  }
0xd6: {  	[sflag:s26] =	ssyncset.done $0x0  }
0xd7: {  	[sflag:s26] =	ssyncadd.s32 $0xFFFFC000  }
0xd8: {  	_ =	swait.ge [sflag:s22], $0x4000  }
0xd9: {  	s23 =	sadd.s32 $0x1, s23;
	s25 =	rddreg [dreg:$0xf]  }
0xda: {  	p0 =	sne.s32 s23, s25  }
.Ltmp1:
0xdb: {  	_ = 	snop;
	(pc) =	sbr.rel @p0 .LBB2_1-.Ltmp1, $3  }
0xdc: {  	_ =	sdelay $0x1  }
0xdd: {  	[sflag:s22] =	ssyncset.done $0x0  }
0xde: {  	s11 =	smov.u32 s14;
	s15 =	smov.u32 s9;
	[sflag:s22] =	ssyncadd.s32 $0xFFFFC000  }
0xdf: {  	_ =	sfence.sel $0x180000  }
0xe0: {  	[bflag:$0x0] =	sbarrier.arrive $0xFFFF  }
0xe1: {  	_ =	strace $0x9000004A  }
0xe2: {  	s0 =	stileid.u32;
	[bflag:$0x2] =	sbarrier.arrive $0xFFFF  }
0xe3: {  	p0 =	sne.s32 s0, $0x0;
	s0 =	rddreg [dreg:$0x3]  }
0xe4: {  	s0 =	sadd.s32 @!p0 $0x100000, s0  }
0xe5: {  	[sflag:s0] =	ssyncadd.tile.s32 @!p0 $0x1;
	_ =	shalt  }
.Lfunc_end2:
_tile_overlayer_lowered:
.L_overlay_start_2:
0xe6: {  	(tag) =	ssettag $0x2  }
0xe7: {  	s0 =	rddreg [dreg:$0x0];
	s2 =	stileid.u32  }
0xe8: {  	s1 =	rddreg [dreg:$0x1];
	p0 =	sne.s32 s2, $0x0  }
0xe9: {  	s3 =	rddreg [dreg:$0x2];
	[bflag:$0x3] =	sbarrier.arrive $0xFFFF;
	s2 =	simm.s32 @!p0 $0x1C06  }
0xea: {  	[timem:s3], [sflag:s2] =	dma.local @!p0 [hbm:s0], s1  }
0xeb: {  	s0 =	simm.s32 @!p0 $0x6  }
0xec: {  	_ =	swait.ge @!p0 [sflag:s0], s1  }
0xed: {  	s1 =	ssub.s32 @!p0 $0x0, s1;
	[sflag:s0] =	ssyncset.done @!p0 $0x0  }
0xee: {  	[sflag:s0] =	ssyncadd.s32 @!p0 s1  }
0xef: {  	[bflag:$0x3] =	sbarrier.arrive $0xFFFF  }
0xf0: {  	_ =	shalt  }

// kernel: kernel.17.cloned.1.call-start
scs
__scs_entry_jumppad:
0x0: {  	(pc) =	sbr.rel $0x88, $3  }
0x1: {  	(tag) =	ssettag $0x0;
	lr =	simm.s32 $0x1  }
0x2: {  	[smem:$0x3F96] =	sst lr;
	_ =	strace $0xD0000000  }
0x3: {  	_ = 	snop  }
0x4: {  	_ = 	snop  }
0x5: {  	_ = 	snop  }
0x6: {  	_ = 	snop  }
0x7: {  	_ = 	snop  }
__scs_overlays_trampoline_lowered:
0x8: {  	[smem:$0x3FA5] =	sst s0  }
0x9: {  	[smem:$0x3FA6] =	sst s1  }
0xa: {  	[smem:$0x3FA7] =	sst s2  }
0xb: {  	[smem:$0x3FA8] =	sst s3  }
0xc: {  	[smem:$0x3FA9] =	sst s4  }
0xd: {  	[smem:$0x3FAA] =	sst s5  }
0xe: {  	[smem:$0x3FAB] =	sst s6  }
0xf: {  	[smem:$0x3FAC] =	sst s7  }
0x10: {  	[smem:$0x3FAD] =	sst s8  }
0x11: {  	[smem:$0x3FAE] =	sst s9;
	s0 =	simm.s32 @!p0 $0x0  }
0x12: {  	s1 =	sld [smem:$0x3F94];
	s0 =	simm.s32 @p0 $0x1  }
0x13: {  	[smem:$0x3FAF] =	sst s0;
	s0 =	simm.s32 @!p1 $0x0  }
0x14: {  	s2 =	sld [smem:$0x3F93];
	s0 =	simm.s32 @p1 $0x1  }
0x15: {  	[smem:$0x3FB0] =	sst s0;
	s0 =	simm.s32 @!p2 $0x0  }
0x16: {  	s3 =	sld [smem:$0x3FDB];
	s0 =	simm.s32 @p2 $0x1  }
0x17: {  	s4 =	simm.s32 $0x1BF5;
	[smem:$0x3FB2] =	sst s0  }
0x18: {  	s0 =	sld [smem:$0x3F95];
	_ =	swait.ge [sflag:s4], $0x0  }
0x19: {  	s7 =	sld [smem:$0x3F96]  }
0x1a: {  	s8 =	sadd.s32 $0xFFFFE003, lr  }
0x1b: {  	s9 =	sadd.s32 $0xFFFFFEF7, lr;
	s5 =	simm.s32 $0xFFFFFFFF;
	p2 =	slt.u32 s8, $0xFFFFF086  }
0x1c: {  	p1 =	slt.u32 s9, $0xF7A;
	s5 =	simm.s32 @!p2 $0x0  }
0x1d: {  	s5 =	simm.s32 @p1 $0x1;
	p0 =	seq.s32 s7, s2  }
0x1e: {  	s7 =	smul.u32 @!p0 $0xF7A, s2;
	p2 =	seq.s32 @!p0 s5, $0x0  }
0x1f: {  	s9 =	smul.u32 $0xF7A, s1;
	s8 =	simm.s32 @!p0 $0x1BF5;
	p2 =	por !p2, p0  }
0x20: {  	[sflag:s8] =	ssyncset.s32 @!p0 $0xFFFFF086;
	s6 =	sadd.s32 @!p0 s3, s7;
	s7 =	simm.s32 @!p0 $0x108  }
0x21: {  	s3 =	sadd.s32 s3, s9;
	s6 =	sadd.s32 @!p0 $0x88, s6;
	s7 =	simm.s32 @p2 $0x1082  }
0x22: {  	[simem:s7], [sflag:s8] =	dma.local @!p0 [hbm:s6], $0xF7A  }
0x23: {  	s9 =	sor.u32 $0xD0000000, s2;
	s6 =	simm.s32 $0x108;
	_ =	swait.ge @!p0 [sflag:s8], $0x0  }
0x24: {  	s3 =	sadd.s32 $0x88, s3;
	s6 =	simm.s32 @!p1 $0x1082;
	[sflag:s4] =	ssyncset.s32 $0xFFFFF086  }
0x25: {  	[simem:s6], [sflag:s4] =	dma.local [hbm:s3], $0xF7A  }
0x26: {  	[smem:$0x3F96] =	sst s1;
	(tag) =	ssettag s2;
	_ =	strace s9  }
0x27: {  	s1 =	sld [smem:$0x3FA6]  }
0x28: {  	s2 =	sld [smem:$0x3FA7]  }
0x29: {  	s4 =	sld [smem:$0x3FA9]  }
0x2a: {  	p0 =	seq.s32 s5, $0x0;
	s5 =	sld [smem:$0x3FAA]  }
0x2b: {  	s6 =	sld [smem:$0x3FAB]  }
0x2c: {  	s7 =	sld [smem:$0x3FAC]  }
0x2d: {  	s3 =	simm.s32 $0x108;
	s8 =	sld [smem:$0x3FAD]  }
0x2e: {  	s3 =	simm.s32 @!p0 $0x1082;
	s9 =	sld [smem:$0x3FAE]  }
0x2f: {  	lr =	sadd.s32 s0, s3;
	s0 =	sld [smem:$0x3FA5]  }
0x30: {  	s3 =	sld [smem:$0x3FA8]  }
0x31: {  	[smem:$0x3FB1] =	sst s10  }
0x32: {  	s10 =	sld [smem:$0x3FAF];
	_ =	sdelay $0x3  }
0x33: {  	p0 =	seq.s32 s10, $0x1;
	s10 =	sld [smem:$0x3FB1];
	_ =	sdelay $0x3  }
0x34: {  	[smem:$0x3FB1] =	sst s10  }
0x35: {  	s10 =	sld [smem:$0x3FB0];
	_ =	sdelay $0x3  }
0x36: {  	p1 =	seq.s32 s10, $0x1;
	s10 =	sld [smem:$0x3FB1];
	_ =	sdelay $0x3  }
0x37: {  	[smem:$0x3FB1] =	sst s10  }
0x38: {  	s10 =	sld [smem:$0x3FB2]  }
0x39: {  	_ = 	snop;
	(pc) =	sbr.ind lr, $3  }
0x3a: {  	_ = 	snop  }
0x3b: {  	_ = 	snop  }
0x3c: {  	p2 =	seq.s32 s10, $0x1;
	s10 =	sld [smem:$0x3FB1]  }
0x3d: {  	_ =	shalt  }
0x3e: {  	_ =	shalt  }
0x3f: {  	_ =	shalt  }
0x40: {  	_ =	shalt  }
0x41: {  	_ =	shalt  }
0x42: {  	_ =	shalt  }
0x43: {  	_ =	shalt  }
0x44: {  	_ =	shalt  }
0x45: {  	_ =	shalt  }
0x46: {  	_ =	shalt  }
0x47: {  	_ =	shalt  }
0x48: {  	_ =	shalt  }
0x49: {  	_ =	shalt  }
0x4a: {  	_ =	shalt  }
0x4b: {  	_ =	shalt  }
0x4c: {  	_ =	shalt  }
0x4d: {  	_ =	shalt  }
0x4e: {  	_ =	shalt  }
0x4f: {  	_ =	shalt  }
0x50: {  	_ =	shalt  }
0x51: {  	_ =	shalt  }
0x52: {  	_ =	shalt  }
0x53: {  	_ =	shalt  }
0x54: {  	_ =	shalt  }
0x55: {  	_ =	shalt  }
0x56: {  	_ =	shalt  }
0x57: {  	_ =	shalt  }
0x58: {  	_ =	shalt  }
0x59: {  	_ =	shalt  }
0x5a: {  	_ =	shalt  }
0x5b: {  	_ =	shalt  }
0x5c: {  	_ =	shalt  }
0x5d: {  	_ =	shalt  }
0x5e: {  	_ =	shalt  }
0x5f: {  	_ =	shalt  }
0x60: {  	_ =	shalt  }
0x61: {  	_ =	shalt  }
0x62: {  	_ =	shalt  }
0x63: {  	_ =	shalt  }
0x64: {  	_ =	shalt  }
0x65: {  	_ =	shalt  }
0x66: {  	_ =	shalt  }
0x67: {  	_ =	shalt  }
0x68: {  	_ =	shalt  }
0x69: {  	_ =	shalt  }
0x6a: {  	_ =	shalt  }
0x6b: {  	_ =	shalt  }
0x6c: {  	_ =	shalt  }
0x6d: {  	_ =	shalt  }
0x6e: {  	_ =	shalt  }
0x6f: {  	_ =	shalt  }
0x70: {  	_ =	shalt  }
0x71: {  	_ =	shalt  }
0x72: {  	_ =	shalt  }
0x73: {  	_ =	shalt  }
0x74: {  	_ =	shalt  }
0x75: {  	_ =	shalt  }
0x76: {  	_ =	shalt  }
0x77: {  	_ =	shalt  }
0x78: {  	_ =	shalt  }
0x79: {  	_ =	shalt  }
0x7a: {  	_ =	shalt  }
0x7b: {  	_ =	shalt  }
0x7c: {  	_ =	shalt  }
0x7d: {  	_ =	shalt  }
0x7e: {  	_ =	shalt  }
0x7f: {  	_ =	shalt  }
0x80: {  	_ =	shalt  }
0x81: {  	_ =	shalt  }
0x82: {  	_ =	shalt  }
0x83: {  	_ =	shalt  }
0x84: {  	_ =	shalt  }
0x85: {  	_ =	shalt  }
0x86: {  	_ =	shalt  }
0x87: {  	_ =	shalt  }
.Lfunc_end0:
.L_simem_size_0:
called_computation.2_lowered:
.L_overlay_start_0:
0x88: {  	s2 =	sld [smem:$0x3FD9]  }
0x89: {  	s3 =	sld [smem:$0x3FFE];
	_ =	sdelay $0x1  }
0x8a: {  	s1 =	srdreg.scid  }
0x8b: {  	s0 =	sand.u32 $0x1, s1  }
0x8c: {  	s14 =	sshll.u32 s0, $0xA;
	s2 =	sadd.s32 s3, s2  }
0x8d: {  	s2 =	sadd.s32 s2, s14  }
0x8e: {  	[smem:$0x3FBD] =	sst s2  }
0x8f: {  	_ = 	snop  }
0x90: {  	s2 =	sld [smem:$0x3FD0];
	_ =	sdelay $0x2  }
0x91: {  	s15 =	simm.s32 $0xA;
	s4 =	simm.s32 $0x10  }
0x92: {  	[smem:s4], [sflag:s15] =	dma.local [hbm:s2], $0x1  }
0x93: {  	_ =	swait.eq [sflag:s15], $0x1  }
0x94: {  	[sflag:s15] =	ssyncset.done $0x0  }
0x95: {  	[sflag:s15] =	ssyncadd.s32 $0xFFFFFFFF  }
0x96: {  	s16 =	sld [smem:$0x11];
	(tm) =	ssettm $0x1  }
0x97: {  	s17 =	sld [smem:$0x3FFB];
	_ =	sdelay $0x3  }
0x98: {  	_ =	strace s17  }
0x99: {  	s3 =	sld [smem:$0x3FFC];
	_ =	sdelay $0x3  }
0x9a: {  	_ =	strace s3  }
0x9b: {  	s3 =	sld [smem:$0x3FFD];
	_ =	sdelay $0x3  }
0x9c: {  	_ =	strace s3  }
0x9d: {  	_ =	strace $0x8FFFFFFF  }
0x9e: {  	s18 =	sld [smem:$0x3FDB];
	_ =	sdelay $0x1  }
0x9f: {  	s19 =	simm.s32 $_scs_section_size  }
0xa0: {  	s5 =	simm.s32 $_size__tile_overlayer_lowered;
	s6 =	simm.s32 $_tile_overlayer_lowered  }
0xa1: {  	s22 =	simm.s32 $0x1BFF;
	s21 =	sshll.u32 s6, $0x1;
	s3 =	sadd.s32 s19, s18  }
0xa2: {  	s7 =	simm.s32 $0x0;
	s20 =	sshll.u32 s5, $0x1;
	s5 =	sadd.s32 s21, s3  }
0xa3: {  	[timem:s7], [sflag:s22] =	dma.local [hbm:s5], s20  }
0xa4: {  	_ =	swait.ge [sflag:s22], s20  }
0xa5: {  	s4 =	ssub.s32 $0x0, s20;
	[sflag:s22] =	ssyncset.done $0x0  }
0xa6: {  	[sflag:s22] =	ssyncadd.s32 s4;
	_ =	sdelay $0x1  }
0xa7: {  	s23 =	simm.s32 $0x1B8B  }
0xa8: {  	_ =	swait.ge [sflag:s23], $0x1  }
0xa9: {  	[sflag:s23] =	ssyncset.done $0x0  }
0xaa: {  	s25 =	simm.s32 $0x1B8E;
	s24 =	sld [smem:$0x3FFE];
	[sflag:s23] =	ssyncadd.s32 $0xFFFFFFFF  }
0xab: {  	s26 =	simm.s32 $execute0_lowered;
	[smem:$0x3FD2] =	sst s25  }
0xac: {  	s5 =	sshll.u32 s26, $0x1;
	_ =	strace $0x8000004C;
	[dreg:$0x1] =	wrdreg $0xFFFFFFFF  }
0xad: {  	s28 =	simm.s32 $_size_execute0_lowered;
	s3 =	sadd.s32 s3, s5;
	[dreg:$0x0] =	wrdreg $0x0  }
0xae: {  	s5 =	sshll.u32 s28, $0x1;
	[dreg:$0x2] =	wrdreg s3  }
0xaf: {  	[dreg:$0x3] =	wrdreg s5  }
0xb0: {  	[dreg:$0x4] =	wrdreg $0xC0  }
0xb1: {  	_ =	task [dreg:s7], $0x5FFFF  }
0xb2: {  	[dreg:$0x1] =	wrdreg $0xFFFFFFFF  }
0xb3: {  	[dreg:$0x0] =	wrdreg $0x60  }
0xb4: {  	[dreg:$0x2] =	wrdreg s24  }
0xb5: {  	[dreg:$0x3] =	wrdreg s16  }
0xb6: {  	[dreg:$0x4] =	wrdreg $0x0  }
0xb7: {  	[dreg:$0x5] =	wrdreg $0x9  }
0xb8: {  	_ =	task.clear_ibuf [dreg:s7], $0x6FFFF;
	_ =	strace $0x9000004C  }
0xb9: {  	s29 =	simm.s32 $0x9;
	_ =	strace $0x8000004E  }
0xba: {  	_ =	swait.ge [sflag:s29], $0x1  }
0xbb: {  	[sflag:s29] =	ssyncadd.s32 $0xFFFFFFFF  }
0xbc: {  	_ =	strace $0x9000004E  }
0xbd: {  	_ =	sfence  }
0xbe: {  	s30 =	sld [smem:$0x0];
	_ =	sdelay $0x2  }
0xbf: {  	s31 =	sshll.u32 s1, $0xD;
	s1 =	sshrl.u32 s1, $0x2  }
0xc0: {  	s3 =	sand.u32 $0x4000, s31;
	s1 =	sadd.s32 s1, s30  }
0xc1: {  	s0 =	sor.u32 s3, s0;
	s1 =	sshll.u32 s1, $0x11  }
0xc2: {  	s0 =	sor.u32 s1, s0  }
0xc3: {  	s0 =	sadd.s32 $0x8F2B, s0  }
0xc4: {  	[sflag:s0] =	ssyncadd.remote.s32 $0x1  }
0xc5: {  	_ =	sfence.sel $0xFFFF  }
0xc6: {  	[dreg:$0x0] =	wrdreg $0xFFFFFFFF;
	(pc) =	sbr.abs _section_cstart, $3  }
0xc7: {  	[dreg:$0x1] =	wrdreg $0xFFFFFFFF  }
0xc8: {  	_ =	task.clear_ibuf [dreg:s7], $0x2FFFF;
	_ =	strace $0x9FFFFFFF  }
0xc9: {  	(tm) =	ssettm $0x7FFFFFFF  }
tec
execute0_lowered:
.L_overlay_start_1:
0x0: {  	(tag) =	ssettag $0x1  }
0x1: {  	s0 =	rddreg [dreg:$0x0]  }
0x2: {  	s1 =	rddreg [dreg:$0x1]  }
0x3: {  	s2 =	rddreg [dreg:$0x2];
	s3 =	simm.s32 $0x0;
	s4 =	srdreg.scid  }
0x4: {  	s12 =	stileid.u32;
	s28 =	simm.s32 $0x1;
	s29 =	simm.s32 $0x80  }
0x5: {  	s30 =	simm.s32 $0x18800;
	s31 =	simm.s32 $0x2;
	[smem:$0x7FF] =	sst s3  }
0x6: {  	s5 =	sadd.s32 $0xD600, s0;
	s4 =	sand.u32 $0x1, s4;
	s6 =	sadd.s32 $0x3600, s0  }
0x7: {  	s9 =	smul.u32 $0x50000, s12;
	s10 =	sadd.s32 $0x35600, s0;
	s8 =	ssub.s32 $0x2, s4  }
0x8: {  	s0 =	sadd.s32 $0x35E00, s0;
	_ =	strace $0x8000004D;
	s18 =	sshrl.u32 s8, $0x1  }
0x9: {  	s7 =	sshll.u32 s4, $0x4;
	s9 =	sshrl.u32 s9, $0x2;
	s8 =	ssub.s32 s8, s18  }
0xa: {  	[dreg:$0x4] =	wrdreg s10;
	s15 =	sadd.s32 s9, s2;
	s26 =	smax.u32 s8, $0x1  }
0xb: {  	s7 =	sor.u32 s12, s7;
	s13 =	sadd.s32 $0x8000, s15;
	[dreg:$0xf] =	wrdreg s26  }
0xc: {  	s11 =	smul.u32 $0x500, s7;
	s16 =	sadd.s32 $0xC000, s15;
	[dreg:$0x7] =	wrdreg s13  }
0xd: {  	s20 =	smul.u32 $0x14000, s7;
	s17 =	sadd.s32 $0x10000, s15;
	[dreg:$0x8] =	wrdreg s16  }
0xe: {  	s7 =	smul.u32 $0x2800, s7;
	s19 =	sadd.s32 s1, s11;
	[dreg:$0x9] =	wrdreg s17  }
0xf: {  	s11 =	sadd.s32 s6, s11;
	s10 =	sshrl.u32 s20, $0x3;
	[dreg:$0x5] =	wrdreg s19  }
0x10: {  	[dreg:$0x6] =	wrdreg s11;
	s10 =	sadd.s32 s0, s10;
	s0 =	sadd.s32 s0, s7  }
0x11: {  	s22 =	smul.u32 $0x500, s12;
	[dreg:$0xa] =	wrdreg s0;
	s21 =	sadd.s32 $0x800, s10  }
0x12: {  	s4 =	smul.u32 $0x5000, s4;
	s23 =	sadd.s32 $0x1000, s10;
	[dreg:$0xb] =	wrdreg s21  }
0x13: {  	s26 =	simm.s32 $0x4;
	s24 =	sadd.s32 $0x1800, s10;
	[dreg:$0xc] =	wrdreg s23  }
0x14: {  	s11 =	sadd.s32 $0x4000, s15;
	s25 =	sadd.s32 $0x2000, s10;
	[dreg:$0xd] =	wrdreg s24  }
0x15: {  	s0 =	simm.s32 $0x3;
	[dreg:$0xe] =	wrdreg s25;
	s21 =	sadd.s32 s22, s4  }
0x16: {  	s24 =	simm.s32 $0x14800;
	s22 =	simm.s32 $0x5;
	s23 =	simm.s32 $0x0  }
.LBB2_1:
0x17: {  	s4 =	rddreg [dreg:$0x5];
	s7 =	simm.s32 $0x14000  }
0x18: {  	[tilespmem:s7], [sflag:$0x1] =	stream.linear.gather [hbm4b:s4+s3], $0x80, $0x38;
	[tilespmem:$0x1C800] =	vst v63  }
0x19: {  	s9 =	rddreg [dreg:$0x6];
	s10 =	simm.s32 $0x14400  }
0x1a: {  	[tilespmem:s10], [sflag:$0x1] =	stream.linear.gather [hbm4b:s9+s3], $0x80, $0x38;
	[tilespmem:$0x1C800] =	vst v63  }
0x1b: {  	s12 =	rddreg [dreg:$0x4];
	s14 =	simm.s32 $0x6  }
0x1c: {  	[tilespmem:s24], [sflag:$0x6] =	stream.linear.gather [hbm4b:s12+s3], $0x4000, $0x38;
	[tilespmem:$0x1C800] =	vst v63  }
0x1d: {  	_ =	swait.ge [sflag:s14], $0x4000  }
0x1e: {  	[sflag:s14] =	ssyncset.done $0x0  }
0x1f: {  	[sflag:s14] =	ssyncadd.s32 $0xFFFFC000  }
0x20: {  	[spmem:s15] =	stream.linear.scatter [tilespmem:s24], [sflag:$0x4], $0x4000, $0x38;
	[tilespmem:$0x1C800] =	vst v63  }
0x21: {  	_ = 	snop  }
0x22: {  	[spmem:s11] =	stream.linear.scatter [tilespmem:s24], [sflag:$0x4], $0x4000, $0x38;
	[tilespmem:$0x1C800] =	vst v63  }
0x23: {  	_ = 	snop  }
0x24: {  	[spmem:s13] =	stream.linear.scatter [tilespmem:s24], [sflag:$0x4], $0x4000, $0x38;
	[tilespmem:$0x1C800] =	vst v63  }
0x25: {  	_ = 	snop  }
0x26: {  	[spmem:s16] =	stream.linear.scatter [tilespmem:s24], [sflag:$0x4], $0x4000, $0x38;
	[tilespmem:$0x1C800] =	vst v63  }
0x27: {  	_ = 	snop  }
0x28: {  	[spmem:s17] =	stream.linear.scatter [tilespmem:s24], [sflag:$0x4], $0x4000, $0x38;
	[tilespmem:$0x1C800] =	vst v63  }
0x29: {  	_ =	swait.ge [sflag:s26], $0x4000  }
0x2a: {  	[sflag:s26] =	ssyncset.done $0x0  }
0x2b: {  	[sflag:s26] =	ssyncadd.s32 $0xFFFFC000  }
0x2c: {  	_ =	swait.ge [sflag:s26], $0x4000  }
0x2d: {  	[sflag:s26] =	ssyncset.done $0x0  }
0x2e: {  	[sflag:s26] =	ssyncadd.s32 $0xFFFFC000  }
0x2f: {  	_ =	swait.ge [sflag:s26], $0x4000  }
0x30: {  	[sflag:s26] =	ssyncset.done $0x0  }
0x31: {  	[sflag:s26] =	ssyncadd.s32 $0xFFFFC000  }
0x32: {  	_ =	swait.ge [sflag:s26], $0x4000  }
0x33: {  	s18 =	sadd.s32 $0x20, s21;
	[sflag:s26] =	ssyncset.done $0x0  }
0x34: {  	s19 =	simm.s32 $0x10;
	s8 =	simm.s32 $0x80;
	[sflag:s26] =	ssyncadd.s32 $0xFFFFC000  }
0x35: {  	p0 =	por $0x1, $0x1;
	s4 =	sadd.s32 $0xFFFFFFE0, s18;
	_ =	swait.ge [sflag:s26], $0x4000  }
0x36: {  	s7 =	sand.u32 $0x70, s19;
	s4 =	sand.u32 $0xFFFFF80, s4;
	[sflag:s26] =	ssyncset.done $0x0  }
0x37: {  	s8 =	sand.u32 $0x380, s8;
	s7 =	sor.u32 s7, s4;
	[sflag:s26] =	ssyncadd.s32 $0xFFFFC000  }
0x38: {  	s4 =	sor.u32 $0x14000, s8;
	s10 =	sadd.s32 s1, s7;
	[bflag:$0x0] =	sbarrier.arrive $0xFFFF  }
0x39: {  	[tilespmem:s4], [sflag:$0x1] =	stream.linear.gather [hbm4b:s10+s3], $0x80, $0x38;
	[tilespmem:$0x1C800] =	vst v63  }
0x3a: {  	s8 =	sor.u32 $0x14400, s8;
	s7 =	sadd.s32 s6, s7;
	s10 =	simm.s32 @!p0 $0x4  }
0x3b: {  	[tilespmem:s8], [sflag:$0x1] =	stream.linear.gather [hbm4b:s7+s3], $0x80, $0x38;
	[tilespmem:$0x1C800] =	vst v63  }
0x3c: {  	_ =	swait.ge @!p0 [sflag:s10], $0x4000  }
0x3d: {  	[sflag:s10] =	ssyncset.done @!p0 $0x0  }
0x3e: {  	[sflag:s10] =	ssyncadd.s32 @!p0 $0xFFFFC000  }
0x3f: {  	s20 =	simm.s32 $0x0;
	p1 =	por $0x0, $0x0;
	_ =	swait.ge [sflag:s28], $0x80  }
0x40: {  	s18 =	sadd.s32 @!p1 $0x20, s21;
	s9 =	smov.u32 s15;
	[sflag:s28] =	ssyncset.done $0x0  }
0x41: {  	s15 =	sand.u32 $0x300, s20;
	s16 =	simm.s32 @!p0 $0x3;
	[sflag:s28] =	ssyncadd.s32 $0xFFFFFF80  }
0x42: {  	s17 =	simm.s32 @!p0 $0x80;
	s7 =	simm.s32 $0x380;
	_ =	swait.ge [sflag:s28], $0x80  }
0x43: {  	s8 =	simm.s32 $0x20;
	s7 =	sand.u32 @!p0 $0x380, s7;
	[sflag:s28] =	ssyncset.done $0x0  }
0x44: {  	s8 =	sand.u32 @!p1 $0x60, s8;
	s10 =	sor.u32 $0x14000, s15;
	[sflag:s28] =	ssyncadd.s32 $0xFFFFFF80  }
0x45: {  	[tilespmem:s24], [sflag:$0x2] =	stream.indirect.gather [hbm4b:s5+s29], $0x80, s10, s29, $0xb8;
	[tilespmem:$0x1C800] =	vst v63  }
0x46: {  	s7 =	sor.u32 @!p0 $0x14400, s7;
	s10 =	sand.u32 @!p1 $0xFFFFF80, s18;
	_ =	swait.ge @!p0 [sflag:s16], $0x4000  }
0x47: {  	s8 =	sor.u32 @!p1 s8, s10;
	s10 =	simm.s32 @!p1 $0x100;
	[sflag:s16] =	ssyncset.done @!p0 $0x0  }
0x48: {  	s18 =	simm.s32 @!p0 $0x18800;
	s10 =	sand.u32 @!p1 $0x300, s10;
	[sflag:s16] =	ssyncadd.s32 @!p0 $0xFFFFC000  }
0x49: {  	[spmem:s2] =	stream.indirect.scatter.add.f32 @!p0 [tilespmem:s18], [sflag:$0x5], $0x80, s7, s17, $0xb8;
	[tilespmem:$0x1C800] =	vst v63  }
0x4a: {  	s16 =	sadd.s32 @!p1 s1, s8;
	s7 =	simm.s32 @!p1 $0x0;
	s17 =	sor.u32 @!p1 $0x14000, s10  }
0x4b: {  	[tilespmem:s17], [sflag:$0x1] =	stream.linear.gather @!p1 [hbm4b:s16+s7], $0x80, $0x38;
	[tilespmem:$0x1C800] =	vst v63  }
0x4c: {  	s8 =	sadd.s32 @!p1 s6, s8;
	s10 =	sor.u32 @!p1 $0x14400, s10;
	s16 =	simm.s32 @!p0 $0x5  }
0x4d: {  	[tilespmem:s10], [sflag:$0x1] =	stream.linear.gather @!p1 [hbm4b:s8+s7], $0x80, $0x38;
	[tilespmem:$0x1C800] =	vst v63  }
0x4e: {  	_ =	swait.ge @!p0 [sflag:s16], $0x4000  }
0x4f: {  	[sflag:s16] =	ssyncset.done @!p0 $0x0  }
0x50: {  	s25 =	sadd.s32 $0x40, s21;
	s19 =	simm.s32 $0x30;
	[sflag:s16] =	ssyncadd.s32 @!p0 $0xFFFFC000  }
0x51: {  	s19 =	sand.u32 $0x70, s19;
	s17 =	sadd.s32 $0xFFFFFFE0, s25;
	_ =	swait.ge [sflag:s28], $0x80  }
0x52: {  	s14 =	smov.u32 s11;
	s18 =	sand.u32 $0xFFFFF80, s17;
	[sflag:s28] =	ssyncset.done $0x0  }
0x53: {  	s8 =	simm.s32 $0x480;
	s7 =	simm.s32 $0x40;
	[sflag:s28] =	ssyncadd.s32 $0xFFFFFF80  }
0x54: {  	s10 =	simm.s32 $0x3;
	s16 =	simm.s32 $0x580;
	_ =	swait.ge [sflag:s28], $0x80  }
.LBB2_2:
0x55: {  	s20 =	sadd.s32 $0xFFFFFD00, s8  }
0x56: {  	[sflag:s28] =	ssyncset.done $0x0;
	s17 =	smov.u32 s16;
	s16 =	sadd.s32 $0x100, s16  }
0x57: {  	p0 =	sne.s32 s16, $0x2B80;
	s20 =	sand.u32 $0x380, s20;
	[sflag:s28] =	ssyncadd.s32 $0xFFFFFF80  }
0x58: {  	[tilespmem:s30], [sflag:$0x3] =	stream.indirect.gather [hbm4b:s5+s29], $0x80, s4, s29, $0xb8;
	[tilespmem:$0x1C800] =	vst v63  }
0x59: {  	s4 =	sor.u32 $0x14400, s15;
	_ =	swait.ge [sflag:s31], $0x4000  }
0x5a: {  	s15 =	sor.u32 s19, s18;
	[sflag:s31] =	ssyncset.done $0x0  }
0x5b: {  	p1 =	seq.s32 s8, $0x380;
	[sflag:s31] =	ssyncadd.s32 $0xFFFFC000  }
0x5c: {  	[spmem:s2] =	stream.indirect.scatter.add.f32 [tilespmem:s24], [sflag:$0x4], $0x80, s4, s29, $0xb8;
	[tilespmem:$0x1C800] =	vst v63  }
0x5d: {  	s19 =	sor.u32 $0x14400, s20;
	s18 =	sadd.s32 s1, s15;
	s4 =	sor.u32 $0x14000, s20  }
0x5e: {  	[tilespmem:s4], [sflag:$0x1] =	stream.linear.gather [hbm4b:s18+s3], $0x80, $0x38;
	[tilespmem:$0x1C800] =	vst v63  }
0x5f: {  	s15 =	sadd.s32 s6, s15;
	s20 =	sand.u32 @!p1 $0x380, s8;
	s18 =	simm.s32 @!p1 $0x4  }
0x60: {  	[tilespmem:s19], [sflag:$0x1] =	stream.linear.gather [hbm4b:s15+s3], $0x80, $0x38;
	[tilespmem:$0x1C800] =	vst v63  }
0x61: {  	s19 =	sor.u32 @!p1 $0x14400, s20;
	_ =	swait.ge @!p1 [sflag:s18], $0x4000  }
0x62: {  	[sflag:s18] =	ssyncset.done @!p1 $0x0  }
0x63: {  	[sflag:s18] =	ssyncadd.s32 @!p1 $0xFFFFC000  }
0x64: {  	_ =	swait.ge [sflag:s28], $0x80  }
0x65: {  	s15 =	sadd.s32 $0xFFFFFC80, s8;
	[sflag:s28] =	ssyncset.done $0x0  }
0x66: {  	s15 =	sand.u32 $0x300, s15;
	[sflag:s28] =	ssyncadd.s32 $0xFFFFFF80  }
0x67: {  	s20 =	simm.s32 @!p1 $0x3;
	s18 =	sor.u32 $0x14000, s15;
	_ =	swait.ge [sflag:s28], $0x80  }
0x68: {  	[sflag:s28] =	ssyncset.done $0x0  }
0x69: {  	p2 =	sgt.u32 s10, $0x4E;
	s25 =	simm.s32 @!p1 $0x80;
	[sflag:s28] =	ssyncadd.s32 $0xFFFFFF80  }
0x6a: {  	s11 =	sadd.s32 @!p2 s7, s21;
	s12 =	sand.u32 @!p2 $0x60, s7;
	s13 =	simm.s32 @!p2 $0x0  }
0x6b: {  	[tilespmem:s24], [sflag:$0x2] =	stream.indirect.gather [hbm4b:s5+s29], $0x80, s18, s29, $0xb8;
	[tilespmem:$0x1C800] =	vst v63  }
0x6c: {  	s11 =	sand.u32 @!p2 $0xFFFFF80, s11;
	s18 =	simm.s32 @!p1 $0x18800;
	_ =	swait.ge @!p1 [sflag:s20], $0x4000  }
0x6d: {  	s11 =	sor.u32 @!p2 s12, s11;
	s8 =	sadd.s32 @!p2 $0xFFFFFD80, s8;
	[sflag:s20] =	ssyncset.done @!p1 $0x0  }
0x6e: {  	s12 =	sadd.s32 @!p2 s1, s11;
	s8 =	sand.u32 @!p2 $0x300, s8;
	[sflag:s20] =	ssyncadd.s32 @!p1 $0xFFFFC000  }
0x6f: {  	[spmem:s2] =	stream.indirect.scatter.add.f32 @!p1 [tilespmem:s18], [sflag:$0x5], $0x80, s19, s25, $0xb8;
	[tilespmem:$0x1C800] =	vst v63  }
0x70: {  	s11 =	sadd.s32 @!p2 s6, s11;
	s18 =	sor.u32 @!p2 $0x14000, s8;
	s19 =	sor.u32 @!p2 $0x14400, s8  }
0x71: {  	[tilespmem:s18], [sflag:$0x1] =	stream.linear.gather @!p2 [hbm4b:s12+s13], $0x80, $0x38;
	[tilespmem:$0x1C800] =	vst v63  }
0x72: {  	s8 =	smov.u32 s17;
	s12 =	simm.s32 @!p1 $0x5  }
0x73: {  	[tilespmem:s19], [sflag:$0x1] =	stream.linear.gather @!p2 [hbm4b:s11+s13], $0x80, $0x38;
	[tilespmem:$0x1C800] =	vst v63  }
0x74: {  	_ =	swait.ge @!p1 [sflag:s12], $0x4000  }
0x75: {  	[sflag:s12] =	ssyncset.done @!p1 $0x0  }
.Ltmp0:
0x76: {  	[sflag:s12] =	ssyncadd.s32 @!p1 $0xFFFFC000;
	(pc) =	sbr.rel @p0 .LBB2_2-.Ltmp0, $4  }
0x77: {  	s7 =	sadd.s32 $0x20, s7;
	_ =	swait.ge [sflag:s28], $0x80  }
0x78: {  	s10 =	sadd.s32 $0x2, s10;
	s11 =	sadd.s32 s7, s21;
	[sflag:s28] =	ssyncset.done $0x0  }
0x79: {  	s11 =	sadd.s32 $0xFFFFFFE0, s11;
	s12 =	sadd.s32 $0xFFFFFFF0, s7;
	[sflag:s28] =	ssyncadd.s32 $0xFFFFFF80  }
0x7a: {  	s18 =	sand.u32 $0xFFFFF80, s11;
	s19 =	sand.u32 $0x70, s12;
	_ =	swait.ge [sflag:s28], $0x80  }
0x7b: {  	[sflag:s28] =	ssyncset.done $0x0  }
0x7c: {  	[sflag:s28] =	ssyncadd.s32 $0xFFFFFF80  }
0x7d: {  	[tilespmem:s30], [sflag:$0x3] =	stream.indirect.gather [hbm4b:s5+s29], $0x80, s4, s29, $0xb8;
	[tilespmem:$0x1C800] =	vst v63  }
0x7e: {  	_ =	swait.ge [sflag:s31], $0x4000  }
0x7f: {  	s17 =	sadd.s32 $0xFFFFFD00, s8;
	s11 =	sor.u32 $0x14400, s15;
	[sflag:s31] =	ssyncset.done $0x0  }
0x80: {  	s12 =	sor.u32 s19, s18;
	s4 =	sand.u32 $0x380, s17;
	[sflag:s31] =	ssyncadd.s32 $0xFFFFC000  }
0x81: {  	[spmem:s2] =	stream.indirect.scatter.add.f32 [tilespmem:s24], [sflag:$0x4], $0x80, s11, s29, $0xb8;
	[tilespmem:$0x1C800] =	vst v63  }
0x82: {  	p0 =	seq.s32 s8, $0x380;
	s13 =	sadd.s32 s1, s12;
	s19 =	sor.u32 $0x14000, s4  }
0x83: {  	[tilespmem:s19], [sflag:$0x1] =	stream.linear.gather [hbm4b:s13+s3], $0x80, $0x38;
	[tilespmem:$0x1C800] =	vst v63  }
0x84: {  	s12 =	sadd.s32 s6, s12;
	s4 =	sor.u32 $0x14400, s4;
	s13 =	simm.s32 @!p0 $0x4  }
0x85: {  	[tilespmem:s4], [sflag:$0x1] =	stream.linear.gather [hbm4b:s12+s3], $0x80, $0x38;
	[tilespmem:$0x1C800] =	vst v63  }
0x86: {  	_ =	swait.ge @!p0 [sflag:s13], $0x4000  }
0x87: {  	[sflag:s13] =	ssyncset.done @!p0 $0x0  }
0x88: {  	[sflag:s13] =	ssyncadd.s32 @!p0 $0xFFFFC000  }
0x89: {  	_ =	swait.ge [sflag:s28], $0x80  }
0x8a: {  	s20 =	sadd.s32 $0xFFFFFC80, s8;
	[sflag:s28] =	ssyncset.done $0x0  }
0x8b: {  	p1 =	sgt.u32 s10, $0x4E;
	s10 =	simm.s32 @!p0 $0x3;
	[sflag:s28] =	ssyncadd.s32 $0xFFFFFF80  }
0x8c: {  	s4 =	sand.u32 @!p0 $0x380, s8;
	s12 =	sand.u32 $0x300, s20;
	_ =	swait.ge [sflag:s28], $0x80  }
0x8d: {  	s8 =	sadd.s32 @!p1 $0xFFFFFD80, s8;
	s25 =	sor.u32 $0x14000, s12;
	[sflag:s28] =	ssyncset.done $0x0  }
0x8e: {  	s4 =	sor.u32 @!p0 $0x14400, s4;
	s13 =	sadd.s32 @!p1 s7, s21;
	[sflag:s28] =	ssyncadd.s32 $0xFFFFFF80  }
0x8f: {  	[tilespmem:s24], [sflag:$0x2] =	stream.indirect.gather [hbm4b:s5+s29], $0x80, s25, s29, $0xb8;
	[tilespmem:$0x1C800] =	vst v63  }
0x90: {  	s7 =	sand.u32 @!p1 $0x60, s7;
	s13 =	sand.u32 @!p1 $0xFFFFF80, s13;
	_ =	swait.ge @!p0 [sflag:s10], $0x4000  }
0x91: {  	s8 =	sand.u32 @!p1 $0x300, s8;
	s7 =	sor.u32 @!p1 s7, s13;
	[sflag:s10] =	ssyncset.done @!p0 $0x0  }
0x92: {  	s13 =	simm.s32 @!p0 $0x80;
	[sflag:s10] =	ssyncadd.s32 @!p0 $0xFFFFC000;
	s10 =	simm.s32 @!p0 $0x18800  }
0x93: {  	[spmem:s2] =	stream.indirect.scatter.add.f32 @!p0 [tilespmem:s10], [sflag:$0x5], $0x80, s4, s13, $0xb8;
	[tilespmem:$0x1C800] =	vst v63  }
0x94: {  	s4 =	simm.s32 @!p1 $0x0;
	s10 =	sadd.s32 @!p1 s1, s7;
	s13 =	sor.u32 @!p1 $0x14000, s8  }
0x95: {  	[tilespmem:s13], [sflag:$0x1] =	stream.linear.gather @!p1 [hbm4b:s10+s4], $0x80, $0x38;
	[tilespmem:$0x1C800] =	vst v63  }
0x96: {  	s8 =	sor.u32 @!p1 $0x14400, s8;
	s7 =	sadd.s32 @!p1 s6, s7  }
0x97: {  	[tilespmem:s8], [sflag:$0x1] =	stream.linear.gather @!p1 [hbm4b:s7+s4], $0x80, $0x38;
	[tilespmem:$0x1C800] =	vst v63  }
0x98: {  	s4 =	simm.s32 @!p0 $0x5  }
0x99: {  	_ =	swait.ge @!p0 [sflag:s4], $0x4000  }
0x9a: {  	[sflag:s4] =	ssyncset.done @!p0 $0x0  }
0x9b: {  	[sflag:s4] =	ssyncadd.s32 @!p0 $0xFFFFC000  }
0x9c: {  	_ =	swait.ge [sflag:s28], $0x80  }
0x9d: {  	[sflag:s28] =	ssyncset.done $0x0  }
0x9e: {  	[sflag:s28] =	ssyncadd.s32 $0xFFFFFF80  }
0x9f: {  	_ =	swait.ge [sflag:s28], $0x80  }
0xa0: {  	[sflag:s28] =	ssyncset.done $0x0  }
0xa1: {  	[sflag:s28] =	ssyncadd.s32 $0xFFFFFF80  }
0xa2: {  	[tilespmem:s30], [sflag:$0x3] =	stream.indirect.gather [hbm4b:s5+s29], $0x80, s19, s29, $0xb8;
	[tilespmem:$0x1C800] =	vst v63  }
0xa3: {  	_ =	swait.ge [sflag:s31], $0x4000  }
0xa4: {  	[sflag:s31] =	ssyncset.done $0x0  }
0xa5: {  	s13 =	sor.u32 $0x14400, s12;
	[sflag:s31] =	ssyncadd.s32 $0xFFFFC000  }
0xa6: {  	[spmem:s2] =	stream.indirect.scatter.add.f32 [tilespmem:s24], [sflag:$0x4], $0x80, s13, s29, $0xb8;
	[tilespmem:$0x1C800] =	vst v63  }
0xa7: {  	_ =	swait.ge [sflag:s0], $0x4000  }
0xa8: {  	[sflag:s0] =	ssyncset.done $0x0  }
0xa9: {  	s15 =	simm.s32 $0x14780;
	[sflag:s0] =	ssyncadd.s32 $0xFFFFC000  }
0xaa: {  	[spmem:s2] =	stream.indirect.scatter.add.f32 [tilespmem:s30], [sflag:$0x5], $0x80, s15, s29, $0xb8;
	[tilespmem:$0x1C800] =	vst v63  }
0xab: {  	_ =	swait.ge [sflag:s26], $0x4000  }
0xac: {  	[sflag:s26] =	ssyncset.done $0x0  }
0xad: {  	[sflag:s26] =	ssyncadd.s32 $0xFFFFC000  }
0xae: {  	_ =	swait.ge [sflag:s22], $0x4000  }
0xaf: {  	[sflag:s22] =	ssyncset.done $0x0  }
0xb0: {  	[sflag:s22] =	ssyncadd.s32 $0xFFFFC000  }
0xb1: {  	[bflag:$0x0] =	sbarrier.arrive $0xFFFF  }
0xb2: {  	[tilespmem:s24], [sflag:$0x2] =	stream.linear.gather [spmem:s9], $0x4000, $0x38;
	[tilespmem:$0x1C800] =	vst v63  }
0xb3: {  	_ =	swait.ge [sflag:s31], $0x4000  }
0xb4: {  	[sflag:s31] =	ssyncset.done $0x0  }
0xb5: {  	s16 =	rddreg [dreg:$0xa];
	[sflag:s31] =	ssyncadd.s32 $0xFFFFC000  }
0xb6: {  	[hbm4b:s16+s3] =	stream.linear.scatter [tilespmem:s24], [sflag:$0x4], $0x4000, $0x38;
	[tilespmem:$0x1C800] =	vst v63  }
0xb7: {  	_ = 	snop  }
0xb8: {  	[tilespmem:s30], [sflag:$0x3] =	stream.linear.gather [spmem:s14], $0x4000, $0x38;
	[tilespmem:$0x1C800] =	vst v63  }
0xb9: {  	_ =	swait.ge [sflag:s0], $0x4000  }
0xba: {  	[sflag:s0] =	ssyncset.done $0x0  }
0xbb: {  	s17 =	rddreg [dreg:$0xb];
	[sflag:s0] =	ssyncadd.s32 $0xFFFFC000  }
0xbc: {  	[hbm4b:s17+s3] =	stream.linear.scatter [tilespmem:s30], [sflag:$0x5], $0x4000, $0x38;
	[tilespmem:$0x1C800] =	vst v63  }
0xbd: {  	_ =	swait.ge [sflag:s26], $0x4000  }
0xbe: {  	[sflag:s26] =	ssyncset.done $0x0  }
0xbf: {  	s13 =	rddreg [dreg:$0x7];
	[sflag:s26] =	ssyncadd.s32 $0xFFFFC000  }
0xc0: {  	[tilespmem:s24], [sflag:$0x2] =	stream.linear.gather [spmem:s13], $0x4000, $0x38;
	[tilespmem:$0x1C800] =	vst v63  }
0xc1: {  	_ =	swait.ge [sflag:s31], $0x4000  }
0xc2: {  	[sflag:s31] =	ssyncset.done $0x0  }
0xc3: {  	s18 =	rddreg [dreg:$0xc];
	[sflag:s31] =	ssyncadd.s32 $0xFFFFC000  }
0xc4: {  	[hbm4b:s18+s3] =	stream.linear.scatter [tilespmem:s24], [sflag:$0x4], $0x4000, $0x38;
	[tilespmem:$0x1C800] =	vst v63  }
0xc5: {  	_ =	swait.ge [sflag:s22], $0x4000  }
0xc6: {  	[sflag:s22] =	ssyncset.done $0x0  }
0xc7: {  	s16 =	rddreg [dreg:$0x8];
	[sflag:s22] =	ssyncadd.s32 $0xFFFFC000  }
0xc8: {  	[tilespmem:s30], [sflag:$0x3] =	stream.linear.gather [spmem:s16], $0x4000, $0x38;
	[tilespmem:$0x1C800] =	vst v63  }
0xc9: {  	_ =	swait.ge [sflag:s0], $0x4000  }
0xca: {  	[sflag:s0] =	ssyncset.done $0x0  }
0xcb: {  	s19 =	rddreg [dreg:$0xd];
	[sflag:s0] =	ssyncadd.s32 $0xFFFFC000  }
0xcc: {  	[hbm4b:s19+s3] =	stream.linear.scatter [tilespmem:s30], [sflag:$0x5], $0x4000, $0x38;
	[tilespmem:$0x1C800] =	vst v63  }
0xcd: {  	_ =	swait.ge [sflag:s26], $0x4000  }
0xce: {  	[sflag:s26] =	ssyncset.done $0x0  }
0xcf: {  	s17 =	rddreg [dreg:$0x9];
	[sflag:s26] =	ssyncadd.s32 $0xFFFFC000  }
0xd0: {  	[tilespmem:s24], [sflag:$0x2] =	stream.linear.gather [spmem:s17], $0x4000, $0x38;
	[tilespmem:$0x1C800] =	vst v63  }
0xd1: {  	_ =	swait.ge [sflag:s31], $0x4000  }
0xd2: {  	[sflag:s31] =	ssyncset.done $0x0  }
0xd3: {  	s20 =	rddreg [dreg:$0xe];
	[sflag:s31] =	ssyncadd.s32 $0xFFFFC000  }
0xd4: {  	[hbm4b:s20+s3] =	stream.linear.scatter [tilespmem:s24], [sflag:$0x4], $0x4000, $0x38;
	[tilespmem:$0x1C800] =	vst v63  }
0xd5: {  	_ =	swait.ge [sflag:s26], $0x4000  }
0xd6: {  	[sflag:s26] =	ssyncset.done $0x0  }
0xd7: {  	[sflag:s26] =	ssyncadd.s32 $0xFFFFC000  }
0xd8: {  	_ =	swait.ge [sflag:s22], $0x4000  }
0xd9: {  	s23 =	sadd.s32 $0x1, s23;
	s25 =	rddreg [dreg:$0xf]  }
0xda: {  	p0 =	sne.s32 s23, s25  }
.Ltmp1:
0xdb: {  	_ = 	snop;
	(pc) =	sbr.rel @p0 .LBB2_1-.Ltmp1, $3  }
0xdc: {  	_ =	sdelay $0x1  }
0xdd: {  	[sflag:s22] =	ssyncset.done $0x0  }
0xde: {  	s11 =	smov.u32 s14;
	s15 =	smov.u32 s9;
	[sflag:s22] =	ssyncadd.s32 $0xFFFFC000  }
0xdf: {  	_ =	sfence.sel $0x180000  }
0xe0: {  	[bflag:$0x0] =	sbarrier.arrive $0xFFFF  }
0xe1: {  	_ =	strace $0x9000004D  }
0xe2: {  	s0 =	stileid.u32;
	[bflag:$0x2] =	sbarrier.arrive $0xFFFF  }
0xe3: {  	p0 =	sne.s32 s0, $0x0;
	s0 =	rddreg [dreg:$0x3]  }
0xe4: {  	s0 =	sadd.s32 @!p0 $0x100000, s0  }
0xe5: {  	[sflag:s0] =	ssyncadd.tile.s32 @!p0 $0x1;
	_ =	shalt  }
.Lfunc_end2:
_tile_overlayer_lowered:
.L_overlay_start_2:
0xe6: {  	(tag) =	ssettag $0x2  }
0xe7: {  	s0 =	rddreg [dreg:$0x0];
	s2 =	stileid.u32  }
0xe8: {  	s1 =	rddreg [dreg:$0x1];
	p0 =	sne.s32 s2, $0x0  }
0xe9: {  	s3 =	rddreg [dreg:$0x2];
	[bflag:$0x3] =	sbarrier.arrive $0xFFFF;
	s2 =	simm.s32 @!p0 $0x1C06  }
0xea: {  	[timem:s3], [sflag:s2] =	dma.local @!p0 [hbm:s0], s1  }
0xeb: {  	s0 =	simm.s32 @!p0 $0x6  }
0xec: {  	_ =	swait.ge @!p0 [sflag:s0], s1  }
0xed: {  	s1 =	ssub.s32 @!p0 $0x0, s1;
	[sflag:s0] =	ssyncset.done @!p0 $0x0  }
0xee: {  	[sflag:s0] =	ssyncadd.s32 @!p0 s1  }
0xef: {  	[bflag:$0x3] =	sbarrier.arrive $0xFFFF  }
0xf0: {  	_ =	shalt  }

// kernel: kernel.20.cloned.1.call-start
scs
__scs_entry_jumppad:
0x0: {  	(pc) =	sbr.rel $0x88, $3  }
0x1: {  	(tag) =	ssettag $0x0;
	lr =	simm.s32 $0x1  }
0x2: {  	[smem:$0x3F96] =	sst lr;
	_ =	strace $0xD0000000  }
0x3: {  	_ = 	snop  }
0x4: {  	_ = 	snop  }
0x5: {  	_ = 	snop  }
0x6: {  	_ = 	snop  }
0x7: {  	_ = 	snop  }
__scs_overlays_trampoline_lowered:
0x8: {  	[smem:$0x3FA5] =	sst s0  }
0x9: {  	[smem:$0x3FA6] =	sst s1  }
0xa: {  	[smem:$0x3FA7] =	sst s2  }
0xb: {  	[smem:$0x3FA8] =	sst s3  }
0xc: {  	[smem:$0x3FA9] =	sst s4  }
0xd: {  	[smem:$0x3FAA] =	sst s5  }
0xe: {  	[smem:$0x3FAB] =	sst s6  }
0xf: {  	[smem:$0x3FAC] =	sst s7  }
0x10: {  	[smem:$0x3FAD] =	sst s8  }
0x11: {  	[smem:$0x3FAE] =	sst s9;
	s0 =	simm.s32 @!p0 $0x0  }
0x12: {  	s1 =	sld [smem:$0x3F94];
	s0 =	simm.s32 @p0 $0x1  }
0x13: {  	[smem:$0x3FAF] =	sst s0;
	s0 =	simm.s32 @!p1 $0x0  }
0x14: {  	s2 =	sld [smem:$0x3F93];
	s0 =	simm.s32 @p1 $0x1  }
0x15: {  	[smem:$0x3FB0] =	sst s0;
	s0 =	simm.s32 @!p2 $0x0  }
0x16: {  	s3 =	sld [smem:$0x3FDB];
	s0 =	simm.s32 @p2 $0x1  }
0x17: {  	s4 =	simm.s32 $0x1BF5;
	[smem:$0x3FB2] =	sst s0  }
0x18: {  	s0 =	sld [smem:$0x3F95];
	_ =	swait.ge [sflag:s4], $0x0  }
0x19: {  	s7 =	sld [smem:$0x3F96]  }
0x1a: {  	s8 =	sadd.s32 $0xFFFFE003, lr  }
0x1b: {  	s9 =	sadd.s32 $0xFFFFFEF7, lr;
	s5 =	simm.s32 $0xFFFFFFFF;
	p2 =	slt.u32 s8, $0xFFFFF086  }
0x1c: {  	p1 =	slt.u32 s9, $0xF7A;
	s5 =	simm.s32 @!p2 $0x0  }
0x1d: {  	s5 =	simm.s32 @p1 $0x1;
	p0 =	seq.s32 s7, s2  }
0x1e: {  	s7 =	smul.u32 @!p0 $0xF7A, s2;
	p2 =	seq.s32 @!p0 s5, $0x0  }
0x1f: {  	s9 =	smul.u32 $0xF7A, s1;
	s8 =	simm.s32 @!p0 $0x1BF5;
	p2 =	por !p2, p0  }
0x20: {  	[sflag:s8] =	ssyncset.s32 @!p0 $0xFFFFF086;
	s6 =	sadd.s32 @!p0 s3, s7;
	s7 =	simm.s32 @!p0 $0x108  }
0x21: {  	s3 =	sadd.s32 s3, s9;
	s6 =	sadd.s32 @!p0 $0x88, s6;
	s7 =	simm.s32 @p2 $0x1082  }
0x22: {  	[simem:s7], [sflag:s8] =	dma.local @!p0 [hbm:s6], $0xF7A  }
0x23: {  	s9 =	sor.u32 $0xD0000000, s2;
	s6 =	simm.s32 $0x108;
	_ =	swait.ge @!p0 [sflag:s8], $0x0  }
0x24: {  	s3 =	sadd.s32 $0x88, s3;
	s6 =	simm.s32 @!p1 $0x1082;
	[sflag:s4] =	ssyncset.s32 $0xFFFFF086  }
0x25: {  	[simem:s6], [sflag:s4] =	dma.local [hbm:s3], $0xF7A  }
0x26: {  	[smem:$0x3F96] =	sst s1;
	(tag) =	ssettag s2;
	_ =	strace s9  }
0x27: {  	s1 =	sld [smem:$0x3FA6]  }
0x28: {  	s2 =	sld [smem:$0x3FA7]  }
0x29: {  	s4 =	sld [smem:$0x3FA9]  }
0x2a: {  	p0 =	seq.s32 s5, $0x0;
	s5 =	sld [smem:$0x3FAA]  }
0x2b: {  	s6 =	sld [smem:$0x3FAB]  }
0x2c: {  	s7 =	sld [smem:$0x3FAC]  }
0x2d: {  	s3 =	simm.s32 $0x108;
	s8 =	sld [smem:$0x3FAD]  }
0x2e: {  	s3 =	simm.s32 @!p0 $0x1082;
	s9 =	sld [smem:$0x3FAE]  }
0x2f: {  	lr =	sadd.s32 s0, s3;
	s0 =	sld [smem:$0x3FA5]  }
0x30: {  	s3 =	sld [smem:$0x3FA8]  }
0x31: {  	[smem:$0x3FB1] =	sst s10  }
0x32: {  	s10 =	sld [smem:$0x3FAF];
	_ =	sdelay $0x3  }
0x33: {  	p0 =	seq.s32 s10, $0x1;
	s10 =	sld [smem:$0x3FB1];
	_ =	sdelay $0x3  }
0x34: {  	[smem:$0x3FB1] =	sst s10  }
0x35: {  	s10 =	sld [smem:$0x3FB0];
	_ =	sdelay $0x3  }
0x36: {  	p1 =	seq.s32 s10, $0x1;
	s10 =	sld [smem:$0x3FB1];
	_ =	sdelay $0x3  }
0x37: {  	[smem:$0x3FB1] =	sst s10  }
0x38: {  	s10 =	sld [smem:$0x3FB2]  }
0x39: {  	_ = 	snop;
	(pc) =	sbr.ind lr, $3  }
0x3a: {  	_ = 	snop  }
0x3b: {  	_ = 	snop  }
0x3c: {  	p2 =	seq.s32 s10, $0x1;
	s10 =	sld [smem:$0x3FB1]  }
0x3d: {  	_ =	shalt  }
0x3e: {  	_ =	shalt  }
0x3f: {  	_ =	shalt  }
0x40: {  	_ =	shalt  }
0x41: {  	_ =	shalt  }
0x42: {  	_ =	shalt  }
0x43: {  	_ =	shalt  }
0x44: {  	_ =	shalt  }
0x45: {  	_ =	shalt  }
0x46: {  	_ =	shalt  }
0x47: {  	_ =	shalt  }
0x48: {  	_ =	shalt  }
0x49: {  	_ =	shalt  }
0x4a: {  	_ =	shalt  }
0x4b: {  	_ =	shalt  }
0x4c: {  	_ =	shalt  }
0x4d: {  	_ =	shalt  }
0x4e: {  	_ =	shalt  }
0x4f: {  	_ =	shalt  }
0x50: {  	_ =	shalt  }
0x51: {  	_ =	shalt  }
0x52: {  	_ =	shalt  }
0x53: {  	_ =	shalt  }
0x54: {  	_ =	shalt  }
0x55: {  	_ =	shalt  }
0x56: {  	_ =	shalt  }
0x57: {  	_ =	shalt  }
0x58: {  	_ =	shalt  }
0x59: {  	_ =	shalt  }
0x5a: {  	_ =	shalt  }
0x5b: {  	_ =	shalt  }
0x5c: {  	_ =	shalt  }
0x5d: {  	_ =	shalt  }
0x5e: {  	_ =	shalt  }
0x5f: {  	_ =	shalt  }
0x60: {  	_ =	shalt  }
0x61: {  	_ =	shalt  }
0x62: {  	_ =	shalt  }
0x63: {  	_ =	shalt  }
0x64: {  	_ =	shalt  }
0x65: {  	_ =	shalt  }
0x66: {  	_ =	shalt  }
0x67: {  	_ =	shalt  }
0x68: {  	_ =	shalt  }
0x69: {  	_ =	shalt  }
0x6a: {  	_ =	shalt  }
0x6b: {  	_ =	shalt  }
0x6c: {  	_ =	shalt  }
0x6d: {  	_ =	shalt  }
0x6e: {  	_ =	shalt  }
0x6f: {  	_ =	shalt  }
0x70: {  	_ =	shalt  }
0x71: {  	_ =	shalt  }
0x72: {  	_ =	shalt  }
0x73: {  	_ =	shalt  }
0x74: {  	_ =	shalt  }
0x75: {  	_ =	shalt  }
0x76: {  	_ =	shalt  }
0x77: {  	_ =	shalt  }
0x78: {  	_ =	shalt  }
0x79: {  	_ =	shalt  }
0x7a: {  	_ =	shalt  }
0x7b: {  	_ =	shalt  }
0x7c: {  	_ =	shalt  }
0x7d: {  	_ =	shalt  }
0x7e: {  	_ =	shalt  }
0x7f: {  	_ =	shalt  }
0x80: {  	_ =	shalt  }
0x81: {  	_ =	shalt  }
0x82: {  	_ =	shalt  }
0x83: {  	_ =	shalt  }
0x84: {  	_ =	shalt  }
0x85: {  	_ =	shalt  }
0x86: {  	_ =	shalt  }
0x87: {  	_ =	shalt  }
.Lfunc_end0:
.L_simem_size_0:
called_computation.3_lowered:
.L_overlay_start_0:
0x88: {  	s2 =	sld [smem:$0x3FD9]  }
0x89: {  	s3 =	sld [smem:$0x3FFE];
	_ =	sdelay $0x1  }
0x8a: {  	s1 =	srdreg.scid  }
0x8b: {  	s0 =	sand.u32 $0x1, s1  }
0x8c: {  	s14 =	sshll.u32 s0, $0xA;
	s2 =	sadd.s32 s3, s2  }
0x8d: {  	s2 =	sadd.s32 s2, s14  }
0x8e: {  	[smem:$0x3FBD] =	sst s2  }
0x8f: {  	_ = 	snop  }
0x90: {  	s2 =	sld [smem:$0x3FD0];
	_ =	sdelay $0x2  }
0x91: {  	s15 =	simm.s32 $0xA;
	s4 =	simm.s32 $0x10  }
0x92: {  	[smem:s4], [sflag:s15] =	dma.local [hbm:s2], $0x1  }
0x93: {  	_ =	swait.eq [sflag:s15], $0x1  }
0x94: {  	[sflag:s15] =	ssyncset.done $0x0  }
0x95: {  	[sflag:s15] =	ssyncadd.s32 $0xFFFFFFFF  }
0x96: {  	s16 =	sld [smem:$0x11];
	(tm) =	ssettm $0x1  }
0x97: {  	s17 =	sld [smem:$0x3FFB];
	_ =	sdelay $0x3  }
0x98: {  	_ =	strace s17  }
0x99: {  	s3 =	sld [smem:$0x3FFC];
	_ =	sdelay $0x3  }
0x9a: {  	_ =	strace s3  }
0x9b: {  	s3 =	sld [smem:$0x3FFD];
	_ =	sdelay $0x3  }
0x9c: {  	_ =	strace s3  }
0x9d: {  	_ =	strace $0x8FFFFFFF  }
0x9e: {  	s18 =	sld [smem:$0x3FDB];
	_ =	sdelay $0x1  }
0x9f: {  	s19 =	simm.s32 $_scs_section_size  }
0xa0: {  	s5 =	simm.s32 $_size__tile_overlayer_lowered;
	s6 =	simm.s32 $_tile_overlayer_lowered  }
0xa1: {  	s22 =	simm.s32 $0x1BFF;
	s21 =	sshll.u32 s6, $0x1;
	s3 =	sadd.s32 s19, s18  }
0xa2: {  	s7 =	simm.s32 $0x0;
	s20 =	sshll.u32 s5, $0x1;
	s5 =	sadd.s32 s21, s3  }
0xa3: {  	[timem:s7], [sflag:s22] =	dma.local [hbm:s5], s20  }
0xa4: {  	_ =	swait.ge [sflag:s22], s20  }
0xa5: {  	s4 =	ssub.s32 $0x0, s20;
	[sflag:s22] =	ssyncset.done $0x0  }
0xa6: {  	[sflag:s22] =	ssyncadd.s32 s4;
	_ =	sdelay $0x1  }
0xa7: {  	s23 =	simm.s32 $0x1B8B  }
0xa8: {  	_ =	swait.ge [sflag:s23], $0x1  }
0xa9: {  	[sflag:s23] =	ssyncset.done $0x0  }
0xaa: {  	s25 =	simm.s32 $0x1B8E;
	s24 =	sld [smem:$0x3FFE];
	[sflag:s23] =	ssyncadd.s32 $0xFFFFFFFF  }
0xab: {  	s26 =	simm.s32 $execute0_lowered;
	[smem:$0x3FD2] =	sst s25  }
0xac: {  	s5 =	sshll.u32 s26, $0x1;
	_ =	strace $0x8000004F;
	[dreg:$0x1] =	wrdreg $0xFFFFFFFF  }
0xad: {  	s28 =	simm.s32 $_size_execute0_lowered;
	s3 =	sadd.s32 s3, s5;
	[dreg:$0x0] =	wrdreg $0x0  }
0xae: {  	s5 =	sshll.u32 s28, $0x1;
	[dreg:$0x2] =	wrdreg s3  }
0xaf: {  	[dreg:$0x3] =	wrdreg s5  }
0xb0: {  	[dreg:$0x4] =	wrdreg $0xC0  }
0xb1: {  	_ =	task [dreg:s7], $0x5FFFF  }
0xb2: {  	[dreg:$0x1] =	wrdreg $0xFFFFFFFF  }
0xb3: {  	[dreg:$0x0] =	wrdreg $0x60  }
0xb4: {  	[dreg:$0x2] =	wrdreg s24  }
0xb5: {  	[dreg:$0x3] =	wrdreg s16  }
0xb6: {  	[dreg:$0x4] =	wrdreg $0x0  }
0xb7: {  	[dreg:$0x5] =	wrdreg $0x9  }
0xb8: {  	_ =	task.clear_ibuf [dreg:s7], $0x6FFFF;
	_ =	strace $0x9000004F  }
0xb9: {  	s29 =	simm.s32 $0x9;
	_ =	strace $0x80000051  }
0xba: {  	_ =	swait.ge [sflag:s29], $0x1  }
0xbb: {  	[sflag:s29] =	ssyncadd.s32 $0xFFFFFFFF  }
0xbc: {  	_ =	strace $0x90000051  }
0xbd: {  	_ =	sfence  }
0xbe: {  	s30 =	sld [smem:$0x0];
	_ =	sdelay $0x2  }
0xbf: {  	s31 =	sshll.u32 s1, $0xD;
	s1 =	sshrl.u32 s1, $0x2  }
0xc0: {  	s3 =	sand.u32 $0x4000, s31;
	s1 =	sadd.s32 s1, s30  }
0xc1: {  	s0 =	sor.u32 s3, s0;
	s1 =	sshll.u32 s1, $0x11  }
0xc2: {  	s0 =	sor.u32 s1, s0  }
0xc3: {  	s0 =	sadd.s32 $0x8F2B, s0  }
0xc4: {  	[sflag:s0] =	ssyncadd.remote.s32 $0x1  }
0xc5: {  	_ =	sfence.sel $0xFFFF  }
0xc6: {  	[dreg:$0x0] =	wrdreg $0xFFFFFFFF;
	(pc) =	sbr.abs _section_cstart, $3  }
0xc7: {  	[dreg:$0x1] =	wrdreg $0xFFFFFFFF  }
0xc8: {  	_ =	task.clear_ibuf [dreg:s7], $0x2FFFF;
	_ =	strace $0x9FFFFFFF  }
0xc9: {  	(tm) =	ssettm $0x7FFFFFFF  }
tec
execute0_lowered:
.L_overlay_start_1:
0x0: {  	(tag) =	ssettag $0x1  }
0x1: {  	s0 =	rddreg [dreg:$0x0]  }
0x2: {  	s1 =	rddreg [dreg:$0x1]  }
0x3: {  	s2 =	rddreg [dreg:$0x2];
	s3 =	simm.s32 $0x0;
	s4 =	srdreg.scid  }
0x4: {  	s12 =	stileid.u32;
	s28 =	simm.s32 $0x1;
	s29 =	simm.s32 $0x80  }
0x5: {  	s30 =	simm.s32 $0x18800;
	s31 =	simm.s32 $0x2;
	[smem:$0x7FF] =	sst s3  }
0x6: {  	s5 =	sadd.s32 $0xD600, s0;
	s4 =	sand.u32 $0x1, s4;
	s6 =	sadd.s32 $0x3600, s0  }
0x7: {  	s9 =	smul.u32 $0x50000, s12;
	s10 =	sadd.s32 $0x35600, s0;
	s8 =	ssub.s32 $0x2, s4  }
0x8: {  	s0 =	sadd.s32 $0x35E00, s0;
	_ =	strace $0x80000050;
	s18 =	sshrl.u32 s8, $0x1  }
0x9: {  	s7 =	sshll.u32 s4, $0x4;
	s9 =	sshrl.u32 s9, $0x2;
	s8 =	ssub.s32 s8, s18  }
0xa: {  	[dreg:$0x4] =	wrdreg s10;
	s15 =	sadd.s32 s9, s2;
	s26 =	smax.u32 s8, $0x1  }
0xb: {  	s7 =	sor.u32 s12, s7;
	s13 =	sadd.s32 $0x8000, s15;
	[dreg:$0xf] =	wrdreg s26  }
0xc: {  	s11 =	smul.u32 $0x500, s7;
	s16 =	sadd.s32 $0xC000, s15;
	[dreg:$0x7] =	wrdreg s13  }
0xd: {  	s20 =	smul.u32 $0x14000, s7;
	s17 =	sadd.s32 $0x10000, s15;
	[dreg:$0x8] =	wrdreg s16  }
0xe: {  	s7 =	smul.u32 $0x2800, s7;
	s19 =	sadd.s32 s1, s11;
	[dreg:$0x9] =	wrdreg s17  }
0xf: {  	s11 =	sadd.s32 s6, s11;
	s10 =	sshrl.u32 s20, $0x3;
	[dreg:$0x5] =	wrdreg s19  }
0x10: {  	[dreg:$0x6] =	wrdreg s11;
	s10 =	sadd.s32 s0, s10;
	s0 =	sadd.s32 s0, s7  }
0x11: {  	s22 =	smul.u32 $0x500, s12;
	[dreg:$0xa] =	wrdreg s0;
	s21 =	sadd.s32 $0x800, s10  }
0x12: {  	s4 =	smul.u32 $0x5000, s4;
	s23 =	sadd.s32 $0x1000, s10;
	[dreg:$0xb] =	wrdreg s21  }
0x13: {  	s26 =	simm.s32 $0x4;
	s24 =	sadd.s32 $0x1800, s10;
	[dreg:$0xc] =	wrdreg s23  }
0x14: {  	s11 =	sadd.s32 $0x4000, s15;
	s25 =	sadd.s32 $0x2000, s10;
	[dreg:$0xd] =	wrdreg s24  }
0x15: {  	s0 =	simm.s32 $0x3;
	[dreg:$0xe] =	wrdreg s25;
	s21 =	sadd.s32 s22, s4  }
0x16: {  	s24 =	simm.s32 $0x14800;
	s22 =	simm.s32 $0x5;
	s23 =	simm.s32 $0x0  }
.LBB2_1:
0x17: {  	s4 =	rddreg [dreg:$0x5];
	s7 =	simm.s32 $0x14000  }
0x18: {  	[tilespmem:s7], [sflag:$0x1] =	stream.linear.gather [hbm4b:s4+s3], $0x80, $0x38;
	[tilespmem:$0x1C800] =	vst v63  }
0x19: {  	s9 =	rddreg [dreg:$0x6];
	s10 =	simm.s32 $0x14400  }
0x1a: {  	[tilespmem:s10], [sflag:$0x1] =	stream.linear.gather [hbm4b:s9+s3], $0x80, $0x38;
	[tilespmem:$0x1C800] =	vst v63  }
0x1b: {  	s12 =	rddreg [dreg:$0x4];
	s14 =	simm.s32 $0x6  }
0x1c: {  	[tilespmem:s24], [sflag:$0x6] =	stream.linear.gather [hbm4b:s12+s3], $0x4000, $0x38;
	[tilespmem:$0x1C800] =	vst v63  }
0x1d: {  	_ =	swait.ge [sflag:s14], $0x4000  }
0x1e: {  	[sflag:s14] =	ssyncset.done $0x0  }
0x1f: {  	[sflag:s14] =	ssyncadd.s32 $0xFFFFC000  }
0x20: {  	[spmem:s15] =	stream.linear.scatter [tilespmem:s24], [sflag:$0x4], $0x4000, $0x38;
	[tilespmem:$0x1C800] =	vst v63  }
0x21: {  	_ = 	snop  }
0x22: {  	[spmem:s11] =	stream.linear.scatter [tilespmem:s24], [sflag:$0x4], $0x4000, $0x38;
	[tilespmem:$0x1C800] =	vst v63  }
0x23: {  	_ = 	snop  }
0x24: {  	[spmem:s13] =	stream.linear.scatter [tilespmem:s24], [sflag:$0x4], $0x4000, $0x38;
	[tilespmem:$0x1C800] =	vst v63  }
0x25: {  	_ = 	snop  }
0x26: {  	[spmem:s16] =	stream.linear.scatter [tilespmem:s24], [sflag:$0x4], $0x4000, $0x38;
	[tilespmem:$0x1C800] =	vst v63  }
0x27: {  	_ = 	snop  }
0x28: {  	[spmem:s17] =	stream.linear.scatter [tilespmem:s24], [sflag:$0x4], $0x4000, $0x38;
	[tilespmem:$0x1C800] =	vst v63  }
0x29: {  	_ =	swait.ge [sflag:s26], $0x4000  }
0x2a: {  	[sflag:s26] =	ssyncset.done $0x0  }
0x2b: {  	[sflag:s26] =	ssyncadd.s32 $0xFFFFC000  }
0x2c: {  	_ =	swait.ge [sflag:s26], $0x4000  }
0x2d: {  	[sflag:s26] =	ssyncset.done $0x0  }
0x2e: {  	[sflag:s26] =	ssyncadd.s32 $0xFFFFC000  }
0x2f: {  	_ =	swait.ge [sflag:s26], $0x4000  }
0x30: {  	[sflag:s26] =	ssyncset.done $0x0  }
0x31: {  	[sflag:s26] =	ssyncadd.s32 $0xFFFFC000  }
0x32: {  	_ =	swait.ge [sflag:s26], $0x4000  }
0x33: {  	s18 =	sadd.s32 $0x20, s21;
	[sflag:s26] =	ssyncset.done $0x0  }
0x34: {  	s19 =	simm.s32 $0x10;
	s8 =	simm.s32 $0x80;
	[sflag:s26] =	ssyncadd.s32 $0xFFFFC000  }
0x35: {  	p0 =	por $0x1, $0x1;
	s4 =	sadd.s32 $0xFFFFFFE0, s18;
	_ =	swait.ge [sflag:s26], $0x4000  }
0x36: {  	s7 =	sand.u32 $0x70, s19;
	s4 =	sand.u32 $0xFFFFF80, s4;
	[sflag:s26] =	ssyncset.done $0x0  }
0x37: {  	s8 =	sand.u32 $0x380, s8;
	s7 =	sor.u32 s7, s4;
	[sflag:s26] =	ssyncadd.s32 $0xFFFFC000  }
0x38: {  	s4 =	sor.u32 $0x14000, s8;
	s10 =	sadd.s32 s1, s7;
	[bflag:$0x0] =	sbarrier.arrive $0xFFFF  }
0x39: {  	[tilespmem:s4], [sflag:$0x1] =	stream.linear.gather [hbm4b:s10+s3], $0x80, $0x38;
	[tilespmem:$0x1C800] =	vst v63  }
0x3a: {  	s8 =	sor.u32 $0x14400, s8;
	s7 =	sadd.s32 s6, s7;
	s10 =	simm.s32 @!p0 $0x4  }
0x3b: {  	[tilespmem:s8], [sflag:$0x1] =	stream.linear.gather [hbm4b:s7+s3], $0x80, $0x38;
	[tilespmem:$0x1C800] =	vst v63  }
0x3c: {  	_ =	swait.ge @!p0 [sflag:s10], $0x4000  }
0x3d: {  	[sflag:s10] =	ssyncset.done @!p0 $0x0  }
0x3e: {  	[sflag:s10] =	ssyncadd.s32 @!p0 $0xFFFFC000  }
0x3f: {  	s20 =	simm.s32 $0x0;
	p1 =	por $0x0, $0x0;
	_ =	swait.ge [sflag:s28], $0x80  }
0x40: {  	s18 =	sadd.s32 @!p1 $0x20, s21;
	s9 =	smov.u32 s15;
	[sflag:s28] =	ssyncset.done $0x0  }
0x41: {  	s15 =	sand.u32 $0x300, s20;
	s16 =	simm.s32 @!p0 $0x3;
	[sflag:s28] =	ssyncadd.s32 $0xFFFFFF80  }
0x42: {  	s17 =	simm.s32 @!p0 $0x80;
	s7 =	simm.s32 $0x380;
	_ =	swait.ge [sflag:s28], $0x80  }
0x43: {  	s8 =	simm.s32 $0x20;
	s7 =	sand.u32 @!p0 $0x380, s7;
	[sflag:s28] =	ssyncset.done $0x0  }
0x44: {  	s8 =	sand.u32 @!p1 $0x60, s8;
	s10 =	sor.u32 $0x14000, s15;
	[sflag:s28] =	ssyncadd.s32 $0xFFFFFF80  }
0x45: {  	[tilespmem:s24], [sflag:$0x2] =	stream.indirect.gather [hbm4b:s5+s29], $0x80, s10, s29, $0xb8;
	[tilespmem:$0x1C800] =	vst v63  }
0x46: {  	s7 =	sor.u32 @!p0 $0x14400, s7;
	s10 =	sand.u32 @!p1 $0xFFFFF80, s18;
	_ =	swait.ge @!p0 [sflag:s16], $0x4000  }
0x47: {  	s8 =	sor.u32 @!p1 s8, s10;
	s10 =	simm.s32 @!p1 $0x100;
	[sflag:s16] =	ssyncset.done @!p0 $0x0  }
0x48: {  	s18 =	simm.s32 @!p0 $0x18800;
	s10 =	sand.u32 @!p1 $0x300, s10;
	[sflag:s16] =	ssyncadd.s32 @!p0 $0xFFFFC000  }
0x49: {  	[spmem:s2] =	stream.indirect.scatter.add.f32 @!p0 [tilespmem:s18], [sflag:$0x5], $0x80, s7, s17, $0xb8;
	[tilespmem:$0x1C800] =	vst v63  }
0x4a: {  	s16 =	sadd.s32 @!p1 s1, s8;
	s7 =	simm.s32 @!p1 $0x0;
	s17 =	sor.u32 @!p1 $0x14000, s10  }
0x4b: {  	[tilespmem:s17], [sflag:$0x1] =	stream.linear.gather @!p1 [hbm4b:s16+s7], $0x80, $0x38;
	[tilespmem:$0x1C800] =	vst v63  }
0x4c: {  	s8 =	sadd.s32 @!p1 s6, s8;
	s10 =	sor.u32 @!p1 $0x14400, s10;
	s16 =	simm.s32 @!p0 $0x5  }
0x4d: {  	[tilespmem:s10], [sflag:$0x1] =	stream.linear.gather @!p1 [hbm4b:s8+s7], $0x80, $0x38;
	[tilespmem:$0x1C800] =	vst v63  }
0x4e: {  	_ =	swait.ge @!p0 [sflag:s16], $0x4000  }
0x4f: {  	[sflag:s16] =	ssyncset.done @!p0 $0x0  }
0x50: {  	s25 =	sadd.s32 $0x40, s21;
	s19 =	simm.s32 $0x30;
	[sflag:s16] =	ssyncadd.s32 @!p0 $0xFFFFC000  }
0x51: {  	s19 =	sand.u32 $0x70, s19;
	s17 =	sadd.s32 $0xFFFFFFE0, s25;
	_ =	swait.ge [sflag:s28], $0x80  }
0x52: {  	s14 =	smov.u32 s11;
	s18 =	sand.u32 $0xFFFFF80, s17;
	[sflag:s28] =	ssyncset.done $0x0  }
0x53: {  	s8 =	simm.s32 $0x480;
	s7 =	simm.s32 $0x40;
	[sflag:s28] =	ssyncadd.s32 $0xFFFFFF80  }
0x54: {  	s10 =	simm.s32 $0x3;
	s16 =	simm.s32 $0x580;
	_ =	swait.ge [sflag:s28], $0x80  }
.LBB2_2:
0x55: {  	s20 =	sadd.s32 $0xFFFFFD00, s8  }
0x56: {  	[sflag:s28] =	ssyncset.done $0x0;
	s17 =	smov.u32 s16;
	s16 =	sadd.s32 $0x100, s16  }
0x57: {  	p0 =	sne.s32 s16, $0x2B80;
	s20 =	sand.u32 $0x380, s20;
	[sflag:s28] =	ssyncadd.s32 $0xFFFFFF80  }
0x58: {  	[tilespmem:s30], [sflag:$0x3] =	stream.indirect.gather [hbm4b:s5+s29], $0x80, s4, s29, $0xb8;
	[tilespmem:$0x1C800] =	vst v63  }
0x59: {  	s4 =	sor.u32 $0x14400, s15;
	_ =	swait.ge [sflag:s31], $0x4000  }
0x5a: {  	s15 =	sor.u32 s19, s18;
	[sflag:s31] =	ssyncset.done $0x0  }
0x5b: {  	p1 =	seq.s32 s8, $0x380;
	[sflag:s31] =	ssyncadd.s32 $0xFFFFC000  }
0x5c: {  	[spmem:s2] =	stream.indirect.scatter.add.f32 [tilespmem:s24], [sflag:$0x4], $0x80, s4, s29, $0xb8;
	[tilespmem:$0x1C800] =	vst v63  }
0x5d: {  	s19 =	sor.u32 $0x14400, s20;
	s18 =	sadd.s32 s1, s15;
	s4 =	sor.u32 $0x14000, s20  }
0x5e: {  	[tilespmem:s4], [sflag:$0x1] =	stream.linear.gather [hbm4b:s18+s3], $0x80, $0x38;
	[tilespmem:$0x1C800] =	vst v63  }
0x5f: {  	s15 =	sadd.s32 s6, s15;
	s20 =	sand.u32 @!p1 $0x380, s8;
	s18 =	simm.s32 @!p1 $0x4  }
0x60: {  	[tilespmem:s19], [sflag:$0x1] =	stream.linear.gather [hbm4b:s15+s3], $0x80, $0x38;
	[tilespmem:$0x1C800] =	vst v63  }
0x61: {  	s19 =	sor.u32 @!p1 $0x14400, s20;
	_ =	swait.ge @!p1 [sflag:s18], $0x4000  }
0x62: {  	[sflag:s18] =	ssyncset.done @!p1 $0x0  }
0x63: {  	[sflag:s18] =	ssyncadd.s32 @!p1 $0xFFFFC000  }
0x64: {  	_ =	swait.ge [sflag:s28], $0x80  }
0x65: {  	s15 =	sadd.s32 $0xFFFFFC80, s8;
	[sflag:s28] =	ssyncset.done $0x0  }
0x66: {  	s15 =	sand.u32 $0x300, s15;
	[sflag:s28] =	ssyncadd.s32 $0xFFFFFF80  }
0x67: {  	s20 =	simm.s32 @!p1 $0x3;
	s18 =	sor.u32 $0x14000, s15;
	_ =	swait.ge [sflag:s28], $0x80  }
0x68: {  	[sflag:s28] =	ssyncset.done $0x0  }
0x69: {  	p2 =	sgt.u32 s10, $0x4E;
	s25 =	simm.s32 @!p1 $0x80;
	[sflag:s28] =	ssyncadd.s32 $0xFFFFFF80  }
0x6a: {  	s11 =	sadd.s32 @!p2 s7, s21;
	s12 =	sand.u32 @!p2 $0x60, s7;
	s13 =	simm.s32 @!p2 $0x0  }
0x6b: {  	[tilespmem:s24], [sflag:$0x2] =	stream.indirect.gather [hbm4b:s5+s29], $0x80, s18, s29, $0xb8;
	[tilespmem:$0x1C800] =	vst v63  }
0x6c: {  	s11 =	sand.u32 @!p2 $0xFFFFF80, s11;
	s18 =	simm.s32 @!p1 $0x18800;
	_ =	swait.ge @!p1 [sflag:s20], $0x4000  }
0x6d: {  	s11 =	sor.u32 @!p2 s12, s11;
	s8 =	sadd.s32 @!p2 $0xFFFFFD80, s8;
	[sflag:s20] =	ssyncset.done @!p1 $0x0  }
0x6e: {  	s12 =	sadd.s32 @!p2 s1, s11;
	s8 =	sand.u32 @!p2 $0x300, s8;
	[sflag:s20] =	ssyncadd.s32 @!p1 $0xFFFFC000  }
0x6f: {  	[spmem:s2] =	stream.indirect.scatter.add.f32 @!p1 [tilespmem:s18], [sflag:$0x5], $0x80, s19, s25, $0xb8;
	[tilespmem:$0x1C800] =	vst v63  }
0x70: {  	s11 =	sadd.s32 @!p2 s6, s11;
	s18 =	sor.u32 @!p2 $0x14000, s8;
	s19 =	sor.u32 @!p2 $0x14400, s8  }
0x71: {  	[tilespmem:s18], [sflag:$0x1] =	stream.linear.gather @!p2 [hbm4b:s12+s13], $0x80, $0x38;
	[tilespmem:$0x1C800] =	vst v63  }
0x72: {  	s8 =	smov.u32 s17;
	s12 =	simm.s32 @!p1 $0x5  }
0x73: {  	[tilespmem:s19], [sflag:$0x1] =	stream.linear.gather @!p2 [hbm4b:s11+s13], $0x80, $0x38;
	[tilespmem:$0x1C800] =	vst v63  }
0x74: {  	_ =	swait.ge @!p1 [sflag:s12], $0x4000  }
0x75: {  	[sflag:s12] =	ssyncset.done @!p1 $0x0  }
.Ltmp0:
0x76: {  	[sflag:s12] =	ssyncadd.s32 @!p1 $0xFFFFC000;
	(pc) =	sbr.rel @p0 .LBB2_2-.Ltmp0, $4  }
0x77: {  	s7 =	sadd.s32 $0x20, s7;
	_ =	swait.ge [sflag:s28], $0x80  }
0x78: {  	s10 =	sadd.s32 $0x2, s10;
	s11 =	sadd.s32 s7, s21;
	[sflag:s28] =	ssyncset.done $0x0  }
0x79: {  	s11 =	sadd.s32 $0xFFFFFFE0, s11;
	s12 =	sadd.s32 $0xFFFFFFF0, s7;
	[sflag:s28] =	ssyncadd.s32 $0xFFFFFF80  }
0x7a: {  	s18 =	sand.u32 $0xFFFFF80, s11;
	s19 =	sand.u32 $0x70, s12;
	_ =	swait.ge [sflag:s28], $0x80  }
0x7b: {  	[sflag:s28] =	ssyncset.done $0x0  }
0x7c: {  	[sflag:s28] =	ssyncadd.s32 $0xFFFFFF80  }
0x7d: {  	[tilespmem:s30], [sflag:$0x3] =	stream.indirect.gather [hbm4b:s5+s29], $0x80, s4, s29, $0xb8;
	[tilespmem:$0x1C800] =	vst v63  }
0x7e: {  	_ =	swait.ge [sflag:s31], $0x4000  }
0x7f: {  	s17 =	sadd.s32 $0xFFFFFD00, s8;
	s11 =	sor.u32 $0x14400, s15;
	[sflag:s31] =	ssyncset.done $0x0  }
0x80: {  	s12 =	sor.u32 s19, s18;
	s4 =	sand.u32 $0x380, s17;
	[sflag:s31] =	ssyncadd.s32 $0xFFFFC000  }
0x81: {  	[spmem:s2] =	stream.indirect.scatter.add.f32 [tilespmem:s24], [sflag:$0x4], $0x80, s11, s29, $0xb8;
	[tilespmem:$0x1C800] =	vst v63  }
0x82: {  	p0 =	seq.s32 s8, $0x380;
	s13 =	sadd.s32 s1, s12;
	s19 =	sor.u32 $0x14000, s4  }
0x83: {  	[tilespmem:s19], [sflag:$0x1] =	stream.linear.gather [hbm4b:s13+s3], $0x80, $0x38;
	[tilespmem:$0x1C800] =	vst v63  }
0x84: {  	s12 =	sadd.s32 s6, s12;
	s4 =	sor.u32 $0x14400, s4;
	s13 =	simm.s32 @!p0 $0x4  }
0x85: {  	[tilespmem:s4], [sflag:$0x1] =	stream.linear.gather [hbm4b:s12+s3], $0x80, $0x38;
	[tilespmem:$0x1C800] =	vst v63  }
0x86: {  	_ =	swait.ge @!p0 [sflag:s13], $0x4000  }
0x87: {  	[sflag:s13] =	ssyncset.done @!p0 $0x0  }
0x88: {  	[sflag:s13] =	ssyncadd.s32 @!p0 $0xFFFFC000  }
0x89: {  	_ =	swait.ge [sflag:s28], $0x80  }
0x8a: {  	s20 =	sadd.s32 $0xFFFFFC80, s8;
	[sflag:s28] =	ssyncset.done $0x0  }
0x8b: {  	p1 =	sgt.u32 s10, $0x4E;
	s10 =	simm.s32 @!p0 $0x3;
	[sflag:s28] =	ssyncadd.s32 $0xFFFFFF80  }
0x8c: {  	s4 =	sand.u32 @!p0 $0x380, s8;
	s12 =	sand.u32 $0x300, s20;
	_ =	swait.ge [sflag:s28], $0x80  }
0x8d: {  	s8 =	sadd.s32 @!p1 $0xFFFFFD80, s8;
	s25 =	sor.u32 $0x14000, s12;
	[sflag:s28] =	ssyncset.done $0x0  }
0x8e: {  	s4 =	sor.u32 @!p0 $0x14400, s4;
	s13 =	sadd.s32 @!p1 s7, s21;
	[sflag:s28] =	ssyncadd.s32 $0xFFFFFF80  }
0x8f: {  	[tilespmem:s24], [sflag:$0x2] =	stream.indirect.gather [hbm4b:s5+s29], $0x80, s25, s29, $0xb8;
	[tilespmem:$0x1C800] =	vst v63  }
0x90: {  	s7 =	sand.u32 @!p1 $0x60, s7;
	s13 =	sand.u32 @!p1 $0xFFFFF80, s13;
	_ =	swait.ge @!p0 [sflag:s10], $0x4000  }
0x91: {  	s8 =	sand.u32 @!p1 $0x300, s8;
	s7 =	sor.u32 @!p1 s7, s13;
	[sflag:s10] =	ssyncset.done @!p0 $0x0  }
0x92: {  	s13 =	simm.s32 @!p0 $0x80;
	[sflag:s10] =	ssyncadd.s32 @!p0 $0xFFFFC000;
	s10 =	simm.s32 @!p0 $0x18800  }
0x93: {  	[spmem:s2] =	stream.indirect.scatter.add.f32 @!p0 [tilespmem:s10], [sflag:$0x5], $0x80, s4, s13, $0xb8;
	[tilespmem:$0x1C800] =	vst v63  }
0x94: {  	s4 =	simm.s32 @!p1 $0x0;
	s10 =	sadd.s32 @!p1 s1, s7;
	s13 =	sor.u32 @!p1 $0x14000, s8  }
0x95: {  	[tilespmem:s13], [sflag:$0x1] =	stream.linear.gather @!p1 [hbm4b:s10+s4], $0x80, $0x38;
	[tilespmem:$0x1C800] =	vst v63  }
0x96: {  	s8 =	sor.u32 @!p1 $0x14400, s8;
	s7 =	sadd.s32 @!p1 s6, s7  }
0x97: {  	[tilespmem:s8], [sflag:$0x1] =	stream.linear.gather @!p1 [hbm4b:s7+s4], $0x80, $0x38;
	[tilespmem:$0x1C800] =	vst v63  }
0x98: {  	s4 =	simm.s32 @!p0 $0x5  }
0x99: {  	_ =	swait.ge @!p0 [sflag:s4], $0x4000  }
0x9a: {  	[sflag:s4] =	ssyncset.done @!p0 $0x0  }
0x9b: {  	[sflag:s4] =	ssyncadd.s32 @!p0 $0xFFFFC000  }
0x9c: {  	_ =	swait.ge [sflag:s28], $0x80  }
0x9d: {  	[sflag:s28] =	ssyncset.done $0x0  }
0x9e: {  	[sflag:s28] =	ssyncadd.s32 $0xFFFFFF80  }
0x9f: {  	_ =	swait.ge [sflag:s28], $0x80  }
0xa0: {  	[sflag:s28] =	ssyncset.done $0x0  }
0xa1: {  	[sflag:s28] =	ssyncadd.s32 $0xFFFFFF80  }
0xa2: {  	[tilespmem:s30], [sflag:$0x3] =	stream.indirect.gather [hbm4b:s5+s29], $0x80, s19, s29, $0xb8;
	[tilespmem:$0x1C800] =	vst v63  }
0xa3: {  	_ =	swait.ge [sflag:s31], $0x4000  }
0xa4: {  	[sflag:s31] =	ssyncset.done $0x0  }
0xa5: {  	s13 =	sor.u32 $0x14400, s12;
	[sflag:s31] =	ssyncadd.s32 $0xFFFFC000  }
0xa6: {  	[spmem:s2] =	stream.indirect.scatter.add.f32 [tilespmem:s24], [sflag:$0x4], $0x80, s13, s29, $0xb8;
	[tilespmem:$0x1C800] =	vst v63  }
0xa7: {  	_ =	swait.ge [sflag:s0], $0x4000  }
0xa8: {  	[sflag:s0] =	ssyncset.done $0x0  }
0xa9: {  	s15 =	simm.s32 $0x14780;
	[sflag:s0] =	ssyncadd.s32 $0xFFFFC000  }
0xaa: {  	[spmem:s2] =	stream.indirect.scatter.add.f32 [tilespmem:s30], [sflag:$0x5], $0x80, s15, s29, $0xb8;
	[tilespmem:$0x1C800] =	vst v63  }
0xab: {  	_ =	swait.ge [sflag:s26], $0x4000  }
0xac: {  	[sflag:s26] =	ssyncset.done $0x0  }
0xad: {  	[sflag:s26] =	ssyncadd.s32 $0xFFFFC000  }
0xae: {  	_ =	swait.ge [sflag:s22], $0x4000  }
0xaf: {  	[sflag:s22] =	ssyncset.done $0x0  }
0xb0: {  	[sflag:s22] =	ssyncadd.s32 $0xFFFFC000  }
0xb1: {  	[bflag:$0x0] =	sbarrier.arrive $0xFFFF  }
0xb2: {  	[tilespmem:s24], [sflag:$0x2] =	stream.linear.gather [spmem:s9], $0x4000, $0x38;
	[tilespmem:$0x1C800] =	vst v63  }
0xb3: {  	_ =	swait.ge [sflag:s31], $0x4000  }
0xb4: {  	[sflag:s31] =	ssyncset.done $0x0  }
0xb5: {  	s16 =	rddreg [dreg:$0xa];
	[sflag:s31] =	ssyncadd.s32 $0xFFFFC000  }
0xb6: {  	[hbm4b:s16+s3] =	stream.linear.scatter [tilespmem:s24], [sflag:$0x4], $0x4000, $0x38;
	[tilespmem:$0x1C800] =	vst v63  }
0xb7: {  	_ = 	snop  }
0xb8: {  	[tilespmem:s30], [sflag:$0x3] =	stream.linear.gather [spmem:s14], $0x4000, $0x38;
	[tilespmem:$0x1C800] =	vst v63  }
0xb9: {  	_ =	swait.ge [sflag:s0], $0x4000  }
0xba: {  	[sflag:s0] =	ssyncset.done $0x0  }
0xbb: {  	s17 =	rddreg [dreg:$0xb];
	[sflag:s0] =	ssyncadd.s32 $0xFFFFC000  }
0xbc: {  	[hbm4b:s17+s3] =	stream.linear.scatter [tilespmem:s30], [sflag:$0x5], $0x4000, $0x38;
	[tilespmem:$0x1C800] =	vst v63  }
0xbd: {  	_ =	swait.ge [sflag:s26], $0x4000  }
0xbe: {  	[sflag:s26] =	ssyncset.done $0x0  }
0xbf: {  	s13 =	rddreg [dreg:$0x7];
	[sflag:s26] =	ssyncadd.s32 $0xFFFFC000  }
0xc0: {  	[tilespmem:s24], [sflag:$0x2] =	stream.linear.gather [spmem:s13], $0x4000, $0x38;
	[tilespmem:$0x1C800] =	vst v63  }
0xc1: {  	_ =	swait.ge [sflag:s31], $0x4000  }
0xc2: {  	[sflag:s31] =	ssyncset.done $0x0  }
0xc3: {  	s18 =	rddreg [dreg:$0xc];
	[sflag:s31] =	ssyncadd.s32 $0xFFFFC000  }
0xc4: {  	[hbm4b:s18+s3] =	stream.linear.scatter [tilespmem:s24], [sflag:$0x4], $0x4000, $0x38;
	[tilespmem:$0x1C800] =	vst v63  }
0xc5: {  	_ =	swait.ge [sflag:s22], $0x4000  }
0xc6: {  	[sflag:s22] =	ssyncset.done $0x0  }
0xc7: {  	s16 =	rddreg [dreg:$0x8];
	[sflag:s22] =	ssyncadd.s32 $0xFFFFC000  }
0xc8: {  	[tilespmem:s30], [sflag:$0x3] =	stream.linear.gather [spmem:s16], $0x4000, $0x38;
	[tilespmem:$0x1C800] =	vst v63  }
0xc9: {  	_ =	swait.ge [sflag:s0], $0x4000  }
0xca: {  	[sflag:s0] =	ssyncset.done $0x0  }
0xcb: {  	s19 =	rddreg [dreg:$0xd];
	[sflag:s0] =	ssyncadd.s32 $0xFFFFC000  }
0xcc: {  	[hbm4b:s19+s3] =	stream.linear.scatter [tilespmem:s30], [sflag:$0x5], $0x4000, $0x38;
	[tilespmem:$0x1C800] =	vst v63  }
0xcd: {  	_ =	swait.ge [sflag:s26], $0x4000  }
0xce: {  	[sflag:s26] =	ssyncset.done $0x0  }
0xcf: {  	s17 =	rddreg [dreg:$0x9];
	[sflag:s26] =	ssyncadd.s32 $0xFFFFC000  }
0xd0: {  	[tilespmem:s24], [sflag:$0x2] =	stream.linear.gather [spmem:s17], $0x4000, $0x38;
	[tilespmem:$0x1C800] =	vst v63  }
0xd1: {  	_ =	swait.ge [sflag:s31], $0x4000  }
0xd2: {  	[sflag:s31] =	ssyncset.done $0x0  }
0xd3: {  	s20 =	rddreg [dreg:$0xe];
	[sflag:s31] =	ssyncadd.s32 $0xFFFFC000  }
0xd4: {  	[hbm4b:s20+s3] =	stream.linear.scatter [tilespmem:s24], [sflag:$0x4], $0x4000, $0x38;
	[tilespmem:$0x1C800] =	vst v63  }
0xd5: {  	_ =	swait.ge [sflag:s26], $0x4000  }
0xd6: {  	[sflag:s26] =	ssyncset.done $0x0  }
0xd7: {  	[sflag:s26] =	ssyncadd.s32 $0xFFFFC000  }
0xd8: {  	_ =	swait.ge [sflag:s22], $0x4000  }
0xd9: {  	s23 =	sadd.s32 $0x1, s23;
	s25 =	rddreg [dreg:$0xf]  }
0xda: {  	p0 =	sne.s32 s23, s25  }
.Ltmp1:
0xdb: {  	_ = 	snop;
	(pc) =	sbr.rel @p0 .LBB2_1-.Ltmp1, $3  }
0xdc: {  	_ =	sdelay $0x1  }
0xdd: {  	[sflag:s22] =	ssyncset.done $0x0  }
0xde: {  	s11 =	smov.u32 s14;
	s15 =	smov.u32 s9;
	[sflag:s22] =	ssyncadd.s32 $0xFFFFC000  }
0xdf: {  	_ =	sfence.sel $0x180000  }
0xe0: {  	[bflag:$0x0] =	sbarrier.arrive $0xFFFF  }
0xe1: {  	_ =	strace $0x90000050  }
0xe2: {  	s0 =	stileid.u32;
	[bflag:$0x2] =	sbarrier.arrive $0xFFFF  }
0xe3: {  	p0 =	sne.s32 s0, $0x0;
	s0 =	rddreg [dreg:$0x3]  }
0xe4: {  	s0 =	sadd.s32 @!p0 $0x100000, s0  }
0xe5: {  	[sflag:s0] =	ssyncadd.tile.s32 @!p0 $0x1;
	_ =	shalt  }
.Lfunc_end2:
_tile_overlayer_lowered:
.L_overlay_start_2:
0xe6: {  	(tag) =	ssettag $0x2  }
0xe7: {  	s0 =	rddreg [dreg:$0x0];
	s2 =	stileid.u32  }
0xe8: {  	s1 =	rddreg [dreg:$0x1];
	p0 =	sne.s32 s2, $0x0  }
0xe9: {  	s3 =	rddreg [dreg:$0x2];
	[bflag:$0x3] =	sbarrier.arrive $0xFFFF;
	s2 =	simm.s32 @!p0 $0x1C06  }
0xea: {  	[timem:s3], [sflag:s2] =	dma.local @!p0 [hbm:s0], s1  }
0xeb: {  	s0 =	simm.s32 @!p0 $0x6  }
0xec: {  	_ =	swait.ge @!p0 [sflag:s0], s1  }
0xed: {  	s1 =	ssub.s32 @!p0 $0x0, s1;
	[sflag:s0] =	ssyncset.done @!p0 $0x0  }
0xee: {  	[sflag:s0] =	ssyncadd.s32 @!p0 s1  }
0xef: {  	[bflag:$0x3] =	sbarrier.arrive $0xFFFF  }
0xf0: {  	_ =	shalt  }

</sc_bundles>
